<compile_context>
chip_gen: v7x
topology: tpu7x:2x2x1
jax: 0.10.2.dev20260603
libtpu: 0.0.44.dev20260713+nightly
codegen_flags: <defaults>
</compile_context>

<pallas_src>
import functools

import jax
import jax.numpy as jnp
from jax import lax
from jax.experimental import pallas as pl
from jax.experimental.pallas import tpu as pltpu
from jax.experimental.pallas import tpu_sc as plsc

NUM_STATES = 12
NPAIR_STATES = NUM_STATES * NUM_STATES
EMBED_DIM = 64
ROW = 2 * EMBED_DIM
N_POS = 1024
N_PP = N_POS // 2
BATCH = 4096
GRP = 8
N_GRP = BATCH // GRP

NC = 2
NS = 16
L = 16
NW = NC * NS
G_PER_W = N_GRP // NW
CHUNK = 128
UNIT = 256
N_UNITS = (N_PP * GRP) // UNIT
T_ROWS = N_PP * NPAIR_STATES
PP_PER_TILE = N_PP // NS

_mesh = plsc.VectorSubcoreMesh(core_axis_name="c", subcore_axis_name="s")


@functools.partial(
    pl.kernel,
    out_type=[
        jax.ShapeDtypeStruct((N_GRP, N_PP * GRP, ROW), jnp.float32),
        jax.ShapeDtypeStruct((NC * T_ROWS, ROW), jnp.float32),
    ],
    mesh=_mesh,
    compiler_params=pltpu.CompilerParams(
        use_tc_tiling_on_sc=False, needs_layout_passes=False
    ),
    scratch_types=[
        pltpu.VMEM((NUM_STATES, EMBED_DIM), jnp.float32),
        pltpu.VMEM((2 * PP_PER_TILE, EMBED_DIM), jnp.float32),
        pltpu.VMEM((2, NPAIR_STATES // 2, ROW), jnp.float32),
        pltpu.VMEM((2 * NUM_STATES, EMBED_DIM), jnp.float32),
        pltpu.VMEM((N_PP * GRP,), jnp.int32),
        pltpu.VMEM((2, GRP, GRP, ROW), jnp.int32),
        pltpu.VMEM((2, N_PP * GRP), jnp.int32),
        pltpu.VMEM((2, UNIT, ROW), jnp.float32),
        pltpu.SemaphoreType.DMA,
        pltpu.SemaphoreType.DMA,
        pltpu.SemaphoreType.DMA,
        pltpu.SemaphoreType.DMA,
        pltpu.SemaphoreType.DMA,
    ],
)
def _sc_embed(grid_hbm, state_hbm, pos_hbm, out_hbm, t_hbm,
              sbuf, pbuf, bbuf, lrtmp, pvec, ibuf, pibuf, rbuf,
              gsem0, gsem1, isem, wsem0, wsem1):
    cid = lax.axis_index("c")
    sid = lax.axis_index("s")
    wid = sid * NC + cid

    pltpu.sync_copy(state_hbm, sbuf)
    pltpu.sync_copy(pos_hbm.at[pl.ds(sid * 2 * PP_PER_TILE, 2 * PP_PER_TILE)], pbuf)

    HSLAB = NPAIR_STATES // 2

    def build_pair(ppl, carry):
        def halves(s, c2):
            for d in range(EMBED_DIM // L):
                lrtmp[s, pl.ds(d * L, L)] = (
                    pbuf[2 * ppl, pl.ds(d * L, L)] + sbuf[s, pl.ds(d * L, L)]
                )
                lrtmp[NUM_STATES + s, pl.ds(d * L, L)] = (
                    pbuf[2 * ppl + 1, pl.ds(d * L, L)] + sbuf[s, pl.ds(d * L, L)]
                )
            return c2

        lax.fori_loop(0, NUM_STATES, halves, 0)

        for q in range(2):
            bwsem = wsem0 if q == 0 else wsem1

            @pl.when(ppl >= 1)
            def _wait_prev_slab():
                pltpu.make_async_copy(
                    bbuf.at[q], t_hbm.at[pl.ds(0, HSLAB)], bwsem
                ).wait()

            def se_body(se6, c2):
                se = se6 + q * (NUM_STATES // 2)
                lvals = [lrtmp[se, pl.ds(d * L, L)] for d in range(EMBED_DIM // L)]

                def so_body(so, lv):
                    r = se6 * NUM_STATES + so
                    for d in range(EMBED_DIM // L):
                        bbuf[q, r, pl.ds(d * L, L)] = lv[d]
                        bbuf[q, r, pl.ds(EMBED_DIM + d * L, L)] = (
                            lrtmp[NUM_STATES + so, pl.ds(d * L, L)]
                        )
                    return lv

                lax.fori_loop(0, NUM_STATES, so_body, lvals)
                return c2

            lax.fori_loop(0, NUM_STATES // 2, se_body, 0)
            pltpu.async_copy(
                bbuf.at[q],
                t_hbm.at[pl.ds(
                    cid * T_ROWS + (sid * PP_PER_TILE + ppl) * NPAIR_STATES
                    + q * HSLAB,
                    HSLAB)],
                bwsem,
            )
        return carry

    lax.fori_loop(0, PP_PER_TILE, build_pair, 0)
    for q in range(2):
        bwsem = wsem0 if q == 0 else wsem1
        pltpu.make_async_copy(
            bbuf.at[q], t_hbm.at[pl.ds(0, HSLAB)], bwsem
        ).wait()

    def pvec_body(k, carry):
        i16 = lax.iota(jnp.int32, L)
        pvec[pl.ds(k * L, L)] = (
            (lax.shift_right_logical(i16, 3) + 2 * k) * NPAIR_STATES
            + cid * T_ROWS
        )
        return carry

    lax.fori_loop(0, (N_PP * GRP) // L, pvec_body, 0)

    K_PER_UNIT = (N_PP * GRP) // L // N_UNITS

    def make_pidx_chunk(slx, u):
        slv = jnp.full((L,), slx, dtype=jnp.int32)

        def pidx_body(k, c2):
            i16 = lax.iota(jnp.int32, L)
            rvec = lax.bitwise_and(i16, 7)
            qvec = (lax.shift_right_logical(i16, 3) + 2 * k) * 2
            ctv = lax.shift_right_logical(qvec, 7)
            ccv = lax.bitwise_and(qvec, ROW - 1)
            even = plsc.load_gather(ibuf, [slv, ctv, rvec, ccv])
            odd = plsc.load_gather(ibuf, [slv, ctv, rvec, ccv + 1])
            pibuf[slx, pl.ds(k * L, L)] = (
                even * NUM_STATES + odd + pvec[pl.ds(k * L, L)]
            )
            return c2

        return lax.fori_loop(u * K_PER_UNIT, (u + 1) * K_PER_UNIT, pidx_body, 0)

    g0 = wid * G_PER_W
    pltpu.sync_copy(grid_hbm.at[g0], ibuf.at[0])
    for u in range(N_UNITS):
        make_pidx_chunk(0, u)
    pltpu.async_copy(grid_hbm.at[g0 + 1], ibuf.at[1], isem)

    plsc.subcore_barrier()

    def group_body(gi, carry):
        g = g0 + gi
        sl = lax.rem(gi, 2)

        for u in range(N_UNITS):
            us = u % 2
            gsem = gsem0 if us == 0 else gsem1
            wsem = wsem0 if us == 0 else wsem1

            if u >= 2:
                pltpu.make_async_copy(
                    rbuf.at[us], out_hbm.at[g, pl.ds(u * UNIT, UNIT)], wsem
                ).wait()
            else:
                @pl.when(gi > 0)
                def _wait_prev_write():
                    pltpu.make_async_copy(
                        rbuf.at[us], out_hbm.at[g, pl.ds(u * UNIT, UNIT)], wsem
                    ).wait()

            gathers = [
                pltpu.async_copy(
                    t_hbm.at[pibuf.at[sl, pl.ds(u * UNIT + j * CHUNK, CHUNK)]],
                    rbuf.at[us, pl.ds(j * CHUNK, CHUNK)],
                    gsem,
                )
                for j in range(UNIT // CHUNK)
            ]

            @pl.when(gi < G_PER_W - 1)
            def _shadow_work():
                if u == 0:
                    pltpu.make_async_copy(
                        grid_hbm.at[g + 1], ibuf.at[1 - sl], isem,
                    ).wait()

                    @pl.when(gi < G_PER_W - 2)
                    def _stage_next_idx():
                        pltpu.async_copy(
                            grid_hbm.at[g + 2], ibuf.at[sl], isem,
                        )
                make_pidx_chunk(1 - sl, u)

            for gg in gathers:
                gg.wait()
            pltpu.async_copy(
                rbuf.at[us], out_hbm.at[g, pl.ds(u * UNIT, UNIT)], wsem
            )
        return carry

    lax.fori_loop(0, G_PER_W, group_body, 0)

    lastg = wid * G_PER_W + G_PER_W - 1
    for us in range(2):
        wsem = wsem0 if us == 0 else wsem1
        pltpu.make_async_copy(
            rbuf.at[us],
            out_hbm.at[lastg, pl.ds((N_UNITS - 2 + us) * UNIT, UNIT)],
            wsem,
        ).wait()


def kernel(grid_obs, state_table, pos_table):
    grid4 = (
        grid_obs.astype(jnp.int32)
        .reshape(N_GRP, GRP, GRP, ROW)
        .transpose(0, 2, 1, 3)
    )
    out4, _ = _sc_embed(grid4, state_table, pos_table)
    out = (
        out4.reshape(N_GRP, N_PP, GRP, ROW)
        .transpose(0, 2, 1, 3)
        .reshape(BATCH, N_POS * EMBED_DIM)
    )
    return out

# --- scband reference (transcript-rebuilt; emitter-appended) ---
"""Pipeline reference for scband-grid-state-embedding-42709154791997 (READ-ONLY COPY).

The authoritative reference and input builder live on the scoring server;
editing this copy changes nothing except your own understanding.
"""

import jax, jax.numpy as jnp
import numpy as np

NUM_STATES = 12
EMBED_DIM = 64
GRID_SIZE = 32
BATCH = 4096


def setup_inputs(seed: int = 0) -> dict:
    key = jax.random.key(seed)
    k1, k2, k3 = jax.random.split(key, 3)
    grid_obs = jax.random.randint(k1, (BATCH, GRID_SIZE * GRID_SIZE), 0, NUM_STATES, dtype=jnp.int64 if jax.config.jax_enable_x64 else jnp.int32)
    state_table = jax.random.normal(k2, (NUM_STATES, EMBED_DIM), dtype=jnp.float32) * 0.02
    pos_table = jax.random.normal(k3, (GRID_SIZE * GRID_SIZE, EMBED_DIM), dtype=jnp.float32) * 0.02
    return {"grid_obs": grid_obs, "state_table": state_table, "pos_table": pos_table}


def reference(grid_obs, state_table, pos_table):
    batch_size = grid_obs.shape[0]
    grid_flat = grid_obs.reshape(batch_size, -1)
    # state embedding lookup (gather)
    state_embeds = jnp.take(state_table, grid_flat, axis=0)
    # positional embedding lookup (gather)
    n_pos = pos_table.shape[0]
    positions = jnp.tile(jnp.arange(n_pos), (batch_size, 1))
    pos_embeds = jnp.take(pos_table, positions, axis=0)
    combined_embeds = state_embeds + pos_embeds
    return combined_embeds.reshape(batch_size, -1)

if __name__ == "__main__":
    import jax
    _d = setup_inputs()
    print(jax.jit(kernel)(*tuple(_d.values())))

</pallas_src>

<mosaic_0001>
#map = affine_map<(d0, d1) -> (0, 0, 0, 0)>
#map1 = affine_map<(d0, d1) -> (0, 0)>
#map2 = affine_map<(d0, d1) -> (0, 0, 0)>
module attributes {stable_mosaic.version = 14 : i64} {
  func.func @_sc_embed(%arg0: i32, %arg1: i32, %arg2: memref<512x8x8x128xi32, #tpu.memory_space<hbm>>, %arg3: memref<12x64xf32, #tpu.memory_space<hbm>>, %arg4: memref<1024x64xf32, #tpu.memory_space<hbm>>, %arg5: memref<512x4096x128xf32, #tpu.memory_space<hbm>>, %arg6: memref<147456x128xf32, #tpu.memory_space<hbm>>, %arg7: memref<12x64xf32, #tpu.memory_space<vmem>>, %arg8: memref<64x64xf32, #tpu.memory_space<vmem>>, %arg9: memref<2x72x128xf32, #tpu.memory_space<vmem>>, %arg10: memref<24x64xf32, #tpu.memory_space<vmem>>, %arg11: memref<4096xi32, #tpu.memory_space<vmem>>, %arg12: memref<2x8x8x128xi32, #tpu.memory_space<vmem>>, %arg13: memref<2x4096xi32, #tpu.memory_space<vmem>>, %arg14: memref<2x256x128xf32, #tpu.memory_space<vmem>>, %arg15: memref<!tpu.dma_semaphore, #tpu.memory_space<semaphore_mem>>, %arg16: memref<!tpu.dma_semaphore, #tpu.memory_space<semaphore_mem>>, %arg17: memref<!tpu.dma_semaphore, #tpu.memory_space<semaphore_mem>>, %arg18: memref<!tpu.dma_semaphore, #tpu.memory_space<semaphore_mem>>, %arg19: memref<!tpu.dma_semaphore, #tpu.memory_space<semaphore_mem>>) attributes {dimension_semantics = [#tpu.dimension_semantics<core_parallel>, #tpu.dimension_semantics<subcore_parallel>], iteration_bounds = array<i64: 2, 16>, scalar_prefetch = 0 : i64, scratch_operands = 13 : i64, tpu.core_type = #tpu.core_type<sc_vector_subcore>, window_params = [{transform_indices = #map}, {transform_indices = #map1}, {transform_indices = #map1}, {transform_indices = #map2}, {transform_indices = #map1}]} {
    %mul3A = arith.constant 2 : i32
    %mul3A_0 = arith.muli %arg1, %mul3A : i32
    %add3A = arith.addi %mul3A_0, %arg0 : i32
    "tpu.region"() ({
      %run_scoped3A_241 = tpu.sem_alloc : memref<!tpu.dma_semaphore, #tpu.memory_space<semaphore_mem>>
      tpu.enqueue_dma source(%arg3 : memref<12x64xf32, #tpu.memory_space<hbm>>) target(%arg7 : memref<12x64xf32, #tpu.memory_space<vmem>>) target_semaphore(%run_scoped3A_241 : memref<!tpu.dma_semaphore, #tpu.memory_space<semaphore_mem>>)
      tpu.wait_dma2 semaphore(%run_scoped3A_241 : memref<!tpu.dma_semaphore, #tpu.memory_space<semaphore_mem>>) src(%arg3 : memref<12x64xf32, #tpu.memory_space<hbm>>) dst(%arg7 : memref<12x64xf32, #tpu.memory_space<vmem>>)
      tpu.yield
    }) : () -> ()
    %mul3A_1 = arith.constant 2 : i32
    %mul3A_2 = arith.muli %arg1, %mul3A_1 : i32
    %mul3A_3 = arith.constant 32 : i32
    %mul3A_4 = arith.muli %mul3A_2, %mul3A_3 : i32
    "tpu.region"() ({
      %run_scoped3A_241 = tpu.sem_alloc : memref<!tpu.dma_semaphore, #tpu.memory_space<semaphore_mem>>
      %dma_start3A_242 = arith.constant 0 : i32
      %dma_start3A_243 = tpu.memref_slice %arg4[%mul3A_4, %dma_start3A_242] : memref<1024x64xf32, #tpu.memory_space<hbm>> -> memref<64x64xf32, #tpu.memory_space<hbm>>
      %dma_start3A_244 = arith.constant 0 : i32
      %dma_start3A_245 = tpu.memref_slice %arg4[%mul3A_4, %dma_start3A_244] : memref<1024x64xf32, #tpu.memory_space<hbm>> -> memref<64x64xf32, #tpu.memory_space<hbm>>
      tpu.enqueue_dma source(%dma_start3A_245 : memref<64x64xf32, #tpu.memory_space<hbm>>) target(%arg8 : memref<64x64xf32, #tpu.memory_space<vmem>>) target_semaphore(%run_scoped3A_241 : memref<!tpu.dma_semaphore, #tpu.memory_space<semaphore_mem>>)
      %dma_wait3A_246 = arith.constant 0 : i32
      %dma_wait3A_247 = tpu.memref_slice %arg4[%mul3A_4, %dma_wait3A_246] : memref<1024x64xf32, #tpu.memory_space<hbm>> -> memref<64x64xf32, #tpu.memory_space<hbm>>
      %dma_wait3A_248 = arith.constant 0 : i32
      %dma_wait3A_249 = tpu.memref_slice %arg4[%mul3A_4, %dma_wait3A_248] : memref<1024x64xf32, #tpu.memory_space<hbm>> -> memref<64x64xf32, #tpu.memory_space<hbm>>
      tpu.wait_dma2 semaphore(%run_scoped3A_241 : memref<!tpu.dma_semaphore, #tpu.memory_space<semaphore_mem>>) src(%dma_wait3A_249 : memref<64x64xf32, #tpu.memory_space<hbm>>) dst(%arg8 : memref<64x64xf32, #tpu.memory_space<vmem>>)
      tpu.yield
    }) : () -> ()
    %scan3A = arith.constant 0 : i32
    %scan3A_5 = arith.constant 0 : i32
    %scan3A_6 = arith.constant 32 : i32
    %scan3A_7 = arith.addi %scan3A_5, %scan3A_6 : i32
    %scan3A_8 = arith.constant 1 : i32
    scf.for %scan3A_241 = %scan3A_5 to %scan3A_7 step %scan3A_8  : i32 {
      %scan3A_242 = arith.constant 0 : i32
      %scan3A_243 = arith.constant 0 : i32
      %scan3A_244 = arith.constant 12 : i32
      %scan3A_245 = arith.addi %scan3A_243, %scan3A_244 : i32
      %scan3A_246 = arith.constant 1 : i32
      scf.for %scan3A_313 = %scan3A_243 to %scan3A_245 step %scan3A_246  : i32 {
        %mul3A_314 = arith.constant 2 : i32
        %mul3A_315 = arith.muli %mul3A_314, %scan3A_241 : i32
        %get3A = arith.index_cast %mul3A_315 : i32 to index
        %get3A_316 = arith.constant 0 : index
        %get3A_317 = tpu.vector_load %arg8[%get3A, %get3A_316] {strides = array<i32>} : memref<64x64xf32, #tpu.memory_space<vmem>>, vector<16xf32>,
        %get3A_318 = arith.index_cast %scan3A_313 : i32 to index
        %get3A_319 = arith.constant 0 : index
        %get3A_320 = tpu.vector_load %arg7[%get3A_318, %get3A_319] {strides = array<i32>} : memref<12x64xf32, #tpu.memory_space<vmem>>, vector<16xf32>,
        %add3A_321 = arith.addf %get3A_317, %get3A_320 : vector<16xf32>
        %swap3A = arith.index_cast %scan3A_313 : i32 to index
        %swap3A_322 = arith.constant 0 : index
        %swap3A_323 = tpu.vector_load %arg10[%swap3A, %swap3A_322] {strides = array<i32>} : memref<24x64xf32, #tpu.memory_space<vmem>>, vector<16xf32>,
        tpu.vector_store %arg10[%swap3A, %swap3A_322], %add3A_321 {strides = array<i32>} : memref<24x64xf32, #tpu.memory_space<vmem>>, vector<16xf32>,
        %mul3A_324 = arith.constant 2 : i32
        %mul3A_325 = arith.muli %mul3A_324, %scan3A_241 : i32
        %add3A_326 = arith.constant 1 : i32
        %add3A_327 = arith.addi %mul3A_325, %add3A_326 : i32
        %get3A_328 = arith.index_cast %add3A_327 : i32 to index
        %get3A_329 = arith.constant 0 : index
        %get3A_330 = tpu.vector_load %arg8[%get3A_328, %get3A_329] {strides = array<i32>} : memref<64x64xf32, #tpu.memory_space<vmem>>, vector<16xf32>,
        %get3A_331 = arith.index_cast %scan3A_313 : i32 to index
        %get3A_332 = arith.constant 0 : index
        %get3A_333 = tpu.vector_load %arg7[%get3A_331, %get3A_332] {strides = array<i32>} : memref<12x64xf32, #tpu.memory_space<vmem>>, vector<16xf32>,
        %add3A_334 = arith.addf %get3A_330, %get3A_333 : vector<16xf32>
        %add3A_335 = arith.constant 12 : i32
        %add3A_336 = arith.addi %add3A_335, %scan3A_313 : i32
        %swap3A_337 = arith.index_cast %add3A_336 : i32 to index
        %swap3A_338 = arith.constant 0 : index
        %swap3A_339 = tpu.vector_load %arg10[%swap3A_337, %swap3A_338] {strides = array<i32>} : memref<24x64xf32, #tpu.memory_space<vmem>>, vector<16xf32>,
        tpu.vector_store %arg10[%swap3A_337, %swap3A_338], %add3A_334 {strides = array<i32>} : memref<24x64xf32, #tpu.memory_space<vmem>>, vector<16xf32>,
        %mul3A_340 = arith.constant 2 : i32
        %mul3A_341 = arith.muli %mul3A_340, %scan3A_241 : i32
        %get3A_342 = arith.index_cast %mul3A_341 : i32 to index
        %get3A_343 = arith.constant 16 : index
        %get3A_344 = tpu.vector_load %arg8[%get3A_342, %get3A_343] {strides = array<i32>} : memref<64x64xf32, #tpu.memory_space<vmem>>, vector<16xf32>,
        %get3A_345 = arith.index_cast %scan3A_313 : i32 to index
        %get3A_346 = arith.constant 16 : index
        %get3A_347 = tpu.vector_load %arg7[%get3A_345, %get3A_346] {strides = array<i32>} : memref<12x64xf32, #tpu.memory_space<vmem>>, vector<16xf32>,
        %add3A_348 = arith.addf %get3A_344, %get3A_347 : vector<16xf32>
        %swap3A_349 = arith.index_cast %scan3A_313 : i32 to index
        %swap3A_350 = arith.constant 16 : index
        %swap3A_351 = tpu.vector_load %arg10[%swap3A_349, %swap3A_350] {strides = array<i32>} : memref<24x64xf32, #tpu.memory_space<vmem>>, vector<16xf32>,
        tpu.vector_store %arg10[%swap3A_349, %swap3A_350], %add3A_348 {strides = array<i32>} : memref<24x64xf32, #tpu.memory_space<vmem>>, vector<16xf32>,
        %mul3A_352 = arith.constant 2 : i32
        %mul3A_353 = arith.muli %mul3A_352, %scan3A_241 : i32
        %add3A_354 = arith.constant 1 : i32
        %add3A_355 = arith.addi %mul3A_353, %add3A_354 : i32
        %get3A_356 = arith.index_cast %add3A_355 : i32 to index
        %get3A_357 = arith.constant 16 : index
        %get3A_358 = tpu.vector_load %arg8[%get3A_356, %get3A_357] {strides = array<i32>} : memref<64x64xf32, #tpu.memory_space<vmem>>, vector<16xf32>,
        %get3A_359 = arith.index_cast %scan3A_313 : i32 to index
        %get3A_360 = arith.constant 16 : index
        %get3A_361 = tpu.vector_load %arg7[%get3A_359, %get3A_360] {strides = array<i32>} : memref<12x64xf32, #tpu.memory_space<vmem>>, vector<16xf32>,
        %add3A_362 = arith.addf %get3A_358, %get3A_361 : vector<16xf32>
        %add3A_363 = arith.constant 12 : i32
        %add3A_364 = arith.addi %add3A_363, %scan3A_313 : i32
        %swap3A_365 = arith.index_cast %add3A_364 : i32 to index
        %swap3A_366 = arith.constant 16 : index
        %swap3A_367 = tpu.vector_load %arg10[%swap3A_365, %swap3A_366] {strides = array<i32>} : memref<24x64xf32, #tpu.memory_space<vmem>>, vector<16xf32>,
        tpu.vector_store %arg10[%swap3A_365, %swap3A_366], %add3A_362 {strides = array<i32>} : memref<24x64xf32, #tpu.memory_space<vmem>>, vector<16xf32>,
        %mul3A_368 = arith.constant 2 : i32
        %mul3A_369 = arith.muli %mul3A_368, %scan3A_241 : i32
        %get3A_370 = arith.index_cast %mul3A_369 : i32 to index
        %get3A_371 = arith.constant 32 : index
        %get3A_372 = tpu.vector_load %arg8[%get3A_370, %get3A_371] {strides = array<i32>} : memref<64x64xf32, #tpu.memory_space<vmem>>, vector<16xf32>,
        %get3A_373 = arith.index_cast %scan3A_313 : i32 to index
        %get3A_374 = arith.constant 32 : index
        %get3A_375 = tpu.vector_load %arg7[%get3A_373, %get3A_374] {strides = array<i32>} : memref<12x64xf32, #tpu.memory_space<vmem>>, vector<16xf32>,
        %add3A_376 = arith.addf %get3A_372, %get3A_375 : vector<16xf32>
        %swap3A_377 = arith.index_cast %scan3A_313 : i32 to index
        %swap3A_378 = arith.constant 32 : index
        %swap3A_379 = tpu.vector_load %arg10[%swap3A_377, %swap3A_378] {strides = array<i32>} : memref<24x64xf32, #tpu.memory_space<vmem>>, vector<16xf32>,
        tpu.vector_store %arg10[%swap3A_377, %swap3A_378], %add3A_376 {strides = array<i32>} : memref<24x64xf32, #tpu.memory_space<vmem>>, vector<16xf32>,
        %mul3A_380 = arith.constant 2 : i32
        %mul3A_381 = arith.muli %mul3A_380, %scan3A_241 : i32
        %add3A_382 = arith.constant 1 : i32
        %add3A_383 = arith.addi %mul3A_381, %add3A_382 : i32
        %get3A_384 = arith.index_cast %add3A_383 : i32 to index
        %get3A_385 = arith.constant 32 : index
        %get3A_386 = tpu.vector_load %arg8[%get3A_384, %get3A_385] {strides = array<i32>} : memref<64x64xf32, #tpu.memory_space<vmem>>, vector<16xf32>,
        %get3A_387 = arith.index_cast %scan3A_313 : i32 to index
        %get3A_388 = arith.constant 32 : index
        %get3A_389 = tpu.vector_load %arg7[%get3A_387, %get3A_388] {strides = array<i32>} : memref<12x64xf32, #tpu.memory_space<vmem>>, vector<16xf32>,
        %add3A_390 = arith.addf %get3A_386, %get3A_389 : vector<16xf32>
        %add3A_391 = arith.constant 12 : i32
        %add3A_392 = arith.addi %add3A_391, %scan3A_313 : i32
        %swap3A_393 = arith.index_cast %add3A_392 : i32 to index
        %swap3A_394 = arith.constant 32 : index
        %swap3A_395 = tpu.vector_load %arg10[%swap3A_393, %swap3A_394] {strides = array<i32>} : memref<24x64xf32, #tpu.memory_space<vmem>>, vector<16xf32>,
        tpu.vector_store %arg10[%swap3A_393, %swap3A_394], %add3A_390 {strides = array<i32>} : memref<24x64xf32, #tpu.memory_space<vmem>>, vector<16xf32>,
        %mul3A_396 = arith.constant 2 : i32
        %mul3A_397 = arith.muli %mul3A_396, %scan3A_241 : i32
        %get3A_398 = arith.index_cast %mul3A_397 : i32 to index
        %get3A_399 = arith.constant 48 : index
        %get3A_400 = tpu.vector_load %arg8[%get3A_398, %get3A_399] {strides = array<i32>} : memref<64x64xf32, #tpu.memory_space<vmem>>, vector<16xf32>,
        %get3A_401 = arith.index_cast %scan3A_313 : i32 to index
        %get3A_402 = arith.constant 48 : index
        %get3A_403 = tpu.vector_load %arg7[%get3A_401, %get3A_402] {strides = array<i32>} : memref<12x64xf32, #tpu.memory_space<vmem>>, vector<16xf32>,
        %add3A_404 = arith.addf %get3A_400, %get3A_403 : vector<16xf32>
        %swap3A_405 = arith.index_cast %scan3A_313 : i32 to index
        %swap3A_406 = arith.constant 48 : index
        %swap3A_407 = tpu.vector_load %arg10[%swap3A_405, %swap3A_406] {strides = array<i32>} : memref<24x64xf32, #tpu.memory_space<vmem>>, vector<16xf32>,
        tpu.vector_store %arg10[%swap3A_405, %swap3A_406], %add3A_404 {strides = array<i32>} : memref<24x64xf32, #tpu.memory_space<vmem>>, vector<16xf32>,
        %mul3A_408 = arith.constant 2 : i32
        %mul3A_409 = arith.muli %mul3A_408, %scan3A_241 : i32
        %add3A_410 = arith.constant 1 : i32
        %add3A_411 = arith.addi %mul3A_409, %add3A_410 : i32
        %get3A_412 = arith.index_cast %add3A_411 : i32 to index
        %get3A_413 = arith.constant 48 : index
        %get3A_414 = tpu.vector_load %arg8[%get3A_412, %get3A_413] {strides = array<i32>} : memref<64x64xf32, #tpu.memory_space<vmem>>, vector<16xf32>,
        %get3A_415 = arith.index_cast %scan3A_313 : i32 to index
        %get3A_416 = arith.constant 48 : index
        %get3A_417 = tpu.vector_load %arg7[%get3A_415, %get3A_416] {strides = array<i32>} : memref<12x64xf32, #tpu.memory_space<vmem>>, vector<16xf32>,
        %add3A_418 = arith.addf %get3A_414, %get3A_417 : vector<16xf32>
        %add3A_419 = arith.constant 12 : i32
        %add3A_420 = arith.addi %add3A_419, %scan3A_313 : i32
        %swap3A_421 = arith.index_cast %add3A_420 : i32 to index
        %swap3A_422 = arith.constant 48 : index
        %swap3A_423 = tpu.vector_load %arg10[%swap3A_421, %swap3A_422] {strides = array<i32>} : memref<24x64xf32, #tpu.memory_space<vmem>>, vector<16xf32>,
        tpu.vector_store %arg10[%swap3A_421, %swap3A_422], %add3A_418 {strides = array<i32>} : memref<24x64xf32, #tpu.memory_space<vmem>>, vector<16xf32>,
      }
      %scan3A_247 = arith.constant 12 : i32
      %ge3A = arith.constant 1 : i32
      %ge3A_248 = arith.cmpi sge, %scan3A_241, %ge3A : i32
      %convert_element_type3A = arith.extui %ge3A_248 : i1 to i32
      %cond3A = arith.constant 0 : i32
      %cond3A_249 = arith.cmpi ne, %convert_element_type3A, %cond3A : i32
      scf.if %cond3A_249 {
        %dma_wait3A_313 = arith.constant 0 : i32
        %dma_wait3A_314 = arith.constant 0 : i32
        %dma_wait3A_315 = arith.constant 0 : i32
        %dma_wait3A_316 = tpu.memref_slice %arg9[%dma_wait3A_313, %dma_wait3A_314, %dma_wait3A_315] : memref<2x72x128xf32, #tpu.memory_space<vmem>> -> memref<1x72x128xf32, #tpu.memory_space<vmem>>
        %dma_wait3A_317 = tpu.memref_squeeze %dma_wait3A_316 : memref<1x72x128xf32, #tpu.memory_space<vmem>> -> memref<72x128xf32, #tpu.memory_space<vmem>>
        %dma_wait3A_318 = arith.constant 0 : i32
        %dma_wait3A_319 = arith.constant 0 : i32
        %dma_wait3A_320 = tpu.memref_slice %arg6[%dma_wait3A_318, %dma_wait3A_319] : memref<147456x128xf32, #tpu.memory_space<hbm>> -> memref<72x128xf32, #tpu.memory_space<hbm>>
        %dma_wait3A_321 = arith.constant 0 : i32
        %dma_wait3A_322 = arith.constant 0 : i32
        %dma_wait3A_323 = tpu.memref_slice %arg6[%dma_wait3A_321, %dma_wait3A_322] : memref<147456x128xf32, #tpu.memory_space<hbm>> -> memref<72x128xf32, #tpu.memory_space<hbm>>
        %dma_wait3A_324 = arith.constant 0 : i32
        %dma_wait3A_325 = arith.constant 0 : i32
        %dma_wait3A_326 = tpu.memref_slice %arg9[%dma_wait3A_313, %dma_wait3A_324, %dma_wait3A_325] : memref<2x72x128xf32, #tpu.memory_space<vmem>> -> memref<1x72x128xf32, #tpu.memory_space<vmem>>
        %dma_wait3A_327 = tpu.memref_squeeze %dma_wait3A_326 : memref<1x72x128xf32, #tpu.memory_space<vmem>> -> memref<72x128xf32, #tpu.memory_space<vmem>>
        tpu.wait_dma2 semaphore(%arg18 : memref<!tpu.dma_semaphore, #tpu.memory_space<semaphore_mem>>) src(%dma_wait3A_327 : memref<72x128xf32, #tpu.memory_space<vmem>>) dst(%dma_wait3A_323 : memref<72x128xf32, #tpu.memory_space<hbm>>)
      } else {
      }
      %scan3A_250 = arith.constant 0 : i32
      %scan3A_251 = arith.constant 0 : i32
      %scan3A_252 = arith.constant 6 : i32
      %scan3A_253 = arith.addi %scan3A_251, %scan3A_252 : i32
      %scan3A_254 = arith.constant 1 : i32
      scf.for %scan3A_313 = %scan3A_251 to %scan3A_253 step %scan3A_254  : i32 {
        %add3A_314 = arith.constant 0 : i32
        %add3A_315 = arith.addi %scan3A_313, %add3A_314 : i32
        %get3A = arith.index_cast %add3A_315 : i32 to index
        %get3A_316 = arith.constant 0 : index
        %get3A_317 = tpu.vector_load %arg10[%get3A, %get3A_316] {strides = array<i32>} : memref<24x64xf32, #tpu.memory_space<vmem>>, vector<16xf32>,
        %get3A_318 = arith.index_cast %add3A_315 : i32 to index
        %get3A_319 = arith.constant 16 : index
        %get3A_320 = tpu.vector_load %arg10[%get3A_318, %get3A_319] {strides = array<i32>} : memref<24x64xf32, #tpu.memory_space<vmem>>, vector<16xf32>,
        %get3A_321 = arith.index_cast %add3A_315 : i32 to index
        %get3A_322 = arith.constant 32 : index
        %get3A_323 = tpu.vector_load %arg10[%get3A_321, %get3A_322] {strides = array<i32>} : memref<24x64xf32, #tpu.memory_space<vmem>>, vector<16xf32>,
        %get3A_324 = arith.index_cast %add3A_315 : i32 to index
        %get3A_325 = arith.constant 48 : index
        %get3A_326 = tpu.vector_load %arg10[%get3A_324, %get3A_325] {strides = array<i32>} : memref<24x64xf32, #tpu.memory_space<vmem>>, vector<16xf32>,
        %scan3A_327 = arith.constant 0 : i32
        %scan3A_328 = arith.constant 12 : i32
        %scan3A_329 = arith.addi %scan3A_327, %scan3A_328 : i32
        %scan3A_330 = arith.constant 1 : i32
        scf.for %scan3A_332 = %scan3A_327 to %scan3A_329 step %scan3A_330  : i32 {
          %mul3A_333 = arith.constant 12 : i32
          %mul3A_334 = arith.muli %scan3A_313, %mul3A_333 : i32
          %add3A_335 = arith.addi %mul3A_334, %scan3A_332 : i32
          %swap3A = arith.constant 0 : i32
          %swap3A_336 = arith.index_cast %swap3A : i32 to index
          %swap3A_337 = arith.index_cast %add3A_335 : i32 to index
          %swap3A_338 = arith.constant 0 : index
          %swap3A_339 = tpu.vector_load %arg9[%swap3A_336, %swap3A_337, %swap3A_338] {strides = array<i32>} : memref<2x72x128xf32, #tpu.memory_space<vmem>>, vector<16xf32>,
          tpu.vector_store %arg9[%swap3A_336, %swap3A_337, %swap3A_338], %get3A_317 {strides = array<i32>} : memref<2x72x128xf32, #tpu.memory_space<vmem>>, vector<16xf32>,
          %add3A_340 = arith.constant 12 : i32
          %add3A_341 = arith.addi %add3A_340, %scan3A_332 : i32
          %get3A_342 = arith.index_cast %add3A_341 : i32 to index
          %get3A_343 = arith.constant 0 : index
          %get3A_344 = tpu.vector_load %arg10[%get3A_342, %get3A_343] {strides = array<i32>} : memref<24x64xf32, #tpu.memory_space<vmem>>, vector<16xf32>,
          %swap3A_345 = arith.constant 0 : i32
          %swap3A_346 = arith.index_cast %swap3A_345 : i32 to index
          %swap3A_347 = arith.index_cast %add3A_335 : i32 to index
          %swap3A_348 = arith.constant 64 : index
          %swap3A_349 = tpu.vector_load %arg9[%swap3A_346, %swap3A_347, %swap3A_348] {strides = array<i32>} : memref<2x72x128xf32, #tpu.memory_space<vmem>>, vector<16xf32>,
          tpu.vector_store %arg9[%swap3A_346, %swap3A_347, %swap3A_348], %get3A_344 {strides = array<i32>} : memref<2x72x128xf32, #tpu.memory_space<vmem>>, vector<16xf32>,
          %swap3A_350 = arith.constant 0 : i32
          %swap3A_351 = arith.index_cast %swap3A_350 : i32 to index
          %swap3A_352 = arith.index_cast %add3A_335 : i32 to index
          %swap3A_353 = arith.constant 16 : index
          %swap3A_354 = tpu.vector_load %arg9[%swap3A_351, %swap3A_352, %swap3A_353] {strides = array<i32>} : memref<2x72x128xf32, #tpu.memory_space<vmem>>, vector<16xf32>,
          tpu.vector_store %arg9[%swap3A_351, %swap3A_352, %swap3A_353], %get3A_320 {strides = array<i32>} : memref<2x72x128xf32, #tpu.memory_space<vmem>>, vector<16xf32>,
          %add3A_355 = arith.constant 12 : i32
          %add3A_356 = arith.addi %add3A_355, %scan3A_332 : i32
          %get3A_357 = arith.index_cast %add3A_356 : i32 to index
          %get3A_358 = arith.constant 16 : index
          %get3A_359 = tpu.vector_load %arg10[%get3A_357, %get3A_358] {strides = array<i32>} : memref<24x64xf32, #tpu.memory_space<vmem>>, vector<16xf32>,
          %swap3A_360 = arith.constant 0 : i32
          %swap3A_361 = arith.index_cast %swap3A_360 : i32 to index
          %swap3A_362 = arith.index_cast %add3A_335 : i32 to index
          %swap3A_363 = arith.constant 80 : index
          %swap3A_364 = tpu.vector_load %arg9[%swap3A_361, %swap3A_362, %swap3A_363] {strides = array<i32>} : memref<2x72x128xf32, #tpu.memory_space<vmem>>, vector<16xf32>,
          tpu.vector_store %arg9[%swap3A_361, %swap3A_362, %swap3A_363], %get3A_359 {strides = array<i32>} : memref<2x72x128xf32, #tpu.memory_space<vmem>>, vector<16xf32>,
          %swap3A_365 = arith.constant 0 : i32
          %swap3A_366 = arith.index_cast %swap3A_365 : i32 to index
          %swap3A_367 = arith.index_cast %add3A_335 : i32 to index
          %swap3A_368 = arith.constant 32 : index
          %swap3A_369 = tpu.vector_load %arg9[%swap3A_366, %swap3A_367, %swap3A_368] {strides = array<i32>} : memref<2x72x128xf32, #tpu.memory_space<vmem>>, vector<16xf32>,
          tpu.vector_store %arg9[%swap3A_366, %swap3A_367, %swap3A_368], %get3A_323 {strides = array<i32>} : memref<2x72x128xf32, #tpu.memory_space<vmem>>, vector<16xf32>,
          %add3A_370 = arith.constant 12 : i32
          %add3A_371 = arith.addi %add3A_370, %scan3A_332 : i32
          %get3A_372 = arith.index_cast %add3A_371 : i32 to index
          %get3A_373 = arith.constant 32 : index
          %get3A_374 = tpu.vector_load %arg10[%get3A_372, %get3A_373] {strides = array<i32>} : memref<24x64xf32, #tpu.memory_space<vmem>>, vector<16xf32>,
          %swap3A_375 = arith.constant 0 : i32
          %swap3A_376 = arith.index_cast %swap3A_375 : i32 to index
          %swap3A_377 = arith.index_cast %add3A_335 : i32 to index
          %swap3A_378 = arith.constant 96 : index
          %swap3A_379 = tpu.vector_load %arg9[%swap3A_376, %swap3A_377, %swap3A_378] {strides = array<i32>} : memref<2x72x128xf32, #tpu.memory_space<vmem>>, vector<16xf32>,
          tpu.vector_store %arg9[%swap3A_376, %swap3A_377, %swap3A_378], %get3A_374 {strides = array<i32>} : memref<2x72x128xf32, #tpu.memory_space<vmem>>, vector<16xf32>,
          %swap3A_380 = arith.constant 0 : i32
          %swap3A_381 = arith.index_cast %swap3A_380 : i32 to index
          %swap3A_382 = arith.index_cast %add3A_335 : i32 to index
          %swap3A_383 = arith.constant 48 : index
          %swap3A_384 = tpu.vector_load %arg9[%swap3A_381, %swap3A_382, %swap3A_383] {strides = array<i32>} : memref<2x72x128xf32, #tpu.memory_space<vmem>>, vector<16xf32>,
          tpu.vector_store %arg9[%swap3A_381, %swap3A_382, %swap3A_383], %get3A_326 {strides = array<i32>} : memref<2x72x128xf32, #tpu.memory_space<vmem>>, vector<16xf32>,
          %add3A_385 = arith.constant 12 : i32
          %add3A_386 = arith.addi %add3A_385, %scan3A_332 : i32
          %get3A_387 = arith.index_cast %add3A_386 : i32 to index
          %get3A_388 = arith.constant 48 : index
          %get3A_389 = tpu.vector_load %arg10[%get3A_387, %get3A_388] {strides = array<i32>} : memref<24x64xf32, #tpu.memory_space<vmem>>, vector<16xf32>,
          %swap3A_390 = arith.constant 0 : i32
          %swap3A_391 = arith.index_cast %swap3A_390 : i32 to index
          %swap3A_392 = arith.index_cast %add3A_335 : i32 to index
          %swap3A_393 = arith.constant 112 : index
          %swap3A_394 = tpu.vector_load %arg9[%swap3A_391, %swap3A_392, %swap3A_393] {strides = array<i32>} : memref<2x72x128xf32, #tpu.memory_space<vmem>>, vector<16xf32>,
          tpu.vector_store %arg9[%swap3A_391, %swap3A_392, %swap3A_393], %get3A_389 {strides = array<i32>} : memref<2x72x128xf32, #tpu.memory_space<vmem>>, vector<16xf32>,
        }
        %scan3A_331 = arith.constant 12 : i32
      }
      %scan3A_255 = arith.constant 6 : i32
      %mul3A_256 = arith.constant 73728 : i32
      %mul3A_257 = arith.muli %arg0, %mul3A_256 : i32
      %mul3A_258 = arith.constant 32 : i32
      %mul3A_259 = arith.muli %arg1, %mul3A_258 : i32
      %add3A_260 = arith.addi %mul3A_259, %scan3A_241 : i32
      %mul3A_261 = arith.constant 144 : i32
      %mul3A_262 = arith.muli %add3A_260, %mul3A_261 : i32
      %add3A_263 = arith.addi %mul3A_257, %mul3A_262 : i32
      %add3A_264 = arith.constant 0 : i32
      %add3A_265 = arith.addi %add3A_263, %add3A_264 : i32
      %dma_start3A_266 = arith.constant 0 : i32
      %dma_start3A_267 = arith.constant 0 : i32
      %dma_start3A_268 = arith.constant 0 : i32
      %dma_start3A_269 = tpu.memref_slice %arg9[%dma_start3A_266, %dma_start3A_267, %dma_start3A_268] : memref<2x72x128xf32, #tpu.memory_space<vmem>> -> memref<1x72x128xf32, #tpu.memory_space<vmem>>
      %dma_start3A_270 = tpu.memref_squeeze %dma_start3A_269 : memref<1x72x128xf32, #tpu.memory_space<vmem>> -> memref<72x128xf32, #tpu.memory_space<vmem>>
      %dma_start3A_271 = arith.constant 0 : i32
      %dma_start3A_272 = tpu.memref_slice %arg6[%add3A_265, %dma_start3A_271] : memref<147456x128xf32, #tpu.memory_space<hbm>> -> memref<72x128xf32, #tpu.memory_space<hbm>>
      %dma_start3A_273 = arith.constant 0 : i32
      %dma_start3A_274 = tpu.memref_slice %arg6[%add3A_265, %dma_start3A_273] : memref<147456x128xf32, #tpu.memory_space<hbm>> -> memref<72x128xf32, #tpu.memory_space<hbm>>
      %dma_start3A_275 = arith.constant 0 : i32
      %dma_start3A_276 = arith.constant 0 : i32
      %dma_start3A_277 = tpu.memref_slice %arg9[%dma_start3A_266, %dma_start3A_275, %dma_start3A_276] : memref<2x72x128xf32, #tpu.memory_space<vmem>> -> memref<1x72x128xf32, #tpu.memory_space<vmem>>
      %dma_start3A_278 = tpu.memref_squeeze %dma_start3A_277 : memref<1x72x128xf32, #tpu.memory_space<vmem>> -> memref<72x128xf32, #tpu.memory_space<vmem>>
      tpu.enqueue_dma source(%dma_start3A_278 : memref<72x128xf32, #tpu.memory_space<vmem>>) target(%dma_start3A_274 : memref<72x128xf32, #tpu.memory_space<hbm>>) target_semaphore(%arg18 : memref<!tpu.dma_semaphore, #tpu.memory_space<semaphore_mem>>)
      %ge3A_279 = arith.constant 1 : i32
      %ge3A_280 = arith.cmpi sge, %scan3A_241, %ge3A_279 : i32
      %convert_element_type3A_281 = arith.extui %ge3A_280 : i1 to i32
      %cond3A_282 = arith.constant 0 : i32
      %cond3A_283 = arith.cmpi ne, %convert_element_type3A_281, %cond3A_282 : i32
      scf.if %cond3A_283 {
        %dma_wait3A_313 = arith.constant 1 : i32
        %dma_wait3A_314 = arith.constant 0 : i32
        %dma_wait3A_315 = arith.constant 0 : i32
        %dma_wait3A_316 = tpu.memref_slice %arg9[%dma_wait3A_313, %dma_wait3A_314, %dma_wait3A_315] : memref<2x72x128xf32, #tpu.memory_space<vmem>> -> memref<1x72x128xf32, #tpu.memory_space<vmem>>
        %dma_wait3A_317 = tpu.memref_squeeze %dma_wait3A_316 : memref<1x72x128xf32, #tpu.memory_space<vmem>> -> memref<72x128xf32, #tpu.memory_space<vmem>>
        %dma_wait3A_318 = arith.constant 0 : i32
        %dma_wait3A_319 = arith.constant 0 : i32
        %dma_wait3A_320 = tpu.memref_slice %arg6[%dma_wait3A_318, %dma_wait3A_319] : memref<147456x128xf32, #tpu.memory_space<hbm>> -> memref<72x128xf32, #tpu.memory_space<hbm>>
        %dma_wait3A_321 = arith.constant 0 : i32
        %dma_wait3A_322 = arith.constant 0 : i32
        %dma_wait3A_323 = tpu.memref_slice %arg6[%dma_wait3A_321, %dma_wait3A_322] : memref<147456x128xf32, #tpu.memory_space<hbm>> -> memref<72x128xf32, #tpu.memory_space<hbm>>
        %dma_wait3A_324 = arith.constant 0 : i32
        %dma_wait3A_325 = arith.constant 0 : i32
        %dma_wait3A_326 = tpu.memref_slice %arg9[%dma_wait3A_313, %dma_wait3A_324, %dma_wait3A_325] : memref<2x72x128xf32, #tpu.memory_space<vmem>> -> memref<1x72x128xf32, #tpu.memory_space<vmem>>
        %dma_wait3A_327 = tpu.memref_squeeze %dma_wait3A_326 : memref<1x72x128xf32, #tpu.memory_space<vmem>> -> memref<72x128xf32, #tpu.memory_space<vmem>>
        tpu.wait_dma2 semaphore(%arg19 : memref<!tpu.dma_semaphore, #tpu.memory_space<semaphore_mem>>) src(%dma_wait3A_327 : memref<72x128xf32, #tpu.memory_space<vmem>>) dst(%dma_wait3A_323 : memref<72x128xf32, #tpu.memory_space<hbm>>)
      } else {
      }
      %scan3A_284 = arith.constant 0 : i32
      %scan3A_285 = arith.constant 0 : i32
      %scan3A_286 = arith.constant 6 : i32
      %scan3A_287 = arith.addi %scan3A_285, %scan3A_286 : i32
      %scan3A_288 = arith.constant 1 : i32
      scf.for %scan3A_313 = %scan3A_285 to %scan3A_287 step %scan3A_288  : i32 {
        %add3A_314 = arith.constant 6 : i32
        %add3A_315 = arith.addi %scan3A_313, %add3A_314 : i32
        %get3A = arith.index_cast %add3A_315 : i32 to index
        %get3A_316 = arith.constant 0 : index
        %get3A_317 = tpu.vector_load %arg10[%get3A, %get3A_316] {strides = array<i32>} : memref<24x64xf32, #tpu.memory_space<vmem>>, vector<16xf32>,
        %get3A_318 = arith.index_cast %add3A_315 : i32 to index
        %get3A_319 = arith.constant 16 : index
        %get3A_320 = tpu.vector_load %arg10[%get3A_318, %get3A_319] {strides = array<i32>} : memref<24x64xf32, #tpu.memory_space<vmem>>, vector<16xf32>,
        %get3A_321 = arith.index_cast %add3A_315 : i32 to index
        %get3A_322 = arith.constant 32 : index
        %get3A_323 = tpu.vector_load %arg10[%get3A_321, %get3A_322] {strides = array<i32>} : memref<24x64xf32, #tpu.memory_space<vmem>>, vector<16xf32>,
        %get3A_324 = arith.index_cast %add3A_315 : i32 to index
        %get3A_325 = arith.constant 48 : index
        %get3A_326 = tpu.vector_load %arg10[%get3A_324, %get3A_325] {strides = array<i32>} : memref<24x64xf32, #tpu.memory_space<vmem>>, vector<16xf32>,
        %scan3A_327 = arith.constant 0 : i32
        %scan3A_328 = arith.constant 12 : i32
        %scan3A_329 = arith.addi %scan3A_327, %scan3A_328 : i32
        %scan3A_330 = arith.constant 1 : i32
        scf.for %scan3A_332 = %scan3A_327 to %scan3A_329 step %scan3A_330  : i32 {
          %mul3A_333 = arith.constant 12 : i32
          %mul3A_334 = arith.muli %scan3A_313, %mul3A_333 : i32
          %add3A_335 = arith.addi %mul3A_334, %scan3A_332 : i32
          %swap3A = arith.constant 1 : i32
          %swap3A_336 = arith.index_cast %swap3A : i32 to index
          %swap3A_337 = arith.index_cast %add3A_335 : i32 to index
          %swap3A_338 = arith.constant 0 : index
          %swap3A_339 = tpu.vector_load %arg9[%swap3A_336, %swap3A_337, %swap3A_338] {strides = array<i32>} : memref<2x72x128xf32, #tpu.memory_space<vmem>>, vector<16xf32>,
          tpu.vector_store %arg9[%swap3A_336, %swap3A_337, %swap3A_338], %get3A_317 {strides = array<i32>} : memref<2x72x128xf32, #tpu.memory_space<vmem>>, vector<16xf32>,
          %add3A_340 = arith.constant 12 : i32
          %add3A_341 = arith.addi %add3A_340, %scan3A_332 : i32
          %get3A_342 = arith.index_cast %add3A_341 : i32 to index
          %get3A_343 = arith.constant 0 : index
          %get3A_344 = tpu.vector_load %arg10[%get3A_342, %get3A_343] {strides = array<i32>} : memref<24x64xf32, #tpu.memory_space<vmem>>, vector<16xf32>,
          %swap3A_345 = arith.constant 1 : i32
          %swap3A_346 = arith.index_cast %swap3A_345 : i32 to index
          %swap3A_347 = arith.index_cast %add3A_335 : i32 to index
          %swap3A_348 = arith.constant 64 : index
          %swap3A_349 = tpu.vector_load %arg9[%swap3A_346, %swap3A_347, %swap3A_348] {strides = array<i32>} : memref<2x72x128xf32, #tpu.memory_space<vmem>>, vector<16xf32>,
          tpu.vector_store %arg9[%swap3A_346, %swap3A_347, %swap3A_348], %get3A_344 {strides = array<i32>} : memref<2x72x128xf32, #tpu.memory_space<vmem>>, vector<16xf32>,
          %swap3A_350 = arith.constant 1 : i32
          %swap3A_351 = arith.index_cast %swap3A_350 : i32 to index
          %swap3A_352 = arith.index_cast %add3A_335 : i32 to index
          %swap3A_353 = arith.constant 16 : index
          %swap3A_354 = tpu.vector_load %arg9[%swap3A_351, %swap3A_352, %swap3A_353] {strides = array<i32>} : memref<2x72x128xf32, #tpu.memory_space<vmem>>, vector<16xf32>,
          tpu.vector_store %arg9[%swap3A_351, %swap3A_352, %swap3A_353], %get3A_320 {strides = array<i32>} : memref<2x72x128xf32, #tpu.memory_space<vmem>>, vector<16xf32>,
          %add3A_355 = arith.constant 12 : i32
          %add3A_356 = arith.addi %add3A_355, %scan3A_332 : i32
          %get3A_357 = arith.index_cast %add3A_356 : i32 to index
          %get3A_358 = arith.constant 16 : index
          %get3A_359 = tpu.vector_load %arg10[%get3A_357, %get3A_358] {strides = array<i32>} : memref<24x64xf32, #tpu.memory_space<vmem>>, vector<16xf32>,
          %swap3A_360 = arith.constant 1 : i32
          %swap3A_361 = arith.index_cast %swap3A_360 : i32 to index
          %swap3A_362 = arith.index_cast %add3A_335 : i32 to index
          %swap3A_363 = arith.constant 80 : index
          %swap3A_364 = tpu.vector_load %arg9[%swap3A_361, %swap3A_362, %swap3A_363] {strides = array<i32>} : memref<2x72x128xf32, #tpu.memory_space<vmem>>, vector<16xf32>,
          tpu.vector_store %arg9[%swap3A_361, %swap3A_362, %swap3A_363], %get3A_359 {strides = array<i32>} : memref<2x72x128xf32, #tpu.memory_space<vmem>>, vector<16xf32>,
          %swap3A_365 = arith.constant 1 : i32
          %swap3A_366 = arith.index_cast %swap3A_365 : i32 to index
          %swap3A_367 = arith.index_cast %add3A_335 : i32 to index
          %swap3A_368 = arith.constant 32 : index
          %swap3A_369 = tpu.vector_load %arg9[%swap3A_366, %swap3A_367, %swap3A_368] {strides = array<i32>} : memref<2x72x128xf32, #tpu.memory_space<vmem>>, vector<16xf32>,
          tpu.vector_store %arg9[%swap3A_366, %swap3A_367, %swap3A_368], %get3A_323 {strides = array<i32>} : memref<2x72x128xf32, #tpu.memory_space<vmem>>, vector<16xf32>,
          %add3A_370 = arith.constant 12 : i32
          %add3A_371 = arith.addi %add3A_370, %scan3A_332 : i32
          %get3A_372 = arith.index_cast %add3A_371 : i32 to index
          %get3A_373 = arith.constant 32 : index
          %get3A_374 = tpu.vector_load %arg10[%get3A_372, %get3A_373] {strides = array<i32>} : memref<24x64xf32, #tpu.memory_space<vmem>>, vector<16xf32>,
          %swap3A_375 = arith.constant 1 : i32
          %swap3A_376 = arith.index_cast %swap3A_375 : i32 to index
          %swap3A_377 = arith.index_cast %add3A_335 : i32 to index
          %swap3A_378 = arith.constant 96 : index
          %swap3A_379 = tpu.vector_load %arg9[%swap3A_376, %swap3A_377, %swap3A_378] {strides = array<i32>} : memref<2x72x128xf32, #tpu.memory_space<vmem>>, vector<16xf32>,
          tpu.vector_store %arg9[%swap3A_376, %swap3A_377, %swap3A_378], %get3A_374 {strides = array<i32>} : memref<2x72x128xf32, #tpu.memory_space<vmem>>, vector<16xf32>,
          %swap3A_380 = arith.constant 1 : i32
          %swap3A_381 = arith.index_cast %swap3A_380 : i32 to index
          %swap3A_382 = arith.index_cast %add3A_335 : i32 to index
          %swap3A_383 = arith.constant 48 : index
          %swap3A_384 = tpu.vector_load %arg9[%swap3A_381, %swap3A_382, %swap3A_383] {strides = array<i32>} : memref<2x72x128xf32, #tpu.memory_space<vmem>>, vector<16xf32>,
          tpu.vector_store %arg9[%swap3A_381, %swap3A_382, %swap3A_383], %get3A_326 {strides = array<i32>} : memref<2x72x128xf32, #tpu.memory_space<vmem>>, vector<16xf32>,
          %add3A_385 = arith.constant 12 : i32
          %add3A_386 = arith.addi %add3A_385, %scan3A_332 : i32
          %get3A_387 = arith.index_cast %add3A_386 : i32 to index
          %get3A_388 = arith.constant 48 : index
          %get3A_389 = tpu.vector_load %arg10[%get3A_387, %get3A_388] {strides = array<i32>} : memref<24x64xf32, #tpu.memory_space<vmem>>, vector<16xf32>,
          %swap3A_390 = arith.constant 1 : i32
          %swap3A_391 = arith.index_cast %swap3A_390 : i32 to index
          %swap3A_392 = arith.index_cast %add3A_335 : i32 to index
          %swap3A_393 = arith.constant 112 : index
          %swap3A_394 = tpu.vector_load %arg9[%swap3A_391, %swap3A_392, %swap3A_393] {strides = array<i32>} : memref<2x72x128xf32, #tpu.memory_space<vmem>>, vector<16xf32>,
          tpu.vector_store %arg9[%swap3A_391, %swap3A_392, %swap3A_393], %get3A_389 {strides = array<i32>} : memref<2x72x128xf32, #tpu.memory_space<vmem>>, vector<16xf32>,
        }
        %scan3A_331 = arith.constant 12 : i32
      }
      %scan3A_289 = arith.constant 6 : i32
      %mul3A_290 = arith.constant 73728 : i32
      %mul3A_291 = arith.muli %arg0, %mul3A_290 : i32
      %mul3A_292 = arith.constant 32 : i32
      %mul3A_293 = arith.muli %arg1, %mul3A_292 : i32
      %add3A_294 = arith.addi %mul3A_293, %scan3A_241 : i32
      %mul3A_295 = arith.constant 144 : i32
      %mul3A_296 = arith.muli %add3A_294, %mul3A_295 : i32
      %add3A_297 = arith.addi %mul3A_291, %mul3A_296 : i32
      %add3A_298 = arith.constant 72 : i32
      %add3A_299 = arith.addi %add3A_297, %add3A_298 : i32
      %dma_start3A_300 = arith.constant 1 : i32
      %dma_start3A_301 = arith.constant 0 : i32
      %dma_start3A_302 = arith.constant 0 : i32
      %dma_start3A_303 = tpu.memref_slice %arg9[%dma_start3A_300, %dma_start3A_301, %dma_start3A_302] : memref<2x72x128xf32, #tpu.memory_space<vmem>> -> memref<1x72x128xf32, #tpu.memory_space<vmem>>
      %dma_start3A_304 = tpu.memref_squeeze %dma_start3A_303 : memref<1x72x128xf32, #tpu.memory_space<vmem>> -> memref<72x128xf32, #tpu.memory_space<vmem>>
      %dma_start3A_305 = arith.constant 0 : i32
      %dma_start3A_306 = tpu.memref_slice %arg6[%add3A_299, %dma_start3A_305] : memref<147456x128xf32, #tpu.memory_space<hbm>> -> memref<72x128xf32, #tpu.memory_space<hbm>>
      %dma_start3A_307 = arith.constant 0 : i32
      %dma_start3A_308 = tpu.memref_slice %arg6[%add3A_299, %dma_start3A_307] : memref<147456x128xf32, #tpu.memory_space<hbm>> -> memref<72x128xf32, #tpu.memory_space<hbm>>
      %dma_start3A_309 = arith.constant 0 : i32
      %dma_start3A_310 = arith.constant 0 : i32
      %dma_start3A_311 = tpu.memref_slice %arg9[%dma_start3A_300, %dma_start3A_309, %dma_start3A_310] : memref<2x72x128xf32, #tpu.memory_space<vmem>> -> memref<1x72x128xf32, #tpu.memory_space<vmem>>
      %dma_start3A_312 = tpu.memref_squeeze %dma_start3A_311 : memref<1x72x128xf32, #tpu.memory_space<vmem>> -> memref<72x128xf32, #tpu.memory_space<vmem>>
      tpu.enqueue_dma source(%dma_start3A_312 : memref<72x128xf32, #tpu.memory_space<vmem>>) target(%dma_start3A_308 : memref<72x128xf32, #tpu.memory_space<hbm>>) target_semaphore(%arg19 : memref<!tpu.dma_semaphore, #tpu.memory_space<semaphore_mem>>)
    }
    %scan3A_9 = arith.constant 32 : i32
    %dma_wait3A = arith.constant 0 : i32
    %dma_wait3A_10 = arith.constant 0 : i32
    %dma_wait3A_11 = arith.constant 0 : i32
    %dma_wait3A_12 = tpu.memref_slice %arg9[%dma_wait3A, %dma_wait3A_10, %dma_wait3A_11] : memref<2x72x128xf32, #tpu.memory_space<vmem>> -> memref<1x72x128xf32, #tpu.memory_space<vmem>>
    %dma_wait3A_13 = tpu.memref_squeeze %dma_wait3A_12 : memref<1x72x128xf32, #tpu.memory_space<vmem>> -> memref<72x128xf32, #tpu.memory_space<vmem>>
    %dma_wait3A_14 = arith.constant 0 : i32
    %dma_wait3A_15 = arith.constant 0 : i32
    %dma_wait3A_16 = tpu.memref_slice %arg6[%dma_wait3A_14, %dma_wait3A_15] : memref<147456x128xf32, #tpu.memory_space<hbm>> -> memref<72x128xf32, #tpu.memory_space<hbm>>
    %dma_wait3A_17 = arith.constant 0 : i32
    %dma_wait3A_18 = arith.constant 0 : i32
    %dma_wait3A_19 = tpu.memref_slice %arg6[%dma_wait3A_17, %dma_wait3A_18] : memref<147456x128xf32, #tpu.memory_space<hbm>> -> memref<72x128xf32, #tpu.memory_space<hbm>>
    %dma_wait3A_20 = arith.constant 0 : i32
    %dma_wait3A_21 = arith.constant 0 : i32
    %dma_wait3A_22 = tpu.memref_slice %arg9[%dma_wait3A, %dma_wait3A_20, %dma_wait3A_21] : memref<2x72x128xf32, #tpu.memory_space<vmem>> -> memref<1x72x128xf32, #tpu.memory_space<vmem>>
    %dma_wait3A_23 = tpu.memref_squeeze %dma_wait3A_22 : memref<1x72x128xf32, #tpu.memory_space<vmem>> -> memref<72x128xf32, #tpu.memory_space<vmem>>
    tpu.wait_dma2 semaphore(%arg18 : memref<!tpu.dma_semaphore, #tpu.memory_space<semaphore_mem>>) src(%dma_wait3A_23 : memref<72x128xf32, #tpu.memory_space<vmem>>) dst(%dma_wait3A_19 : memref<72x128xf32, #tpu.memory_space<hbm>>)
    %dma_wait3A_24 = arith.constant 1 : i32
    %dma_wait3A_25 = arith.constant 0 : i32
    %dma_wait3A_26 = arith.constant 0 : i32
    %dma_wait3A_27 = tpu.memref_slice %arg9[%dma_wait3A_24, %dma_wait3A_25, %dma_wait3A_26] : memref<2x72x128xf32, #tpu.memory_space<vmem>> -> memref<1x72x128xf32, #tpu.memory_space<vmem>>
    %dma_wait3A_28 = tpu.memref_squeeze %dma_wait3A_27 : memref<1x72x128xf32, #tpu.memory_space<vmem>> -> memref<72x128xf32, #tpu.memory_space<vmem>>
    %dma_wait3A_29 = arith.constant 0 : i32
    %dma_wait3A_30 = arith.constant 0 : i32
    %dma_wait3A_31 = tpu.memref_slice %arg6[%dma_wait3A_29, %dma_wait3A_30] : memref<147456x128xf32, #tpu.memory_space<hbm>> -> memref<72x128xf32, #tpu.memory_space<hbm>>
    %dma_wait3A_32 = arith.constant 0 : i32
    %dma_wait3A_33 = arith.constant 0 : i32
    %dma_wait3A_34 = tpu.memref_slice %arg6[%dma_wait3A_32, %dma_wait3A_33] : memref<147456x128xf32, #tpu.memory_space<hbm>> -> memref<72x128xf32, #tpu.memory_space<hbm>>
    %dma_wait3A_35 = arith.constant 0 : i32
    %dma_wait3A_36 = arith.constant 0 : i32
    %dma_wait3A_37 = tpu.memref_slice %arg9[%dma_wait3A_24, %dma_wait3A_35, %dma_wait3A_36] : memref<2x72x128xf32, #tpu.memory_space<vmem>> -> memref<1x72x128xf32, #tpu.memory_space<vmem>>
    %dma_wait3A_38 = tpu.memref_squeeze %dma_wait3A_37 : memref<1x72x128xf32, #tpu.memory_space<vmem>> -> memref<72x128xf32, #tpu.memory_space<vmem>>
    tpu.wait_dma2 semaphore(%arg19 : memref<!tpu.dma_semaphore, #tpu.memory_space<semaphore_mem>>) src(%dma_wait3A_38 : memref<72x128xf32, #tpu.memory_space<vmem>>) dst(%dma_wait3A_34 : memref<72x128xf32, #tpu.memory_space<hbm>>)
    %scan3A_39 = arith.constant 0 : i32
    %scan3A_40 = arith.constant 0 : i32
    %scan3A_41 = arith.constant 256 : i32
    %scan3A_42 = arith.addi %scan3A_40, %scan3A_41 : i32
    %scan3A_43 = arith.constant 1 : i32
    scf.for %scan3A_241 = %scan3A_40 to %scan3A_42 step %scan3A_43  : i32 {
      %iota3A = tpu.iota {dimensions = array<i32: 0>} : vector<16xi32>
      %shift_right_logical3A = arith.constant 3 : i32
      %shift_right_logical3A_242 = vector.broadcast %shift_right_logical3A : i32 to vector<16xi32>
      %shift_right_logical3A_243 = arith.shrui %iota3A, %shift_right_logical3A_242 : vector<16xi32>
      %mul3A_244 = arith.constant 2 : i32
      %mul3A_245 = arith.muli %mul3A_244, %scan3A_241 : i32
      %add3A_246 = vector.broadcast %mul3A_245 : i32 to vector<16xi32>
      %add3A_247 = arith.addi %shift_right_logical3A_243, %add3A_246 : vector<16xi32>
      %mul3A_248 = arith.constant 144 : i32
      %mul3A_249 = vector.broadcast %mul3A_248 : i32 to vector<16xi32>
      %mul3A_250 = arith.muli %add3A_247, %mul3A_249 : vector<16xi32>
      %mul3A_251 = arith.constant 73728 : i32
      %mul3A_252 = arith.muli %arg0, %mul3A_251 : i32
      %add3A_253 = vector.broadcast %mul3A_252 : i32 to vector<16xi32>
      %add3A_254 = arith.addi %mul3A_250, %add3A_253 : vector<16xi32>
      %mul3A_255 = arith.constant 16 : i32
      %mul3A_256 = arith.muli %scan3A_241, %mul3A_255 : i32
      %swap3A = arith.index_cast %mul3A_256 : i32 to index
      %swap3A_257 = tpu.vector_load %arg11[%swap3A] {strides = array<i32>} : memref<4096xi32, #tpu.memory_space<vmem>>, vector<16xi32>,
      tpu.vector_store %arg11[%swap3A], %add3A_254 {strides = array<i32>} : memref<4096xi32, #tpu.memory_space<vmem>>, vector<16xi32>,
    }
    %scan3A_44 = arith.constant 256 : i32
    %mul3A_45 = arith.constant 16 : i32
    %mul3A_46 = arith.muli %add3A, %mul3A_45 : i32
    %run_scoped3A = arith.constant 0 : i32
    "tpu.region"() ({
      %run_scoped3A_241 = tpu.sem_alloc : memref<!tpu.dma_semaphore, #tpu.memory_space<semaphore_mem>>
      %dma_start3A_242 = arith.constant 0 : i32
      %dma_start3A_243 = arith.constant 0 : i32
      %dma_start3A_244 = arith.constant 0 : i32
      %dma_start3A_245 = tpu.memref_slice %arg12[%run_scoped3A, %dma_start3A_242, %dma_start3A_243, %dma_start3A_244] : memref<2x8x8x128xi32, #tpu.memory_space<vmem>> -> memref<1x8x8x128xi32, #tpu.memory_space<vmem>>
      %dma_start3A_246 = tpu.memref_squeeze %dma_start3A_245 : memref<1x8x8x128xi32, #tpu.memory_space<vmem>> -> memref<8x8x128xi32, #tpu.memory_space<vmem>>
      %dma_start3A_247 = arith.constant 0 : i32
      %dma_start3A_248 = arith.constant 0 : i32
      %dma_start3A_249 = arith.constant 0 : i32
      %dma_start3A_250 = tpu.memref_slice %arg2[%mul3A_46, %dma_start3A_247, %dma_start3A_248, %dma_start3A_249] : memref<512x8x8x128xi32, #tpu.memory_space<hbm>> -> memref<1x8x8x128xi32, #tpu.memory_space<hbm>>
      %dma_start3A_251 = tpu.memref_squeeze %dma_start3A_250 : memref<1x8x8x128xi32, #tpu.memory_space<hbm>> -> memref<8x8x128xi32, #tpu.memory_space<hbm>>
      %dma_start3A_252 = arith.constant 0 : i32
      %dma_start3A_253 = arith.constant 0 : i32
      %dma_start3A_254 = arith.constant 0 : i32
      %dma_start3A_255 = tpu.memref_slice %arg12[%run_scoped3A, %dma_start3A_252, %dma_start3A_253, %dma_start3A_254] : memref<2x8x8x128xi32, #tpu.memory_space<vmem>> -> memref<1x8x8x128xi32, #tpu.memory_space<vmem>>
      %dma_start3A_256 = tpu.memref_squeeze %dma_start3A_255 : memref<1x8x8x128xi32, #tpu.memory_space<vmem>> -> memref<8x8x128xi32, #tpu.memory_space<vmem>>
      %dma_start3A_257 = arith.constant 0 : i32
      %dma_start3A_258 = arith.constant 0 : i32
      %dma_start3A_259 = arith.constant 0 : i32
      %dma_start3A_260 = tpu.memref_slice %arg2[%mul3A_46, %dma_start3A_257, %dma_start3A_258, %dma_start3A_259] : memref<512x8x8x128xi32, #tpu.memory_space<hbm>> -> memref<1x8x8x128xi32, #tpu.memory_space<hbm>>
      %dma_start3A_261 = tpu.memref_squeeze %dma_start3A_260 : memref<1x8x8x128xi32, #tpu.memory_space<hbm>> -> memref<8x8x128xi32, #tpu.memory_space<hbm>>
      tpu.enqueue_dma source(%dma_start3A_261 : memref<8x8x128xi32, #tpu.memory_space<hbm>>) target(%dma_start3A_256 : memref<8x8x128xi32, #tpu.memory_space<vmem>>) target_semaphore(%run_scoped3A_241 : memref<!tpu.dma_semaphore, #tpu.memory_space<semaphore_mem>>)
      %dma_wait3A_262 = arith.constant 0 : i32
      %dma_wait3A_263 = arith.constant 0 : i32
      %dma_wait3A_264 = arith.constant 0 : i32
      %dma_wait3A_265 = tpu.memref_slice %arg12[%run_scoped3A, %dma_wait3A_262, %dma_wait3A_263, %dma_wait3A_264] : memref<2x8x8x128xi32, #tpu.memory_space<vmem>> -> memref<1x8x8x128xi32, #tpu.memory_space<vmem>>
      %dma_wait3A_266 = tpu.memref_squeeze %dma_wait3A_265 : memref<1x8x8x128xi32, #tpu.memory_space<vmem>> -> memref<8x8x128xi32, #tpu.memory_space<vmem>>
      %dma_wait3A_267 = arith.constant 0 : i32
      %dma_wait3A_268 = arith.constant 0 : i32
      %dma_wait3A_269 = arith.constant 0 : i32
      %dma_wait3A_270 = tpu.memref_slice %arg2[%mul3A_46, %dma_wait3A_267, %dma_wait3A_268, %dma_wait3A_269] : memref<512x8x8x128xi32, #tpu.memory_space<hbm>> -> memref<1x8x8x128xi32, #tpu.memory_space<hbm>>
      %dma_wait3A_271 = tpu.memref_squeeze %dma_wait3A_270 : memref<1x8x8x128xi32, #tpu.memory_space<hbm>> -> memref<8x8x128xi32, #tpu.memory_space<hbm>>
      %dma_wait3A_272 = arith.constant 0 : i32
      %dma_wait3A_273 = arith.constant 0 : i32
      %dma_wait3A_274 = arith.constant 0 : i32
      %dma_wait3A_275 = tpu.memref_slice %arg12[%run_scoped3A, %dma_wait3A_272, %dma_wait3A_273, %dma_wait3A_274] : memref<2x8x8x128xi32, #tpu.memory_space<vmem>> -> memref<1x8x8x128xi32, #tpu.memory_space<vmem>>
      %dma_wait3A_276 = tpu.memref_squeeze %dma_wait3A_275 : memref<1x8x8x128xi32, #tpu.memory_space<vmem>> -> memref<8x8x128xi32, #tpu.memory_space<vmem>>
      %dma_wait3A_277 = arith.constant 0 : i32
      %dma_wait3A_278 = arith.constant 0 : i32
      %dma_wait3A_279 = arith.constant 0 : i32
      %dma_wait3A_280 = tpu.memref_slice %arg2[%mul3A_46, %dma_wait3A_277, %dma_wait3A_278, %dma_wait3A_279] : memref<512x8x8x128xi32, #tpu.memory_space<hbm>> -> memref<1x8x8x128xi32, #tpu.memory_space<hbm>>
      %dma_wait3A_281 = tpu.memref_squeeze %dma_wait3A_280 : memref<1x8x8x128xi32, #tpu.memory_space<hbm>> -> memref<8x8x128xi32, #tpu.memory_space<hbm>>
      tpu.wait_dma2 semaphore(%run_scoped3A_241 : memref<!tpu.dma_semaphore, #tpu.memory_space<semaphore_mem>>) src(%dma_wait3A_281 : memref<8x8x128xi32, #tpu.memory_space<hbm>>) dst(%dma_wait3A_276 : memref<8x8x128xi32, #tpu.memory_space<vmem>>)
      tpu.yield
    }) : () -> ()
    %broadcast_in_dim3A = arith.constant 0 : i32
    %broadcast_in_dim3A_47 = vector.broadcast %broadcast_in_dim3A : i32 to vector<16xi32>
    %scan3A_48 = arith.constant 0 : i32
    %scan3A_49 = arith.constant 0 : i32
    %scan3A_50 = arith.constant 16 : i32
    %scan3A_51 = arith.addi %scan3A_49, %scan3A_50 : i32
    %scan3A_52 = arith.constant 1 : i32
    scf.for %scan3A_241 = %scan3A_49 to %scan3A_51 step %scan3A_52  : i32 {
      %iota3A = tpu.iota {dimensions = array<i32: 0>} : vector<16xi32>
      %and3A = arith.constant 7 : i32
      %and3A_242 = vector.broadcast %and3A : i32 to vector<16xi32>
      %and3A_243 = arith.andi %iota3A, %and3A_242 : vector<16xi32>
      %shift_right_logical3A = arith.constant 3 : i32
      %shift_right_logical3A_244 = vector.broadcast %shift_right_logical3A : i32 to vector<16xi32>
      %shift_right_logical3A_245 = arith.shrui %iota3A, %shift_right_logical3A_244 : vector<16xi32>
      %mul3A_246 = arith.constant 2 : i32
      %mul3A_247 = arith.muli %mul3A_246, %scan3A_241 : i32
      %add3A_248 = vector.broadcast %mul3A_247 : i32 to vector<16xi32>
      %add3A_249 = arith.addi %shift_right_logical3A_245, %add3A_248 : vector<16xi32>
      %mul3A_250 = arith.constant 2 : i32
      %mul3A_251 = vector.broadcast %mul3A_250 : i32 to vector<16xi32>
      %mul3A_252 = arith.muli %add3A_249, %mul3A_251 : vector<16xi32>
      %shift_right_logical3A_253 = arith.constant 7 : i32
      %shift_right_logical3A_254 = vector.broadcast %shift_right_logical3A_253 : i32 to vector<16xi32>
      %shift_right_logical3A_255 = arith.shrui %mul3A_252, %shift_right_logical3A_254 : vector<16xi32>
      %and3A_256 = arith.constant 127 : i32
      %and3A_257 = vector.broadcast %and3A_256 : i32 to vector<16xi32>
      %and3A_258 = arith.andi %mul3A_252, %and3A_257 : vector<16xi32>
      %gather3A = tpu.vector_load_idx %arg12[%broadcast_in_dim3A_47, %shift_right_logical3A_255, %and3A_243, %and3A_258] : memref<2x8x8x128xi32, #tpu.memory_space<vmem>>[vector<16xi32>, vector<16xi32>, vector<16xi32>, vector<16xi32>], vector<16xi32>,
      %add3A_259 = arith.constant 1 : i32
      %add3A_260 = vector.broadcast %add3A_259 : i32 to vector<16xi32>
      %add3A_261 = arith.addi %and3A_258, %add3A_260 : vector<16xi32>
      %gather3A_262 = tpu.vector_load_idx %arg12[%broadcast_in_dim3A_47, %shift_right_logical3A_255, %and3A_243, %add3A_261] : memref<2x8x8x128xi32, #tpu.memory_space<vmem>>[vector<16xi32>, vector<16xi32>, vector<16xi32>, vector<16xi32>], vector<16xi32>,
      %mul3A_263 = arith.constant 12 : i32
      %mul3A_264 = vector.broadcast %mul3A_263 : i32 to vector<16xi32>
      %mul3A_265 = arith.muli %gather3A, %mul3A_264 : vector<16xi32>
      %add3A_266 = arith.addi %mul3A_265, %gather3A_262 : vector<16xi32>
      %mul3A_267 = arith.constant 16 : i32
      %mul3A_268 = arith.muli %scan3A_241, %mul3A_267 : i32
      %get3A = arith.index_cast %mul3A_268 : i32 to index
      %get3A_269 = tpu.vector_load %arg11[%get3A] {strides = array<i32>} : memref<4096xi32, #tpu.memory_space<vmem>>, vector<16xi32>,
      %add3A_270 = arith.addi %add3A_266, %get3A_269 : vector<16xi32>
      %mul3A_271 = arith.constant 16 : i32
      %mul3A_272 = arith.muli %scan3A_241, %mul3A_271 : i32
      %swap3A = arith.constant 0 : i32
      %swap3A_273 = arith.index_cast %swap3A : i32 to index
      %swap3A_274 = arith.index_cast %mul3A_272 : i32 to index
      %swap3A_275 = tpu.vector_load %arg13[%swap3A_273, %swap3A_274] {strides = array<i32>} : memref<2x4096xi32, #tpu.memory_space<vmem>>, vector<16xi32>,
      tpu.vector_store %arg13[%swap3A_273, %swap3A_274], %add3A_270 {strides = array<i32>} : memref<2x4096xi32, #tpu.memory_space<vmem>>, vector<16xi32>,
    }
    %scan3A_53 = arith.constant 16 : i32
    %broadcast_in_dim3A_54 = arith.constant 0 : i32
    %broadcast_in_dim3A_55 = vector.broadcast %broadcast_in_dim3A_54 : i32 to vector<16xi32>
    %scan3A_56 = arith.constant 0 : i32
    %scan3A_57 = arith.constant 16 : i32
    %scan3A_58 = arith.constant 16 : i32
    %scan3A_59 = arith.addi %scan3A_57, %scan3A_58 : i32
    %scan3A_60 = arith.constant 1 : i32
    scf.for %scan3A_241 = %scan3A_57 to %scan3A_59 step %scan3A_60  : i32 {
      %iota3A = tpu.iota {dimensions = array<i32: 0>} : vector<16xi32>
      %and3A = arith.constant 7 : i32
      %and3A_242 = vector.broadcast %and3A : i32 to vector<16xi32>
      %and3A_243 = arith.andi %iota3A, %and3A_242 : vector<16xi32>
      %shift_right_logical3A = arith.constant 3 : i32
      %shift_right_logical3A_244 = vector.broadcast %shift_right_logical3A : i32 to vector<16xi32>
      %shift_right_logical3A_245 = arith.shrui %iota3A, %shift_right_logical3A_244 : vector<16xi32>
      %mul3A_246 = arith.constant 2 : i32
      %mul3A_247 = arith.muli %mul3A_246, %scan3A_241 : i32
      %add3A_248 = vector.broadcast %mul3A_247 : i32 to vector<16xi32>
      %add3A_249 = arith.addi %shift_right_logical3A_245, %add3A_248 : vector<16xi32>
      %mul3A_250 = arith.constant 2 : i32
      %mul3A_251 = vector.broadcast %mul3A_250 : i32 to vector<16xi32>
      %mul3A_252 = arith.muli %add3A_249, %mul3A_251 : vector<16xi32>
      %shift_right_logical3A_253 = arith.constant 7 : i32
      %shift_right_logical3A_254 = vector.broadcast %shift_right_logical3A_253 : i32 to vector<16xi32>
      %shift_right_logical3A_255 = arith.shrui %mul3A_252, %shift_right_logical3A_254 : vector<16xi32>
      %and3A_256 = arith.constant 127 : i32
      %and3A_257 = vector.broadcast %and3A_256 : i32 to vector<16xi32>
      %and3A_258 = arith.andi %mul3A_252, %and3A_257 : vector<16xi32>
      %gather3A = tpu.vector_load_idx %arg12[%broadcast_in_dim3A_55, %shift_right_logical3A_255, %and3A_243, %and3A_258] : memref<2x8x8x128xi32, #tpu.memory_space<vmem>>[vector<16xi32>, vector<16xi32>, vector<16xi32>, vector<16xi32>], vector<16xi32>,
      %add3A_259 = arith.constant 1 : i32
      %add3A_260 = vector.broadcast %add3A_259 : i32 to vector<16xi32>
      %add3A_261 = arith.addi %and3A_258, %add3A_260 : vector<16xi32>
      %gather3A_262 = tpu.vector_load_idx %arg12[%broadcast_in_dim3A_55, %shift_right_logical3A_255, %and3A_243, %add3A_261] : memref<2x8x8x128xi32, #tpu.memory_space<vmem>>[vector<16xi32>, vector<16xi32>, vector<16xi32>, vector<16xi32>], vector<16xi32>,
      %mul3A_263 = arith.constant 12 : i32
      %mul3A_264 = vector.broadcast %mul3A_263 : i32 to vector<16xi32>
      %mul3A_265 = arith.muli %gather3A, %mul3A_264 : vector<16xi32>
      %add3A_266 = arith.addi %mul3A_265, %gather3A_262 : vector<16xi32>
      %mul3A_267 = arith.constant 16 : i32
      %mul3A_268 = arith.muli %scan3A_241, %mul3A_267 : i32
      %get3A = arith.index_cast %mul3A_268 : i32 to index
      %get3A_269 = tpu.vector_load %arg11[%get3A] {strides = array<i32>} : memref<4096xi32, #tpu.memory_space<vmem>>, vector<16xi32>,
      %add3A_270 = arith.addi %add3A_266, %get3A_269 : vector<16xi32>
      %mul3A_271 = arith.constant 16 : i32
      %mul3A_272 = arith.muli %scan3A_241, %mul3A_271 : i32
      %swap3A = arith.constant 0 : i32
      %swap3A_273 = arith.index_cast %swap3A : i32 to index
      %swap3A_274 = arith.index_cast %mul3A_272 : i32 to index
      %swap3A_275 = tpu.vector_load %arg13[%swap3A_273, %swap3A_274] {strides = array<i32>} : memref<2x4096xi32, #tpu.memory_space<vmem>>, vector<16xi32>,
      tpu.vector_store %arg13[%swap3A_273, %swap3A_274], %add3A_270 {strides = array<i32>} : memref<2x4096xi32, #tpu.memory_space<vmem>>, vector<16xi32>,
    }
    %scan3A_61 = arith.constant 16 : i32
    %broadcast_in_dim3A_62 = arith.constant 0 : i32
    %broadcast_in_dim3A_63 = vector.broadcast %broadcast_in_dim3A_62 : i32 to vector<16xi32>
    %scan3A_64 = arith.constant 0 : i32
    %scan3A_65 = arith.constant 32 : i32
    %scan3A_66 = arith.constant 16 : i32
    %scan3A_67 = arith.addi %scan3A_65, %scan3A_66 : i32
    %scan3A_68 = arith.constant 1 : i32
    scf.for %scan3A_241 = %scan3A_65 to %scan3A_67 step %scan3A_68  : i32 {
      %iota3A = tpu.iota {dimensions = array<i32: 0>} : vector<16xi32>
      %and3A = arith.constant 7 : i32
      %and3A_242 = vector.broadcast %and3A : i32 to vector<16xi32>
      %and3A_243 = arith.andi %iota3A, %and3A_242 : vector<16xi32>
      %shift_right_logical3A = arith.constant 3 : i32
      %shift_right_logical3A_244 = vector.broadcast %shift_right_logical3A : i32 to vector<16xi32>
      %shift_right_logical3A_245 = arith.shrui %iota3A, %shift_right_logical3A_244 : vector<16xi32>
      %mul3A_246 = arith.constant 2 : i32
      %mul3A_247 = arith.muli %mul3A_246, %scan3A_241 : i32
      %add3A_248 = vector.broadcast %mul3A_247 : i32 to vector<16xi32>
      %add3A_249 = arith.addi %shift_right_logical3A_245, %add3A_248 : vector<16xi32>
      %mul3A_250 = arith.constant 2 : i32
      %mul3A_251 = vector.broadcast %mul3A_250 : i32 to vector<16xi32>
      %mul3A_252 = arith.muli %add3A_249, %mul3A_251 : vector<16xi32>
      %shift_right_logical3A_253 = arith.constant 7 : i32
      %shift_right_logical3A_254 = vector.broadcast %shift_right_logical3A_253 : i32 to vector<16xi32>
      %shift_right_logical3A_255 = arith.shrui %mul3A_252, %shift_right_logical3A_254 : vector<16xi32>
      %and3A_256 = arith.constant 127 : i32
      %and3A_257 = vector.broadcast %and3A_256 : i32 to vector<16xi32>
      %and3A_258 = arith.andi %mul3A_252, %and3A_257 : vector<16xi32>
      %gather3A = tpu.vector_load_idx %arg12[%broadcast_in_dim3A_63, %shift_right_logical3A_255, %and3A_243, %and3A_258] : memref<2x8x8x128xi32, #tpu.memory_space<vmem>>[vector<16xi32>, vector<16xi32>, vector<16xi32>, vector<16xi32>], vector<16xi32>,
      %add3A_259 = arith.constant 1 : i32
      %add3A_260 = vector.broadcast %add3A_259 : i32 to vector<16xi32>
      %add3A_261 = arith.addi %and3A_258, %add3A_260 : vector<16xi32>
      %gather3A_262 = tpu.vector_load_idx %arg12[%broadcast_in_dim3A_63, %shift_right_logical3A_255, %and3A_243, %add3A_261] : memref<2x8x8x128xi32, #tpu.memory_space<vmem>>[vector<16xi32>, vector<16xi32>, vector<16xi32>, vector<16xi32>], vector<16xi32>,
      %mul3A_263 = arith.constant 12 : i32
      %mul3A_264 = vector.broadcast %mul3A_263 : i32 to vector<16xi32>
      %mul3A_265 = arith.muli %gather3A, %mul3A_264 : vector<16xi32>
      %add3A_266 = arith.addi %mul3A_265, %gather3A_262 : vector<16xi32>
      %mul3A_267 = arith.constant 16 : i32
      %mul3A_268 = arith.muli %scan3A_241, %mul3A_267 : i32
      %get3A = arith.index_cast %mul3A_268 : i32 to index
      %get3A_269 = tpu.vector_load %arg11[%get3A] {strides = array<i32>} : memref<4096xi32, #tpu.memory_space<vmem>>, vector<16xi32>,
      %add3A_270 = arith.addi %add3A_266, %get3A_269 : vector<16xi32>
      %mul3A_271 = arith.constant 16 : i32
      %mul3A_272 = arith.muli %scan3A_241, %mul3A_271 : i32
      %swap3A = arith.constant 0 : i32
      %swap3A_273 = arith.index_cast %swap3A : i32 to index
      %swap3A_274 = arith.index_cast %mul3A_272 : i32 to index
      %swap3A_275 = tpu.vector_load %arg13[%swap3A_273, %swap3A_274] {strides = array<i32>} : memref<2x4096xi32, #tpu.memory_space<vmem>>, vector<16xi32>,
      tpu.vector_store %arg13[%swap3A_273, %swap3A_274], %add3A_270 {strides = array<i32>} : memref<2x4096xi32, #tpu.memory_space<vmem>>, vector<16xi32>,
    }
    %scan3A_69 = arith.constant 16 : i32
    %broadcast_in_dim3A_70 = arith.constant 0 : i32
    %broadcast_in_dim3A_71 = vector.broadcast %broadcast_in_dim3A_70 : i32 to vector<16xi32>
    %scan3A_72 = arith.constant 0 : i32
    %scan3A_73 = arith.constant 48 : i32
    %scan3A_74 = arith.constant 16 : i32
    %scan3A_75 = arith.addi %scan3A_73, %scan3A_74 : i32
    %scan3A_76 = arith.constant 1 : i32
    scf.for %scan3A_241 = %scan3A_73 to %scan3A_75 step %scan3A_76  : i32 {
      %iota3A = tpu.iota {dimensions = array<i32: 0>} : vector<16xi32>
      %and3A = arith.constant 7 : i32
      %and3A_242 = vector.broadcast %and3A : i32 to vector<16xi32>
      %and3A_243 = arith.andi %iota3A, %and3A_242 : vector<16xi32>
      %shift_right_logical3A = arith.constant 3 : i32
      %shift_right_logical3A_244 = vector.broadcast %shift_right_logical3A : i32 to vector<16xi32>
      %shift_right_logical3A_245 = arith.shrui %iota3A, %shift_right_logical3A_244 : vector<16xi32>
      %mul3A_246 = arith.constant 2 : i32
      %mul3A_247 = arith.muli %mul3A_246, %scan3A_241 : i32
      %add3A_248 = vector.broadcast %mul3A_247 : i32 to vector<16xi32>
      %add3A_249 = arith.addi %shift_right_logical3A_245, %add3A_248 : vector<16xi32>
      %mul3A_250 = arith.constant 2 : i32
      %mul3A_251 = vector.broadcast %mul3A_250 : i32 to vector<16xi32>
      %mul3A_252 = arith.muli %add3A_249, %mul3A_251 : vector<16xi32>
      %shift_right_logical3A_253 = arith.constant 7 : i32
      %shift_right_logical3A_254 = vector.broadcast %shift_right_logical3A_253 : i32 to vector<16xi32>
      %shift_right_logical3A_255 = arith.shrui %mul3A_252, %shift_right_logical3A_254 : vector<16xi32>
      %and3A_256 = arith.constant 127 : i32
      %and3A_257 = vector.broadcast %and3A_256 : i32 to vector<16xi32>
      %and3A_258 = arith.andi %mul3A_252, %and3A_257 : vector<16xi32>
      %gather3A = tpu.vector_load_idx %arg12[%broadcast_in_dim3A_71, %shift_right_logical3A_255, %and3A_243, %and3A_258] : memref<2x8x8x128xi32, #tpu.memory_space<vmem>>[vector<16xi32>, vector<16xi32>, vector<16xi32>, vector<16xi32>], vector<16xi32>,
      %add3A_259 = arith.constant 1 : i32
      %add3A_260 = vector.broadcast %add3A_259 : i32 to vector<16xi32>
      %add3A_261 = arith.addi %and3A_258, %add3A_260 : vector<16xi32>
      %gather3A_262 = tpu.vector_load_idx %arg12[%broadcast_in_dim3A_71, %shift_right_logical3A_255, %and3A_243, %add3A_261] : memref<2x8x8x128xi32, #tpu.memory_space<vmem>>[vector<16xi32>, vector<16xi32>, vector<16xi32>, vector<16xi32>], vector<16xi32>,
      %mul3A_263 = arith.constant 12 : i32
      %mul3A_264 = vector.broadcast %mul3A_263 : i32 to vector<16xi32>
      %mul3A_265 = arith.muli %gather3A, %mul3A_264 : vector<16xi32>
      %add3A_266 = arith.addi %mul3A_265, %gather3A_262 : vector<16xi32>
      %mul3A_267 = arith.constant 16 : i32
      %mul3A_268 = arith.muli %scan3A_241, %mul3A_267 : i32
      %get3A = arith.index_cast %mul3A_268 : i32 to index
      %get3A_269 = tpu.vector_load %arg11[%get3A] {strides = array<i32>} : memref<4096xi32, #tpu.memory_space<vmem>>, vector<16xi32>,
      %add3A_270 = arith.addi %add3A_266, %get3A_269 : vector<16xi32>
      %mul3A_271 = arith.constant 16 : i32
      %mul3A_272 = arith.muli %scan3A_241, %mul3A_271 : i32
      %swap3A = arith.constant 0 : i32
      %swap3A_273 = arith.index_cast %swap3A : i32 to index
      %swap3A_274 = arith.index_cast %mul3A_272 : i32 to index
      %swap3A_275 = tpu.vector_load %arg13[%swap3A_273, %swap3A_274] {strides = array<i32>} : memref<2x4096xi32, #tpu.memory_space<vmem>>, vector<16xi32>,
      tpu.vector_store %arg13[%swap3A_273, %swap3A_274], %add3A_270 {strides = array<i32>} : memref<2x4096xi32, #tpu.memory_space<vmem>>, vector<16xi32>,
    }
    %scan3A_77 = arith.constant 16 : i32
    %broadcast_in_dim3A_78 = arith.constant 0 : i32
    %broadcast_in_dim3A_79 = vector.broadcast %broadcast_in_dim3A_78 : i32 to vector<16xi32>
    %scan3A_80 = arith.constant 0 : i32
    %scan3A_81 = arith.constant 64 : i32
    %scan3A_82 = arith.constant 16 : i32
    %scan3A_83 = arith.addi %scan3A_81, %scan3A_82 : i32
    %scan3A_84 = arith.constant 1 : i32
    scf.for %scan3A_241 = %scan3A_81 to %scan3A_83 step %scan3A_84  : i32 {
      %iota3A = tpu.iota {dimensions = array<i32: 0>} : vector<16xi32>
      %and3A = arith.constant 7 : i32
      %and3A_242 = vector.broadcast %and3A : i32 to vector<16xi32>
      %and3A_243 = arith.andi %iota3A, %and3A_242 : vector<16xi32>
      %shift_right_logical3A = arith.constant 3 : i32
      %shift_right_logical3A_244 = vector.broadcast %shift_right_logical3A : i32 to vector<16xi32>
      %shift_right_logical3A_245 = arith.shrui %iota3A, %shift_right_logical3A_244 : vector<16xi32>
      %mul3A_246 = arith.constant 2 : i32
      %mul3A_247 = arith.muli %mul3A_246, %scan3A_241 : i32
      %add3A_248 = vector.broadcast %mul3A_247 : i32 to vector<16xi32>
      %add3A_249 = arith.addi %shift_right_logical3A_245, %add3A_248 : vector<16xi32>
      %mul3A_250 = arith.constant 2 : i32
      %mul3A_251 = vector.broadcast %mul3A_250 : i32 to vector<16xi32>
      %mul3A_252 = arith.muli %add3A_249, %mul3A_251 : vector<16xi32>
      %shift_right_logical3A_253 = arith.constant 7 : i32
      %shift_right_logical3A_254 = vector.broadcast %shift_right_logical3A_253 : i32 to vector<16xi32>
      %shift_right_logical3A_255 = arith.shrui %mul3A_252, %shift_right_logical3A_254 : vector<16xi32>
      %and3A_256 = arith.constant 127 : i32
      %and3A_257 = vector.broadcast %and3A_256 : i32 to vector<16xi32>
      %and3A_258 = arith.andi %mul3A_252, %and3A_257 : vector<16xi32>
      %gather3A = tpu.vector_load_idx %arg12[%broadcast_in_dim3A_79, %shift_right_logical3A_255, %and3A_243, %and3A_258] : memref<2x8x8x128xi32, #tpu.memory_space<vmem>>[vector<16xi32>, vector<16xi32>, vector<16xi32>, vector<16xi32>], vector<16xi32>,
      %add3A_259 = arith.constant 1 : i32
      %add3A_260 = vector.broadcast %add3A_259 : i32 to vector<16xi32>
      %add3A_261 = arith.addi %and3A_258, %add3A_260 : vector<16xi32>
      %gather3A_262 = tpu.vector_load_idx %arg12[%broadcast_in_dim3A_79, %shift_right_logical3A_255, %and3A_243, %add3A_261] : memref<2x8x8x128xi32, #tpu.memory_space<vmem>>[vector<16xi32>, vector<16xi32>, vector<16xi32>, vector<16xi32>], vector<16xi32>,
      %mul3A_263 = arith.constant 12 : i32
      %mul3A_264 = vector.broadcast %mul3A_263 : i32 to vector<16xi32>
      %mul3A_265 = arith.muli %gather3A, %mul3A_264 : vector<16xi32>
      %add3A_266 = arith.addi %mul3A_265, %gather3A_262 : vector<16xi32>
      %mul3A_267 = arith.constant 16 : i32
      %mul3A_268 = arith.muli %scan3A_241, %mul3A_267 : i32
      %get3A = arith.index_cast %mul3A_268 : i32 to index
      %get3A_269 = tpu.vector_load %arg11[%get3A] {strides = array<i32>} : memref<4096xi32, #tpu.memory_space<vmem>>, vector<16xi32>,
      %add3A_270 = arith.addi %add3A_266, %get3A_269 : vector<16xi32>
      %mul3A_271 = arith.constant 16 : i32
      %mul3A_272 = arith.muli %scan3A_241, %mul3A_271 : i32
      %swap3A = arith.constant 0 : i32
      %swap3A_273 = arith.index_cast %swap3A : i32 to index
      %swap3A_274 = arith.index_cast %mul3A_272 : i32 to index
      %swap3A_275 = tpu.vector_load %arg13[%swap3A_273, %swap3A_274] {strides = array<i32>} : memref<2x4096xi32, #tpu.memory_space<vmem>>, vector<16xi32>,
      tpu.vector_store %arg13[%swap3A_273, %swap3A_274], %add3A_270 {strides = array<i32>} : memref<2x4096xi32, #tpu.memory_space<vmem>>, vector<16xi32>,
    }
    %scan3A_85 = arith.constant 16 : i32
    %broadcast_in_dim3A_86 = arith.constant 0 : i32
    %broadcast_in_dim3A_87 = vector.broadcast %broadcast_in_dim3A_86 : i32 to vector<16xi32>
    %scan3A_88 = arith.constant 0 : i32
    %scan3A_89 = arith.constant 80 : i32
    %scan3A_90 = arith.constant 16 : i32
    %scan3A_91 = arith.addi %scan3A_89, %scan3A_90 : i32
    %scan3A_92 = arith.constant 1 : i32
    scf.for %scan3A_241 = %scan3A_89 to %scan3A_91 step %scan3A_92  : i32 {
      %iota3A = tpu.iota {dimensions = array<i32: 0>} : vector<16xi32>
      %and3A = arith.constant 7 : i32
      %and3A_242 = vector.broadcast %and3A : i32 to vector<16xi32>
      %and3A_243 = arith.andi %iota3A, %and3A_242 : vector<16xi32>
      %shift_right_logical3A = arith.constant 3 : i32
      %shift_right_logical3A_244 = vector.broadcast %shift_right_logical3A : i32 to vector<16xi32>
      %shift_right_logical3A_245 = arith.shrui %iota3A, %shift_right_logical3A_244 : vector<16xi32>
      %mul3A_246 = arith.constant 2 : i32
      %mul3A_247 = arith.muli %mul3A_246, %scan3A_241 : i32
      %add3A_248 = vector.broadcast %mul3A_247 : i32 to vector<16xi32>
      %add3A_249 = arith.addi %shift_right_logical3A_245, %add3A_248 : vector<16xi32>
      %mul3A_250 = arith.constant 2 : i32
      %mul3A_251 = vector.broadcast %mul3A_250 : i32 to vector<16xi32>
      %mul3A_252 = arith.muli %add3A_249, %mul3A_251 : vector<16xi32>
      %shift_right_logical3A_253 = arith.constant 7 : i32
      %shift_right_logical3A_254 = vector.broadcast %shift_right_logical3A_253 : i32 to vector<16xi32>
      %shift_right_logical3A_255 = arith.shrui %mul3A_252, %shift_right_logical3A_254 : vector<16xi32>
      %and3A_256 = arith.constant 127 : i32
      %and3A_257 = vector.broadcast %and3A_256 : i32 to vector<16xi32>
      %and3A_258 = arith.andi %mul3A_252, %and3A_257 : vector<16xi32>
      %gather3A = tpu.vector_load_idx %arg12[%broadcast_in_dim3A_87, %shift_right_logical3A_255, %and3A_243, %and3A_258] : memref<2x8x8x128xi32, #tpu.memory_space<vmem>>[vector<16xi32>, vector<16xi32>, vector<16xi32>, vector<16xi32>], vector<16xi32>,
      %add3A_259 = arith.constant 1 : i32
      %add3A_260 = vector.broadcast %add3A_259 : i32 to vector<16xi32>
      %add3A_261 = arith.addi %and3A_258, %add3A_260 : vector<16xi32>
      %gather3A_262 = tpu.vector_load_idx %arg12[%broadcast_in_dim3A_87, %shift_right_logical3A_255, %and3A_243, %add3A_261] : memref<2x8x8x128xi32, #tpu.memory_space<vmem>>[vector<16xi32>, vector<16xi32>, vector<16xi32>, vector<16xi32>], vector<16xi32>,
      %mul3A_263 = arith.constant 12 : i32
      %mul3A_264 = vector.broadcast %mul3A_263 : i32 to vector<16xi32>
      %mul3A_265 = arith.muli %gather3A, %mul3A_264 : vector<16xi32>
      %add3A_266 = arith.addi %mul3A_265, %gather3A_262 : vector<16xi32>
      %mul3A_267 = arith.constant 16 : i32
      %mul3A_268 = arith.muli %scan3A_241, %mul3A_267 : i32
      %get3A = arith.index_cast %mul3A_268 : i32 to index
      %get3A_269 = tpu.vector_load %arg11[%get3A] {strides = array<i32>} : memref<4096xi32, #tpu.memory_space<vmem>>, vector<16xi32>,
      %add3A_270 = arith.addi %add3A_266, %get3A_269 : vector<16xi32>
      %mul3A_271 = arith.constant 16 : i32
      %mul3A_272 = arith.muli %scan3A_241, %mul3A_271 : i32
      %swap3A = arith.constant 0 : i32
      %swap3A_273 = arith.index_cast %swap3A : i32 to index
      %swap3A_274 = arith.index_cast %mul3A_272 : i32 to index
      %swap3A_275 = tpu.vector_load %arg13[%swap3A_273, %swap3A_274] {strides = array<i32>} : memref<2x4096xi32, #tpu.memory_space<vmem>>, vector<16xi32>,
      tpu.vector_store %arg13[%swap3A_273, %swap3A_274], %add3A_270 {strides = array<i32>} : memref<2x4096xi32, #tpu.memory_space<vmem>>, vector<16xi32>,
    }
    %scan3A_93 = arith.constant 16 : i32
    %broadcast_in_dim3A_94 = arith.constant 0 : i32
    %broadcast_in_dim3A_95 = vector.broadcast %broadcast_in_dim3A_94 : i32 to vector<16xi32>
    %scan3A_96 = arith.constant 0 : i32
    %scan3A_97 = arith.constant 96 : i32
    %scan3A_98 = arith.constant 16 : i32
    %scan3A_99 = arith.addi %scan3A_97, %scan3A_98 : i32
    %scan3A_100 = arith.constant 1 : i32
    scf.for %scan3A_241 = %scan3A_97 to %scan3A_99 step %scan3A_100  : i32 {
      %iota3A = tpu.iota {dimensions = array<i32: 0>} : vector<16xi32>
      %and3A = arith.constant 7 : i32
      %and3A_242 = vector.broadcast %and3A : i32 to vector<16xi32>
      %and3A_243 = arith.andi %iota3A, %and3A_242 : vector<16xi32>
      %shift_right_logical3A = arith.constant 3 : i32
      %shift_right_logical3A_244 = vector.broadcast %shift_right_logical3A : i32 to vector<16xi32>
      %shift_right_logical3A_245 = arith.shrui %iota3A, %shift_right_logical3A_244 : vector<16xi32>
      %mul3A_246 = arith.constant 2 : i32
      %mul3A_247 = arith.muli %mul3A_246, %scan3A_241 : i32
      %add3A_248 = vector.broadcast %mul3A_247 : i32 to vector<16xi32>
      %add3A_249 = arith.addi %shift_right_logical3A_245, %add3A_248 : vector<16xi32>
      %mul3A_250 = arith.constant 2 : i32
      %mul3A_251 = vector.broadcast %mul3A_250 : i32 to vector<16xi32>
      %mul3A_252 = arith.muli %add3A_249, %mul3A_251 : vector<16xi32>
      %shift_right_logical3A_253 = arith.constant 7 : i32
      %shift_right_logical3A_254 = vector.broadcast %shift_right_logical3A_253 : i32 to vector<16xi32>
      %shift_right_logical3A_255 = arith.shrui %mul3A_252, %shift_right_logical3A_254 : vector<16xi32>
      %and3A_256 = arith.constant 127 : i32
      %and3A_257 = vector.broadcast %and3A_256 : i32 to vector<16xi32>
      %and3A_258 = arith.andi %mul3A_252, %and3A_257 : vector<16xi32>
      %gather3A = tpu.vector_load_idx %arg12[%broadcast_in_dim3A_95, %shift_right_logical3A_255, %and3A_243, %and3A_258] : memref<2x8x8x128xi32, #tpu.memory_space<vmem>>[vector<16xi32>, vector<16xi32>, vector<16xi32>, vector<16xi32>], vector<16xi32>,
      %add3A_259 = arith.constant 1 : i32
      %add3A_260 = vector.broadcast %add3A_259 : i32 to vector<16xi32>
      %add3A_261 = arith.addi %and3A_258, %add3A_260 : vector<16xi32>
      %gather3A_262 = tpu.vector_load_idx %arg12[%broadcast_in_dim3A_95, %shift_right_logical3A_255, %and3A_243, %add3A_261] : memref<2x8x8x128xi32, #tpu.memory_space<vmem>>[vector<16xi32>, vector<16xi32>, vector<16xi32>, vector<16xi32>], vector<16xi32>,
      %mul3A_263 = arith.constant 12 : i32
      %mul3A_264 = vector.broadcast %mul3A_263 : i32 to vector<16xi32>
      %mul3A_265 = arith.muli %gather3A, %mul3A_264 : vector<16xi32>
      %add3A_266 = arith.addi %mul3A_265, %gather3A_262 : vector<16xi32>
      %mul3A_267 = arith.constant 16 : i32
      %mul3A_268 = arith.muli %scan3A_241, %mul3A_267 : i32
      %get3A = arith.index_cast %mul3A_268 : i32 to index
      %get3A_269 = tpu.vector_load %arg11[%get3A] {strides = array<i32>} : memref<4096xi32, #tpu.memory_space<vmem>>, vector<16xi32>,
      %add3A_270 = arith.addi %add3A_266, %get3A_269 : vector<16xi32>
      %mul3A_271 = arith.constant 16 : i32
      %mul3A_272 = arith.muli %scan3A_241, %mul3A_271 : i32
      %swap3A = arith.constant 0 : i32
      %swap3A_273 = arith.index_cast %swap3A : i32 to index
      %swap3A_274 = arith.index_cast %mul3A_272 : i32 to index
      %swap3A_275 = tpu.vector_load %arg13[%swap3A_273, %swap3A_274] {strides = array<i32>} : memref<2x4096xi32, #tpu.memory_space<vmem>>, vector<16xi32>,
      tpu.vector_store %arg13[%swap3A_273, %swap3A_274], %add3A_270 {strides = array<i32>} : memref<2x4096xi32, #tpu.memory_space<vmem>>, vector<16xi32>,
    }
    %scan3A_101 = arith.constant 16 : i32
    %broadcast_in_dim3A_102 = arith.constant 0 : i32
    %broadcast_in_dim3A_103 = vector.broadcast %broadcast_in_dim3A_102 : i32 to vector<16xi32>
    %scan3A_104 = arith.constant 0 : i32
    %scan3A_105 = arith.constant 112 : i32
    %scan3A_106 = arith.constant 16 : i32
    %scan3A_107 = arith.addi %scan3A_105, %scan3A_106 : i32
    %scan3A_108 = arith.constant 1 : i32
    scf.for %scan3A_241 = %scan3A_105 to %scan3A_107 step %scan3A_108  : i32 {
      %iota3A = tpu.iota {dimensions = array<i32: 0>} : vector<16xi32>
      %and3A = arith.constant 7 : i32
      %and3A_242 = vector.broadcast %and3A : i32 to vector<16xi32>
      %and3A_243 = arith.andi %iota3A, %and3A_242 : vector<16xi32>
      %shift_right_logical3A = arith.constant 3 : i32
      %shift_right_logical3A_244 = vector.broadcast %shift_right_logical3A : i32 to vector<16xi32>
      %shift_right_logical3A_245 = arith.shrui %iota3A, %shift_right_logical3A_244 : vector<16xi32>
      %mul3A_246 = arith.constant 2 : i32
      %mul3A_247 = arith.muli %mul3A_246, %scan3A_241 : i32
      %add3A_248 = vector.broadcast %mul3A_247 : i32 to vector<16xi32>
      %add3A_249 = arith.addi %shift_right_logical3A_245, %add3A_248 : vector<16xi32>
      %mul3A_250 = arith.constant 2 : i32
      %mul3A_251 = vector.broadcast %mul3A_250 : i32 to vector<16xi32>
      %mul3A_252 = arith.muli %add3A_249, %mul3A_251 : vector<16xi32>
      %shift_right_logical3A_253 = arith.constant 7 : i32
      %shift_right_logical3A_254 = vector.broadcast %shift_right_logical3A_253 : i32 to vector<16xi32>
      %shift_right_logical3A_255 = arith.shrui %mul3A_252, %shift_right_logical3A_254 : vector<16xi32>
      %and3A_256 = arith.constant 127 : i32
      %and3A_257 = vector.broadcast %and3A_256 : i32 to vector<16xi32>
      %and3A_258 = arith.andi %mul3A_252, %and3A_257 : vector<16xi32>
      %gather3A = tpu.vector_load_idx %arg12[%broadcast_in_dim3A_103, %shift_right_logical3A_255, %and3A_243, %and3A_258] : memref<2x8x8x128xi32, #tpu.memory_space<vmem>>[vector<16xi32>, vector<16xi32>, vector<16xi32>, vector<16xi32>], vector<16xi32>,
      %add3A_259 = arith.constant 1 : i32
      %add3A_260 = vector.broadcast %add3A_259 : i32 to vector<16xi32>
      %add3A_261 = arith.addi %and3A_258, %add3A_260 : vector<16xi32>
      %gather3A_262 = tpu.vector_load_idx %arg12[%broadcast_in_dim3A_103, %shift_right_logical3A_255, %and3A_243, %add3A_261] : memref<2x8x8x128xi32, #tpu.memory_space<vmem>>[vector<16xi32>, vector<16xi32>, vector<16xi32>, vector<16xi32>], vector<16xi32>,
      %mul3A_263 = arith.constant 12 : i32
      %mul3A_264 = vector.broadcast %mul3A_263 : i32 to vector<16xi32>
      %mul3A_265 = arith.muli %gather3A, %mul3A_264 : vector<16xi32>
      %add3A_266 = arith.addi %mul3A_265, %gather3A_262 : vector<16xi32>
      %mul3A_267 = arith.constant 16 : i32
      %mul3A_268 = arith.muli %scan3A_241, %mul3A_267 : i32
      %get3A = arith.index_cast %mul3A_268 : i32 to index
      %get3A_269 = tpu.vector_load %arg11[%get3A] {strides = array<i32>} : memref<4096xi32, #tpu.memory_space<vmem>>, vector<16xi32>,
      %add3A_270 = arith.addi %add3A_266, %get3A_269 : vector<16xi32>
      %mul3A_271 = arith.constant 16 : i32
      %mul3A_272 = arith.muli %scan3A_241, %mul3A_271 : i32
      %swap3A = arith.constant 0 : i32
      %swap3A_273 = arith.index_cast %swap3A : i32 to index
      %swap3A_274 = arith.index_cast %mul3A_272 : i32 to index
      %swap3A_275 = tpu.vector_load %arg13[%swap3A_273, %swap3A_274] {strides = array<i32>} : memref<2x4096xi32, #tpu.memory_space<vmem>>, vector<16xi32>,
      tpu.vector_store %arg13[%swap3A_273, %swap3A_274], %add3A_270 {strides = array<i32>} : memref<2x4096xi32, #tpu.memory_space<vmem>>, vector<16xi32>,
    }
    %scan3A_109 = arith.constant 16 : i32
    %broadcast_in_dim3A_110 = arith.constant 0 : i32
    %broadcast_in_dim3A_111 = vector.broadcast %broadcast_in_dim3A_110 : i32 to vector<16xi32>
    %scan3A_112 = arith.constant 0 : i32
    %scan3A_113 = arith.constant 128 : i32
    %scan3A_114 = arith.constant 16 : i32
    %scan3A_115 = arith.addi %scan3A_113, %scan3A_114 : i32
    %scan3A_116 = arith.constant 1 : i32
    scf.for %scan3A_241 = %scan3A_113 to %scan3A_115 step %scan3A_116  : i32 {
      %iota3A = tpu.iota {dimensions = array<i32: 0>} : vector<16xi32>
      %and3A = arith.constant 7 : i32
      %and3A_242 = vector.broadcast %and3A : i32 to vector<16xi32>
      %and3A_243 = arith.andi %iota3A, %and3A_242 : vector<16xi32>
      %shift_right_logical3A = arith.constant 3 : i32
      %shift_right_logical3A_244 = vector.broadcast %shift_right_logical3A : i32 to vector<16xi32>
      %shift_right_logical3A_245 = arith.shrui %iota3A, %shift_right_logical3A_244 : vector<16xi32>
      %mul3A_246 = arith.constant 2 : i32
      %mul3A_247 = arith.muli %mul3A_246, %scan3A_241 : i32
      %add3A_248 = vector.broadcast %mul3A_247 : i32 to vector<16xi32>
      %add3A_249 = arith.addi %shift_right_logical3A_245, %add3A_248 : vector<16xi32>
      %mul3A_250 = arith.constant 2 : i32
      %mul3A_251 = vector.broadcast %mul3A_250 : i32 to vector<16xi32>
      %mul3A_252 = arith.muli %add3A_249, %mul3A_251 : vector<16xi32>
      %shift_right_logical3A_253 = arith.constant 7 : i32
      %shift_right_logical3A_254 = vector.broadcast %shift_right_logical3A_253 : i32 to vector<16xi32>
      %shift_right_logical3A_255 = arith.shrui %mul3A_252, %shift_right_logical3A_254 : vector<16xi32>
      %and3A_256 = arith.constant 127 : i32
      %and3A_257 = vector.broadcast %and3A_256 : i32 to vector<16xi32>
      %and3A_258 = arith.andi %mul3A_252, %and3A_257 : vector<16xi32>
      %gather3A = tpu.vector_load_idx %arg12[%broadcast_in_dim3A_111, %shift_right_logical3A_255, %and3A_243, %and3A_258] : memref<2x8x8x128xi32, #tpu.memory_space<vmem>>[vector<16xi32>, vector<16xi32>, vector<16xi32>, vector<16xi32>], vector<16xi32>,
      %add3A_259 = arith.constant 1 : i32
      %add3A_260 = vector.broadcast %add3A_259 : i32 to vector<16xi32>
      %add3A_261 = arith.addi %and3A_258, %add3A_260 : vector<16xi32>
      %gather3A_262 = tpu.vector_load_idx %arg12[%broadcast_in_dim3A_111, %shift_right_logical3A_255, %and3A_243, %add3A_261] : memref<2x8x8x128xi32, #tpu.memory_space<vmem>>[vector<16xi32>, vector<16xi32>, vector<16xi32>, vector<16xi32>], vector<16xi32>,
      %mul3A_263 = arith.constant 12 : i32
      %mul3A_264 = vector.broadcast %mul3A_263 : i32 to vector<16xi32>
      %mul3A_265 = arith.muli %gather3A, %mul3A_264 : vector<16xi32>
      %add3A_266 = arith.addi %mul3A_265, %gather3A_262 : vector<16xi32>
      %mul3A_267 = arith.constant 16 : i32
      %mul3A_268 = arith.muli %scan3A_241, %mul3A_267 : i32
      %get3A = arith.index_cast %mul3A_268 : i32 to index
      %get3A_269 = tpu.vector_load %arg11[%get3A] {strides = array<i32>} : memref<4096xi32, #tpu.memory_space<vmem>>, vector<16xi32>,
      %add3A_270 = arith.addi %add3A_266, %get3A_269 : vector<16xi32>
      %mul3A_271 = arith.constant 16 : i32
      %mul3A_272 = arith.muli %scan3A_241, %mul3A_271 : i32
      %swap3A = arith.constant 0 : i32
      %swap3A_273 = arith.index_cast %swap3A : i32 to index
      %swap3A_274 = arith.index_cast %mul3A_272 : i32 to index
      %swap3A_275 = tpu.vector_load %arg13[%swap3A_273, %swap3A_274] {strides = array<i32>} : memref<2x4096xi32, #tpu.memory_space<vmem>>, vector<16xi32>,
      tpu.vector_store %arg13[%swap3A_273, %swap3A_274], %add3A_270 {strides = array<i32>} : memref<2x4096xi32, #tpu.memory_space<vmem>>, vector<16xi32>,
    }
    %scan3A_117 = arith.constant 16 : i32
    %broadcast_in_dim3A_118 = arith.constant 0 : i32
    %broadcast_in_dim3A_119 = vector.broadcast %broadcast_in_dim3A_118 : i32 to vector<16xi32>
    %scan3A_120 = arith.constant 0 : i32
    %scan3A_121 = arith.constant 144 : i32
    %scan3A_122 = arith.constant 16 : i32
    %scan3A_123 = arith.addi %scan3A_121, %scan3A_122 : i32
    %scan3A_124 = arith.constant 1 : i32
    scf.for %scan3A_241 = %scan3A_121 to %scan3A_123 step %scan3A_124  : i32 {
      %iota3A = tpu.iota {dimensions = array<i32: 0>} : vector<16xi32>
      %and3A = arith.constant 7 : i32
      %and3A_242 = vector.broadcast %and3A : i32 to vector<16xi32>
      %and3A_243 = arith.andi %iota3A, %and3A_242 : vector<16xi32>
      %shift_right_logical3A = arith.constant 3 : i32
      %shift_right_logical3A_244 = vector.broadcast %shift_right_logical3A : i32 to vector<16xi32>
      %shift_right_logical3A_245 = arith.shrui %iota3A, %shift_right_logical3A_244 : vector<16xi32>
      %mul3A_246 = arith.constant 2 : i32
      %mul3A_247 = arith.muli %mul3A_246, %scan3A_241 : i32
      %add3A_248 = vector.broadcast %mul3A_247 : i32 to vector<16xi32>
      %add3A_249 = arith.addi %shift_right_logical3A_245, %add3A_248 : vector<16xi32>
      %mul3A_250 = arith.constant 2 : i32
      %mul3A_251 = vector.broadcast %mul3A_250 : i32 to vector<16xi32>
      %mul3A_252 = arith.muli %add3A_249, %mul3A_251 : vector<16xi32>
      %shift_right_logical3A_253 = arith.constant 7 : i32
      %shift_right_logical3A_254 = vector.broadcast %shift_right_logical3A_253 : i32 to vector<16xi32>
      %shift_right_logical3A_255 = arith.shrui %mul3A_252, %shift_right_logical3A_254 : vector<16xi32>
      %and3A_256 = arith.constant 127 : i32
      %and3A_257 = vector.broadcast %and3A_256 : i32 to vector<16xi32>
      %and3A_258 = arith.andi %mul3A_252, %and3A_257 : vector<16xi32>
      %gather3A = tpu.vector_load_idx %arg12[%broadcast_in_dim3A_119, %shift_right_logical3A_255, %and3A_243, %and3A_258] : memref<2x8x8x128xi32, #tpu.memory_space<vmem>>[vector<16xi32>, vector<16xi32>, vector<16xi32>, vector<16xi32>], vector<16xi32>,
      %add3A_259 = arith.constant 1 : i32
      %add3A_260 = vector.broadcast %add3A_259 : i32 to vector<16xi32>
      %add3A_261 = arith.addi %and3A_258, %add3A_260 : vector<16xi32>
      %gather3A_262 = tpu.vector_load_idx %arg12[%broadcast_in_dim3A_119, %shift_right_logical3A_255, %and3A_243, %add3A_261] : memref<2x8x8x128xi32, #tpu.memory_space<vmem>>[vector<16xi32>, vector<16xi32>, vector<16xi32>, vector<16xi32>], vector<16xi32>,
      %mul3A_263 = arith.constant 12 : i32
      %mul3A_264 = vector.broadcast %mul3A_263 : i32 to vector<16xi32>
      %mul3A_265 = arith.muli %gather3A, %mul3A_264 : vector<16xi32>
      %add3A_266 = arith.addi %mul3A_265, %gather3A_262 : vector<16xi32>
      %mul3A_267 = arith.constant 16 : i32
      %mul3A_268 = arith.muli %scan3A_241, %mul3A_267 : i32
      %get3A = arith.index_cast %mul3A_268 : i32 to index
      %get3A_269 = tpu.vector_load %arg11[%get3A] {strides = array<i32>} : memref<4096xi32, #tpu.memory_space<vmem>>, vector<16xi32>,
      %add3A_270 = arith.addi %add3A_266, %get3A_269 : vector<16xi32>
      %mul3A_271 = arith.constant 16 : i32
      %mul3A_272 = arith.muli %scan3A_241, %mul3A_271 : i32
      %swap3A = arith.constant 0 : i32
      %swap3A_273 = arith.index_cast %swap3A : i32 to index
      %swap3A_274 = arith.index_cast %mul3A_272 : i32 to index
      %swap3A_275 = tpu.vector_load %arg13[%swap3A_273, %swap3A_274] {strides = array<i32>} : memref<2x4096xi32, #tpu.memory_space<vmem>>, vector<16xi32>,
      tpu.vector_store %arg13[%swap3A_273, %swap3A_274], %add3A_270 {strides = array<i32>} : memref<2x4096xi32, #tpu.memory_space<vmem>>, vector<16xi32>,
    }
    %scan3A_125 = arith.constant 16 : i32
    %broadcast_in_dim3A_126 = arith.constant 0 : i32
    %broadcast_in_dim3A_127 = vector.broadcast %broadcast_in_dim3A_126 : i32 to vector<16xi32>
    %scan3A_128 = arith.constant 0 : i32
    %scan3A_129 = arith.constant 160 : i32
    %scan3A_130 = arith.constant 16 : i32
    %scan3A_131 = arith.addi %scan3A_129, %scan3A_130 : i32
    %scan3A_132 = arith.constant 1 : i32
    scf.for %scan3A_241 = %scan3A_129 to %scan3A_131 step %scan3A_132  : i32 {
      %iota3A = tpu.iota {dimensions = array<i32: 0>} : vector<16xi32>
      %and3A = arith.constant 7 : i32
      %and3A_242 = vector.broadcast %and3A : i32 to vector<16xi32>
      %and3A_243 = arith.andi %iota3A, %and3A_242 : vector<16xi32>
      %shift_right_logical3A = arith.constant 3 : i32
      %shift_right_logical3A_244 = vector.broadcast %shift_right_logical3A : i32 to vector<16xi32>
      %shift_right_logical3A_245 = arith.shrui %iota3A, %shift_right_logical3A_244 : vector<16xi32>
      %mul3A_246 = arith.constant 2 : i32
      %mul3A_247 = arith.muli %mul3A_246, %scan3A_241 : i32
      %add3A_248 = vector.broadcast %mul3A_247 : i32 to vector<16xi32>
      %add3A_249 = arith.addi %shift_right_logical3A_245, %add3A_248 : vector<16xi32>
      %mul3A_250 = arith.constant 2 : i32
      %mul3A_251 = vector.broadcast %mul3A_250 : i32 to vector<16xi32>
      %mul3A_252 = arith.muli %add3A_249, %mul3A_251 : vector<16xi32>
      %shift_right_logical3A_253 = arith.constant 7 : i32
      %shift_right_logical3A_254 = vector.broadcast %shift_right_logical3A_253 : i32 to vector<16xi32>
      %shift_right_logical3A_255 = arith.shrui %mul3A_252, %shift_right_logical3A_254 : vector<16xi32>
      %and3A_256 = arith.constant 127 : i32
      %and3A_257 = vector.broadcast %and3A_256 : i32 to vector<16xi32>
      %and3A_258 = arith.andi %mul3A_252, %and3A_257 : vector<16xi32>
      %gather3A = tpu.vector_load_idx %arg12[%broadcast_in_dim3A_127, %shift_right_logical3A_255, %and3A_243, %and3A_258] : memref<2x8x8x128xi32, #tpu.memory_space<vmem>>[vector<16xi32>, vector<16xi32>, vector<16xi32>, vector<16xi32>], vector<16xi32>,
      %add3A_259 = arith.constant 1 : i32
      %add3A_260 = vector.broadcast %add3A_259 : i32 to vector<16xi32>
      %add3A_261 = arith.addi %and3A_258, %add3A_260 : vector<16xi32>
      %gather3A_262 = tpu.vector_load_idx %arg12[%broadcast_in_dim3A_127, %shift_right_logical3A_255, %and3A_243, %add3A_261] : memref<2x8x8x128xi32, #tpu.memory_space<vmem>>[vector<16xi32>, vector<16xi32>, vector<16xi32>, vector<16xi32>], vector<16xi32>,
      %mul3A_263 = arith.constant 12 : i32
      %mul3A_264 = vector.broadcast %mul3A_263 : i32 to vector<16xi32>
      %mul3A_265 = arith.muli %gather3A, %mul3A_264 : vector<16xi32>
      %add3A_266 = arith.addi %mul3A_265, %gather3A_262 : vector<16xi32>
      %mul3A_267 = arith.constant 16 : i32
      %mul3A_268 = arith.muli %scan3A_241, %mul3A_267 : i32
      %get3A = arith.index_cast %mul3A_268 : i32 to index
      %get3A_269 = tpu.vector_load %arg11[%get3A] {strides = array<i32>} : memref<4096xi32, #tpu.memory_space<vmem>>, vector<16xi32>,
      %add3A_270 = arith.addi %add3A_266, %get3A_269 : vector<16xi32>
      %mul3A_271 = arith.constant 16 : i32
      %mul3A_272 = arith.muli %scan3A_241, %mul3A_271 : i32
      %swap3A = arith.constant 0 : i32
      %swap3A_273 = arith.index_cast %swap3A : i32 to index
      %swap3A_274 = arith.index_cast %mul3A_272 : i32 to index
      %swap3A_275 = tpu.vector_load %arg13[%swap3A_273, %swap3A_274] {strides = array<i32>} : memref<2x4096xi32, #tpu.memory_space<vmem>>, vector<16xi32>,
      tpu.vector_store %arg13[%swap3A_273, %swap3A_274], %add3A_270 {strides = array<i32>} : memref<2x4096xi32, #tpu.memory_space<vmem>>, vector<16xi32>,
    }
    %scan3A_133 = arith.constant 16 : i32
    %broadcast_in_dim3A_134 = arith.constant 0 : i32
    %broadcast_in_dim3A_135 = vector.broadcast %broadcast_in_dim3A_134 : i32 to vector<16xi32>
    %scan3A_136 = arith.constant 0 : i32
    %scan3A_137 = arith.constant 176 : i32
    %scan3A_138 = arith.constant 16 : i32
    %scan3A_139 = arith.addi %scan3A_137, %scan3A_138 : i32
    %scan3A_140 = arith.constant 1 : i32
    scf.for %scan3A_241 = %scan3A_137 to %scan3A_139 step %scan3A_140  : i32 {
      %iota3A = tpu.iota {dimensions = array<i32: 0>} : vector<16xi32>
      %and3A = arith.constant 7 : i32
      %and3A_242 = vector.broadcast %and3A : i32 to vector<16xi32>
      %and3A_243 = arith.andi %iota3A, %and3A_242 : vector<16xi32>
      %shift_right_logical3A = arith.constant 3 : i32
      %shift_right_logical3A_244 = vector.broadcast %shift_right_logical3A : i32 to vector<16xi32>
      %shift_right_logical3A_245 = arith.shrui %iota3A, %shift_right_logical3A_244 : vector<16xi32>
      %mul3A_246 = arith.constant 2 : i32
      %mul3A_247 = arith.muli %mul3A_246, %scan3A_241 : i32
      %add3A_248 = vector.broadcast %mul3A_247 : i32 to vector<16xi32>
      %add3A_249 = arith.addi %shift_right_logical3A_245, %add3A_248 : vector<16xi32>
      %mul3A_250 = arith.constant 2 : i32
      %mul3A_251 = vector.broadcast %mul3A_250 : i32 to vector<16xi32>
      %mul3A_252 = arith.muli %add3A_249, %mul3A_251 : vector<16xi32>
      %shift_right_logical3A_253 = arith.constant 7 : i32
      %shift_right_logical3A_254 = vector.broadcast %shift_right_logical3A_253 : i32 to vector<16xi32>
      %shift_right_logical3A_255 = arith.shrui %mul3A_252, %shift_right_logical3A_254 : vector<16xi32>
      %and3A_256 = arith.constant 127 : i32
      %and3A_257 = vector.broadcast %and3A_256 : i32 to vector<16xi32>
      %and3A_258 = arith.andi %mul3A_252, %and3A_257 : vector<16xi32>
      %gather3A = tpu.vector_load_idx %arg12[%broadcast_in_dim3A_135, %shift_right_logical3A_255, %and3A_243, %and3A_258] : memref<2x8x8x128xi32, #tpu.memory_space<vmem>>[vector<16xi32>, vector<16xi32>, vector<16xi32>, vector<16xi32>], vector<16xi32>,
      %add3A_259 = arith.constant 1 : i32
      %add3A_260 = vector.broadcast %add3A_259 : i32 to vector<16xi32>
      %add3A_261 = arith.addi %and3A_258, %add3A_260 : vector<16xi32>
      %gather3A_262 = tpu.vector_load_idx %arg12[%broadcast_in_dim3A_135, %shift_right_logical3A_255, %and3A_243, %add3A_261] : memref<2x8x8x128xi32, #tpu.memory_space<vmem>>[vector<16xi32>, vector<16xi32>, vector<16xi32>, vector<16xi32>], vector<16xi32>,
      %mul3A_263 = arith.constant 12 : i32
      %mul3A_264 = vector.broadcast %mul3A_263 : i32 to vector<16xi32>
      %mul3A_265 = arith.muli %gather3A, %mul3A_264 : vector<16xi32>
      %add3A_266 = arith.addi %mul3A_265, %gather3A_262 : vector<16xi32>
      %mul3A_267 = arith.constant 16 : i32
      %mul3A_268 = arith.muli %scan3A_241, %mul3A_267 : i32
      %get3A = arith.index_cast %mul3A_268 : i32 to index
      %get3A_269 = tpu.vector_load %arg11[%get3A] {strides = array<i32>} : memref<4096xi32, #tpu.memory_space<vmem>>, vector<16xi32>,
      %add3A_270 = arith.addi %add3A_266, %get3A_269 : vector<16xi32>
      %mul3A_271 = arith.constant 16 : i32
      %mul3A_272 = arith.muli %scan3A_241, %mul3A_271 : i32
      %swap3A = arith.constant 0 : i32
      %swap3A_273 = arith.index_cast %swap3A : i32 to index
      %swap3A_274 = arith.index_cast %mul3A_272 : i32 to index
      %swap3A_275 = tpu.vector_load %arg13[%swap3A_273, %swap3A_274] {strides = array<i32>} : memref<2x4096xi32, #tpu.memory_space<vmem>>, vector<16xi32>,
      tpu.vector_store %arg13[%swap3A_273, %swap3A_274], %add3A_270 {strides = array<i32>} : memref<2x4096xi32, #tpu.memory_space<vmem>>, vector<16xi32>,
    }
    %scan3A_141 = arith.constant 16 : i32
    %broadcast_in_dim3A_142 = arith.constant 0 : i32
    %broadcast_in_dim3A_143 = vector.broadcast %broadcast_in_dim3A_142 : i32 to vector<16xi32>
    %scan3A_144 = arith.constant 0 : i32
    %scan3A_145 = arith.constant 192 : i32
    %scan3A_146 = arith.constant 16 : i32
    %scan3A_147 = arith.addi %scan3A_145, %scan3A_146 : i32
    %scan3A_148 = arith.constant 1 : i32
    scf.for %scan3A_241 = %scan3A_145 to %scan3A_147 step %scan3A_148  : i32 {
      %iota3A = tpu.iota {dimensions = array<i32: 0>} : vector<16xi32>
      %and3A = arith.constant 7 : i32
      %and3A_242 = vector.broadcast %and3A : i32 to vector<16xi32>
      %and3A_243 = arith.andi %iota3A, %and3A_242 : vector<16xi32>
      %shift_right_logical3A = arith.constant 3 : i32
      %shift_right_logical3A_244 = vector.broadcast %shift_right_logical3A : i32 to vector<16xi32>
      %shift_right_logical3A_245 = arith.shrui %iota3A, %shift_right_logical3A_244 : vector<16xi32>
      %mul3A_246 = arith.constant 2 : i32
      %mul3A_247 = arith.muli %mul3A_246, %scan3A_241 : i32
      %add3A_248 = vector.broadcast %mul3A_247 : i32 to vector<16xi32>
      %add3A_249 = arith.addi %shift_right_logical3A_245, %add3A_248 : vector<16xi32>
      %mul3A_250 = arith.constant 2 : i32
      %mul3A_251 = vector.broadcast %mul3A_250 : i32 to vector<16xi32>
      %mul3A_252 = arith.muli %add3A_249, %mul3A_251 : vector<16xi32>
      %shift_right_logical3A_253 = arith.constant 7 : i32
      %shift_right_logical3A_254 = vector.broadcast %shift_right_logical3A_253 : i32 to vector<16xi32>
      %shift_right_logical3A_255 = arith.shrui %mul3A_252, %shift_right_logical3A_254 : vector<16xi32>
      %and3A_256 = arith.constant 127 : i32
      %and3A_257 = vector.broadcast %and3A_256 : i32 to vector<16xi32>
      %and3A_258 = arith.andi %mul3A_252, %and3A_257 : vector<16xi32>
      %gather3A = tpu.vector_load_idx %arg12[%broadcast_in_dim3A_143, %shift_right_logical3A_255, %and3A_243, %and3A_258] : memref<2x8x8x128xi32, #tpu.memory_space<vmem>>[vector<16xi32>, vector<16xi32>, vector<16xi32>, vector<16xi32>], vector<16xi32>,
      %add3A_259 = arith.constant 1 : i32
      %add3A_260 = vector.broadcast %add3A_259 : i32 to vector<16xi32>
      %add3A_261 = arith.addi %and3A_258, %add3A_260 : vector<16xi32>
      %gather3A_262 = tpu.vector_load_idx %arg12[%broadcast_in_dim3A_143, %shift_right_logical3A_255, %and3A_243, %add3A_261] : memref<2x8x8x128xi32, #tpu.memory_space<vmem>>[vector<16xi32>, vector<16xi32>, vector<16xi32>, vector<16xi32>], vector<16xi32>,
      %mul3A_263 = arith.constant 12 : i32
      %mul3A_264 = vector.broadcast %mul3A_263 : i32 to vector<16xi32>
      %mul3A_265 = arith.muli %gather3A, %mul3A_264 : vector<16xi32>
      %add3A_266 = arith.addi %mul3A_265, %gather3A_262 : vector<16xi32>
      %mul3A_267 = arith.constant 16 : i32
      %mul3A_268 = arith.muli %scan3A_241, %mul3A_267 : i32
      %get3A = arith.index_cast %mul3A_268 : i32 to index
      %get3A_269 = tpu.vector_load %arg11[%get3A] {strides = array<i32>} : memref<4096xi32, #tpu.memory_space<vmem>>, vector<16xi32>,
      %add3A_270 = arith.addi %add3A_266, %get3A_269 : vector<16xi32>
      %mul3A_271 = arith.constant 16 : i32
      %mul3A_272 = arith.muli %scan3A_241, %mul3A_271 : i32
      %swap3A = arith.constant 0 : i32
      %swap3A_273 = arith.index_cast %swap3A : i32 to index
      %swap3A_274 = arith.index_cast %mul3A_272 : i32 to index
      %swap3A_275 = tpu.vector_load %arg13[%swap3A_273, %swap3A_274] {strides = array<i32>} : memref<2x4096xi32, #tpu.memory_space<vmem>>, vector<16xi32>,
      tpu.vector_store %arg13[%swap3A_273, %swap3A_274], %add3A_270 {strides = array<i32>} : memref<2x4096xi32, #tpu.memory_space<vmem>>, vector<16xi32>,
    }
    %scan3A_149 = arith.constant 16 : i32
    %broadcast_in_dim3A_150 = arith.constant 0 : i32
    %broadcast_in_dim3A_151 = vector.broadcast %broadcast_in_dim3A_150 : i32 to vector<16xi32>
    %scan3A_152 = arith.constant 0 : i32
    %scan3A_153 = arith.constant 208 : i32
    %scan3A_154 = arith.constant 16 : i32
    %scan3A_155 = arith.addi %scan3A_153, %scan3A_154 : i32
    %scan3A_156 = arith.constant 1 : i32
    scf.for %scan3A_241 = %scan3A_153 to %scan3A_155 step %scan3A_156  : i32 {
      %iota3A = tpu.iota {dimensions = array<i32: 0>} : vector<16xi32>
      %and3A = arith.constant 7 : i32
      %and3A_242 = vector.broadcast %and3A : i32 to vector<16xi32>
      %and3A_243 = arith.andi %iota3A, %and3A_242 : vector<16xi32>
      %shift_right_logical3A = arith.constant 3 : i32
      %shift_right_logical3A_244 = vector.broadcast %shift_right_logical3A : i32 to vector<16xi32>
      %shift_right_logical3A_245 = arith.shrui %iota3A, %shift_right_logical3A_244 : vector<16xi32>
      %mul3A_246 = arith.constant 2 : i32
      %mul3A_247 = arith.muli %mul3A_246, %scan3A_241 : i32
      %add3A_248 = vector.broadcast %mul3A_247 : i32 to vector<16xi32>
      %add3A_249 = arith.addi %shift_right_logical3A_245, %add3A_248 : vector<16xi32>
      %mul3A_250 = arith.constant 2 : i32
      %mul3A_251 = vector.broadcast %mul3A_250 : i32 to vector<16xi32>
      %mul3A_252 = arith.muli %add3A_249, %mul3A_251 : vector<16xi32>
      %shift_right_logical3A_253 = arith.constant 7 : i32
      %shift_right_logical3A_254 = vector.broadcast %shift_right_logical3A_253 : i32 to vector<16xi32>
      %shift_right_logical3A_255 = arith.shrui %mul3A_252, %shift_right_logical3A_254 : vector<16xi32>
      %and3A_256 = arith.constant 127 : i32
      %and3A_257 = vector.broadcast %and3A_256 : i32 to vector<16xi32>
      %and3A_258 = arith.andi %mul3A_252, %and3A_257 : vector<16xi32>
      %gather3A = tpu.vector_load_idx %arg12[%broadcast_in_dim3A_151, %shift_right_logical3A_255, %and3A_243, %and3A_258] : memref<2x8x8x128xi32, #tpu.memory_space<vmem>>[vector<16xi32>, vector<16xi32>, vector<16xi32>, vector<16xi32>], vector<16xi32>,
      %add3A_259 = arith.constant 1 : i32
      %add3A_260 = vector.broadcast %add3A_259 : i32 to vector<16xi32>
      %add3A_261 = arith.addi %and3A_258, %add3A_260 : vector<16xi32>
      %gather3A_262 = tpu.vector_load_idx %arg12[%broadcast_in_dim3A_151, %shift_right_logical3A_255, %and3A_243, %add3A_261] : memref<2x8x8x128xi32, #tpu.memory_space<vmem>>[vector<16xi32>, vector<16xi32>, vector<16xi32>, vector<16xi32>], vector<16xi32>,
      %mul3A_263 = arith.constant 12 : i32
      %mul3A_264 = vector.broadcast %mul3A_263 : i32 to vector<16xi32>
      %mul3A_265 = arith.muli %gather3A, %mul3A_264 : vector<16xi32>
      %add3A_266 = arith.addi %mul3A_265, %gather3A_262 : vector<16xi32>
      %mul3A_267 = arith.constant 16 : i32
      %mul3A_268 = arith.muli %scan3A_241, %mul3A_267 : i32
      %get3A = arith.index_cast %mul3A_268 : i32 to index
      %get3A_269 = tpu.vector_load %arg11[%get3A] {strides = array<i32>} : memref<4096xi32, #tpu.memory_space<vmem>>, vector<16xi32>,
      %add3A_270 = arith.addi %add3A_266, %get3A_269 : vector<16xi32>
      %mul3A_271 = arith.constant 16 : i32
      %mul3A_272 = arith.muli %scan3A_241, %mul3A_271 : i32
      %swap3A = arith.constant 0 : i32
      %swap3A_273 = arith.index_cast %swap3A : i32 to index
      %swap3A_274 = arith.index_cast %mul3A_272 : i32 to index
      %swap3A_275 = tpu.vector_load %arg13[%swap3A_273, %swap3A_274] {strides = array<i32>} : memref<2x4096xi32, #tpu.memory_space<vmem>>, vector<16xi32>,
      tpu.vector_store %arg13[%swap3A_273, %swap3A_274], %add3A_270 {strides = array<i32>} : memref<2x4096xi32, #tpu.memory_space<vmem>>, vector<16xi32>,
    }
    %scan3A_157 = arith.constant 16 : i32
    %broadcast_in_dim3A_158 = arith.constant 0 : i32
    %broadcast_in_dim3A_159 = vector.broadcast %broadcast_in_dim3A_158 : i32 to vector<16xi32>
    %scan3A_160 = arith.constant 0 : i32
    %scan3A_161 = arith.constant 224 : i32
    %scan3A_162 = arith.constant 16 : i32
    %scan3A_163 = arith.addi %scan3A_161, %scan3A_162 : i32
    %scan3A_164 = arith.constant 1 : i32
    scf.for %scan3A_241 = %scan3A_161 to %scan3A_163 step %scan3A_164  : i32 {
      %iota3A = tpu.iota {dimensions = array<i32: 0>} : vector<16xi32>
      %and3A = arith.constant 7 : i32
      %and3A_242 = vector.broadcast %and3A : i32 to vector<16xi32>
      %and3A_243 = arith.andi %iota3A, %and3A_242 : vector<16xi32>
      %shift_right_logical3A = arith.constant 3 : i32
      %shift_right_logical3A_244 = vector.broadcast %shift_right_logical3A : i32 to vector<16xi32>
      %shift_right_logical3A_245 = arith.shrui %iota3A, %shift_right_logical3A_244 : vector<16xi32>
      %mul3A_246 = arith.constant 2 : i32
      %mul3A_247 = arith.muli %mul3A_246, %scan3A_241 : i32
      %add3A_248 = vector.broadcast %mul3A_247 : i32 to vector<16xi32>
      %add3A_249 = arith.addi %shift_right_logical3A_245, %add3A_248 : vector<16xi32>
      %mul3A_250 = arith.constant 2 : i32
      %mul3A_251 = vector.broadcast %mul3A_250 : i32 to vector<16xi32>
      %mul3A_252 = arith.muli %add3A_249, %mul3A_251 : vector<16xi32>
      %shift_right_logical3A_253 = arith.constant 7 : i32
      %shift_right_logical3A_254 = vector.broadcast %shift_right_logical3A_253 : i32 to vector<16xi32>
      %shift_right_logical3A_255 = arith.shrui %mul3A_252, %shift_right_logical3A_254 : vector<16xi32>
      %and3A_256 = arith.constant 127 : i32
      %and3A_257 = vector.broadcast %and3A_256 : i32 to vector<16xi32>
      %and3A_258 = arith.andi %mul3A_252, %and3A_257 : vector<16xi32>
      %gather3A = tpu.vector_load_idx %arg12[%broadcast_in_dim3A_159, %shift_right_logical3A_255, %and3A_243, %and3A_258] : memref<2x8x8x128xi32, #tpu.memory_space<vmem>>[vector<16xi32>, vector<16xi32>, vector<16xi32>, vector<16xi32>], vector<16xi32>,
      %add3A_259 = arith.constant 1 : i32
      %add3A_260 = vector.broadcast %add3A_259 : i32 to vector<16xi32>
      %add3A_261 = arith.addi %and3A_258, %add3A_260 : vector<16xi32>
      %gather3A_262 = tpu.vector_load_idx %arg12[%broadcast_in_dim3A_159, %shift_right_logical3A_255, %and3A_243, %add3A_261] : memref<2x8x8x128xi32, #tpu.memory_space<vmem>>[vector<16xi32>, vector<16xi32>, vector<16xi32>, vector<16xi32>], vector<16xi32>,
      %mul3A_263 = arith.constant 12 : i32
      %mul3A_264 = vector.broadcast %mul3A_263 : i32 to vector<16xi32>
      %mul3A_265 = arith.muli %gather3A, %mul3A_264 : vector<16xi32>
      %add3A_266 = arith.addi %mul3A_265, %gather3A_262 : vector<16xi32>
      %mul3A_267 = arith.constant 16 : i32
      %mul3A_268 = arith.muli %scan3A_241, %mul3A_267 : i32
      %get3A = arith.index_cast %mul3A_268 : i32 to index
      %get3A_269 = tpu.vector_load %arg11[%get3A] {strides = array<i32>} : memref<4096xi32, #tpu.memory_space<vmem>>, vector<16xi32>,
      %add3A_270 = arith.addi %add3A_266, %get3A_269 : vector<16xi32>
      %mul3A_271 = arith.constant 16 : i32
      %mul3A_272 = arith.muli %scan3A_241, %mul3A_271 : i32
      %swap3A = arith.constant 0 : i32
      %swap3A_273 = arith.index_cast %swap3A : i32 to index
      %swap3A_274 = arith.index_cast %mul3A_272 : i32 to index
      %swap3A_275 = tpu.vector_load %arg13[%swap3A_273, %swap3A_274] {strides = array<i32>} : memref<2x4096xi32, #tpu.memory_space<vmem>>, vector<16xi32>,
      tpu.vector_store %arg13[%swap3A_273, %swap3A_274], %add3A_270 {strides = array<i32>} : memref<2x4096xi32, #tpu.memory_space<vmem>>, vector<16xi32>,
    }
    %scan3A_165 = arith.constant 16 : i32
    %broadcast_in_dim3A_166 = arith.constant 0 : i32
    %broadcast_in_dim3A_167 = vector.broadcast %broadcast_in_dim3A_166 : i32 to vector<16xi32>
    %scan3A_168 = arith.constant 0 : i32
    %scan3A_169 = arith.constant 240 : i32
    %scan3A_170 = arith.constant 16 : i32
    %scan3A_171 = arith.addi %scan3A_169, %scan3A_170 : i32
    %scan3A_172 = arith.constant 1 : i32
    scf.for %scan3A_241 = %scan3A_169 to %scan3A_171 step %scan3A_172  : i32 {
      %iota3A = tpu.iota {dimensions = array<i32: 0>} : vector<16xi32>
      %and3A = arith.constant 7 : i32
      %and3A_242 = vector.broadcast %and3A : i32 to vector<16xi32>
      %and3A_243 = arith.andi %iota3A, %and3A_242 : vector<16xi32>
      %shift_right_logical3A = arith.constant 3 : i32
      %shift_right_logical3A_244 = vector.broadcast %shift_right_logical3A : i32 to vector<16xi32>
      %shift_right_logical3A_245 = arith.shrui %iota3A, %shift_right_logical3A_244 : vector<16xi32>
      %mul3A_246 = arith.constant 2 : i32
      %mul3A_247 = arith.muli %mul3A_246, %scan3A_241 : i32
      %add3A_248 = vector.broadcast %mul3A_247 : i32 to vector<16xi32>
      %add3A_249 = arith.addi %shift_right_logical3A_245, %add3A_248 : vector<16xi32>
      %mul3A_250 = arith.constant 2 : i32
      %mul3A_251 = vector.broadcast %mul3A_250 : i32 to vector<16xi32>
      %mul3A_252 = arith.muli %add3A_249, %mul3A_251 : vector<16xi32>
      %shift_right_logical3A_253 = arith.constant 7 : i32
      %shift_right_logical3A_254 = vector.broadcast %shift_right_logical3A_253 : i32 to vector<16xi32>
      %shift_right_logical3A_255 = arith.shrui %mul3A_252, %shift_right_logical3A_254 : vector<16xi32>
      %and3A_256 = arith.constant 127 : i32
      %and3A_257 = vector.broadcast %and3A_256 : i32 to vector<16xi32>
      %and3A_258 = arith.andi %mul3A_252, %and3A_257 : vector<16xi32>
      %gather3A = tpu.vector_load_idx %arg12[%broadcast_in_dim3A_167, %shift_right_logical3A_255, %and3A_243, %and3A_258] : memref<2x8x8x128xi32, #tpu.memory_space<vmem>>[vector<16xi32>, vector<16xi32>, vector<16xi32>, vector<16xi32>], vector<16xi32>,
      %add3A_259 = arith.constant 1 : i32
      %add3A_260 = vector.broadcast %add3A_259 : i32 to vector<16xi32>
      %add3A_261 = arith.addi %and3A_258, %add3A_260 : vector<16xi32>
      %gather3A_262 = tpu.vector_load_idx %arg12[%broadcast_in_dim3A_167, %shift_right_logical3A_255, %and3A_243, %add3A_261] : memref<2x8x8x128xi32, #tpu.memory_space<vmem>>[vector<16xi32>, vector<16xi32>, vector<16xi32>, vector<16xi32>], vector<16xi32>,
      %mul3A_263 = arith.constant 12 : i32
      %mul3A_264 = vector.broadcast %mul3A_263 : i32 to vector<16xi32>
      %mul3A_265 = arith.muli %gather3A, %mul3A_264 : vector<16xi32>
      %add3A_266 = arith.addi %mul3A_265, %gather3A_262 : vector<16xi32>
      %mul3A_267 = arith.constant 16 : i32
      %mul3A_268 = arith.muli %scan3A_241, %mul3A_267 : i32
      %get3A = arith.index_cast %mul3A_268 : i32 to index
      %get3A_269 = tpu.vector_load %arg11[%get3A] {strides = array<i32>} : memref<4096xi32, #tpu.memory_space<vmem>>, vector<16xi32>,
      %add3A_270 = arith.addi %add3A_266, %get3A_269 : vector<16xi32>
      %mul3A_271 = arith.constant 16 : i32
      %mul3A_272 = arith.muli %scan3A_241, %mul3A_271 : i32
      %swap3A = arith.constant 0 : i32
      %swap3A_273 = arith.index_cast %swap3A : i32 to index
      %swap3A_274 = arith.index_cast %mul3A_272 : i32 to index
      %swap3A_275 = tpu.vector_load %arg13[%swap3A_273, %swap3A_274] {strides = array<i32>} : memref<2x4096xi32, #tpu.memory_space<vmem>>, vector<16xi32>,
      tpu.vector_store %arg13[%swap3A_273, %swap3A_274], %add3A_270 {strides = array<i32>} : memref<2x4096xi32, #tpu.memory_space<vmem>>, vector<16xi32>,
    }
    %scan3A_173 = arith.constant 16 : i32
    %add3A_174 = arith.constant 1 : i32
    %add3A_175 = arith.addi %mul3A_46, %add3A_174 : i32
    %dma_start3A = arith.constant 1 : i32
    %dma_start3A_176 = arith.constant 0 : i32
    %dma_start3A_177 = arith.constant 0 : i32
    %dma_start3A_178 = arith.constant 0 : i32
    %dma_start3A_179 = tpu.memref_slice %arg12[%dma_start3A, %dma_start3A_176, %dma_start3A_177, %dma_start3A_178] : memref<2x8x8x128xi32, #tpu.memory_space<vmem>> -> memref<1x8x8x128xi32, #tpu.memory_space<vmem>>
    %dma_start3A_180 = tpu.memref_squeeze %dma_start3A_179 : memref<1x8x8x128xi32, #tpu.memory_space<vmem>> -> memref<8x8x128xi32, #tpu.memory_space<vmem>>
    %dma_start3A_181 = arith.constant 0 : i32
    %dma_start3A_182 = arith.constant 0 : i32
    %dma_start3A_183 = arith.constant 0 : i32
    %dma_start3A_184 = tpu.memref_slice %arg2[%add3A_175, %dma_start3A_181, %dma_start3A_182, %dma_start3A_183] : memref<512x8x8x128xi32, #tpu.memory_space<hbm>> -> memref<1x8x8x128xi32, #tpu.memory_space<hbm>>
    %dma_start3A_185 = tpu.memref_squeeze %dma_start3A_184 : memref<1x8x8x128xi32, #tpu.memory_space<hbm>> -> memref<8x8x128xi32, #tpu.memory_space<hbm>>
    %dma_start3A_186 = arith.constant 0 : i32
    %dma_start3A_187 = arith.constant 0 : i32
    %dma_start3A_188 = arith.constant 0 : i32
    %dma_start3A_189 = tpu.memref_slice %arg12[%dma_start3A, %dma_start3A_186, %dma_start3A_187, %dma_start3A_188] : memref<2x8x8x128xi32, #tpu.memory_space<vmem>> -> memref<1x8x8x128xi32, #tpu.memory_space<vmem>>
    %dma_start3A_190 = tpu.memref_squeeze %dma_start3A_189 : memref<1x8x8x128xi32, #tpu.memory_space<vmem>> -> memref<8x8x128xi32, #tpu.memory_space<vmem>>
    %dma_start3A_191 = arith.constant 0 : i32
    %dma_start3A_192 = arith.constant 0 : i32
    %dma_start3A_193 = arith.constant 0 : i32
    %dma_start3A_194 = tpu.memref_slice %arg2[%add3A_175, %dma_start3A_191, %dma_start3A_192, %dma_start3A_193] : memref<512x8x8x128xi32, #tpu.memory_space<hbm>> -> memref<1x8x8x128xi32, #tpu.memory_space<hbm>>
    %dma_start3A_195 = tpu.memref_squeeze %dma_start3A_194 : memref<1x8x8x128xi32, #tpu.memory_space<hbm>> -> memref<8x8x128xi32, #tpu.memory_space<hbm>>
    tpu.enqueue_dma source(%dma_start3A_195 : memref<8x8x128xi32, #tpu.memory_space<hbm>>) target(%dma_start3A_190 : memref<8x8x128xi32, #tpu.memory_space<vmem>>) target_semaphore(%arg17 : memref<!tpu.dma_semaphore, #tpu.memory_space<semaphore_mem>>)
    %barrier3A = arith.constant 0 : index
    tpu.barrier barrier_id(%barrier3A)
    %scan3A_196 = arith.constant 0 : i32
    %scan3A_197 = arith.constant 0 : i32
    %scan3A_198 = arith.constant 16 : i32
    %scan3A_199 = arith.addi %scan3A_197, %scan3A_198 : i32
    %scan3A_200 = arith.constant 1 : i32
    scf.for %scan3A_241 = %scan3A_197 to %scan3A_199 step %scan3A_200  : i32 {
      %add3A_242 = arith.addi %mul3A_46, %scan3A_241 : i32
      %rem3A = arith.constant 2 : i32
      %rem3A_243 = arith.remsi %scan3A_241, %rem3A : i32
      %gt3A = arith.constant 0 : i32
      %gt3A_244 = arith.cmpi sgt, %scan3A_241, %gt3A : i32
      %convert_element_type3A = arith.extui %gt3A_244 : i1 to i32
      %cond3A = arith.constant 0 : i32
      %cond3A_245 = arith.cmpi ne, %convert_element_type3A, %cond3A : i32
      scf.if %cond3A_245 {
        %dma_wait3A_1544 = arith.constant 0 : i32
        %dma_wait3A_1545 = arith.constant 0 : i32
        %dma_wait3A_1546 = arith.constant 0 : i32
        %dma_wait3A_1547 = tpu.memref_slice %arg14[%dma_wait3A_1544, %dma_wait3A_1545, %dma_wait3A_1546] : memref<2x256x128xf32, #tpu.memory_space<vmem>> -> memref<1x256x128xf32, #tpu.memory_space<vmem>>
        %dma_wait3A_1548 = tpu.memref_squeeze %dma_wait3A_1547 : memref<1x256x128xf32, #tpu.memory_space<vmem>> -> memref<256x128xf32, #tpu.memory_space<vmem>>
        %dma_wait3A_1549 = arith.constant 0 : i32
        %dma_wait3A_1550 = arith.constant 0 : i32
        %dma_wait3A_1551 = tpu.memref_slice %arg5[%add3A_242, %dma_wait3A_1549, %dma_wait3A_1550] : memref<512x4096x128xf32, #tpu.memory_space<hbm>> -> memref<1x256x128xf32, #tpu.memory_space<hbm>>
        %dma_wait3A_1552 = tpu.memref_squeeze %dma_wait3A_1551 : memref<1x256x128xf32, #tpu.memory_space<hbm>> -> memref<256x128xf32, #tpu.memory_space<hbm>>
        %dma_wait3A_1553 = arith.constant 0 : i32
        %dma_wait3A_1554 = arith.constant 0 : i32
        %dma_wait3A_1555 = tpu.memref_slice %arg5[%add3A_242, %dma_wait3A_1553, %dma_wait3A_1554] : memref<512x4096x128xf32, #tpu.memory_space<hbm>> -> memref<1x256x128xf32, #tpu.memory_space<hbm>>
        %dma_wait3A_1556 = tpu.memref_squeeze %dma_wait3A_1555 : memref<1x256x128xf32, #tpu.memory_space<hbm>> -> memref<256x128xf32, #tpu.memory_space<hbm>>
        %dma_wait3A_1557 = arith.constant 0 : i32
        %dma_wait3A_1558 = arith.constant 0 : i32
        %dma_wait3A_1559 = tpu.memref_slice %arg14[%dma_wait3A_1544, %dma_wait3A_1557, %dma_wait3A_1558] : memref<2x256x128xf32, #tpu.memory_space<vmem>> -> memref<1x256x128xf32, #tpu.memory_space<vmem>>
        %dma_wait3A_1560 = tpu.memref_squeeze %dma_wait3A_1559 : memref<1x256x128xf32, #tpu.memory_space<vmem>> -> memref<256x128xf32, #tpu.memory_space<vmem>>
        tpu.wait_dma2 semaphore(%arg18 : memref<!tpu.dma_semaphore, #tpu.memory_space<semaphore_mem>>) src(%dma_wait3A_1560 : memref<256x128xf32, #tpu.memory_space<vmem>>) dst(%dma_wait3A_1556 : memref<256x128xf32, #tpu.memory_space<hbm>>)
      } else {
      }
      %dma_start3A_246 = arith.constant 0 : i32
      %dma_start3A_247 = arith.constant 0 : i32
      %dma_start3A_248 = arith.constant 0 : i32
      %dma_start3A_249 = tpu.memref_slice %arg14[%dma_start3A_246, %dma_start3A_247, %dma_start3A_248] : memref<2x256x128xf32, #tpu.memory_space<vmem>> -> memref<1x128x128xf32, #tpu.memory_space<vmem>>
      %dma_start3A_250 = tpu.memref_squeeze %dma_start3A_249 : memref<1x128x128xf32, #tpu.memory_space<vmem>> -> memref<128x128xf32, #tpu.memory_space<vmem>>
      %dma_start3A_251 = arith.constant 0 : i32
      %dma_start3A_252 = tpu.memref_slice %arg13[%rem3A_243, %dma_start3A_251] : memref<2x4096xi32, #tpu.memory_space<vmem>> -> memref<1x128xi32, #tpu.memory_space<vmem>>
      %dma_start3A_253 = tpu.memref_squeeze %dma_start3A_252 : memref<1x128xi32, #tpu.memory_space<vmem>> -> memref<128xi32, #tpu.memory_space<vmem>>
      %dma_start3A_254 = arith.constant 0 : i32
      %dma_start3A_255 = arith.constant 0 : i32
      %dma_start3A_256 = tpu.memref_slice %arg6[%dma_start3A_254, %dma_start3A_255] : memref<147456x128xf32, #tpu.memory_space<hbm>> -> memref<147456x128xf32, #tpu.memory_space<hbm>>
      tpu.enqueue_indirect_dma source(%dma_start3A_256 : memref<147456x128xf32, #tpu.memory_space<hbm>>) target(%dma_start3A_250 : memref<128x128xf32, #tpu.memory_space<vmem>>) offsets(%dma_start3A_253 : memref<128xi32, #tpu.memory_space<vmem>>) semaphore(%arg15 : memref<!tpu.dma_semaphore, #tpu.memory_space<semaphore_mem>>)
      %dma_start3A_257 = arith.constant 0 : i32
      %dma_start3A_258 = arith.constant 128 : i32
      %dma_start3A_259 = arith.constant 0 : i32
      %dma_start3A_260 = tpu.memref_slice %arg14[%dma_start3A_257, %dma_start3A_258, %dma_start3A_259] : memref<2x256x128xf32, #tpu.memory_space<vmem>> -> memref<1x128x128xf32, #tpu.memory_space<vmem>>
      %dma_start3A_261 = tpu.memref_squeeze %dma_start3A_260 : memref<1x128x128xf32, #tpu.memory_space<vmem>> -> memref<128x128xf32, #tpu.memory_space<vmem>>
      %dma_start3A_262 = arith.constant 128 : i32
      %dma_start3A_263 = tpu.memref_slice %arg13[%rem3A_243, %dma_start3A_262] : memref<2x4096xi32, #tpu.memory_space<vmem>> -> memref<1x128xi32, #tpu.memory_space<vmem>>
      %dma_start3A_264 = tpu.memref_squeeze %dma_start3A_263 : memref<1x128xi32, #tpu.memory_space<vmem>> -> memref<128xi32, #tpu.memory_space<vmem>>
      %dma_start3A_265 = arith.constant 0 : i32
      %dma_start3A_266 = arith.constant 0 : i32
      %dma_start3A_267 = tpu.memref_slice %arg6[%dma_start3A_265, %dma_start3A_266] : memref<147456x128xf32, #tpu.memory_space<hbm>> -> memref<147456x128xf32, #tpu.memory_space<hbm>>
      tpu.enqueue_indirect_dma source(%dma_start3A_267 : memref<147456x128xf32, #tpu.memory_space<hbm>>) target(%dma_start3A_261 : memref<128x128xf32, #tpu.memory_space<vmem>>) offsets(%dma_start3A_264 : memref<128xi32, #tpu.memory_space<vmem>>) semaphore(%arg15 : memref<!tpu.dma_semaphore, #tpu.memory_space<semaphore_mem>>)
      %lt3A = arith.constant 15 : i32
      %lt3A_268 = arith.cmpi slt, %scan3A_241, %lt3A : i32
      %convert_element_type3A_269 = arith.extui %lt3A_268 : i1 to i32
      %cond3A_270 = arith.constant 0 : i32
      %cond3A_271 = arith.cmpi ne, %convert_element_type3A_269, %cond3A_270 : i32
      scf.if %cond3A_271 {
        %add3A_1544 = arith.constant 1 : i32
        %add3A_1545 = arith.addi %add3A_242, %add3A_1544 : i32
        %sub3A_1546 = arith.constant 1 : i32
        %sub3A_1547 = arith.subi %sub3A_1546, %rem3A_243 : i32
        %dma_wait3A_1548 = arith.constant 0 : i32
        %dma_wait3A_1549 = arith.constant 0 : i32
        %dma_wait3A_1550 = arith.constant 0 : i32
        %dma_wait3A_1551 = tpu.memref_slice %arg12[%sub3A_1547, %dma_wait3A_1548, %dma_wait3A_1549, %dma_wait3A_1550] : memref<2x8x8x128xi32, #tpu.memory_space<vmem>> -> memref<1x8x8x128xi32, #tpu.memory_space<vmem>>
        %dma_wait3A_1552 = tpu.memref_squeeze %dma_wait3A_1551 : memref<1x8x8x128xi32, #tpu.memory_space<vmem>> -> memref<8x8x128xi32, #tpu.memory_space<vmem>>
        %dma_wait3A_1553 = arith.constant 0 : i32
        %dma_wait3A_1554 = arith.constant 0 : i32
        %dma_wait3A_1555 = arith.constant 0 : i32
        %dma_wait3A_1556 = tpu.memref_slice %arg2[%add3A_1545, %dma_wait3A_1553, %dma_wait3A_1554, %dma_wait3A_1555] : memref<512x8x8x128xi32, #tpu.memory_space<hbm>> -> memref<1x8x8x128xi32, #tpu.memory_space<hbm>>
        %dma_wait3A_1557 = tpu.memref_squeeze %dma_wait3A_1556 : memref<1x8x8x128xi32, #tpu.memory_space<hbm>> -> memref<8x8x128xi32, #tpu.memory_space<hbm>>
        %dma_wait3A_1558 = arith.constant 0 : i32
        %dma_wait3A_1559 = arith.constant 0 : i32
        %dma_wait3A_1560 = arith.constant 0 : i32
        %dma_wait3A_1561 = tpu.memref_slice %arg12[%sub3A_1547, %dma_wait3A_1558, %dma_wait3A_1559, %dma_wait3A_1560] : memref<2x8x8x128xi32, #tpu.memory_space<vmem>> -> memref<1x8x8x128xi32, #tpu.memory_space<vmem>>
        %dma_wait3A_1562 = tpu.memref_squeeze %dma_wait3A_1561 : memref<1x8x8x128xi32, #tpu.memory_space<vmem>> -> memref<8x8x128xi32, #tpu.memory_space<vmem>>
        %dma_wait3A_1563 = arith.constant 0 : i32
        %dma_wait3A_1564 = arith.constant 0 : i32
        %dma_wait3A_1565 = arith.constant 0 : i32
        %dma_wait3A_1566 = tpu.memref_slice %arg2[%add3A_1545, %dma_wait3A_1563, %dma_wait3A_1564, %dma_wait3A_1565] : memref<512x8x8x128xi32, #tpu.memory_space<hbm>> -> memref<1x8x8x128xi32, #tpu.memory_space<hbm>>
        %dma_wait3A_1567 = tpu.memref_squeeze %dma_wait3A_1566 : memref<1x8x8x128xi32, #tpu.memory_space<hbm>> -> memref<8x8x128xi32, #tpu.memory_space<hbm>>
        tpu.wait_dma2 semaphore(%arg17 : memref<!tpu.dma_semaphore, #tpu.memory_space<semaphore_mem>>) src(%dma_wait3A_1567 : memref<8x8x128xi32, #tpu.memory_space<hbm>>) dst(%dma_wait3A_1562 : memref<8x8x128xi32, #tpu.memory_space<vmem>>)
        %lt3A_1568 = arith.constant 14 : i32
        %lt3A_1569 = arith.cmpi slt, %scan3A_241, %lt3A_1568 : i32
        %convert_element_type3A_1570 = arith.extui %lt3A_1569 : i1 to i32
        %cond3A_1571 = arith.constant 0 : i32
        %cond3A_1572 = arith.cmpi ne, %convert_element_type3A_1570, %cond3A_1571 : i32
        scf.if %cond3A_1572 {
          %add3A_1582 = arith.constant 2 : i32
          %add3A_1583 = arith.addi %add3A_242, %add3A_1582 : i32
          %dma_start3A_1584 = arith.constant 0 : i32
          %dma_start3A_1585 = arith.constant 0 : i32
          %dma_start3A_1586 = arith.constant 0 : i32
          %dma_start3A_1587 = tpu.memref_slice %arg12[%rem3A_243, %dma_start3A_1584, %dma_start3A_1585, %dma_start3A_1586] : memref<2x8x8x128xi32, #tpu.memory_space<vmem>> -> memref<1x8x8x128xi32, #tpu.memory_space<vmem>>
          %dma_start3A_1588 = tpu.memref_squeeze %dma_start3A_1587 : memref<1x8x8x128xi32, #tpu.memory_space<vmem>> -> memref<8x8x128xi32, #tpu.memory_space<vmem>>
          %dma_start3A_1589 = arith.constant 0 : i32
          %dma_start3A_1590 = arith.constant 0 : i32
          %dma_start3A_1591 = arith.constant 0 : i32
          %dma_start3A_1592 = tpu.memref_slice %arg2[%add3A_1583, %dma_start3A_1589, %dma_start3A_1590, %dma_start3A_1591] : memref<512x8x8x128xi32, #tpu.memory_space<hbm>> -> memref<1x8x8x128xi32, #tpu.memory_space<hbm>>
          %dma_start3A_1593 = tpu.memref_squeeze %dma_start3A_1592 : memref<1x8x8x128xi32, #tpu.memory_space<hbm>> -> memref<8x8x128xi32, #tpu.memory_space<hbm>>
          %dma_start3A_1594 = arith.constant 0 : i32
          %dma_start3A_1595 = arith.constant 0 : i32
          %dma_start3A_1596 = arith.constant 0 : i32
          %dma_start3A_1597 = tpu.memref_slice %arg12[%rem3A_243, %dma_start3A_1594, %dma_start3A_1595, %dma_start3A_1596] : memref<2x8x8x128xi32, #tpu.memory_space<vmem>> -> memref<1x8x8x128xi32, #tpu.memory_space<vmem>>
          %dma_start3A_1598 = tpu.memref_squeeze %dma_start3A_1597 : memref<1x8x8x128xi32, #tpu.memory_space<vmem>> -> memref<8x8x128xi32, #tpu.memory_space<vmem>>
          %dma_start3A_1599 = arith.constant 0 : i32
          %dma_start3A_1600 = arith.constant 0 : i32
          %dma_start3A_1601 = arith.constant 0 : i32
          %dma_start3A_1602 = tpu.memref_slice %arg2[%add3A_1583, %dma_start3A_1599, %dma_start3A_1600, %dma_start3A_1601] : memref<512x8x8x128xi32, #tpu.memory_space<hbm>> -> memref<1x8x8x128xi32, #tpu.memory_space<hbm>>
          %dma_start3A_1603 = tpu.memref_squeeze %dma_start3A_1602 : memref<1x8x8x128xi32, #tpu.memory_space<hbm>> -> memref<8x8x128xi32, #tpu.memory_space<hbm>>
          tpu.enqueue_dma source(%dma_start3A_1603 : memref<8x8x128xi32, #tpu.memory_space<hbm>>) target(%dma_start3A_1598 : memref<8x8x128xi32, #tpu.memory_space<vmem>>) target_semaphore(%arg17 : memref<!tpu.dma_semaphore, #tpu.memory_space<semaphore_mem>>)
        } else {
        }
        %sub3A_1573 = arith.constant 1 : i32
        %sub3A_1574 = arith.subi %sub3A_1573, %rem3A_243 : i32
        %broadcast_in_dim3A_1575 = vector.broadcast %sub3A_1574 : i32 to vector<16xi32>
        %scan3A_1576 = arith.constant 0 : i32
        %scan3A_1577 = arith.constant 0 : i32
        %scan3A_1578 = arith.constant 16 : i32
        %scan3A_1579 = arith.addi %scan3A_1577, %scan3A_1578 : i32
        %scan3A_1580 = arith.constant 1 : i32
        scf.for %scan3A_1582 = %scan3A_1577 to %scan3A_1579 step %scan3A_1580  : i32 {
          %iota3A = tpu.iota {dimensions = array<i32: 0>} : vector<16xi32>
          %and3A = arith.constant 7 : i32
          %and3A_1583 = vector.broadcast %and3A : i32 to vector<16xi32>
          %and3A_1584 = arith.andi %iota3A, %and3A_1583 : vector<16xi32>
          %shift_right_logical3A = arith.constant 3 : i32
          %shift_right_logical3A_1585 = vector.broadcast %shift_right_logical3A : i32 to vector<16xi32>
          %shift_right_logical3A_1586 = arith.shrui %iota3A, %shift_right_logical3A_1585 : vector<16xi32>
          %mul3A_1587 = arith.constant 2 : i32
          %mul3A_1588 = arith.muli %mul3A_1587, %scan3A_1582 : i32
          %add3A_1589 = vector.broadcast %mul3A_1588 : i32 to vector<16xi32>
          %add3A_1590 = arith.addi %shift_right_logical3A_1586, %add3A_1589 : vector<16xi32>
          %mul3A_1591 = arith.constant 2 : i32
          %mul3A_1592 = vector.broadcast %mul3A_1591 : i32 to vector<16xi32>
          %mul3A_1593 = arith.muli %add3A_1590, %mul3A_1592 : vector<16xi32>
          %shift_right_logical3A_1594 = arith.constant 7 : i32
          %shift_right_logical3A_1595 = vector.broadcast %shift_right_logical3A_1594 : i32 to vector<16xi32>
          %shift_right_logical3A_1596 = arith.shrui %mul3A_1593, %shift_right_logical3A_1595 : vector<16xi32>
          %and3A_1597 = arith.constant 127 : i32
          %and3A_1598 = vector.broadcast %and3A_1597 : i32 to vector<16xi32>
          %and3A_1599 = arith.andi %mul3A_1593, %and3A_1598 : vector<16xi32>
          %gather3A = tpu.vector_load_idx %arg12[%broadcast_in_dim3A_1575, %shift_right_logical3A_1596, %and3A_1584, %and3A_1599] : memref<2x8x8x128xi32, #tpu.memory_space<vmem>>[vector<16xi32>, vector<16xi32>, vector<16xi32>, vector<16xi32>], vector<16xi32>,
          %add3A_1600 = arith.constant 1 : i32
          %add3A_1601 = vector.broadcast %add3A_1600 : i32 to vector<16xi32>
          %add3A_1602 = arith.addi %and3A_1599, %add3A_1601 : vector<16xi32>
          %gather3A_1603 = tpu.vector_load_idx %arg12[%broadcast_in_dim3A_1575, %shift_right_logical3A_1596, %and3A_1584, %add3A_1602] : memref<2x8x8x128xi32, #tpu.memory_space<vmem>>[vector<16xi32>, vector<16xi32>, vector<16xi32>, vector<16xi32>], vector<16xi32>,
          %mul3A_1604 = arith.constant 12 : i32
          %mul3A_1605 = vector.broadcast %mul3A_1604 : i32 to vector<16xi32>
          %mul3A_1606 = arith.muli %gather3A, %mul3A_1605 : vector<16xi32>
          %add3A_1607 = arith.addi %mul3A_1606, %gather3A_1603 : vector<16xi32>
          %mul3A_1608 = arith.constant 16 : i32
          %mul3A_1609 = arith.muli %scan3A_1582, %mul3A_1608 : i32
          %get3A = arith.index_cast %mul3A_1609 : i32 to index
          %get3A_1610 = tpu.vector_load %arg11[%get3A] {strides = array<i32>} : memref<4096xi32, #tpu.memory_space<vmem>>, vector<16xi32>,
          %add3A_1611 = arith.addi %add3A_1607, %get3A_1610 : vector<16xi32>
          %mul3A_1612 = arith.constant 16 : i32
          %mul3A_1613 = arith.muli %scan3A_1582, %mul3A_1612 : i32
          %swap3A = arith.index_cast %sub3A_1574 : i32 to index
          %swap3A_1614 = arith.index_cast %mul3A_1613 : i32 to index
          %swap3A_1615 = tpu.vector_load %arg13[%swap3A, %swap3A_1614] {strides = array<i32>} : memref<2x4096xi32, #tpu.memory_space<vmem>>, vector<16xi32>,
          tpu.vector_store %arg13[%swap3A, %swap3A_1614], %add3A_1611 {strides = array<i32>} : memref<2x4096xi32, #tpu.memory_space<vmem>>, vector<16xi32>,
        }
        %scan3A_1581 = arith.constant 16 : i32
      } else {
      }
      %dma_wait3A_272 = arith.constant 0 : i32
      %dma_wait3A_273 = arith.constant 0 : i32
      %dma_wait3A_274 = arith.constant 0 : i32
      %dma_wait3A_275 = tpu.memref_slice %arg14[%dma_wait3A_272, %dma_wait3A_273, %dma_wait3A_274] : memref<2x256x128xf32, #tpu.memory_space<vmem>> -> memref<1x128x128xf32, #tpu.memory_space<vmem>>
      %dma_wait3A_276 = tpu.memref_squeeze %dma_wait3A_275 : memref<1x128x128xf32, #tpu.memory_space<vmem>> -> memref<128x128xf32, #tpu.memory_space<vmem>>
      %dma_wait3A_277 = arith.constant 0 : i32
      %dma_wait3A_278 = tpu.memref_slice %arg13[%rem3A_243, %dma_wait3A_277] : memref<2x4096xi32, #tpu.memory_space<vmem>> -> memref<1x128xi32, #tpu.memory_space<vmem>>
      %dma_wait3A_279 = tpu.memref_squeeze %dma_wait3A_278 : memref<1x128xi32, #tpu.memory_space<vmem>> -> memref<128xi32, #tpu.memory_space<vmem>>
      %dma_wait3A_280 = arith.constant 0 : i32
      %dma_wait3A_281 = arith.constant 0 : i32
      %dma_wait3A_282 = tpu.memref_slice %arg6[%dma_wait3A_280, %dma_wait3A_281] : memref<147456x128xf32, #tpu.memory_space<hbm>> -> memref<147456x128xf32, #tpu.memory_space<hbm>>
      tpu.wait_indirect_dma semaphore(%arg15 : memref<!tpu.dma_semaphore, #tpu.memory_space<semaphore_mem>>) src(%dma_wait3A_282 : memref<147456x128xf32, #tpu.memory_space<hbm>>) dst(%dma_wait3A_276 : memref<128x128xf32, #tpu.memory_space<vmem>>)
      %dma_wait3A_283 = arith.constant 0 : i32
      %dma_wait3A_284 = arith.constant 128 : i32
      %dma_wait3A_285 = arith.constant 0 : i32
      %dma_wait3A_286 = tpu.memref_slice %arg14[%dma_wait3A_283, %dma_wait3A_284, %dma_wait3A_285] : memref<2x256x128xf32, #tpu.memory_space<vmem>> -> memref<1x128x128xf32, #tpu.memory_space<vmem>>
      %dma_wait3A_287 = tpu.memref_squeeze %dma_wait3A_286 : memref<1x128x128xf32, #tpu.memory_space<vmem>> -> memref<128x128xf32, #tpu.memory_space<vmem>>
      %dma_wait3A_288 = arith.constant 128 : i32
      %dma_wait3A_289 = tpu.memref_slice %arg13[%rem3A_243, %dma_wait3A_288] : memref<2x4096xi32, #tpu.memory_space<vmem>> -> memref<1x128xi32, #tpu.memory_space<vmem>>
      %dma_wait3A_290 = tpu.memref_squeeze %dma_wait3A_289 : memref<1x128xi32, #tpu.memory_space<vmem>> -> memref<128xi32, #tpu.memory_space<vmem>>
      %dma_wait3A_291 = arith.constant 0 : i32
      %dma_wait3A_292 = arith.constant 0 : i32
      %dma_wait3A_293 = tpu.memref_slice %arg6[%dma_wait3A_291, %dma_wait3A_292] : memref<147456x128xf32, #tpu.memory_space<hbm>> -> memref<147456x128xf32, #tpu.memory_space<hbm>>
      tpu.wait_indirect_dma semaphore(%arg15 : memref<!tpu.dma_semaphore, #tpu.memory_space<semaphore_mem>>) src(%dma_wait3A_293 : memref<147456x128xf32, #tpu.memory_space<hbm>>) dst(%dma_wait3A_287 : memref<128x128xf32, #tpu.memory_space<vmem>>)
      %dma_start3A_294 = arith.constant 0 : i32
      %dma_start3A_295 = arith.constant 0 : i32
      %dma_start3A_296 = arith.constant 0 : i32
      %dma_start3A_297 = tpu.memref_slice %arg14[%dma_start3A_294, %dma_start3A_295, %dma_start3A_296] : memref<2x256x128xf32, #tpu.memory_space<vmem>> -> memref<1x256x128xf32, #tpu.memory_space<vmem>>
      %dma_start3A_298 = tpu.memref_squeeze %dma_start3A_297 : memref<1x256x128xf32, #tpu.memory_space<vmem>> -> memref<256x128xf32, #tpu.memory_space<vmem>>
      %dma_start3A_299 = arith.constant 0 : i32
      %dma_start3A_300 = arith.constant 0 : i32
      %dma_start3A_301 = tpu.memref_slice %arg5[%add3A_242, %dma_start3A_299, %dma_start3A_300] : memref<512x4096x128xf32, #tpu.memory_space<hbm>> -> memref<1x256x128xf32, #tpu.memory_space<hbm>>
      %dma_start3A_302 = tpu.memref_squeeze %dma_start3A_301 : memref<1x256x128xf32, #tpu.memory_space<hbm>> -> memref<256x128xf32, #tpu.memory_space<hbm>>
      %dma_start3A_303 = arith.constant 0 : i32
      %dma_start3A_304 = arith.constant 0 : i32
      %dma_start3A_305 = tpu.memref_slice %arg5[%add3A_242, %dma_start3A_303, %dma_start3A_304] : memref<512x4096x128xf32, #tpu.memory_space<hbm>> -> memref<1x256x128xf32, #tpu.memory_space<hbm>>
      %dma_start3A_306 = tpu.memref_squeeze %dma_start3A_305 : memref<1x256x128xf32, #tpu.memory_space<hbm>> -> memref<256x128xf32, #tpu.memory_space<hbm>>
      %dma_start3A_307 = arith.constant 0 : i32
      %dma_start3A_308 = arith.constant 0 : i32
      %dma_start3A_309 = tpu.memref_slice %arg14[%dma_start3A_294, %dma_start3A_307, %dma_start3A_308] : memref<2x256x128xf32, #tpu.memory_space<vmem>> -> memref<1x256x128xf32, #tpu.memory_space<vmem>>
      %dma_start3A_310 = tpu.memref_squeeze %dma_start3A_309 : memref<1x256x128xf32, #tpu.memory_space<vmem>> -> memref<256x128xf32, #tpu.memory_space<vmem>>
      tpu.enqueue_dma source(%dma_start3A_310 : memref<256x128xf32, #tpu.memory_space<vmem>>) target(%dma_start3A_306 : memref<256x128xf32, #tpu.memory_space<hbm>>) target_semaphore(%arg18 : memref<!tpu.dma_semaphore, #tpu.memory_space<semaphore_mem>>)
      %gt3A_311 = arith.constant 0 : i32
      %gt3A_312 = arith.cmpi sgt, %scan3A_241, %gt3A_311 : i32
      %convert_element_type3A_313 = arith.extui %gt3A_312 : i1 to i32
      %cond3A_314 = arith.constant 0 : i32
      %cond3A_315 = arith.cmpi ne, %convert_element_type3A_313, %cond3A_314 : i32
      scf.if %cond3A_315 {
        %dma_wait3A_1544 = arith.constant 1 : i32
        %dma_wait3A_1545 = arith.constant 0 : i32
        %dma_wait3A_1546 = arith.constant 0 : i32
        %dma_wait3A_1547 = tpu.memref_slice %arg14[%dma_wait3A_1544, %dma_wait3A_1545, %dma_wait3A_1546] : memref<2x256x128xf32, #tpu.memory_space<vmem>> -> memref<1x256x128xf32, #tpu.memory_space<vmem>>
        %dma_wait3A_1548 = tpu.memref_squeeze %dma_wait3A_1547 : memref<1x256x128xf32, #tpu.memory_space<vmem>> -> memref<256x128xf32, #tpu.memory_space<vmem>>
        %dma_wait3A_1549 = arith.constant 256 : i32
        %dma_wait3A_1550 = arith.constant 0 : i32
        %dma_wait3A_1551 = tpu.memref_slice %arg5[%add3A_242, %dma_wait3A_1549, %dma_wait3A_1550] : memref<512x4096x128xf32, #tpu.memory_space<hbm>> -> memref<1x256x128xf32, #tpu.memory_space<hbm>>
        %dma_wait3A_1552 = tpu.memref_squeeze %dma_wait3A_1551 : memref<1x256x128xf32, #tpu.memory_space<hbm>> -> memref<256x128xf32, #tpu.memory_space<hbm>>
        %dma_wait3A_1553 = arith.constant 256 : i32
        %dma_wait3A_1554 = arith.constant 0 : i32
        %dma_wait3A_1555 = tpu.memref_slice %arg5[%add3A_242, %dma_wait3A_1553, %dma_wait3A_1554] : memref<512x4096x128xf32, #tpu.memory_space<hbm>> -> memref<1x256x128xf32, #tpu.memory_space<hbm>>
        %dma_wait3A_1556 = tpu.memref_squeeze %dma_wait3A_1555 : memref<1x256x128xf32, #tpu.memory_space<hbm>> -> memref<256x128xf32, #tpu.memory_space<hbm>>
        %dma_wait3A_1557 = arith.constant 0 : i32
        %dma_wait3A_1558 = arith.constant 0 : i32
        %dma_wait3A_1559 = tpu.memref_slice %arg14[%dma_wait3A_1544, %dma_wait3A_1557, %dma_wait3A_1558] : memref<2x256x128xf32, #tpu.memory_space<vmem>> -> memref<1x256x128xf32, #tpu.memory_space<vmem>>
        %dma_wait3A_1560 = tpu.memref_squeeze %dma_wait3A_1559 : memref<1x256x128xf32, #tpu.memory_space<vmem>> -> memref<256x128xf32, #tpu.memory_space<vmem>>
        tpu.wait_dma2 semaphore(%arg19 : memref<!tpu.dma_semaphore, #tpu.memory_space<semaphore_mem>>) src(%dma_wait3A_1560 : memref<256x128xf32, #tpu.memory_space<vmem>>) dst(%dma_wait3A_1556 : memref<256x128xf32, #tpu.memory_space<hbm>>)
      } else {
      }
      %dma_start3A_316 = arith.constant 1 : i32
      %dma_start3A_317 = arith.constant 0 : i32
      %dma_start3A_318 = arith.constant 0 : i32
      %dma_start3A_319 = tpu.memref_slice %arg14[%dma_start3A_316, %dma_start3A_317, %dma_start3A_318] : memref<2x256x128xf32, #tpu.memory_space<vmem>> -> memref<1x128x128xf32, #tpu.memory_space<vmem>>
      %dma_start3A_320 = tpu.memref_squeeze %dma_start3A_319 : memref<1x128x128xf32, #tpu.memory_space<vmem>> -> memref<128x128xf32, #tpu.memory_space<vmem>>
      %dma_start3A_321 = arith.constant 256 : i32
      %dma_start3A_322 = tpu.memref_slice %arg13[%rem3A_243, %dma_start3A_321] : memref<2x4096xi32, #tpu.memory_space<vmem>> -> memref<1x128xi32, #tpu.memory_space<vmem>>
      %dma_start3A_323 = tpu.memref_squeeze %dma_start3A_322 : memref<1x128xi32, #tpu.memory_space<vmem>> -> memref<128xi32, #tpu.memory_space<vmem>>
      %dma_start3A_324 = arith.constant 0 : i32
      %dma_start3A_325 = arith.constant 0 : i32
      %dma_start3A_326 = tpu.memref_slice %arg6[%dma_start3A_324, %dma_start3A_325] : memref<147456x128xf32, #tpu.memory_space<hbm>> -> memref<147456x128xf32, #tpu.memory_space<hbm>>
      tpu.enqueue_indirect_dma source(%dma_start3A_326 : memref<147456x128xf32, #tpu.memory_space<hbm>>) target(%dma_start3A_320 : memref<128x128xf32, #tpu.memory_space<vmem>>) offsets(%dma_start3A_323 : memref<128xi32, #tpu.memory_space<vmem>>) semaphore(%arg16 : memref<!tpu.dma_semaphore, #tpu.memory_space<semaphore_mem>>)
      %dma_start3A_327 = arith.constant 1 : i32
      %dma_start3A_328 = arith.constant 128 : i32
      %dma_start3A_329 = arith.constant 0 : i32
      %dma_start3A_330 = tpu.memref_slice %arg14[%dma_start3A_327, %dma_start3A_328, %dma_start3A_329] : memref<2x256x128xf32, #tpu.memory_space<vmem>> -> memref<1x128x128xf32, #tpu.memory_space<vmem>>
      %dma_start3A_331 = tpu.memref_squeeze %dma_start3A_330 : memref<1x128x128xf32, #tpu.memory_space<vmem>> -> memref<128x128xf32, #tpu.memory_space<vmem>>
      %dma_start3A_332 = arith.constant 384 : i32
      %dma_start3A_333 = tpu.memref_slice %arg13[%rem3A_243, %dma_start3A_332] : memref<2x4096xi32, #tpu.memory_space<vmem>> -> memref<1x128xi32, #tpu.memory_space<vmem>>
      %dma_start3A_334 = tpu.memref_squeeze %dma_start3A_333 : memref<1x128xi32, #tpu.memory_space<vmem>> -> memref<128xi32, #tpu.memory_space<vmem>>
      %dma_start3A_335 = arith.constant 0 : i32
      %dma_start3A_336 = arith.constant 0 : i32
      %dma_start3A_337 = tpu.memref_slice %arg6[%dma_start3A_335, %dma_start3A_336] : memref<147456x128xf32, #tpu.memory_space<hbm>> -> memref<147456x128xf32, #tpu.memory_space<hbm>>
      tpu.enqueue_indirect_dma source(%dma_start3A_337 : memref<147456x128xf32, #tpu.memory_space<hbm>>) target(%dma_start3A_331 : memref<128x128xf32, #tpu.memory_space<vmem>>) offsets(%dma_start3A_334 : memref<128xi32, #tpu.memory_space<vmem>>) semaphore(%arg16 : memref<!tpu.dma_semaphore, #tpu.memory_space<semaphore_mem>>)
      %lt3A_338 = arith.constant 15 : i32
      %lt3A_339 = arith.cmpi slt, %scan3A_241, %lt3A_338 : i32
      %convert_element_type3A_340 = arith.extui %lt3A_339 : i1 to i32
      %cond3A_341 = arith.constant 0 : i32
      %cond3A_342 = arith.cmpi ne, %convert_element_type3A_340, %cond3A_341 : i32
      scf.if %cond3A_342 {
        %sub3A_1544 = arith.constant 1 : i32
        %sub3A_1545 = arith.subi %sub3A_1544, %rem3A_243 : i32
        %broadcast_in_dim3A_1546 = vector.broadcast %sub3A_1545 : i32 to vector<16xi32>
        %scan3A_1547 = arith.constant 0 : i32
        %scan3A_1548 = arith.constant 16 : i32
        %scan3A_1549 = arith.constant 16 : i32
        %scan3A_1550 = arith.addi %scan3A_1548, %scan3A_1549 : i32
        %scan3A_1551 = arith.constant 1 : i32
        scf.for %scan3A_1553 = %scan3A_1548 to %scan3A_1550 step %scan3A_1551  : i32 {
          %iota3A = tpu.iota {dimensions = array<i32: 0>} : vector<16xi32>
          %and3A = arith.constant 7 : i32
          %and3A_1554 = vector.broadcast %and3A : i32 to vector<16xi32>
          %and3A_1555 = arith.andi %iota3A, %and3A_1554 : vector<16xi32>
          %shift_right_logical3A = arith.constant 3 : i32
          %shift_right_logical3A_1556 = vector.broadcast %shift_right_logical3A : i32 to vector<16xi32>
          %shift_right_logical3A_1557 = arith.shrui %iota3A, %shift_right_logical3A_1556 : vector<16xi32>
          %mul3A_1558 = arith.constant 2 : i32
          %mul3A_1559 = arith.muli %mul3A_1558, %scan3A_1553 : i32
          %add3A_1560 = vector.broadcast %mul3A_1559 : i32 to vector<16xi32>
          %add3A_1561 = arith.addi %shift_right_logical3A_1557, %add3A_1560 : vector<16xi32>
          %mul3A_1562 = arith.constant 2 : i32
          %mul3A_1563 = vector.broadcast %mul3A_1562 : i32 to vector<16xi32>
          %mul3A_1564 = arith.muli %add3A_1561, %mul3A_1563 : vector<16xi32>
          %shift_right_logical3A_1565 = arith.constant 7 : i32
          %shift_right_logical3A_1566 = vector.broadcast %shift_right_logical3A_1565 : i32 to vector<16xi32>
          %shift_right_logical3A_1567 = arith.shrui %mul3A_1564, %shift_right_logical3A_1566 : vector<16xi32>
          %and3A_1568 = arith.constant 127 : i32
          %and3A_1569 = vector.broadcast %and3A_1568 : i32 to vector<16xi32>
          %and3A_1570 = arith.andi %mul3A_1564, %and3A_1569 : vector<16xi32>
          %gather3A = tpu.vector_load_idx %arg12[%broadcast_in_dim3A_1546, %shift_right_logical3A_1567, %and3A_1555, %and3A_1570] : memref<2x8x8x128xi32, #tpu.memory_space<vmem>>[vector<16xi32>, vector<16xi32>, vector<16xi32>, vector<16xi32>], vector<16xi32>,
          %add3A_1571 = arith.constant 1 : i32
          %add3A_1572 = vector.broadcast %add3A_1571 : i32 to vector<16xi32>
          %add3A_1573 = arith.addi %and3A_1570, %add3A_1572 : vector<16xi32>
          %gather3A_1574 = tpu.vector_load_idx %arg12[%broadcast_in_dim3A_1546, %shift_right_logical3A_1567, %and3A_1555, %add3A_1573] : memref<2x8x8x128xi32, #tpu.memory_space<vmem>>[vector<16xi32>, vector<16xi32>, vector<16xi32>, vector<16xi32>], vector<16xi32>,
          %mul3A_1575 = arith.constant 12 : i32
          %mul3A_1576 = vector.broadcast %mul3A_1575 : i32 to vector<16xi32>
          %mul3A_1577 = arith.muli %gather3A, %mul3A_1576 : vector<16xi32>
          %add3A_1578 = arith.addi %mul3A_1577, %gather3A_1574 : vector<16xi32>
          %mul3A_1579 = arith.constant 16 : i32
          %mul3A_1580 = arith.muli %scan3A_1553, %mul3A_1579 : i32
          %get3A = arith.index_cast %mul3A_1580 : i32 to index
          %get3A_1581 = tpu.vector_load %arg11[%get3A] {strides = array<i32>} : memref<4096xi32, #tpu.memory_space<vmem>>, vector<16xi32>,
          %add3A_1582 = arith.addi %add3A_1578, %get3A_1581 : vector<16xi32>
          %mul3A_1583 = arith.constant 16 : i32
          %mul3A_1584 = arith.muli %scan3A_1553, %mul3A_1583 : i32
          %swap3A = arith.index_cast %sub3A_1545 : i32 to index
          %swap3A_1585 = arith.index_cast %mul3A_1584 : i32 to index
          %swap3A_1586 = tpu.vector_load %arg13[%swap3A, %swap3A_1585] {strides = array<i32>} : memref<2x4096xi32, #tpu.memory_space<vmem>>, vector<16xi32>,
          tpu.vector_store %arg13[%swap3A, %swap3A_1585], %add3A_1582 {strides = array<i32>} : memref<2x4096xi32, #tpu.memory_space<vmem>>, vector<16xi32>,
        }
        %scan3A_1552 = arith.constant 16 : i32
      } else {
      }
      %dma_wait3A_343 = arith.constant 1 : i32
      %dma_wait3A_344 = arith.constant 0 : i32
      %dma_wait3A_345 = arith.constant 0 : i32
      %dma_wait3A_346 = tpu.memref_slice %arg14[%dma_wait3A_343, %dma_wait3A_344, %dma_wait3A_345] : memref<2x256x128xf32, #tpu.memory_space<vmem>> -> memref<1x128x128xf32, #tpu.memory_space<vmem>>
      %dma_wait3A_347 = tpu.memref_squeeze %dma_wait3A_346 : memref<1x128x128xf32, #tpu.memory_space<vmem>> -> memref<128x128xf32, #tpu.memory_space<vmem>>
      %dma_wait3A_348 = arith.constant 256 : i32
      %dma_wait3A_349 = tpu.memref_slice %arg13[%rem3A_243, %dma_wait3A_348] : memref<2x4096xi32, #tpu.memory_space<vmem>> -> memref<1x128xi32, #tpu.memory_space<vmem>>
      %dma_wait3A_350 = tpu.memref_squeeze %dma_wait3A_349 : memref<1x128xi32, #tpu.memory_space<vmem>> -> memref<128xi32, #tpu.memory_space<vmem>>
      %dma_wait3A_351 = arith.constant 0 : i32
      %dma_wait3A_352 = arith.constant 0 : i32
      %dma_wait3A_353 = tpu.memref_slice %arg6[%dma_wait3A_351, %dma_wait3A_352] : memref<147456x128xf32, #tpu.memory_space<hbm>> -> memref<147456x128xf32, #tpu.memory_space<hbm>>
      tpu.wait_indirect_dma semaphore(%arg16 : memref<!tpu.dma_semaphore, #tpu.memory_space<semaphore_mem>>) src(%dma_wait3A_353 : memref<147456x128xf32, #tpu.memory_space<hbm>>) dst(%dma_wait3A_347 : memref<128x128xf32, #tpu.memory_space<vmem>>)
      %dma_wait3A_354 = arith.constant 1 : i32
      %dma_wait3A_355 = arith.constant 128 : i32
      %dma_wait3A_356 = arith.constant 0 : i32
      %dma_wait3A_357 = tpu.memref_slice %arg14[%dma_wait3A_354, %dma_wait3A_355, %dma_wait3A_356] : memref<2x256x128xf32, #tpu.memory_space<vmem>> -> memref<1x128x128xf32, #tpu.memory_space<vmem>>
      %dma_wait3A_358 = tpu.memref_squeeze %dma_wait3A_357 : memref<1x128x128xf32, #tpu.memory_space<vmem>> -> memref<128x128xf32, #tpu.memory_space<vmem>>
      %dma_wait3A_359 = arith.constant 384 : i32
      %dma_wait3A_360 = tpu.memref_slice %arg13[%rem3A_243, %dma_wait3A_359] : memref<2x4096xi32, #tpu.memory_space<vmem>> -> memref<1x128xi32, #tpu.memory_space<vmem>>
      %dma_wait3A_361 = tpu.memref_squeeze %dma_wait3A_360 : memref<1x128xi32, #tpu.memory_space<vmem>> -> memref<128xi32, #tpu.memory_space<vmem>>
      %dma_wait3A_362 = arith.constant 0 : i32
      %dma_wait3A_363 = arith.constant 0 : i32
      %dma_wait3A_364 = tpu.memref_slice %arg6[%dma_wait3A_362, %dma_wait3A_363] : memref<147456x128xf32, #tpu.memory_space<hbm>> -> memref<147456x128xf32, #tpu.memory_space<hbm>>
      tpu.wait_indirect_dma semaphore(%arg16 : memref<!tpu.dma_semaphore, #tpu.memory_space<semaphore_mem>>) src(%dma_wait3A_364 : memref<147456x128xf32, #tpu.memory_space<hbm>>) dst(%dma_wait3A_358 : memref<128x128xf32, #tpu.memory_space<vmem>>)
      %dma_start3A_365 = arith.constant 1 : i32
      %dma_start3A_366 = arith.constant 0 : i32
      %dma_start3A_367 = arith.constant 0 : i32
      %dma_start3A_368 = tpu.memref_slice %arg14[%dma_start3A_365, %dma_start3A_366, %dma_start3A_367] : memref<2x256x128xf32, #tpu.memory_space<vmem>> -> memref<1x256x128xf32, #tpu.memory_space<vmem>>
      %dma_start3A_369 = tpu.memref_squeeze %dma_start3A_368 : memref<1x256x128xf32, #tpu.memory_space<vmem>> -> memref<256x128xf32, #tpu.memory_space<vmem>>
      %dma_start3A_370 = arith.constant 256 : i32
      %dma_start3A_371 = arith.constant 0 : i32
      %dma_start3A_372 = tpu.memref_slice %arg5[%add3A_242, %dma_start3A_370, %dma_start3A_371] : memref<512x4096x128xf32, #tpu.memory_space<hbm>> -> memref<1x256x128xf32, #tpu.memory_space<hbm>>
      %dma_start3A_373 = tpu.memref_squeeze %dma_start3A_372 : memref<1x256x128xf32, #tpu.memory_space<hbm>> -> memref<256x128xf32, #tpu.memory_space<hbm>>
      %dma_start3A_374 = arith.constant 256 : i32
      %dma_start3A_375 = arith.constant 0 : i32
      %dma_start3A_376 = tpu.memref_slice %arg5[%add3A_242, %dma_start3A_374, %dma_start3A_375] : memref<512x4096x128xf32, #tpu.memory_space<hbm>> -> memref<1x256x128xf32, #tpu.memory_space<hbm>>
      %dma_start3A_377 = tpu.memref_squeeze %dma_start3A_376 : memref<1x256x128xf32, #tpu.memory_space<hbm>> -> memref<256x128xf32, #tpu.memory_space<hbm>>
      %dma_start3A_378 = arith.constant 0 : i32
      %dma_start3A_379 = arith.constant 0 : i32
      %dma_start3A_380 = tpu.memref_slice %arg14[%dma_start3A_365, %dma_start3A_378, %dma_start3A_379] : memref<2x256x128xf32, #tpu.memory_space<vmem>> -> memref<1x256x128xf32, #tpu.memory_space<vmem>>
      %dma_start3A_381 = tpu.memref_squeeze %dma_start3A_380 : memref<1x256x128xf32, #tpu.memory_space<vmem>> -> memref<256x128xf32, #tpu.memory_space<vmem>>
      tpu.enqueue_dma source(%dma_start3A_381 : memref<256x128xf32, #tpu.memory_space<vmem>>) target(%dma_start3A_377 : memref<256x128xf32, #tpu.memory_space<hbm>>) target_semaphore(%arg19 : memref<!tpu.dma_semaphore, #tpu.memory_space<semaphore_mem>>)
      %dma_wait3A_382 = arith.constant 0 : i32
      %dma_wait3A_383 = arith.constant 0 : i32
      %dma_wait3A_384 = arith.constant 0 : i32
      %dma_wait3A_385 = tpu.memref_slice %arg14[%dma_wait3A_382, %dma_wait3A_383, %dma_wait3A_384] : memref<2x256x128xf32, #tpu.memory_space<vmem>> -> memref<1x256x128xf32, #tpu.memory_space<vmem>>
      %dma_wait3A_386 = tpu.memref_squeeze %dma_wait3A_385 : memref<1x256x128xf32, #tpu.memory_space<vmem>> -> memref<256x128xf32, #tpu.memory_space<vmem>>
      %dma_wait3A_387 = arith.constant 512 : i32
      %dma_wait3A_388 = arith.constant 0 : i32
      %dma_wait3A_389 = tpu.memref_slice %arg5[%add3A_242, %dma_wait3A_387, %dma_wait3A_388] : memref<512x4096x128xf32, #tpu.memory_space<hbm>> -> memref<1x256x128xf32, #tpu.memory_space<hbm>>
      %dma_wait3A_390 = tpu.memref_squeeze %dma_wait3A_389 : memref<1x256x128xf32, #tpu.memory_space<hbm>> -> memref<256x128xf32, #tpu.memory_space<hbm>>
      %dma_wait3A_391 = arith.constant 512 : i32
      %dma_wait3A_392 = arith.constant 0 : i32
      %dma_wait3A_393 = tpu.memref_slice %arg5[%add3A_242, %dma_wait3A_391, %dma_wait3A_392] : memref<512x4096x128xf32, #tpu.memory_space<hbm>> -> memref<1x256x128xf32, #tpu.memory_space<hbm>>
      %dma_wait3A_394 = tpu.memref_squeeze %dma_wait3A_393 : memref<1x256x128xf32, #tpu.memory_space<hbm>> -> memref<256x128xf32, #tpu.memory_space<hbm>>
      %dma_wait3A_395 = arith.constant 0 : i32
      %dma_wait3A_396 = arith.constant 0 : i32
      %dma_wait3A_397 = tpu.memref_slice %arg14[%dma_wait3A_382, %dma_wait3A_395, %dma_wait3A_396] : memref<2x256x128xf32, #tpu.memory_space<vmem>> -> memref<1x256x128xf32, #tpu.memory_space<vmem>>
      %dma_wait3A_398 = tpu.memref_squeeze %dma_wait3A_397 : memref<1x256x128xf32, #tpu.memory_space<vmem>> -> memref<256x128xf32, #tpu.memory_space<vmem>>
      tpu.wait_dma2 semaphore(%arg18 : memref<!tpu.dma_semaphore, #tpu.memory_space<semaphore_mem>>) src(%dma_wait3A_398 : memref<256x128xf32, #tpu.memory_space<vmem>>) dst(%dma_wait3A_394 : memref<256x128xf32, #tpu.memory_space<hbm>>)
      %dma_start3A_399 = arith.constant 0 : i32
      %dma_start3A_400 = arith.constant 0 : i32
      %dma_start3A_401 = arith.constant 0 : i32
      %dma_start3A_402 = tpu.memref_slice %arg14[%dma_start3A_399, %dma_start3A_400, %dma_start3A_401] : memref<2x256x128xf32, #tpu.memory_space<vmem>> -> memref<1x128x128xf32, #tpu.memory_space<vmem>>
      %dma_start3A_403 = tpu.memref_squeeze %dma_start3A_402 : memref<1x128x128xf32, #tpu.memory_space<vmem>> -> memref<128x128xf32, #tpu.memory_space<vmem>>
      %dma_start3A_404 = arith.constant 512 : i32
      %dma_start3A_405 = tpu.memref_slice %arg13[%rem3A_243, %dma_start3A_404] : memref<2x4096xi32, #tpu.memory_space<vmem>> -> memref<1x128xi32, #tpu.memory_space<vmem>>
      %dma_start3A_406 = tpu.memref_squeeze %dma_start3A_405 : memref<1x128xi32, #tpu.memory_space<vmem>> -> memref<128xi32, #tpu.memory_space<vmem>>
      %dma_start3A_407 = arith.constant 0 : i32
      %dma_start3A_408 = arith.constant 0 : i32
      %dma_start3A_409 = tpu.memref_slice %arg6[%dma_start3A_407, %dma_start3A_408] : memref<147456x128xf32, #tpu.memory_space<hbm>> -> memref<147456x128xf32, #tpu.memory_space<hbm>>
      tpu.enqueue_indirect_dma source(%dma_start3A_409 : memref<147456x128xf32, #tpu.memory_space<hbm>>) target(%dma_start3A_403 : memref<128x128xf32, #tpu.memory_space<vmem>>) offsets(%dma_start3A_406 : memref<128xi32, #tpu.memory_space<vmem>>) semaphore(%arg15 : memref<!tpu.dma_semaphore, #tpu.memory_space<semaphore_mem>>)
      %dma_start3A_410 = arith.constant 0 : i32
      %dma_start3A_411 = arith.constant 128 : i32
      %dma_start3A_412 = arith.constant 0 : i32
      %dma_start3A_413 = tpu.memref_slice %arg14[%dma_start3A_410, %dma_start3A_411, %dma_start3A_412] : memref<2x256x128xf32, #tpu.memory_space<vmem>> -> memref<1x128x128xf32, #tpu.memory_space<vmem>>
      %dma_start3A_414 = tpu.memref_squeeze %dma_start3A_413 : memref<1x128x128xf32, #tpu.memory_space<vmem>> -> memref<128x128xf32, #tpu.memory_space<vmem>>
      %dma_start3A_415 = arith.constant 640 : i32
      %dma_start3A_416 = tpu.memref_slice %arg13[%rem3A_243, %dma_start3A_415] : memref<2x4096xi32, #tpu.memory_space<vmem>> -> memref<1x128xi32, #tpu.memory_space<vmem>>
      %dma_start3A_417 = tpu.memref_squeeze %dma_start3A_416 : memref<1x128xi32, #tpu.memory_space<vmem>> -> memref<128xi32, #tpu.memory_space<vmem>>
      %dma_start3A_418 = arith.constant 0 : i32
      %dma_start3A_419 = arith.constant 0 : i32
      %dma_start3A_420 = tpu.memref_slice %arg6[%dma_start3A_418, %dma_start3A_419] : memref<147456x128xf32, #tpu.memory_space<hbm>> -> memref<147456x128xf32, #tpu.memory_space<hbm>>
      tpu.enqueue_indirect_dma source(%dma_start3A_420 : memref<147456x128xf32, #tpu.memory_space<hbm>>) target(%dma_start3A_414 : memref<128x128xf32, #tpu.memory_space<vmem>>) offsets(%dma_start3A_417 : memref<128xi32, #tpu.memory_space<vmem>>) semaphore(%arg15 : memref<!tpu.dma_semaphore, #tpu.memory_space<semaphore_mem>>)
      %lt3A_421 = arith.constant 15 : i32
      %lt3A_422 = arith.cmpi slt, %scan3A_241, %lt3A_421 : i32
      %convert_element_type3A_423 = arith.extui %lt3A_422 : i1 to i32
      %cond3A_424 = arith.constant 0 : i32
      %cond3A_425 = arith.cmpi ne, %convert_element_type3A_423, %cond3A_424 : i32
      scf.if %cond3A_425 {
        %sub3A_1544 = arith.constant 1 : i32
        %sub3A_1545 = arith.subi %sub3A_1544, %rem3A_243 : i32
        %broadcast_in_dim3A_1546 = vector.broadcast %sub3A_1545 : i32 to vector<16xi32>
        %scan3A_1547 = arith.constant 0 : i32
        %scan3A_1548 = arith.constant 32 : i32
        %scan3A_1549 = arith.constant 16 : i32
        %scan3A_1550 = arith.addi %scan3A_1548, %scan3A_1549 : i32
        %scan3A_1551 = arith.constant 1 : i32
        scf.for %scan3A_1553 = %scan3A_1548 to %scan3A_1550 step %scan3A_1551  : i32 {
          %iota3A = tpu.iota {dimensions = array<i32: 0>} : vector<16xi32>
          %and3A = arith.constant 7 : i32
          %and3A_1554 = vector.broadcast %and3A : i32 to vector<16xi32>
          %and3A_1555 = arith.andi %iota3A, %and3A_1554 : vector<16xi32>
          %shift_right_logical3A = arith.constant 3 : i32
          %shift_right_logical3A_1556 = vector.broadcast %shift_right_logical3A : i32 to vector<16xi32>
          %shift_right_logical3A_1557 = arith.shrui %iota3A, %shift_right_logical3A_1556 : vector<16xi32>
          %mul3A_1558 = arith.constant 2 : i32
          %mul3A_1559 = arith.muli %mul3A_1558, %scan3A_1553 : i32
          %add3A_1560 = vector.broadcast %mul3A_1559 : i32 to vector<16xi32>
          %add3A_1561 = arith.addi %shift_right_logical3A_1557, %add3A_1560 : vector<16xi32>
          %mul3A_1562 = arith.constant 2 : i32
          %mul3A_1563 = vector.broadcast %mul3A_1562 : i32 to vector<16xi32>
          %mul3A_1564 = arith.muli %add3A_1561, %mul3A_1563 : vector<16xi32>
          %shift_right_logical3A_1565 = arith.constant 7 : i32
          %shift_right_logical3A_1566 = vector.broadcast %shift_right_logical3A_1565 : i32 to vector<16xi32>
          %shift_right_logical3A_1567 = arith.shrui %mul3A_1564, %shift_right_logical3A_1566 : vector<16xi32>
          %and3A_1568 = arith.constant 127 : i32
          %and3A_1569 = vector.broadcast %and3A_1568 : i32 to vector<16xi32>
          %and3A_1570 = arith.andi %mul3A_1564, %and3A_1569 : vector<16xi32>
          %gather3A = tpu.vector_load_idx %arg12[%broadcast_in_dim3A_1546, %shift_right_logical3A_1567, %and3A_1555, %and3A_1570] : memref<2x8x8x128xi32, #tpu.memory_space<vmem>>[vector<16xi32>, vector<16xi32>, vector<16xi32>, vector<16xi32>], vector<16xi32>,
          %add3A_1571 = arith.constant 1 : i32
          %add3A_1572 = vector.broadcast %add3A_1571 : i32 to vector<16xi32>
          %add3A_1573 = arith.addi %and3A_1570, %add3A_1572 : vector<16xi32>
          %gather3A_1574 = tpu.vector_load_idx %arg12[%broadcast_in_dim3A_1546, %shift_right_logical3A_1567, %and3A_1555, %add3A_1573] : memref<2x8x8x128xi32, #tpu.memory_space<vmem>>[vector<16xi32>, vector<16xi32>, vector<16xi32>, vector<16xi32>], vector<16xi32>,
          %mul3A_1575 = arith.constant 12 : i32
          %mul3A_1576 = vector.broadcast %mul3A_1575 : i32 to vector<16xi32>
          %mul3A_1577 = arith.muli %gather3A, %mul3A_1576 : vector<16xi32>
          %add3A_1578 = arith.addi %mul3A_1577, %gather3A_1574 : vector<16xi32>
          %mul3A_1579 = arith.constant 16 : i32
          %mul3A_1580 = arith.muli %scan3A_1553, %mul3A_1579 : i32
          %get3A = arith.index_cast %mul3A_1580 : i32 to index
          %get3A_1581 = tpu.vector_load %arg11[%get3A] {strides = array<i32>} : memref<4096xi32, #tpu.memory_space<vmem>>, vector<16xi32>,
          %add3A_1582 = arith.addi %add3A_1578, %get3A_1581 : vector<16xi32>
          %mul3A_1583 = arith.constant 16 : i32
          %mul3A_1584 = arith.muli %scan3A_1553, %mul3A_1583 : i32
          %swap3A = arith.index_cast %sub3A_1545 : i32 to index
          %swap3A_1585 = arith.index_cast %mul3A_1584 : i32 to index
          %swap3A_1586 = tpu.vector_load %arg13[%swap3A, %swap3A_1585] {strides = array<i32>} : memref<2x4096xi32, #tpu.memory_space<vmem>>, vector<16xi32>,
          tpu.vector_store %arg13[%swap3A, %swap3A_1585], %add3A_1582 {strides = array<i32>} : memref<2x4096xi32, #tpu.memory_space<vmem>>, vector<16xi32>,
        }
        %scan3A_1552 = arith.constant 16 : i32
      } else {
      }
      %dma_wait3A_426 = arith.constant 0 : i32
      %dma_wait3A_427 = arith.constant 0 : i32
      %dma_wait3A_428 = arith.constant 0 : i32
      %dma_wait3A_429 = tpu.memref_slice %arg14[%dma_wait3A_426, %dma_wait3A_427, %dma_wait3A_428] : memref<2x256x128xf32, #tpu.memory_space<vmem>> -> memref<1x128x128xf32, #tpu.memory_space<vmem>>
      %dma_wait3A_430 = tpu.memref_squeeze %dma_wait3A_429 : memref<1x128x128xf32, #tpu.memory_space<vmem>> -> memref<128x128xf32, #tpu.memory_space<vmem>>
      %dma_wait3A_431 = arith.constant 512 : i32
      %dma_wait3A_432 = tpu.memref_slice %arg13[%rem3A_243, %dma_wait3A_431] : memref<2x4096xi32, #tpu.memory_space<vmem>> -> memref<1x128xi32, #tpu.memory_space<vmem>>
      %dma_wait3A_433 = tpu.memref_squeeze %dma_wait3A_432 : memref<1x128xi32, #tpu.memory_space<vmem>> -> memref<128xi32, #tpu.memory_space<vmem>>
      %dma_wait3A_434 = arith.constant 0 : i32
      %dma_wait3A_435 = arith.constant 0 : i32
      %dma_wait3A_436 = tpu.memref_slice %arg6[%dma_wait3A_434, %dma_wait3A_435] : memref<147456x128xf32, #tpu.memory_space<hbm>> -> memref<147456x128xf32, #tpu.memory_space<hbm>>
      tpu.wait_indirect_dma semaphore(%arg15 : memref<!tpu.dma_semaphore, #tpu.memory_space<semaphore_mem>>) src(%dma_wait3A_436 : memref<147456x128xf32, #tpu.memory_space<hbm>>) dst(%dma_wait3A_430 : memref<128x128xf32, #tpu.memory_space<vmem>>)
      %dma_wait3A_437 = arith.constant 0 : i32
      %dma_wait3A_438 = arith.constant 128 : i32
      %dma_wait3A_439 = arith.constant 0 : i32
      %dma_wait3A_440 = tpu.memref_slice %arg14[%dma_wait3A_437, %dma_wait3A_438, %dma_wait3A_439] : memref<2x256x128xf32, #tpu.memory_space<vmem>> -> memref<1x128x128xf32, #tpu.memory_space<vmem>>
      %dma_wait3A_441 = tpu.memref_squeeze %dma_wait3A_440 : memref<1x128x128xf32, #tpu.memory_space<vmem>> -> memref<128x128xf32, #tpu.memory_space<vmem>>
      %dma_wait3A_442 = arith.constant 640 : i32
      %dma_wait3A_443 = tpu.memref_slice %arg13[%rem3A_243, %dma_wait3A_442] : memref<2x4096xi32, #tpu.memory_space<vmem>> -> memref<1x128xi32, #tpu.memory_space<vmem>>
      %dma_wait3A_444 = tpu.memref_squeeze %dma_wait3A_443 : memref<1x128xi32, #tpu.memory_space<vmem>> -> memref<128xi32, #tpu.memory_space<vmem>>
      %dma_wait3A_445 = arith.constant 0 : i32
      %dma_wait3A_446 = arith.constant 0 : i32
      %dma_wait3A_447 = tpu.memref_slice %arg6[%dma_wait3A_445, %dma_wait3A_446] : memref<147456x128xf32, #tpu.memory_space<hbm>> -> memref<147456x128xf32, #tpu.memory_space<hbm>>
      tpu.wait_indirect_dma semaphore(%arg15 : memref<!tpu.dma_semaphore, #tpu.memory_space<semaphore_mem>>) src(%dma_wait3A_447 : memref<147456x128xf32, #tpu.memory_space<hbm>>) dst(%dma_wait3A_441 : memref<128x128xf32, #tpu.memory_space<vmem>>)
      %dma_start3A_448 = arith.constant 0 : i32
      %dma_start3A_449 = arith.constant 0 : i32
      %dma_start3A_450 = arith.constant 0 : i32
      %dma_start3A_451 = tpu.memref_slice %arg14[%dma_start3A_448, %dma_start3A_449, %dma_start3A_450] : memref<2x256x128xf32, #tpu.memory_space<vmem>> -> memref<1x256x128xf32, #tpu.memory_space<vmem>>
      %dma_start3A_452 = tpu.memref_squeeze %dma_start3A_451 : memref<1x256x128xf32, #tpu.memory_space<vmem>> -> memref<256x128xf32, #tpu.memory_space<vmem>>
      %dma_start3A_453 = arith.constant 512 : i32
      %dma_start3A_454 = arith.constant 0 : i32
      %dma_start3A_455 = tpu.memref_slice %arg5[%add3A_242, %dma_start3A_453, %dma_start3A_454] : memref<512x4096x128xf32, #tpu.memory_space<hbm>> -> memref<1x256x128xf32, #tpu.memory_space<hbm>>
      %dma_start3A_456 = tpu.memref_squeeze %dma_start3A_455 : memref<1x256x128xf32, #tpu.memory_space<hbm>> -> memref<256x128xf32, #tpu.memory_space<hbm>>
      %dma_start3A_457 = arith.constant 512 : i32
      %dma_start3A_458 = arith.constant 0 : i32
      %dma_start3A_459 = tpu.memref_slice %arg5[%add3A_242, %dma_start3A_457, %dma_start3A_458] : memref<512x4096x128xf32, #tpu.memory_space<hbm>> -> memref<1x256x128xf32, #tpu.memory_space<hbm>>
      %dma_start3A_460 = tpu.memref_squeeze %dma_start3A_459 : memref<1x256x128xf32, #tpu.memory_space<hbm>> -> memref<256x128xf32, #tpu.memory_space<hbm>>
      %dma_start3A_461 = arith.constant 0 : i32
      %dma_start3A_462 = arith.constant 0 : i32
      %dma_start3A_463 = tpu.memref_slice %arg14[%dma_start3A_448, %dma_start3A_461, %dma_start3A_462] : memref<2x256x128xf32, #tpu.memory_space<vmem>> -> memref<1x256x128xf32, #tpu.memory_space<vmem>>
      %dma_start3A_464 = tpu.memref_squeeze %dma_start3A_463 : memref<1x256x128xf32, #tpu.memory_space<vmem>> -> memref<256x128xf32, #tpu.memory_space<vmem>>
      tpu.enqueue_dma source(%dma_start3A_464 : memref<256x128xf32, #tpu.memory_space<vmem>>) target(%dma_start3A_460 : memref<256x128xf32, #tpu.memory_space<hbm>>) target_semaphore(%arg18 : memref<!tpu.dma_semaphore, #tpu.memory_space<semaphore_mem>>)
      %dma_wait3A_465 = arith.constant 1 : i32
      %dma_wait3A_466 = arith.constant 0 : i32
      %dma_wait3A_467 = arith.constant 0 : i32
      %dma_wait3A_468 = tpu.memref_slice %arg14[%dma_wait3A_465, %dma_wait3A_466, %dma_wait3A_467] : memref<2x256x128xf32, #tpu.memory_space<vmem>> -> memref<1x256x128xf32, #tpu.memory_space<vmem>>
      %dma_wait3A_469 = tpu.memref_squeeze %dma_wait3A_468 : memref<1x256x128xf32, #tpu.memory_space<vmem>> -> memref<256x128xf32, #tpu.memory_space<vmem>>
      %dma_wait3A_470 = arith.constant 768 : i32
      %dma_wait3A_471 = arith.constant 0 : i32
      %dma_wait3A_472 = tpu.memref_slice %arg5[%add3A_242, %dma_wait3A_470, %dma_wait3A_471] : memref<512x4096x128xf32, #tpu.memory_space<hbm>> -> memref<1x256x128xf32, #tpu.memory_space<hbm>>
      %dma_wait3A_473 = tpu.memref_squeeze %dma_wait3A_472 : memref<1x256x128xf32, #tpu.memory_space<hbm>> -> memref<256x128xf32, #tpu.memory_space<hbm>>
      %dma_wait3A_474 = arith.constant 768 : i32
      %dma_wait3A_475 = arith.constant 0 : i32
      %dma_wait3A_476 = tpu.memref_slice %arg5[%add3A_242, %dma_wait3A_474, %dma_wait3A_475] : memref<512x4096x128xf32, #tpu.memory_space<hbm>> -> memref<1x256x128xf32, #tpu.memory_space<hbm>>
      %dma_wait3A_477 = tpu.memref_squeeze %dma_wait3A_476 : memref<1x256x128xf32, #tpu.memory_space<hbm>> -> memref<256x128xf32, #tpu.memory_space<hbm>>
      %dma_wait3A_478 = arith.constant 0 : i32
      %dma_wait3A_479 = arith.constant 0 : i32
      %dma_wait3A_480 = tpu.memref_slice %arg14[%dma_wait3A_465, %dma_wait3A_478, %dma_wait3A_479] : memref<2x256x128xf32, #tpu.memory_space<vmem>> -> memref<1x256x128xf32, #tpu.memory_space<vmem>>
      %dma_wait3A_481 = tpu.memref_squeeze %dma_wait3A_480 : memref<1x256x128xf32, #tpu.memory_space<vmem>> -> memref<256x128xf32, #tpu.memory_space<vmem>>
      tpu.wait_dma2 semaphore(%arg19 : memref<!tpu.dma_semaphore, #tpu.memory_space<semaphore_mem>>) src(%dma_wait3A_481 : memref<256x128xf32, #tpu.memory_space<vmem>>) dst(%dma_wait3A_477 : memref<256x128xf32, #tpu.memory_space<hbm>>)
      %dma_start3A_482 = arith.constant 1 : i32
      %dma_start3A_483 = arith.constant 0 : i32
      %dma_start3A_484 = arith.constant 0 : i32
      %dma_start3A_485 = tpu.memref_slice %arg14[%dma_start3A_482, %dma_start3A_483, %dma_start3A_484] : memref<2x256x128xf32, #tpu.memory_space<vmem>> -> memref<1x128x128xf32, #tpu.memory_space<vmem>>
      %dma_start3A_486 = tpu.memref_squeeze %dma_start3A_485 : memref<1x128x128xf32, #tpu.memory_space<vmem>> -> memref<128x128xf32, #tpu.memory_space<vmem>>
      %dma_start3A_487 = arith.constant 768 : i32
      %dma_start3A_488 = tpu.memref_slice %arg13[%rem3A_243, %dma_start3A_487] : memref<2x4096xi32, #tpu.memory_space<vmem>> -> memref<1x128xi32, #tpu.memory_space<vmem>>
      %dma_start3A_489 = tpu.memref_squeeze %dma_start3A_488 : memref<1x128xi32, #tpu.memory_space<vmem>> -> memref<128xi32, #tpu.memory_space<vmem>>
      %dma_start3A_490 = arith.constant 0 : i32
      %dma_start3A_491 = arith.constant 0 : i32
      %dma_start3A_492 = tpu.memref_slice %arg6[%dma_start3A_490, %dma_start3A_491] : memref<147456x128xf32, #tpu.memory_space<hbm>> -> memref<147456x128xf32, #tpu.memory_space<hbm>>
      tpu.enqueue_indirect_dma source(%dma_start3A_492 : memref<147456x128xf32, #tpu.memory_space<hbm>>) target(%dma_start3A_486 : memref<128x128xf32, #tpu.memory_space<vmem>>) offsets(%dma_start3A_489 : memref<128xi32, #tpu.memory_space<vmem>>) semaphore(%arg16 : memref<!tpu.dma_semaphore, #tpu.memory_space<semaphore_mem>>)
      %dma_start3A_493 = arith.constant 1 : i32
      %dma_start3A_494 = arith.constant 128 : i32
      %dma_start3A_495 = arith.constant 0 : i32
      %dma_start3A_496 = tpu.memref_slice %arg14[%dma_start3A_493, %dma_start3A_494, %dma_start3A_495] : memref<2x256x128xf32, #tpu.memory_space<vmem>> -> memref<1x128x128xf32, #tpu.memory_space<vmem>>
      %dma_start3A_497 = tpu.memref_squeeze %dma_start3A_496 : memref<1x128x128xf32, #tpu.memory_space<vmem>> -> memref<128x128xf32, #tpu.memory_space<vmem>>
      %dma_start3A_498 = arith.constant 896 : i32
      %dma_start3A_499 = tpu.memref_slice %arg13[%rem3A_243, %dma_start3A_498] : memref<2x4096xi32, #tpu.memory_space<vmem>> -> memref<1x128xi32, #tpu.memory_space<vmem>>
      %dma_start3A_500 = tpu.memref_squeeze %dma_start3A_499 : memref<1x128xi32, #tpu.memory_space<vmem>> -> memref<128xi32, #tpu.memory_space<vmem>>
      %dma_start3A_501 = arith.constant 0 : i32
      %dma_start3A_502 = arith.constant 0 : i32
      %dma_start3A_503 = tpu.memref_slice %arg6[%dma_start3A_501, %dma_start3A_502] : memref<147456x128xf32, #tpu.memory_space<hbm>> -> memref<147456x128xf32, #tpu.memory_space<hbm>>
      tpu.enqueue_indirect_dma source(%dma_start3A_503 : memref<147456x128xf32, #tpu.memory_space<hbm>>) target(%dma_start3A_497 : memref<128x128xf32, #tpu.memory_space<vmem>>) offsets(%dma_start3A_500 : memref<128xi32, #tpu.memory_space<vmem>>) semaphore(%arg16 : memref<!tpu.dma_semaphore, #tpu.memory_space<semaphore_mem>>)
      %lt3A_504 = arith.constant 15 : i32
      %lt3A_505 = arith.cmpi slt, %scan3A_241, %lt3A_504 : i32
      %convert_element_type3A_506 = arith.extui %lt3A_505 : i1 to i32
      %cond3A_507 = arith.constant 0 : i32
      %cond3A_508 = arith.cmpi ne, %convert_element_type3A_506, %cond3A_507 : i32
      scf.if %cond3A_508 {
        %sub3A_1544 = arith.constant 1 : i32
        %sub3A_1545 = arith.subi %sub3A_1544, %rem3A_243 : i32
        %broadcast_in_dim3A_1546 = vector.broadcast %sub3A_1545 : i32 to vector<16xi32>
        %scan3A_1547 = arith.constant 0 : i32
        %scan3A_1548 = arith.constant 48 : i32
        %scan3A_1549 = arith.constant 16 : i32
        %scan3A_1550 = arith.addi %scan3A_1548, %scan3A_1549 : i32
        %scan3A_1551 = arith.constant 1 : i32
        scf.for %scan3A_1553 = %scan3A_1548 to %scan3A_1550 step %scan3A_1551  : i32 {
          %iota3A = tpu.iota {dimensions = array<i32: 0>} : vector<16xi32>
          %and3A = arith.constant 7 : i32
          %and3A_1554 = vector.broadcast %and3A : i32 to vector<16xi32>
          %and3A_1555 = arith.andi %iota3A, %and3A_1554 : vector<16xi32>
          %shift_right_logical3A = arith.constant 3 : i32
          %shift_right_logical3A_1556 = vector.broadcast %shift_right_logical3A : i32 to vector<16xi32>
          %shift_right_logical3A_1557 = arith.shrui %iota3A, %shift_right_logical3A_1556 : vector<16xi32>
          %mul3A_1558 = arith.constant 2 : i32
          %mul3A_1559 = arith.muli %mul3A_1558, %scan3A_1553 : i32
          %add3A_1560 = vector.broadcast %mul3A_1559 : i32 to vector<16xi32>
          %add3A_1561 = arith.addi %shift_right_logical3A_1557, %add3A_1560 : vector<16xi32>
          %mul3A_1562 = arith.constant 2 : i32
          %mul3A_1563 = vector.broadcast %mul3A_1562 : i32 to vector<16xi32>
          %mul3A_1564 = arith.muli %add3A_1561, %mul3A_1563 : vector<16xi32>
          %shift_right_logical3A_1565 = arith.constant 7 : i32
          %shift_right_logical3A_1566 = vector.broadcast %shift_right_logical3A_1565 : i32 to vector<16xi32>
          %shift_right_logical3A_1567 = arith.shrui %mul3A_1564, %shift_right_logical3A_1566 : vector<16xi32>
          %and3A_1568 = arith.constant 127 : i32
          %and3A_1569 = vector.broadcast %and3A_1568 : i32 to vector<16xi32>
          %and3A_1570 = arith.andi %mul3A_1564, %and3A_1569 : vector<16xi32>
          %gather3A = tpu.vector_load_idx %arg12[%broadcast_in_dim3A_1546, %shift_right_logical3A_1567, %and3A_1555, %and3A_1570] : memref<2x8x8x128xi32, #tpu.memory_space<vmem>>[vector<16xi32>, vector<16xi32>, vector<16xi32>, vector<16xi32>], vector<16xi32>,
          %add3A_1571 = arith.constant 1 : i32
          %add3A_1572 = vector.broadcast %add3A_1571 : i32 to vector<16xi32>
          %add3A_1573 = arith.addi %and3A_1570, %add3A_1572 : vector<16xi32>
          %gather3A_1574 = tpu.vector_load_idx %arg12[%broadcast_in_dim3A_1546, %shift_right_logical3A_1567, %and3A_1555, %add3A_1573] : memref<2x8x8x128xi32, #tpu.memory_space<vmem>>[vector<16xi32>, vector<16xi32>, vector<16xi32>, vector<16xi32>], vector<16xi32>,
          %mul3A_1575 = arith.constant 12 : i32
          %mul3A_1576 = vector.broadcast %mul3A_1575 : i32 to vector<16xi32>
          %mul3A_1577 = arith.muli %gather3A, %mul3A_1576 : vector<16xi32>
          %add3A_1578 = arith.addi %mul3A_1577, %gather3A_1574 : vector<16xi32>
          %mul3A_1579 = arith.constant 16 : i32
          %mul3A_1580 = arith.muli %scan3A_1553, %mul3A_1579 : i32
          %get3A = arith.index_cast %mul3A_1580 : i32 to index
          %get3A_1581 = tpu.vector_load %arg11[%get3A] {strides = array<i32>} : memref<4096xi32, #tpu.memory_space<vmem>>, vector<16xi32>,
          %add3A_1582 = arith.addi %add3A_1578, %get3A_1581 : vector<16xi32>
          %mul3A_1583 = arith.constant 16 : i32
          %mul3A_1584 = arith.muli %scan3A_1553, %mul3A_1583 : i32
          %swap3A = arith.index_cast %sub3A_1545 : i32 to index
          %swap3A_1585 = arith.index_cast %mul3A_1584 : i32 to index
          %swap3A_1586 = tpu.vector_load %arg13[%swap3A, %swap3A_1585] {strides = array<i32>} : memref<2x4096xi32, #tpu.memory_space<vmem>>, vector<16xi32>,
          tpu.vector_store %arg13[%swap3A, %swap3A_1585], %add3A_1582 {strides = array<i32>} : memref<2x4096xi32, #tpu.memory_space<vmem>>, vector<16xi32>,
        }
        %scan3A_1552 = arith.constant 16 : i32
      } else {
      }
      %dma_wait3A_509 = arith.constant 1 : i32
      %dma_wait3A_510 = arith.constant 0 : i32
      %dma_wait3A_511 = arith.constant 0 : i32
      %dma_wait3A_512 = tpu.memref_slice %arg14[%dma_wait3A_509, %dma_wait3A_510, %dma_wait3A_511] : memref<2x256x128xf32, #tpu.memory_space<vmem>> -> memref<1x128x128xf32, #tpu.memory_space<vmem>>
      %dma_wait3A_513 = tpu.memref_squeeze %dma_wait3A_512 : memref<1x128x128xf32, #tpu.memory_space<vmem>> -> memref<128x128xf32, #tpu.memory_space<vmem>>
      %dma_wait3A_514 = arith.constant 768 : i32
      %dma_wait3A_515 = tpu.memref_slice %arg13[%rem3A_243, %dma_wait3A_514] : memref<2x4096xi32, #tpu.memory_space<vmem>> -> memref<1x128xi32, #tpu.memory_space<vmem>>
      %dma_wait3A_516 = tpu.memref_squeeze %dma_wait3A_515 : memref<1x128xi32, #tpu.memory_space<vmem>> -> memref<128xi32, #tpu.memory_space<vmem>>
      %dma_wait3A_517 = arith.constant 0 : i32
      %dma_wait3A_518 = arith.constant 0 : i32
      %dma_wait3A_519 = tpu.memref_slice %arg6[%dma_wait3A_517, %dma_wait3A_518] : memref<147456x128xf32, #tpu.memory_space<hbm>> -> memref<147456x128xf32, #tpu.memory_space<hbm>>
      tpu.wait_indirect_dma semaphore(%arg16 : memref<!tpu.dma_semaphore, #tpu.memory_space<semaphore_mem>>) src(%dma_wait3A_519 : memref<147456x128xf32, #tpu.memory_space<hbm>>) dst(%dma_wait3A_513 : memref<128x128xf32, #tpu.memory_space<vmem>>)
      %dma_wait3A_520 = arith.constant 1 : i32
      %dma_wait3A_521 = arith.constant 128 : i32
      %dma_wait3A_522 = arith.constant 0 : i32
      %dma_wait3A_523 = tpu.memref_slice %arg14[%dma_wait3A_520, %dma_wait3A_521, %dma_wait3A_522] : memref<2x256x128xf32, #tpu.memory_space<vmem>> -> memref<1x128x128xf32, #tpu.memory_space<vmem>>
      %dma_wait3A_524 = tpu.memref_squeeze %dma_wait3A_523 : memref<1x128x128xf32, #tpu.memory_space<vmem>> -> memref<128x128xf32, #tpu.memory_space<vmem>>
      %dma_wait3A_525 = arith.constant 896 : i32
      %dma_wait3A_526 = tpu.memref_slice %arg13[%rem3A_243, %dma_wait3A_525] : memref<2x4096xi32, #tpu.memory_space<vmem>> -> memref<1x128xi32, #tpu.memory_space<vmem>>
      %dma_wait3A_527 = tpu.memref_squeeze %dma_wait3A_526 : memref<1x128xi32, #tpu.memory_space<vmem>> -> memref<128xi32, #tpu.memory_space<vmem>>
      %dma_wait3A_528 = arith.constant 0 : i32
      %dma_wait3A_529 = arith.constant 0 : i32
      %dma_wait3A_530 = tpu.memref_slice %arg6[%dma_wait3A_528, %dma_wait3A_529] : memref<147456x128xf32, #tpu.memory_space<hbm>> -> memref<147456x128xf32, #tpu.memory_space<hbm>>
      tpu.wait_indirect_dma semaphore(%arg16 : memref<!tpu.dma_semaphore, #tpu.memory_space<semaphore_mem>>) src(%dma_wait3A_530 : memref<147456x128xf32, #tpu.memory_space<hbm>>) dst(%dma_wait3A_524 : memref<128x128xf32, #tpu.memory_space<vmem>>)
      %dma_start3A_531 = arith.constant 1 : i32
      %dma_start3A_532 = arith.constant 0 : i32
      %dma_start3A_533 = arith.constant 0 : i32
      %dma_start3A_534 = tpu.memref_slice %arg14[%dma_start3A_531, %dma_start3A_532, %dma_start3A_533] : memref<2x256x128xf32, #tpu.memory_space<vmem>> -> memref<1x256x128xf32, #tpu.memory_space<vmem>>
      %dma_start3A_535 = tpu.memref_squeeze %dma_start3A_534 : memref<1x256x128xf32, #tpu.memory_space<vmem>> -> memref<256x128xf32, #tpu.memory_space<vmem>>
      %dma_start3A_536 = arith.constant 768 : i32
      %dma_start3A_537 = arith.constant 0 : i32
      %dma_start3A_538 = tpu.memref_slice %arg5[%add3A_242, %dma_start3A_536, %dma_start3A_537] : memref<512x4096x128xf32, #tpu.memory_space<hbm>> -> memref<1x256x128xf32, #tpu.memory_space<hbm>>
      %dma_start3A_539 = tpu.memref_squeeze %dma_start3A_538 : memref<1x256x128xf32, #tpu.memory_space<hbm>> -> memref<256x128xf32, #tpu.memory_space<hbm>>
      %dma_start3A_540 = arith.constant 768 : i32
      %dma_start3A_541 = arith.constant 0 : i32
      %dma_start3A_542 = tpu.memref_slice %arg5[%add3A_242, %dma_start3A_540, %dma_start3A_541] : memref<512x4096x128xf32, #tpu.memory_space<hbm>> -> memref<1x256x128xf32, #tpu.memory_space<hbm>>
      %dma_start3A_543 = tpu.memref_squeeze %dma_start3A_542 : memref<1x256x128xf32, #tpu.memory_space<hbm>> -> memref<256x128xf32, #tpu.memory_space<hbm>>
      %dma_start3A_544 = arith.constant 0 : i32
      %dma_start3A_545 = arith.constant 0 : i32
      %dma_start3A_546 = tpu.memref_slice %arg14[%dma_start3A_531, %dma_start3A_544, %dma_start3A_545] : memref<2x256x128xf32, #tpu.memory_space<vmem>> -> memref<1x256x128xf32, #tpu.memory_space<vmem>>
      %dma_start3A_547 = tpu.memref_squeeze %dma_start3A_546 : memref<1x256x128xf32, #tpu.memory_space<vmem>> -> memref<256x128xf32, #tpu.memory_space<vmem>>
      tpu.enqueue_dma source(%dma_start3A_547 : memref<256x128xf32, #tpu.memory_space<vmem>>) target(%dma_start3A_543 : memref<256x128xf32, #tpu.memory_space<hbm>>) target_semaphore(%arg19 : memref<!tpu.dma_semaphore, #tpu.memory_space<semaphore_mem>>)
      %dma_wait3A_548 = arith.constant 0 : i32
      %dma_wait3A_549 = arith.constant 0 : i32
      %dma_wait3A_550 = arith.constant 0 : i32
      %dma_wait3A_551 = tpu.memref_slice %arg14[%dma_wait3A_548, %dma_wait3A_549, %dma_wait3A_550] : memref<2x256x128xf32, #tpu.memory_space<vmem>> -> memref<1x256x128xf32, #tpu.memory_space<vmem>>
      %dma_wait3A_552 = tpu.memref_squeeze %dma_wait3A_551 : memref<1x256x128xf32, #tpu.memory_space<vmem>> -> memref<256x128xf32, #tpu.memory_space<vmem>>
      %dma_wait3A_553 = arith.constant 1024 : i32
      %dma_wait3A_554 = arith.constant 0 : i32
      %dma_wait3A_555 = tpu.memref_slice %arg5[%add3A_242, %dma_wait3A_553, %dma_wait3A_554] : memref<512x4096x128xf32, #tpu.memory_space<hbm>> -> memref<1x256x128xf32, #tpu.memory_space<hbm>>
      %dma_wait3A_556 = tpu.memref_squeeze %dma_wait3A_555 : memref<1x256x128xf32, #tpu.memory_space<hbm>> -> memref<256x128xf32, #tpu.memory_space<hbm>>
      %dma_wait3A_557 = arith.constant 1024 : i32
      %dma_wait3A_558 = arith.constant 0 : i32
      %dma_wait3A_559 = tpu.memref_slice %arg5[%add3A_242, %dma_wait3A_557, %dma_wait3A_558] : memref<512x4096x128xf32, #tpu.memory_space<hbm>> -> memref<1x256x128xf32, #tpu.memory_space<hbm>>
      %dma_wait3A_560 = tpu.memref_squeeze %dma_wait3A_559 : memref<1x256x128xf32, #tpu.memory_space<hbm>> -> memref<256x128xf32, #tpu.memory_space<hbm>>
      %dma_wait3A_561 = arith.constant 0 : i32
      %dma_wait3A_562 = arith.constant 0 : i32
      %dma_wait3A_563 = tpu.memref_slice %arg14[%dma_wait3A_548, %dma_wait3A_561, %dma_wait3A_562] : memref<2x256x128xf32, #tpu.memory_space<vmem>> -> memref<1x256x128xf32, #tpu.memory_space<vmem>>
      %dma_wait3A_564 = tpu.memref_squeeze %dma_wait3A_563 : memref<1x256x128xf32, #tpu.memory_space<vmem>> -> memref<256x128xf32, #tpu.memory_space<vmem>>
      tpu.wait_dma2 semaphore(%arg18 : memref<!tpu.dma_semaphore, #tpu.memory_space<semaphore_mem>>) src(%dma_wait3A_564 : memref<256x128xf32, #tpu.memory_space<vmem>>) dst(%dma_wait3A_560 : memref<256x128xf32, #tpu.memory_space<hbm>>)
      %dma_start3A_565 = arith.constant 0 : i32
      %dma_start3A_566 = arith.constant 0 : i32
      %dma_start3A_567 = arith.constant 0 : i32
      %dma_start3A_568 = tpu.memref_slice %arg14[%dma_start3A_565, %dma_start3A_566, %dma_start3A_567] : memref<2x256x128xf32, #tpu.memory_space<vmem>> -> memref<1x128x128xf32, #tpu.memory_space<vmem>>
      %dma_start3A_569 = tpu.memref_squeeze %dma_start3A_568 : memref<1x128x128xf32, #tpu.memory_space<vmem>> -> memref<128x128xf32, #tpu.memory_space<vmem>>
      %dma_start3A_570 = arith.constant 1024 : i32
      %dma_start3A_571 = tpu.memref_slice %arg13[%rem3A_243, %dma_start3A_570] : memref<2x4096xi32, #tpu.memory_space<vmem>> -> memref<1x128xi32, #tpu.memory_space<vmem>>
      %dma_start3A_572 = tpu.memref_squeeze %dma_start3A_571 : memref<1x128xi32, #tpu.memory_space<vmem>> -> memref<128xi32, #tpu.memory_space<vmem>>
      %dma_start3A_573 = arith.constant 0 : i32
      %dma_start3A_574 = arith.constant 0 : i32
      %dma_start3A_575 = tpu.memref_slice %arg6[%dma_start3A_573, %dma_start3A_574] : memref<147456x128xf32, #tpu.memory_space<hbm>> -> memref<147456x128xf32, #tpu.memory_space<hbm>>
      tpu.enqueue_indirect_dma source(%dma_start3A_575 : memref<147456x128xf32, #tpu.memory_space<hbm>>) target(%dma_start3A_569 : memref<128x128xf32, #tpu.memory_space<vmem>>) offsets(%dma_start3A_572 : memref<128xi32, #tpu.memory_space<vmem>>) semaphore(%arg15 : memref<!tpu.dma_semaphore, #tpu.memory_space<semaphore_mem>>)
      %dma_start3A_576 = arith.constant 0 : i32
      %dma_start3A_577 = arith.constant 128 : i32
      %dma_start3A_578 = arith.constant 0 : i32
      %dma_start3A_579 = tpu.memref_slice %arg14[%dma_start3A_576, %dma_start3A_577, %dma_start3A_578] : memref<2x256x128xf32, #tpu.memory_space<vmem>> -> memref<1x128x128xf32, #tpu.memory_space<vmem>>
      %dma_start3A_580 = tpu.memref_squeeze %dma_start3A_579 : memref<1x128x128xf32, #tpu.memory_space<vmem>> -> memref<128x128xf32, #tpu.memory_space<vmem>>
      %dma_start3A_581 = arith.constant 1152 : i32
      %dma_start3A_582 = tpu.memref_slice %arg13[%rem3A_243, %dma_start3A_581] : memref<2x4096xi32, #tpu.memory_space<vmem>> -> memref<1x128xi32, #tpu.memory_space<vmem>>
      %dma_start3A_583 = tpu.memref_squeeze %dma_start3A_582 : memref<1x128xi32, #tpu.memory_space<vmem>> -> memref<128xi32, #tpu.memory_space<vmem>>
      %dma_start3A_584 = arith.constant 0 : i32
      %dma_start3A_585 = arith.constant 0 : i32
      %dma_start3A_586 = tpu.memref_slice %arg6[%dma_start3A_584, %dma_start3A_585] : memref<147456x128xf32, #tpu.memory_space<hbm>> -> memref<147456x128xf32, #tpu.memory_space<hbm>>
      tpu.enqueue_indirect_dma source(%dma_start3A_586 : memref<147456x128xf32, #tpu.memory_space<hbm>>) target(%dma_start3A_580 : memref<128x128xf32, #tpu.memory_space<vmem>>) offsets(%dma_start3A_583 : memref<128xi32, #tpu.memory_space<vmem>>) semaphore(%arg15 : memref<!tpu.dma_semaphore, #tpu.memory_space<semaphore_mem>>)
      %lt3A_587 = arith.constant 15 : i32
      %lt3A_588 = arith.cmpi slt, %scan3A_241, %lt3A_587 : i32
      %convert_element_type3A_589 = arith.extui %lt3A_588 : i1 to i32
      %cond3A_590 = arith.constant 0 : i32
      %cond3A_591 = arith.cmpi ne, %convert_element_type3A_589, %cond3A_590 : i32
      scf.if %cond3A_591 {
        %sub3A_1544 = arith.constant 1 : i32
        %sub3A_1545 = arith.subi %sub3A_1544, %rem3A_243 : i32
        %broadcast_in_dim3A_1546 = vector.broadcast %sub3A_1545 : i32 to vector<16xi32>
        %scan3A_1547 = arith.constant 0 : i32
        %scan3A_1548 = arith.constant 64 : i32
        %scan3A_1549 = arith.constant 16 : i32
        %scan3A_1550 = arith.addi %scan3A_1548, %scan3A_1549 : i32
        %scan3A_1551 = arith.constant 1 : i32
        scf.for %scan3A_1553 = %scan3A_1548 to %scan3A_1550 step %scan3A_1551  : i32 {
          %iota3A = tpu.iota {dimensions = array<i32: 0>} : vector<16xi32>
          %and3A = arith.constant 7 : i32
          %and3A_1554 = vector.broadcast %and3A : i32 to vector<16xi32>
          %and3A_1555 = arith.andi %iota3A, %and3A_1554 : vector<16xi32>
          %shift_right_logical3A = arith.constant 3 : i32
          %shift_right_logical3A_1556 = vector.broadcast %shift_right_logical3A : i32 to vector<16xi32>
          %shift_right_logical3A_1557 = arith.shrui %iota3A, %shift_right_logical3A_1556 : vector<16xi32>
          %mul3A_1558 = arith.constant 2 : i32
          %mul3A_1559 = arith.muli %mul3A_1558, %scan3A_1553 : i32
          %add3A_1560 = vector.broadcast %mul3A_1559 : i32 to vector<16xi32>
          %add3A_1561 = arith.addi %shift_right_logical3A_1557, %add3A_1560 : vector<16xi32>
          %mul3A_1562 = arith.constant 2 : i32
          %mul3A_1563 = vector.broadcast %mul3A_1562 : i32 to vector<16xi32>
          %mul3A_1564 = arith.muli %add3A_1561, %mul3A_1563 : vector<16xi32>
          %shift_right_logical3A_1565 = arith.constant 7 : i32
          %shift_right_logical3A_1566 = vector.broadcast %shift_right_logical3A_1565 : i32 to vector<16xi32>
          %shift_right_logical3A_1567 = arith.shrui %mul3A_1564, %shift_right_logical3A_1566 : vector<16xi32>
          %and3A_1568 = arith.constant 127 : i32
          %and3A_1569 = vector.broadcast %and3A_1568 : i32 to vector<16xi32>
          %and3A_1570 = arith.andi %mul3A_1564, %and3A_1569 : vector<16xi32>
          %gather3A = tpu.vector_load_idx %arg12[%broadcast_in_dim3A_1546, %shift_right_logical3A_1567, %and3A_1555, %and3A_1570] : memref<2x8x8x128xi32, #tpu.memory_space<vmem>>[vector<16xi32>, vector<16xi32>, vector<16xi32>, vector<16xi32>], vector<16xi32>,
          %add3A_1571 = arith.constant 1 : i32
          %add3A_1572 = vector.broadcast %add3A_1571 : i32 to vector<16xi32>
          %add3A_1573 = arith.addi %and3A_1570, %add3A_1572 : vector<16xi32>
          %gather3A_1574 = tpu.vector_load_idx %arg12[%broadcast_in_dim3A_1546, %shift_right_logical3A_1567, %and3A_1555, %add3A_1573] : memref<2x8x8x128xi32, #tpu.memory_space<vmem>>[vector<16xi32>, vector<16xi32>, vector<16xi32>, vector<16xi32>], vector<16xi32>,
          %mul3A_1575 = arith.constant 12 : i32
          %mul3A_1576 = vector.broadcast %mul3A_1575 : i32 to vector<16xi32>
          %mul3A_1577 = arith.muli %gather3A, %mul3A_1576 : vector<16xi32>
          %add3A_1578 = arith.addi %mul3A_1577, %gather3A_1574 : vector<16xi32>
          %mul3A_1579 = arith.constant 16 : i32
          %mul3A_1580 = arith.muli %scan3A_1553, %mul3A_1579 : i32
          %get3A = arith.index_cast %mul3A_1580 : i32 to index
          %get3A_1581 = tpu.vector_load %arg11[%get3A] {strides = array<i32>} : memref<4096xi32, #tpu.memory_space<vmem>>, vector<16xi32>,
          %add3A_1582 = arith.addi %add3A_1578, %get3A_1581 : vector<16xi32>
          %mul3A_1583 = arith.constant 16 : i32
          %mul3A_1584 = arith.muli %scan3A_1553, %mul3A_1583 : i32
          %swap3A = arith.index_cast %sub3A_1545 : i32 to index
          %swap3A_1585 = arith.index_cast %mul3A_1584 : i32 to index
          %swap3A_1586 = tpu.vector_load %arg13[%swap3A, %swap3A_1585] {strides = array<i32>} : memref<2x4096xi32, #tpu.memory_space<vmem>>, vector<16xi32>,
          tpu.vector_store %arg13[%swap3A, %swap3A_1585], %add3A_1582 {strides = array<i32>} : memref<2x4096xi32, #tpu.memory_space<vmem>>, vector<16xi32>,
        }
        %scan3A_1552 = arith.constant 16 : i32
      } else {
      }
      %dma_wait3A_592 = arith.constant 0 : i32
      %dma_wait3A_593 = arith.constant 0 : i32
      %dma_wait3A_594 = arith.constant 0 : i32
      %dma_wait3A_595 = tpu.memref_slice %arg14[%dma_wait3A_592, %dma_wait3A_593, %dma_wait3A_594] : memref<2x256x128xf32, #tpu.memory_space<vmem>> -> memref<1x128x128xf32, #tpu.memory_space<vmem>>
      %dma_wait3A_596 = tpu.memref_squeeze %dma_wait3A_595 : memref<1x128x128xf32, #tpu.memory_space<vmem>> -> memref<128x128xf32, #tpu.memory_space<vmem>>
      %dma_wait3A_597 = arith.constant 1024 : i32
      %dma_wait3A_598 = tpu.memref_slice %arg13[%rem3A_243, %dma_wait3A_597] : memref<2x4096xi32, #tpu.memory_space<vmem>> -> memref<1x128xi32, #tpu.memory_space<vmem>>
      %dma_wait3A_599 = tpu.memref_squeeze %dma_wait3A_598 : memref<1x128xi32, #tpu.memory_space<vmem>> -> memref<128xi32, #tpu.memory_space<vmem>>
      %dma_wait3A_600 = arith.constant 0 : i32
      %dma_wait3A_601 = arith.constant 0 : i32
      %dma_wait3A_602 = tpu.memref_slice %arg6[%dma_wait3A_600, %dma_wait3A_601] : memref<147456x128xf32, #tpu.memory_space<hbm>> -> memref<147456x128xf32, #tpu.memory_space<hbm>>
      tpu.wait_indirect_dma semaphore(%arg15 : memref<!tpu.dma_semaphore, #tpu.memory_space<semaphore_mem>>) src(%dma_wait3A_602 : memref<147456x128xf32, #tpu.memory_space<hbm>>) dst(%dma_wait3A_596 : memref<128x128xf32, #tpu.memory_space<vmem>>)
      %dma_wait3A_603 = arith.constant 0 : i32
      %dma_wait3A_604 = arith.constant 128 : i32
      %dma_wait3A_605 = arith.constant 0 : i32
      %dma_wait3A_606 = tpu.memref_slice %arg14[%dma_wait3A_603, %dma_wait3A_604, %dma_wait3A_605] : memref<2x256x128xf32, #tpu.memory_space<vmem>> -> memref<1x128x128xf32, #tpu.memory_space<vmem>>
      %dma_wait3A_607 = tpu.memref_squeeze %dma_wait3A_606 : memref<1x128x128xf32, #tpu.memory_space<vmem>> -> memref<128x128xf32, #tpu.memory_space<vmem>>
      %dma_wait3A_608 = arith.constant 1152 : i32
      %dma_wait3A_609 = tpu.memref_slice %arg13[%rem3A_243, %dma_wait3A_608] : memref<2x4096xi32, #tpu.memory_space<vmem>> -> memref<1x128xi32, #tpu.memory_space<vmem>>
      %dma_wait3A_610 = tpu.memref_squeeze %dma_wait3A_609 : memref<1x128xi32, #tpu.memory_space<vmem>> -> memref<128xi32, #tpu.memory_space<vmem>>
      %dma_wait3A_611 = arith.constant 0 : i32
      %dma_wait3A_612 = arith.constant 0 : i32
      %dma_wait3A_613 = tpu.memref_slice %arg6[%dma_wait3A_611, %dma_wait3A_612] : memref<147456x128xf32, #tpu.memory_space<hbm>> -> memref<147456x128xf32, #tpu.memory_space<hbm>>
      tpu.wait_indirect_dma semaphore(%arg15 : memref<!tpu.dma_semaphore, #tpu.memory_space<semaphore_mem>>) src(%dma_wait3A_613 : memref<147456x128xf32, #tpu.memory_space<hbm>>) dst(%dma_wait3A_607 : memref<128x128xf32, #tpu.memory_space<vmem>>)
      %dma_start3A_614 = arith.constant 0 : i32
      %dma_start3A_615 = arith.constant 0 : i32
      %dma_start3A_616 = arith.constant 0 : i32
      %dma_start3A_617 = tpu.memref_slice %arg14[%dma_start3A_614, %dma_start3A_615, %dma_start3A_616] : memref<2x256x128xf32, #tpu.memory_space<vmem>> -> memref<1x256x128xf32, #tpu.memory_space<vmem>>
      %dma_start3A_618 = tpu.memref_squeeze %dma_start3A_617 : memref<1x256x128xf32, #tpu.memory_space<vmem>> -> memref<256x128xf32, #tpu.memory_space<vmem>>
      %dma_start3A_619 = arith.constant 1024 : i32
      %dma_start3A_620 = arith.constant 0 : i32
      %dma_start3A_621 = tpu.memref_slice %arg5[%add3A_242, %dma_start3A_619, %dma_start3A_620] : memref<512x4096x128xf32, #tpu.memory_space<hbm>> -> memref<1x256x128xf32, #tpu.memory_space<hbm>>
      %dma_start3A_622 = tpu.memref_squeeze %dma_start3A_621 : memref<1x256x128xf32, #tpu.memory_space<hbm>> -> memref<256x128xf32, #tpu.memory_space<hbm>>
      %dma_start3A_623 = arith.constant 1024 : i32
      %dma_start3A_624 = arith.constant 0 : i32
      %dma_start3A_625 = tpu.memref_slice %arg5[%add3A_242, %dma_start3A_623, %dma_start3A_624] : memref<512x4096x128xf32, #tpu.memory_space<hbm>> -> memref<1x256x128xf32, #tpu.memory_space<hbm>>
      %dma_start3A_626 = tpu.memref_squeeze %dma_start3A_625 : memref<1x256x128xf32, #tpu.memory_space<hbm>> -> memref<256x128xf32, #tpu.memory_space<hbm>>
      %dma_start3A_627 = arith.constant 0 : i32
      %dma_start3A_628 = arith.constant 0 : i32
      %dma_start3A_629 = tpu.memref_slice %arg14[%dma_start3A_614, %dma_start3A_627, %dma_start3A_628] : memref<2x256x128xf32, #tpu.memory_space<vmem>> -> memref<1x256x128xf32, #tpu.memory_space<vmem>>
      %dma_start3A_630 = tpu.memref_squeeze %dma_start3A_629 : memref<1x256x128xf32, #tpu.memory_space<vmem>> -> memref<256x128xf32, #tpu.memory_space<vmem>>
      tpu.enqueue_dma source(%dma_start3A_630 : memref<256x128xf32, #tpu.memory_space<vmem>>) target(%dma_start3A_626 : memref<256x128xf32, #tpu.memory_space<hbm>>) target_semaphore(%arg18 : memref<!tpu.dma_semaphore, #tpu.memory_space<semaphore_mem>>)
      %dma_wait3A_631 = arith.constant 1 : i32
      %dma_wait3A_632 = arith.constant 0 : i32
      %dma_wait3A_633 = arith.constant 0 : i32
      %dma_wait3A_634 = tpu.memref_slice %arg14[%dma_wait3A_631, %dma_wait3A_632, %dma_wait3A_633] : memref<2x256x128xf32, #tpu.memory_space<vmem>> -> memref<1x256x128xf32, #tpu.memory_space<vmem>>
      %dma_wait3A_635 = tpu.memref_squeeze %dma_wait3A_634 : memref<1x256x128xf32, #tpu.memory_space<vmem>> -> memref<256x128xf32, #tpu.memory_space<vmem>>
      %dma_wait3A_636 = arith.constant 1280 : i32
      %dma_wait3A_637 = arith.constant 0 : i32
      %dma_wait3A_638 = tpu.memref_slice %arg5[%add3A_242, %dma_wait3A_636, %dma_wait3A_637] : memref<512x4096x128xf32, #tpu.memory_space<hbm>> -> memref<1x256x128xf32, #tpu.memory_space<hbm>>
      %dma_wait3A_639 = tpu.memref_squeeze %dma_wait3A_638 : memref<1x256x128xf32, #tpu.memory_space<hbm>> -> memref<256x128xf32, #tpu.memory_space<hbm>>
      %dma_wait3A_640 = arith.constant 1280 : i32
      %dma_wait3A_641 = arith.constant 0 : i32
      %dma_wait3A_642 = tpu.memref_slice %arg5[%add3A_242, %dma_wait3A_640, %dma_wait3A_641] : memref<512x4096x128xf32, #tpu.memory_space<hbm>> -> memref<1x256x128xf32, #tpu.memory_space<hbm>>
      %dma_wait3A_643 = tpu.memref_squeeze %dma_wait3A_642 : memref<1x256x128xf32, #tpu.memory_space<hbm>> -> memref<256x128xf32, #tpu.memory_space<hbm>>
      %dma_wait3A_644 = arith.constant 0 : i32
      %dma_wait3A_645 = arith.constant 0 : i32
      %dma_wait3A_646 = tpu.memref_slice %arg14[%dma_wait3A_631, %dma_wait3A_644, %dma_wait3A_645] : memref<2x256x128xf32, #tpu.memory_space<vmem>> -> memref<1x256x128xf32, #tpu.memory_space<vmem>>
      %dma_wait3A_647 = tpu.memref_squeeze %dma_wait3A_646 : memref<1x256x128xf32, #tpu.memory_space<vmem>> -> memref<256x128xf32, #tpu.memory_space<vmem>>
      tpu.wait_dma2 semaphore(%arg19 : memref<!tpu.dma_semaphore, #tpu.memory_space<semaphore_mem>>) src(%dma_wait3A_647 : memref<256x128xf32, #tpu.memory_space<vmem>>) dst(%dma_wait3A_643 : memref<256x128xf32, #tpu.memory_space<hbm>>)
      %dma_start3A_648 = arith.constant 1 : i32
      %dma_start3A_649 = arith.constant 0 : i32
      %dma_start3A_650 = arith.constant 0 : i32
      %dma_start3A_651 = tpu.memref_slice %arg14[%dma_start3A_648, %dma_start3A_649, %dma_start3A_650] : memref<2x256x128xf32, #tpu.memory_space<vmem>> -> memref<1x128x128xf32, #tpu.memory_space<vmem>>
      %dma_start3A_652 = tpu.memref_squeeze %dma_start3A_651 : memref<1x128x128xf32, #tpu.memory_space<vmem>> -> memref<128x128xf32, #tpu.memory_space<vmem>>
      %dma_start3A_653 = arith.constant 1280 : i32
      %dma_start3A_654 = tpu.memref_slice %arg13[%rem3A_243, %dma_start3A_653] : memref<2x4096xi32, #tpu.memory_space<vmem>> -> memref<1x128xi32, #tpu.memory_space<vmem>>
      %dma_start3A_655 = tpu.memref_squeeze %dma_start3A_654 : memref<1x128xi32, #tpu.memory_space<vmem>> -> memref<128xi32, #tpu.memory_space<vmem>>
      %dma_start3A_656 = arith.constant 0 : i32
      %dma_start3A_657 = arith.constant 0 : i32
      %dma_start3A_658 = tpu.memref_slice %arg6[%dma_start3A_656, %dma_start3A_657] : memref<147456x128xf32, #tpu.memory_space<hbm>> -> memref<147456x128xf32, #tpu.memory_space<hbm>>
      tpu.enqueue_indirect_dma source(%dma_start3A_658 : memref<147456x128xf32, #tpu.memory_space<hbm>>) target(%dma_start3A_652 : memref<128x128xf32, #tpu.memory_space<vmem>>) offsets(%dma_start3A_655 : memref<128xi32, #tpu.memory_space<vmem>>) semaphore(%arg16 : memref<!tpu.dma_semaphore, #tpu.memory_space<semaphore_mem>>)
      %dma_start3A_659 = arith.constant 1 : i32
      %dma_start3A_660 = arith.constant 128 : i32
      %dma_start3A_661 = arith.constant 0 : i32
      %dma_start3A_662 = tpu.memref_slice %arg14[%dma_start3A_659, %dma_start3A_660, %dma_start3A_661] : memref<2x256x128xf32, #tpu.memory_space<vmem>> -> memref<1x128x128xf32, #tpu.memory_space<vmem>>
      %dma_start3A_663 = tpu.memref_squeeze %dma_start3A_662 : memref<1x128x128xf32, #tpu.memory_space<vmem>> -> memref<128x128xf32, #tpu.memory_space<vmem>>
      %dma_start3A_664 = arith.constant 1408 : i32
      %dma_start3A_665 = tpu.memref_slice %arg13[%rem3A_243, %dma_start3A_664] : memref<2x4096xi32, #tpu.memory_space<vmem>> -> memref<1x128xi32, #tpu.memory_space<vmem>>
      %dma_start3A_666 = tpu.memref_squeeze %dma_start3A_665 : memref<1x128xi32, #tpu.memory_space<vmem>> -> memref<128xi32, #tpu.memory_space<vmem>>
      %dma_start3A_667 = arith.constant 0 : i32
      %dma_start3A_668 = arith.constant 0 : i32
      %dma_start3A_669 = tpu.memref_slice %arg6[%dma_start3A_667, %dma_start3A_668] : memref<147456x128xf32, #tpu.memory_space<hbm>> -> memref<147456x128xf32, #tpu.memory_space<hbm>>
      tpu.enqueue_indirect_dma source(%dma_start3A_669 : memref<147456x128xf32, #tpu.memory_space<hbm>>) target(%dma_start3A_663 : memref<128x128xf32, #tpu.memory_space<vmem>>) offsets(%dma_start3A_666 : memref<128xi32, #tpu.memory_space<vmem>>) semaphore(%arg16 : memref<!tpu.dma_semaphore, #tpu.memory_space<semaphore_mem>>)
      %lt3A_670 = arith.constant 15 : i32
      %lt3A_671 = arith.cmpi slt, %scan3A_241, %lt3A_670 : i32
      %convert_element_type3A_672 = arith.extui %lt3A_671 : i1 to i32
      %cond3A_673 = arith.constant 0 : i32
      %cond3A_674 = arith.cmpi ne, %convert_element_type3A_672, %cond3A_673 : i32
      scf.if %cond3A_674 {
        %sub3A_1544 = arith.constant 1 : i32
        %sub3A_1545 = arith.subi %sub3A_1544, %rem3A_243 : i32
        %broadcast_in_dim3A_1546 = vector.broadcast %sub3A_1545 : i32 to vector<16xi32>
        %scan3A_1547 = arith.constant 0 : i32
        %scan3A_1548 = arith.constant 80 : i32
        %scan3A_1549 = arith.constant 16 : i32
        %scan3A_1550 = arith.addi %scan3A_1548, %scan3A_1549 : i32
        %scan3A_1551 = arith.constant 1 : i32
        scf.for %scan3A_1553 = %scan3A_1548 to %scan3A_1550 step %scan3A_1551  : i32 {
          %iota3A = tpu.iota {dimensions = array<i32: 0>} : vector<16xi32>
          %and3A = arith.constant 7 : i32
          %and3A_1554 = vector.broadcast %and3A : i32 to vector<16xi32>
          %and3A_1555 = arith.andi %iota3A, %and3A_1554 : vector<16xi32>
          %shift_right_logical3A = arith.constant 3 : i32
          %shift_right_logical3A_1556 = vector.broadcast %shift_right_logical3A : i32 to vector<16xi32>
          %shift_right_logical3A_1557 = arith.shrui %iota3A, %shift_right_logical3A_1556 : vector<16xi32>
          %mul3A_1558 = arith.constant 2 : i32
          %mul3A_1559 = arith.muli %mul3A_1558, %scan3A_1553 : i32
          %add3A_1560 = vector.broadcast %mul3A_1559 : i32 to vector<16xi32>
          %add3A_1561 = arith.addi %shift_right_logical3A_1557, %add3A_1560 : vector<16xi32>
          %mul3A_1562 = arith.constant 2 : i32
          %mul3A_1563 = vector.broadcast %mul3A_1562 : i32 to vector<16xi32>
          %mul3A_1564 = arith.muli %add3A_1561, %mul3A_1563 : vector<16xi32>
          %shift_right_logical3A_1565 = arith.constant 7 : i32
          %shift_right_logical3A_1566 = vector.broadcast %shift_right_logical3A_1565 : i32 to vector<16xi32>
          %shift_right_logical3A_1567 = arith.shrui %mul3A_1564, %shift_right_logical3A_1566 : vector<16xi32>
          %and3A_1568 = arith.constant 127 : i32
          %and3A_1569 = vector.broadcast %and3A_1568 : i32 to vector<16xi32>
          %and3A_1570 = arith.andi %mul3A_1564, %and3A_1569 : vector<16xi32>
          %gather3A = tpu.vector_load_idx %arg12[%broadcast_in_dim3A_1546, %shift_right_logical3A_1567, %and3A_1555, %and3A_1570] : memref<2x8x8x128xi32, #tpu.memory_space<vmem>>[vector<16xi32>, vector<16xi32>, vector<16xi32>, vector<16xi32>], vector<16xi32>,
          %add3A_1571 = arith.constant 1 : i32
          %add3A_1572 = vector.broadcast %add3A_1571 : i32 to vector<16xi32>
          %add3A_1573 = arith.addi %and3A_1570, %add3A_1572 : vector<16xi32>
          %gather3A_1574 = tpu.vector_load_idx %arg12[%broadcast_in_dim3A_1546, %shift_right_logical3A_1567, %and3A_1555, %add3A_1573] : memref<2x8x8x128xi32, #tpu.memory_space<vmem>>[vector<16xi32>, vector<16xi32>, vector<16xi32>, vector<16xi32>], vector<16xi32>,
          %mul3A_1575 = arith.constant 12 : i32
          %mul3A_1576 = vector.broadcast %mul3A_1575 : i32 to vector<16xi32>
          %mul3A_1577 = arith.muli %gather3A, %mul3A_1576 : vector<16xi32>
          %add3A_1578 = arith.addi %mul3A_1577, %gather3A_1574 : vector<16xi32>
          %mul3A_1579 = arith.constant 16 : i32
          %mul3A_1580 = arith.muli %scan3A_1553, %mul3A_1579 : i32
          %get3A = arith.index_cast %mul3A_1580 : i32 to index
          %get3A_1581 = tpu.vector_load %arg11[%get3A] {strides = array<i32>} : memref<4096xi32, #tpu.memory_space<vmem>>, vector<16xi32>,
          %add3A_1582 = arith.addi %add3A_1578, %get3A_1581 : vector<16xi32>
          %mul3A_1583 = arith.constant 16 : i32
          %mul3A_1584 = arith.muli %scan3A_1553, %mul3A_1583 : i32
          %swap3A = arith.index_cast %sub3A_1545 : i32 to index
          %swap3A_1585 = arith.index_cast %mul3A_1584 : i32 to index
          %swap3A_1586 = tpu.vector_load %arg13[%swap3A, %swap3A_1585] {strides = array<i32>} : memref<2x4096xi32, #tpu.memory_space<vmem>>, vector<16xi32>,
          tpu.vector_store %arg13[%swap3A, %swap3A_1585], %add3A_1582 {strides = array<i32>} : memref<2x4096xi32, #tpu.memory_space<vmem>>, vector<16xi32>,
        }
        %scan3A_1552 = arith.constant 16 : i32
      } else {
      }
      %dma_wait3A_675 = arith.constant 1 : i32
      %dma_wait3A_676 = arith.constant 0 : i32
      %dma_wait3A_677 = arith.constant 0 : i32
      %dma_wait3A_678 = tpu.memref_slice %arg14[%dma_wait3A_675, %dma_wait3A_676, %dma_wait3A_677] : memref<2x256x128xf32, #tpu.memory_space<vmem>> -> memref<1x128x128xf32, #tpu.memory_space<vmem>>
      %dma_wait3A_679 = tpu.memref_squeeze %dma_wait3A_678 : memref<1x128x128xf32, #tpu.memory_space<vmem>> -> memref<128x128xf32, #tpu.memory_space<vmem>>
      %dma_wait3A_680 = arith.constant 1280 : i32
      %dma_wait3A_681 = tpu.memref_slice %arg13[%rem3A_243, %dma_wait3A_680] : memref<2x4096xi32, #tpu.memory_space<vmem>> -> memref<1x128xi32, #tpu.memory_space<vmem>>
      %dma_wait3A_682 = tpu.memref_squeeze %dma_wait3A_681 : memref<1x128xi32, #tpu.memory_space<vmem>> -> memref<128xi32, #tpu.memory_space<vmem>>
      %dma_wait3A_683 = arith.constant 0 : i32
      %dma_wait3A_684 = arith.constant 0 : i32
      %dma_wait3A_685 = tpu.memref_slice %arg6[%dma_wait3A_683, %dma_wait3A_684] : memref<147456x128xf32, #tpu.memory_space<hbm>> -> memref<147456x128xf32, #tpu.memory_space<hbm>>
      tpu.wait_indirect_dma semaphore(%arg16 : memref<!tpu.dma_semaphore, #tpu.memory_space<semaphore_mem>>) src(%dma_wait3A_685 : memref<147456x128xf32, #tpu.memory_space<hbm>>) dst(%dma_wait3A_679 : memref<128x128xf32, #tpu.memory_space<vmem>>)
      %dma_wait3A_686 = arith.constant 1 : i32
      %dma_wait3A_687 = arith.constant 128 : i32
      %dma_wait3A_688 = arith.constant 0 : i32
      %dma_wait3A_689 = tpu.memref_slice %arg14[%dma_wait3A_686, %dma_wait3A_687, %dma_wait3A_688] : memref<2x256x128xf32, #tpu.memory_space<vmem>> -> memref<1x128x128xf32, #tpu.memory_space<vmem>>
      %dma_wait3A_690 = tpu.memref_squeeze %dma_wait3A_689 : memref<1x128x128xf32, #tpu.memory_space<vmem>> -> memref<128x128xf32, #tpu.memory_space<vmem>>
      %dma_wait3A_691 = arith.constant 1408 : i32
      %dma_wait3A_692 = tpu.memref_slice %arg13[%rem3A_243, %dma_wait3A_691] : memref<2x4096xi32, #tpu.memory_space<vmem>> -> memref<1x128xi32, #tpu.memory_space<vmem>>
      %dma_wait3A_693 = tpu.memref_squeeze %dma_wait3A_692 : memref<1x128xi32, #tpu.memory_space<vmem>> -> memref<128xi32, #tpu.memory_space<vmem>>
      %dma_wait3A_694 = arith.constant 0 : i32
      %dma_wait3A_695 = arith.constant 0 : i32
      %dma_wait3A_696 = tpu.memref_slice %arg6[%dma_wait3A_694, %dma_wait3A_695] : memref<147456x128xf32, #tpu.memory_space<hbm>> -> memref<147456x128xf32, #tpu.memory_space<hbm>>
      tpu.wait_indirect_dma semaphore(%arg16 : memref<!tpu.dma_semaphore, #tpu.memory_space<semaphore_mem>>) src(%dma_wait3A_696 : memref<147456x128xf32, #tpu.memory_space<hbm>>) dst(%dma_wait3A_690 : memref<128x128xf32, #tpu.memory_space<vmem>>)
      %dma_start3A_697 = arith.constant 1 : i32
      %dma_start3A_698 = arith.constant 0 : i32
      %dma_start3A_699 = arith.constant 0 : i32
      %dma_start3A_700 = tpu.memref_slice %arg14[%dma_start3A_697, %dma_start3A_698, %dma_start3A_699] : memref<2x256x128xf32, #tpu.memory_space<vmem>> -> memref<1x256x128xf32, #tpu.memory_space<vmem>>
      %dma_start3A_701 = tpu.memref_squeeze %dma_start3A_700 : memref<1x256x128xf32, #tpu.memory_space<vmem>> -> memref<256x128xf32, #tpu.memory_space<vmem>>
      %dma_start3A_702 = arith.constant 1280 : i32
      %dma_start3A_703 = arith.constant 0 : i32
      %dma_start3A_704 = tpu.memref_slice %arg5[%add3A_242, %dma_start3A_702, %dma_start3A_703] : memref<512x4096x128xf32, #tpu.memory_space<hbm>> -> memref<1x256x128xf32, #tpu.memory_space<hbm>>
      %dma_start3A_705 = tpu.memref_squeeze %dma_start3A_704 : memref<1x256x128xf32, #tpu.memory_space<hbm>> -> memref<256x128xf32, #tpu.memory_space<hbm>>
      %dma_start3A_706 = arith.constant 1280 : i32
      %dma_start3A_707 = arith.constant 0 : i32
      %dma_start3A_708 = tpu.memref_slice %arg5[%add3A_242, %dma_start3A_706, %dma_start3A_707] : memref<512x4096x128xf32, #tpu.memory_space<hbm>> -> memref<1x256x128xf32, #tpu.memory_space<hbm>>
      %dma_start3A_709 = tpu.memref_squeeze %dma_start3A_708 : memref<1x256x128xf32, #tpu.memory_space<hbm>> -> memref<256x128xf32, #tpu.memory_space<hbm>>
      %dma_start3A_710 = arith.constant 0 : i32
      %dma_start3A_711 = arith.constant 0 : i32
      %dma_start3A_712 = tpu.memref_slice %arg14[%dma_start3A_697, %dma_start3A_710, %dma_start3A_711] : memref<2x256x128xf32, #tpu.memory_space<vmem>> -> memref<1x256x128xf32, #tpu.memory_space<vmem>>
      %dma_start3A_713 = tpu.memref_squeeze %dma_start3A_712 : memref<1x256x128xf32, #tpu.memory_space<vmem>> -> memref<256x128xf32, #tpu.memory_space<vmem>>
      tpu.enqueue_dma source(%dma_start3A_713 : memref<256x128xf32, #tpu.memory_space<vmem>>) target(%dma_start3A_709 : memref<256x128xf32, #tpu.memory_space<hbm>>) target_semaphore(%arg19 : memref<!tpu.dma_semaphore, #tpu.memory_space<semaphore_mem>>)
      %dma_wait3A_714 = arith.constant 0 : i32
      %dma_wait3A_715 = arith.constant 0 : i32
      %dma_wait3A_716 = arith.constant 0 : i32
      %dma_wait3A_717 = tpu.memref_slice %arg14[%dma_wait3A_714, %dma_wait3A_715, %dma_wait3A_716] : memref<2x256x128xf32, #tpu.memory_space<vmem>> -> memref<1x256x128xf32, #tpu.memory_space<vmem>>
      %dma_wait3A_718 = tpu.memref_squeeze %dma_wait3A_717 : memref<1x256x128xf32, #tpu.memory_space<vmem>> -> memref<256x128xf32, #tpu.memory_space<vmem>>
      %dma_wait3A_719 = arith.constant 1536 : i32
      %dma_wait3A_720 = arith.constant 0 : i32
      %dma_wait3A_721 = tpu.memref_slice %arg5[%add3A_242, %dma_wait3A_719, %dma_wait3A_720] : memref<512x4096x128xf32, #tpu.memory_space<hbm>> -> memref<1x256x128xf32, #tpu.memory_space<hbm>>
      %dma_wait3A_722 = tpu.memref_squeeze %dma_wait3A_721 : memref<1x256x128xf32, #tpu.memory_space<hbm>> -> memref<256x128xf32, #tpu.memory_space<hbm>>
      %dma_wait3A_723 = arith.constant 1536 : i32
      %dma_wait3A_724 = arith.constant 0 : i32
      %dma_wait3A_725 = tpu.memref_slice %arg5[%add3A_242, %dma_wait3A_723, %dma_wait3A_724] : memref<512x4096x128xf32, #tpu.memory_space<hbm>> -> memref<1x256x128xf32, #tpu.memory_space<hbm>>
      %dma_wait3A_726 = tpu.memref_squeeze %dma_wait3A_725 : memref<1x256x128xf32, #tpu.memory_space<hbm>> -> memref<256x128xf32, #tpu.memory_space<hbm>>
      %dma_wait3A_727 = arith.constant 0 : i32
      %dma_wait3A_728 = arith.constant 0 : i32
      %dma_wait3A_729 = tpu.memref_slice %arg14[%dma_wait3A_714, %dma_wait3A_727, %dma_wait3A_728] : memref<2x256x128xf32, #tpu.memory_space<vmem>> -> memref<1x256x128xf32, #tpu.memory_space<vmem>>
      %dma_wait3A_730 = tpu.memref_squeeze %dma_wait3A_729 : memref<1x256x128xf32, #tpu.memory_space<vmem>> -> memref<256x128xf32, #tpu.memory_space<vmem>>
      tpu.wait_dma2 semaphore(%arg18 : memref<!tpu.dma_semaphore, #tpu.memory_space<semaphore_mem>>) src(%dma_wait3A_730 : memref<256x128xf32, #tpu.memory_space<vmem>>) dst(%dma_wait3A_726 : memref<256x128xf32, #tpu.memory_space<hbm>>)
      %dma_start3A_731 = arith.constant 0 : i32
      %dma_start3A_732 = arith.constant 0 : i32
      %dma_start3A_733 = arith.constant 0 : i32
      %dma_start3A_734 = tpu.memref_slice %arg14[%dma_start3A_731, %dma_start3A_732, %dma_start3A_733] : memref<2x256x128xf32, #tpu.memory_space<vmem>> -> memref<1x128x128xf32, #tpu.memory_space<vmem>>
      %dma_start3A_735 = tpu.memref_squeeze %dma_start3A_734 : memref<1x128x128xf32, #tpu.memory_space<vmem>> -> memref<128x128xf32, #tpu.memory_space<vmem>>
      %dma_start3A_736 = arith.constant 1536 : i32
      %dma_start3A_737 = tpu.memref_slice %arg13[%rem3A_243, %dma_start3A_736] : memref<2x4096xi32, #tpu.memory_space<vmem>> -> memref<1x128xi32, #tpu.memory_space<vmem>>
      %dma_start3A_738 = tpu.memref_squeeze %dma_start3A_737 : memref<1x128xi32, #tpu.memory_space<vmem>> -> memref<128xi32, #tpu.memory_space<vmem>>
      %dma_start3A_739 = arith.constant 0 : i32
      %dma_start3A_740 = arith.constant 0 : i32
      %dma_start3A_741 = tpu.memref_slice %arg6[%dma_start3A_739, %dma_start3A_740] : memref<147456x128xf32, #tpu.memory_space<hbm>> -> memref<147456x128xf32, #tpu.memory_space<hbm>>
      tpu.enqueue_indirect_dma source(%dma_start3A_741 : memref<147456x128xf32, #tpu.memory_space<hbm>>) target(%dma_start3A_735 : memref<128x128xf32, #tpu.memory_space<vmem>>) offsets(%dma_start3A_738 : memref<128xi32, #tpu.memory_space<vmem>>) semaphore(%arg15 : memref<!tpu.dma_semaphore, #tpu.memory_space<semaphore_mem>>)
      %dma_start3A_742 = arith.constant 0 : i32
      %dma_start3A_743 = arith.constant 128 : i32
      %dma_start3A_744 = arith.constant 0 : i32
      %dma_start3A_745 = tpu.memref_slice %arg14[%dma_start3A_742, %dma_start3A_743, %dma_start3A_744] : memref<2x256x128xf32, #tpu.memory_space<vmem>> -> memref<1x128x128xf32, #tpu.memory_space<vmem>>
      %dma_start3A_746 = tpu.memref_squeeze %dma_start3A_745 : memref<1x128x128xf32, #tpu.memory_space<vmem>> -> memref<128x128xf32, #tpu.memory_space<vmem>>
      %dma_start3A_747 = arith.constant 1664 : i32
      %dma_start3A_748 = tpu.memref_slice %arg13[%rem3A_243, %dma_start3A_747] : memref<2x4096xi32, #tpu.memory_space<vmem>> -> memref<1x128xi32, #tpu.memory_space<vmem>>
      %dma_start3A_749 = tpu.memref_squeeze %dma_start3A_748 : memref<1x128xi32, #tpu.memory_space<vmem>> -> memref<128xi32, #tpu.memory_space<vmem>>
      %dma_start3A_750 = arith.constant 0 : i32
      %dma_start3A_751 = arith.constant 0 : i32
      %dma_start3A_752 = tpu.memref_slice %arg6[%dma_start3A_750, %dma_start3A_751] : memref<147456x128xf32, #tpu.memory_space<hbm>> -> memref<147456x128xf32, #tpu.memory_space<hbm>>
      tpu.enqueue_indirect_dma source(%dma_start3A_752 : memref<147456x128xf32, #tpu.memory_space<hbm>>) target(%dma_start3A_746 : memref<128x128xf32, #tpu.memory_space<vmem>>) offsets(%dma_start3A_749 : memref<128xi32, #tpu.memory_space<vmem>>) semaphore(%arg15 : memref<!tpu.dma_semaphore, #tpu.memory_space<semaphore_mem>>)
      %lt3A_753 = arith.constant 15 : i32
      %lt3A_754 = arith.cmpi slt, %scan3A_241, %lt3A_753 : i32
      %convert_element_type3A_755 = arith.extui %lt3A_754 : i1 to i32
      %cond3A_756 = arith.constant 0 : i32
      %cond3A_757 = arith.cmpi ne, %convert_element_type3A_755, %cond3A_756 : i32
      scf.if %cond3A_757 {
        %sub3A_1544 = arith.constant 1 : i32
        %sub3A_1545 = arith.subi %sub3A_1544, %rem3A_243 : i32
        %broadcast_in_dim3A_1546 = vector.broadcast %sub3A_1545 : i32 to vector<16xi32>
        %scan3A_1547 = arith.constant 0 : i32
        %scan3A_1548 = arith.constant 96 : i32
        %scan3A_1549 = arith.constant 16 : i32
        %scan3A_1550 = arith.addi %scan3A_1548, %scan3A_1549 : i32
        %scan3A_1551 = arith.constant 1 : i32
        scf.for %scan3A_1553 = %scan3A_1548 to %scan3A_1550 step %scan3A_1551  : i32 {
          %iota3A = tpu.iota {dimensions = array<i32: 0>} : vector<16xi32>
          %and3A = arith.constant 7 : i32
          %and3A_1554 = vector.broadcast %and3A : i32 to vector<16xi32>
          %and3A_1555 = arith.andi %iota3A, %and3A_1554 : vector<16xi32>
          %shift_right_logical3A = arith.constant 3 : i32
          %shift_right_logical3A_1556 = vector.broadcast %shift_right_logical3A : i32 to vector<16xi32>
          %shift_right_logical3A_1557 = arith.shrui %iota3A, %shift_right_logical3A_1556 : vector<16xi32>
          %mul3A_1558 = arith.constant 2 : i32
          %mul3A_1559 = arith.muli %mul3A_1558, %scan3A_1553 : i32
          %add3A_1560 = vector.broadcast %mul3A_1559 : i32 to vector<16xi32>
          %add3A_1561 = arith.addi %shift_right_logical3A_1557, %add3A_1560 : vector<16xi32>
          %mul3A_1562 = arith.constant 2 : i32
          %mul3A_1563 = vector.broadcast %mul3A_1562 : i32 to vector<16xi32>
          %mul3A_1564 = arith.muli %add3A_1561, %mul3A_1563 : vector<16xi32>
          %shift_right_logical3A_1565 = arith.constant 7 : i32
          %shift_right_logical3A_1566 = vector.broadcast %shift_right_logical3A_1565 : i32 to vector<16xi32>
          %shift_right_logical3A_1567 = arith.shrui %mul3A_1564, %shift_right_logical3A_1566 : vector<16xi32>
          %and3A_1568 = arith.constant 127 : i32
          %and3A_1569 = vector.broadcast %and3A_1568 : i32 to vector<16xi32>
          %and3A_1570 = arith.andi %mul3A_1564, %and3A_1569 : vector<16xi32>
          %gather3A = tpu.vector_load_idx %arg12[%broadcast_in_dim3A_1546, %shift_right_logical3A_1567, %and3A_1555, %and3A_1570] : memref<2x8x8x128xi32, #tpu.memory_space<vmem>>[vector<16xi32>, vector<16xi32>, vector<16xi32>, vector<16xi32>], vector<16xi32>,
          %add3A_1571 = arith.constant 1 : i32
          %add3A_1572 = vector.broadcast %add3A_1571 : i32 to vector<16xi32>
          %add3A_1573 = arith.addi %and3A_1570, %add3A_1572 : vector<16xi32>
          %gather3A_1574 = tpu.vector_load_idx %arg12[%broadcast_in_dim3A_1546, %shift_right_logical3A_1567, %and3A_1555, %add3A_1573] : memref<2x8x8x128xi32, #tpu.memory_space<vmem>>[vector<16xi32>, vector<16xi32>, vector<16xi32>, vector<16xi32>], vector<16xi32>,
          %mul3A_1575 = arith.constant 12 : i32
          %mul3A_1576 = vector.broadcast %mul3A_1575 : i32 to vector<16xi32>
          %mul3A_1577 = arith.muli %gather3A, %mul3A_1576 : vector<16xi32>
          %add3A_1578 = arith.addi %mul3A_1577, %gather3A_1574 : vector<16xi32>
          %mul3A_1579 = arith.constant 16 : i32
          %mul3A_1580 = arith.muli %scan3A_1553, %mul3A_1579 : i32
          %get3A = arith.index_cast %mul3A_1580 : i32 to index
          %get3A_1581 = tpu.vector_load %arg11[%get3A] {strides = array<i32>} : memref<4096xi32, #tpu.memory_space<vmem>>, vector<16xi32>,
          %add3A_1582 = arith.addi %add3A_1578, %get3A_1581 : vector<16xi32>
          %mul3A_1583 = arith.constant 16 : i32
          %mul3A_1584 = arith.muli %scan3A_1553, %mul3A_1583 : i32
          %swap3A = arith.index_cast %sub3A_1545 : i32 to index
          %swap3A_1585 = arith.index_cast %mul3A_1584 : i32 to index
          %swap3A_1586 = tpu.vector_load %arg13[%swap3A, %swap3A_1585] {strides = array<i32>} : memref<2x4096xi32, #tpu.memory_space<vmem>>, vector<16xi32>,
          tpu.vector_store %arg13[%swap3A, %swap3A_1585], %add3A_1582 {strides = array<i32>} : memref<2x4096xi32, #tpu.memory_space<vmem>>, vector<16xi32>,
        }
        %scan3A_1552 = arith.constant 16 : i32
      } else {
      }
      %dma_wait3A_758 = arith.constant 0 : i32
      %dma_wait3A_759 = arith.constant 0 : i32
      %dma_wait3A_760 = arith.constant 0 : i32
      %dma_wait3A_761 = tpu.memref_slice %arg14[%dma_wait3A_758, %dma_wait3A_759, %dma_wait3A_760] : memref<2x256x128xf32, #tpu.memory_space<vmem>> -> memref<1x128x128xf32, #tpu.memory_space<vmem>>
      %dma_wait3A_762 = tpu.memref_squeeze %dma_wait3A_761 : memref<1x128x128xf32, #tpu.memory_space<vmem>> -> memref<128x128xf32, #tpu.memory_space<vmem>>
      %dma_wait3A_763 = arith.constant 1536 : i32
      %dma_wait3A_764 = tpu.memref_slice %arg13[%rem3A_243, %dma_wait3A_763] : memref<2x4096xi32, #tpu.memory_space<vmem>> -> memref<1x128xi32, #tpu.memory_space<vmem>>
      %dma_wait3A_765 = tpu.memref_squeeze %dma_wait3A_764 : memref<1x128xi32, #tpu.memory_space<vmem>> -> memref<128xi32, #tpu.memory_space<vmem>>
      %dma_wait3A_766 = arith.constant 0 : i32
      %dma_wait3A_767 = arith.constant 0 : i32
      %dma_wait3A_768 = tpu.memref_slice %arg6[%dma_wait3A_766, %dma_wait3A_767] : memref<147456x128xf32, #tpu.memory_space<hbm>> -> memref<147456x128xf32, #tpu.memory_space<hbm>>
      tpu.wait_indirect_dma semaphore(%arg15 : memref<!tpu.dma_semaphore, #tpu.memory_space<semaphore_mem>>) src(%dma_wait3A_768 : memref<147456x128xf32, #tpu.memory_space<hbm>>) dst(%dma_wait3A_762 : memref<128x128xf32, #tpu.memory_space<vmem>>)
      %dma_wait3A_769 = arith.constant 0 : i32
      %dma_wait3A_770 = arith.constant 128 : i32
      %dma_wait3A_771 = arith.constant 0 : i32
      %dma_wait3A_772 = tpu.memref_slice %arg14[%dma_wait3A_769, %dma_wait3A_770, %dma_wait3A_771] : memref<2x256x128xf32, #tpu.memory_space<vmem>> -> memref<1x128x128xf32, #tpu.memory_space<vmem>>
      %dma_wait3A_773 = tpu.memref_squeeze %dma_wait3A_772 : memref<1x128x128xf32, #tpu.memory_space<vmem>> -> memref<128x128xf32, #tpu.memory_space<vmem>>
      %dma_wait3A_774 = arith.constant 1664 : i32
      %dma_wait3A_775 = tpu.memref_slice %arg13[%rem3A_243, %dma_wait3A_774] : memref<2x4096xi32, #tpu.memory_space<vmem>> -> memref<1x128xi32, #tpu.memory_space<vmem>>
      %dma_wait3A_776 = tpu.memref_squeeze %dma_wait3A_775 : memref<1x128xi32, #tpu.memory_space<vmem>> -> memref<128xi32, #tpu.memory_space<vmem>>
      %dma_wait3A_777 = arith.constant 0 : i32
      %dma_wait3A_778 = arith.constant 0 : i32
      %dma_wait3A_779 = tpu.memref_slice %arg6[%dma_wait3A_777, %dma_wait3A_778] : memref<147456x128xf32, #tpu.memory_space<hbm>> -> memref<147456x128xf32, #tpu.memory_space<hbm>>
      tpu.wait_indirect_dma semaphore(%arg15 : memref<!tpu.dma_semaphore, #tpu.memory_space<semaphore_mem>>) src(%dma_wait3A_779 : memref<147456x128xf32, #tpu.memory_space<hbm>>) dst(%dma_wait3A_773 : memref<128x128xf32, #tpu.memory_space<vmem>>)
      %dma_start3A_780 = arith.constant 0 : i32
      %dma_start3A_781 = arith.constant 0 : i32
      %dma_start3A_782 = arith.constant 0 : i32
      %dma_start3A_783 = tpu.memref_slice %arg14[%dma_start3A_780, %dma_start3A_781, %dma_start3A_782] : memref<2x256x128xf32, #tpu.memory_space<vmem>> -> memref<1x256x128xf32, #tpu.memory_space<vmem>>
      %dma_start3A_784 = tpu.memref_squeeze %dma_start3A_783 : memref<1x256x128xf32, #tpu.memory_space<vmem>> -> memref<256x128xf32, #tpu.memory_space<vmem>>
      %dma_start3A_785 = arith.constant 1536 : i32
      %dma_start3A_786 = arith.constant 0 : i32
      %dma_start3A_787 = tpu.memref_slice %arg5[%add3A_242, %dma_start3A_785, %dma_start3A_786] : memref<512x4096x128xf32, #tpu.memory_space<hbm>> -> memref<1x256x128xf32, #tpu.memory_space<hbm>>
      %dma_start3A_788 = tpu.memref_squeeze %dma_start3A_787 : memref<1x256x128xf32, #tpu.memory_space<hbm>> -> memref<256x128xf32, #tpu.memory_space<hbm>>
      %dma_start3A_789 = arith.constant 1536 : i32
      %dma_start3A_790 = arith.constant 0 : i32
      %dma_start3A_791 = tpu.memref_slice %arg5[%add3A_242, %dma_start3A_789, %dma_start3A_790] : memref<512x4096x128xf32, #tpu.memory_space<hbm>> -> memref<1x256x128xf32, #tpu.memory_space<hbm>>
      %dma_start3A_792 = tpu.memref_squeeze %dma_start3A_791 : memref<1x256x128xf32, #tpu.memory_space<hbm>> -> memref<256x128xf32, #tpu.memory_space<hbm>>
      %dma_start3A_793 = arith.constant 0 : i32
      %dma_start3A_794 = arith.constant 0 : i32
      %dma_start3A_795 = tpu.memref_slice %arg14[%dma_start3A_780, %dma_start3A_793, %dma_start3A_794] : memref<2x256x128xf32, #tpu.memory_space<vmem>> -> memref<1x256x128xf32, #tpu.memory_space<vmem>>
      %dma_start3A_796 = tpu.memref_squeeze %dma_start3A_795 : memref<1x256x128xf32, #tpu.memory_space<vmem>> -> memref<256x128xf32, #tpu.memory_space<vmem>>
      tpu.enqueue_dma source(%dma_start3A_796 : memref<256x128xf32, #tpu.memory_space<vmem>>) target(%dma_start3A_792 : memref<256x128xf32, #tpu.memory_space<hbm>>) target_semaphore(%arg18 : memref<!tpu.dma_semaphore, #tpu.memory_space<semaphore_mem>>)
      %dma_wait3A_797 = arith.constant 1 : i32
      %dma_wait3A_798 = arith.constant 0 : i32
      %dma_wait3A_799 = arith.constant 0 : i32
      %dma_wait3A_800 = tpu.memref_slice %arg14[%dma_wait3A_797, %dma_wait3A_798, %dma_wait3A_799] : memref<2x256x128xf32, #tpu.memory_space<vmem>> -> memref<1x256x128xf32, #tpu.memory_space<vmem>>
      %dma_wait3A_801 = tpu.memref_squeeze %dma_wait3A_800 : memref<1x256x128xf32, #tpu.memory_space<vmem>> -> memref<256x128xf32, #tpu.memory_space<vmem>>
      %dma_wait3A_802 = arith.constant 1792 : i32
      %dma_wait3A_803 = arith.constant 0 : i32
      %dma_wait3A_804 = tpu.memref_slice %arg5[%add3A_242, %dma_wait3A_802, %dma_wait3A_803] : memref<512x4096x128xf32, #tpu.memory_space<hbm>> -> memref<1x256x128xf32, #tpu.memory_space<hbm>>
      %dma_wait3A_805 = tpu.memref_squeeze %dma_wait3A_804 : memref<1x256x128xf32, #tpu.memory_space<hbm>> -> memref<256x128xf32, #tpu.memory_space<hbm>>
      %dma_wait3A_806 = arith.constant 1792 : i32
      %dma_wait3A_807 = arith.constant 0 : i32
      %dma_wait3A_808 = tpu.memref_slice %arg5[%add3A_242, %dma_wait3A_806, %dma_wait3A_807] : memref<512x4096x128xf32, #tpu.memory_space<hbm>> -> memref<1x256x128xf32, #tpu.memory_space<hbm>>
      %dma_wait3A_809 = tpu.memref_squeeze %dma_wait3A_808 : memref<1x256x128xf32, #tpu.memory_space<hbm>> -> memref<256x128xf32, #tpu.memory_space<hbm>>
      %dma_wait3A_810 = arith.constant 0 : i32
      %dma_wait3A_811 = arith.constant 0 : i32
      %dma_wait3A_812 = tpu.memref_slice %arg14[%dma_wait3A_797, %dma_wait3A_810, %dma_wait3A_811] : memref<2x256x128xf32, #tpu.memory_space<vmem>> -> memref<1x256x128xf32, #tpu.memory_space<vmem>>
      %dma_wait3A_813 = tpu.memref_squeeze %dma_wait3A_812 : memref<1x256x128xf32, #tpu.memory_space<vmem>> -> memref<256x128xf32, #tpu.memory_space<vmem>>
      tpu.wait_dma2 semaphore(%arg19 : memref<!tpu.dma_semaphore, #tpu.memory_space<semaphore_mem>>) src(%dma_wait3A_813 : memref<256x128xf32, #tpu.memory_space<vmem>>) dst(%dma_wait3A_809 : memref<256x128xf32, #tpu.memory_space<hbm>>)
      %dma_start3A_814 = arith.constant 1 : i32
      %dma_start3A_815 = arith.constant 0 : i32
      %dma_start3A_816 = arith.constant 0 : i32
      %dma_start3A_817 = tpu.memref_slice %arg14[%dma_start3A_814, %dma_start3A_815, %dma_start3A_816] : memref<2x256x128xf32, #tpu.memory_space<vmem>> -> memref<1x128x128xf32, #tpu.memory_space<vmem>>
      %dma_start3A_818 = tpu.memref_squeeze %dma_start3A_817 : memref<1x128x128xf32, #tpu.memory_space<vmem>> -> memref<128x128xf32, #tpu.memory_space<vmem>>
      %dma_start3A_819 = arith.constant 1792 : i32
      %dma_start3A_820 = tpu.memref_slice %arg13[%rem3A_243, %dma_start3A_819] : memref<2x4096xi32, #tpu.memory_space<vmem>> -> memref<1x128xi32, #tpu.memory_space<vmem>>
      %dma_start3A_821 = tpu.memref_squeeze %dma_start3A_820 : memref<1x128xi32, #tpu.memory_space<vmem>> -> memref<128xi32, #tpu.memory_space<vmem>>
      %dma_start3A_822 = arith.constant 0 : i32
      %dma_start3A_823 = arith.constant 0 : i32
      %dma_start3A_824 = tpu.memref_slice %arg6[%dma_start3A_822, %dma_start3A_823] : memref<147456x128xf32, #tpu.memory_space<hbm>> -> memref<147456x128xf32, #tpu.memory_space<hbm>>
      tpu.enqueue_indirect_dma source(%dma_start3A_824 : memref<147456x128xf32, #tpu.memory_space<hbm>>) target(%dma_start3A_818 : memref<128x128xf32, #tpu.memory_space<vmem>>) offsets(%dma_start3A_821 : memref<128xi32, #tpu.memory_space<vmem>>) semaphore(%arg16 : memref<!tpu.dma_semaphore, #tpu.memory_space<semaphore_mem>>)
      %dma_start3A_825 = arith.constant 1 : i32
      %dma_start3A_826 = arith.constant 128 : i32
      %dma_start3A_827 = arith.constant 0 : i32
      %dma_start3A_828 = tpu.memref_slice %arg14[%dma_start3A_825, %dma_start3A_826, %dma_start3A_827] : memref<2x256x128xf32, #tpu.memory_space<vmem>> -> memref<1x128x128xf32, #tpu.memory_space<vmem>>
      %dma_start3A_829 = tpu.memref_squeeze %dma_start3A_828 : memref<1x128x128xf32, #tpu.memory_space<vmem>> -> memref<128x128xf32, #tpu.memory_space<vmem>>
      %dma_start3A_830 = arith.constant 1920 : i32
      %dma_start3A_831 = tpu.memref_slice %arg13[%rem3A_243, %dma_start3A_830] : memref<2x4096xi32, #tpu.memory_space<vmem>> -> memref<1x128xi32, #tpu.memory_space<vmem>>
      %dma_start3A_832 = tpu.memref_squeeze %dma_start3A_831 : memref<1x128xi32, #tpu.memory_space<vmem>> -> memref<128xi32, #tpu.memory_space<vmem>>
      %dma_start3A_833 = arith.constant 0 : i32
      %dma_start3A_834 = arith.constant 0 : i32
      %dma_start3A_835 = tpu.memref_slice %arg6[%dma_start3A_833, %dma_start3A_834] : memref<147456x128xf32, #tpu.memory_space<hbm>> -> memref<147456x128xf32, #tpu.memory_space<hbm>>
      tpu.enqueue_indirect_dma source(%dma_start3A_835 : memref<147456x128xf32, #tpu.memory_space<hbm>>) target(%dma_start3A_829 : memref<128x128xf32, #tpu.memory_space<vmem>>) offsets(%dma_start3A_832 : memref<128xi32, #tpu.memory_space<vmem>>) semaphore(%arg16 : memref<!tpu.dma_semaphore, #tpu.memory_space<semaphore_mem>>)
      %lt3A_836 = arith.constant 15 : i32
      %lt3A_837 = arith.cmpi slt, %scan3A_241, %lt3A_836 : i32
      %convert_element_type3A_838 = arith.extui %lt3A_837 : i1 to i32
      %cond3A_839 = arith.constant 0 : i32
      %cond3A_840 = arith.cmpi ne, %convert_element_type3A_838, %cond3A_839 : i32
      scf.if %cond3A_840 {
        %sub3A_1544 = arith.constant 1 : i32
        %sub3A_1545 = arith.subi %sub3A_1544, %rem3A_243 : i32
        %broadcast_in_dim3A_1546 = vector.broadcast %sub3A_1545 : i32 to vector<16xi32>
        %scan3A_1547 = arith.constant 0 : i32
        %scan3A_1548 = arith.constant 112 : i32
        %scan3A_1549 = arith.constant 16 : i32
        %scan3A_1550 = arith.addi %scan3A_1548, %scan3A_1549 : i32
        %scan3A_1551 = arith.constant 1 : i32
        scf.for %scan3A_1553 = %scan3A_1548 to %scan3A_1550 step %scan3A_1551  : i32 {
          %iota3A = tpu.iota {dimensions = array<i32: 0>} : vector<16xi32>
          %and3A = arith.constant 7 : i32
          %and3A_1554 = vector.broadcast %and3A : i32 to vector<16xi32>
          %and3A_1555 = arith.andi %iota3A, %and3A_1554 : vector<16xi32>
          %shift_right_logical3A = arith.constant 3 : i32
          %shift_right_logical3A_1556 = vector.broadcast %shift_right_logical3A : i32 to vector<16xi32>
          %shift_right_logical3A_1557 = arith.shrui %iota3A, %shift_right_logical3A_1556 : vector<16xi32>
          %mul3A_1558 = arith.constant 2 : i32
          %mul3A_1559 = arith.muli %mul3A_1558, %scan3A_1553 : i32
          %add3A_1560 = vector.broadcast %mul3A_1559 : i32 to vector<16xi32>
          %add3A_1561 = arith.addi %shift_right_logical3A_1557, %add3A_1560 : vector<16xi32>
          %mul3A_1562 = arith.constant 2 : i32
          %mul3A_1563 = vector.broadcast %mul3A_1562 : i32 to vector<16xi32>
          %mul3A_1564 = arith.muli %add3A_1561, %mul3A_1563 : vector<16xi32>
          %shift_right_logical3A_1565 = arith.constant 7 : i32
          %shift_right_logical3A_1566 = vector.broadcast %shift_right_logical3A_1565 : i32 to vector<16xi32>
          %shift_right_logical3A_1567 = arith.shrui %mul3A_1564, %shift_right_logical3A_1566 : vector<16xi32>
          %and3A_1568 = arith.constant 127 : i32
          %and3A_1569 = vector.broadcast %and3A_1568 : i32 to vector<16xi32>
          %and3A_1570 = arith.andi %mul3A_1564, %and3A_1569 : vector<16xi32>
          %gather3A = tpu.vector_load_idx %arg12[%broadcast_in_dim3A_1546, %shift_right_logical3A_1567, %and3A_1555, %and3A_1570] : memref<2x8x8x128xi32, #tpu.memory_space<vmem>>[vector<16xi32>, vector<16xi32>, vector<16xi32>, vector<16xi32>], vector<16xi32>,
          %add3A_1571 = arith.constant 1 : i32
          %add3A_1572 = vector.broadcast %add3A_1571 : i32 to vector<16xi32>
          %add3A_1573 = arith.addi %and3A_1570, %add3A_1572 : vector<16xi32>
          %gather3A_1574 = tpu.vector_load_idx %arg12[%broadcast_in_dim3A_1546, %shift_right_logical3A_1567, %and3A_1555, %add3A_1573] : memref<2x8x8x128xi32, #tpu.memory_space<vmem>>[vector<16xi32>, vector<16xi32>, vector<16xi32>, vector<16xi32>], vector<16xi32>,
          %mul3A_1575 = arith.constant 12 : i32
          %mul3A_1576 = vector.broadcast %mul3A_1575 : i32 to vector<16xi32>
          %mul3A_1577 = arith.muli %gather3A, %mul3A_1576 : vector<16xi32>
          %add3A_1578 = arith.addi %mul3A_1577, %gather3A_1574 : vector<16xi32>
          %mul3A_1579 = arith.constant 16 : i32
          %mul3A_1580 = arith.muli %scan3A_1553, %mul3A_1579 : i32
          %get3A = arith.index_cast %mul3A_1580 : i32 to index
          %get3A_1581 = tpu.vector_load %arg11[%get3A] {strides = array<i32>} : memref<4096xi32, #tpu.memory_space<vmem>>, vector<16xi32>,
          %add3A_1582 = arith.addi %add3A_1578, %get3A_1581 : vector<16xi32>
          %mul3A_1583 = arith.constant 16 : i32
          %mul3A_1584 = arith.muli %scan3A_1553, %mul3A_1583 : i32
          %swap3A = arith.index_cast %sub3A_1545 : i32 to index
          %swap3A_1585 = arith.index_cast %mul3A_1584 : i32 to index
          %swap3A_1586 = tpu.vector_load %arg13[%swap3A, %swap3A_1585] {strides = array<i32>} : memref<2x4096xi32, #tpu.memory_space<vmem>>, vector<16xi32>,
          tpu.vector_store %arg13[%swap3A, %swap3A_1585], %add3A_1582 {strides = array<i32>} : memref<2x4096xi32, #tpu.memory_space<vmem>>, vector<16xi32>,
        }
        %scan3A_1552 = arith.constant 16 : i32
      } else {
      }
      %dma_wait3A_841 = arith.constant 1 : i32
      %dma_wait3A_842 = arith.constant 0 : i32
      %dma_wait3A_843 = arith.constant 0 : i32
      %dma_wait3A_844 = tpu.memref_slice %arg14[%dma_wait3A_841, %dma_wait3A_842, %dma_wait3A_843] : memref<2x256x128xf32, #tpu.memory_space<vmem>> -> memref<1x128x128xf32, #tpu.memory_space<vmem>>
      %dma_wait3A_845 = tpu.memref_squeeze %dma_wait3A_844 : memref<1x128x128xf32, #tpu.memory_space<vmem>> -> memref<128x128xf32, #tpu.memory_space<vmem>>
      %dma_wait3A_846 = arith.constant 1792 : i32
      %dma_wait3A_847 = tpu.memref_slice %arg13[%rem3A_243, %dma_wait3A_846] : memref<2x4096xi32, #tpu.memory_space<vmem>> -> memref<1x128xi32, #tpu.memory_space<vmem>>
      %dma_wait3A_848 = tpu.memref_squeeze %dma_wait3A_847 : memref<1x128xi32, #tpu.memory_space<vmem>> -> memref<128xi32, #tpu.memory_space<vmem>>
      %dma_wait3A_849 = arith.constant 0 : i32
      %dma_wait3A_850 = arith.constant 0 : i32
      %dma_wait3A_851 = tpu.memref_slice %arg6[%dma_wait3A_849, %dma_wait3A_850] : memref<147456x128xf32, #tpu.memory_space<hbm>> -> memref<147456x128xf32, #tpu.memory_space<hbm>>
      tpu.wait_indirect_dma semaphore(%arg16 : memref<!tpu.dma_semaphore, #tpu.memory_space<semaphore_mem>>) src(%dma_wait3A_851 : memref<147456x128xf32, #tpu.memory_space<hbm>>) dst(%dma_wait3A_845 : memref<128x128xf32, #tpu.memory_space<vmem>>)
      %dma_wait3A_852 = arith.constant 1 : i32
      %dma_wait3A_853 = arith.constant 128 : i32
      %dma_wait3A_854 = arith.constant 0 : i32
      %dma_wait3A_855 = tpu.memref_slice %arg14[%dma_wait3A_852, %dma_wait3A_853, %dma_wait3A_854] : memref<2x256x128xf32, #tpu.memory_space<vmem>> -> memref<1x128x128xf32, #tpu.memory_space<vmem>>
      %dma_wait3A_856 = tpu.memref_squeeze %dma_wait3A_855 : memref<1x128x128xf32, #tpu.memory_space<vmem>> -> memref<128x128xf32, #tpu.memory_space<vmem>>
      %dma_wait3A_857 = arith.constant 1920 : i32
      %dma_wait3A_858 = tpu.memref_slice %arg13[%rem3A_243, %dma_wait3A_857] : memref<2x4096xi32, #tpu.memory_space<vmem>> -> memref<1x128xi32, #tpu.memory_space<vmem>>
      %dma_wait3A_859 = tpu.memref_squeeze %dma_wait3A_858 : memref<1x128xi32, #tpu.memory_space<vmem>> -> memref<128xi32, #tpu.memory_space<vmem>>
      %dma_wait3A_860 = arith.constant 0 : i32
      %dma_wait3A_861 = arith.constant 0 : i32
      %dma_wait3A_862 = tpu.memref_slice %arg6[%dma_wait3A_860, %dma_wait3A_861] : memref<147456x128xf32, #tpu.memory_space<hbm>> -> memref<147456x128xf32, #tpu.memory_space<hbm>>
      tpu.wait_indirect_dma semaphore(%arg16 : memref<!tpu.dma_semaphore, #tpu.memory_space<semaphore_mem>>) src(%dma_wait3A_862 : memref<147456x128xf32, #tpu.memory_space<hbm>>) dst(%dma_wait3A_856 : memref<128x128xf32, #tpu.memory_space<vmem>>)
      %dma_start3A_863 = arith.constant 1 : i32
      %dma_start3A_864 = arith.constant 0 : i32
      %dma_start3A_865 = arith.constant 0 : i32
      %dma_start3A_866 = tpu.memref_slice %arg14[%dma_start3A_863, %dma_start3A_864, %dma_start3A_865] : memref<2x256x128xf32, #tpu.memory_space<vmem>> -> memref<1x256x128xf32, #tpu.memory_space<vmem>>
      %dma_start3A_867 = tpu.memref_squeeze %dma_start3A_866 : memref<1x256x128xf32, #tpu.memory_space<vmem>> -> memref<256x128xf32, #tpu.memory_space<vmem>>
      %dma_start3A_868 = arith.constant 1792 : i32
      %dma_start3A_869 = arith.constant 0 : i32
      %dma_start3A_870 = tpu.memref_slice %arg5[%add3A_242, %dma_start3A_868, %dma_start3A_869] : memref<512x4096x128xf32, #tpu.memory_space<hbm>> -> memref<1x256x128xf32, #tpu.memory_space<hbm>>
      %dma_start3A_871 = tpu.memref_squeeze %dma_start3A_870 : memref<1x256x128xf32, #tpu.memory_space<hbm>> -> memref<256x128xf32, #tpu.memory_space<hbm>>
      %dma_start3A_872 = arith.constant 1792 : i32
      %dma_start3A_873 = arith.constant 0 : i32
      %dma_start3A_874 = tpu.memref_slice %arg5[%add3A_242, %dma_start3A_872, %dma_start3A_873] : memref<512x4096x128xf32, #tpu.memory_space<hbm>> -> memref<1x256x128xf32, #tpu.memory_space<hbm>>
      %dma_start3A_875 = tpu.memref_squeeze %dma_start3A_874 : memref<1x256x128xf32, #tpu.memory_space<hbm>> -> memref<256x128xf32, #tpu.memory_space<hbm>>
      %dma_start3A_876 = arith.constant 0 : i32
      %dma_start3A_877 = arith.constant 0 : i32
      %dma_start3A_878 = tpu.memref_slice %arg14[%dma_start3A_863, %dma_start3A_876, %dma_start3A_877] : memref<2x256x128xf32, #tpu.memory_space<vmem>> -> memref<1x256x128xf32, #tpu.memory_space<vmem>>
      %dma_start3A_879 = tpu.memref_squeeze %dma_start3A_878 : memref<1x256x128xf32, #tpu.memory_space<vmem>> -> memref<256x128xf32, #tpu.memory_space<vmem>>
      tpu.enqueue_dma source(%dma_start3A_879 : memref<256x128xf32, #tpu.memory_space<vmem>>) target(%dma_start3A_875 : memref<256x128xf32, #tpu.memory_space<hbm>>) target_semaphore(%arg19 : memref<!tpu.dma_semaphore, #tpu.memory_space<semaphore_mem>>)
      %dma_wait3A_880 = arith.constant 0 : i32
      %dma_wait3A_881 = arith.constant 0 : i32
      %dma_wait3A_882 = arith.constant 0 : i32
      %dma_wait3A_883 = tpu.memref_slice %arg14[%dma_wait3A_880, %dma_wait3A_881, %dma_wait3A_882] : memref<2x256x128xf32, #tpu.memory_space<vmem>> -> memref<1x256x128xf32, #tpu.memory_space<vmem>>
      %dma_wait3A_884 = tpu.memref_squeeze %dma_wait3A_883 : memref<1x256x128xf32, #tpu.memory_space<vmem>> -> memref<256x128xf32, #tpu.memory_space<vmem>>
      %dma_wait3A_885 = arith.constant 2048 : i32
      %dma_wait3A_886 = arith.constant 0 : i32
      %dma_wait3A_887 = tpu.memref_slice %arg5[%add3A_242, %dma_wait3A_885, %dma_wait3A_886] : memref<512x4096x128xf32, #tpu.memory_space<hbm>> -> memref<1x256x128xf32, #tpu.memory_space<hbm>>
      %dma_wait3A_888 = tpu.memref_squeeze %dma_wait3A_887 : memref<1x256x128xf32, #tpu.memory_space<hbm>> -> memref<256x128xf32, #tpu.memory_space<hbm>>
      %dma_wait3A_889 = arith.constant 2048 : i32
      %dma_wait3A_890 = arith.constant 0 : i32
      %dma_wait3A_891 = tpu.memref_slice %arg5[%add3A_242, %dma_wait3A_889, %dma_wait3A_890] : memref<512x4096x128xf32, #tpu.memory_space<hbm>> -> memref<1x256x128xf32, #tpu.memory_space<hbm>>
      %dma_wait3A_892 = tpu.memref_squeeze %dma_wait3A_891 : memref<1x256x128xf32, #tpu.memory_space<hbm>> -> memref<256x128xf32, #tpu.memory_space<hbm>>
      %dma_wait3A_893 = arith.constant 0 : i32
      %dma_wait3A_894 = arith.constant 0 : i32
      %dma_wait3A_895 = tpu.memref_slice %arg14[%dma_wait3A_880, %dma_wait3A_893, %dma_wait3A_894] : memref<2x256x128xf32, #tpu.memory_space<vmem>> -> memref<1x256x128xf32, #tpu.memory_space<vmem>>
      %dma_wait3A_896 = tpu.memref_squeeze %dma_wait3A_895 : memref<1x256x128xf32, #tpu.memory_space<vmem>> -> memref<256x128xf32, #tpu.memory_space<vmem>>
      tpu.wait_dma2 semaphore(%arg18 : memref<!tpu.dma_semaphore, #tpu.memory_space<semaphore_mem>>) src(%dma_wait3A_896 : memref<256x128xf32, #tpu.memory_space<vmem>>) dst(%dma_wait3A_892 : memref<256x128xf32, #tpu.memory_space<hbm>>)
      %dma_start3A_897 = arith.constant 0 : i32
      %dma_start3A_898 = arith.constant 0 : i32
      %dma_start3A_899 = arith.constant 0 : i32
      %dma_start3A_900 = tpu.memref_slice %arg14[%dma_start3A_897, %dma_start3A_898, %dma_start3A_899] : memref<2x256x128xf32, #tpu.memory_space<vmem>> -> memref<1x128x128xf32, #tpu.memory_space<vmem>>
      %dma_start3A_901 = tpu.memref_squeeze %dma_start3A_900 : memref<1x128x128xf32, #tpu.memory_space<vmem>> -> memref<128x128xf32, #tpu.memory_space<vmem>>
      %dma_start3A_902 = arith.constant 2048 : i32
      %dma_start3A_903 = tpu.memref_slice %arg13[%rem3A_243, %dma_start3A_902] : memref<2x4096xi32, #tpu.memory_space<vmem>> -> memref<1x128xi32, #tpu.memory_space<vmem>>
      %dma_start3A_904 = tpu.memref_squeeze %dma_start3A_903 : memref<1x128xi32, #tpu.memory_space<vmem>> -> memref<128xi32, #tpu.memory_space<vmem>>
      %dma_start3A_905 = arith.constant 0 : i32
      %dma_start3A_906 = arith.constant 0 : i32
      %dma_start3A_907 = tpu.memref_slice %arg6[%dma_start3A_905, %dma_start3A_906] : memref<147456x128xf32, #tpu.memory_space<hbm>> -> memref<147456x128xf32, #tpu.memory_space<hbm>>
      tpu.enqueue_indirect_dma source(%dma_start3A_907 : memref<147456x128xf32, #tpu.memory_space<hbm>>) target(%dma_start3A_901 : memref<128x128xf32, #tpu.memory_space<vmem>>) offsets(%dma_start3A_904 : memref<128xi32, #tpu.memory_space<vmem>>) semaphore(%arg15 : memref<!tpu.dma_semaphore, #tpu.memory_space<semaphore_mem>>)
      %dma_start3A_908 = arith.constant 0 : i32
      %dma_start3A_909 = arith.constant 128 : i32
      %dma_start3A_910 = arith.constant 0 : i32
      %dma_start3A_911 = tpu.memref_slice %arg14[%dma_start3A_908, %dma_start3A_909, %dma_start3A_910] : memref<2x256x128xf32, #tpu.memory_space<vmem>> -> memref<1x128x128xf32, #tpu.memory_space<vmem>>
      %dma_start3A_912 = tpu.memref_squeeze %dma_start3A_911 : memref<1x128x128xf32, #tpu.memory_space<vmem>> -> memref<128x128xf32, #tpu.memory_space<vmem>>
      %dma_start3A_913 = arith.constant 2176 : i32
      %dma_start3A_914 = tpu.memref_slice %arg13[%rem3A_243, %dma_start3A_913] : memref<2x4096xi32, #tpu.memory_space<vmem>> -> memref<1x128xi32, #tpu.memory_space<vmem>>
      %dma_start3A_915 = tpu.memref_squeeze %dma_start3A_914 : memref<1x128xi32, #tpu.memory_space<vmem>> -> memref<128xi32, #tpu.memory_space<vmem>>
      %dma_start3A_916 = arith.constant 0 : i32
      %dma_start3A_917 = arith.constant 0 : i32
      %dma_start3A_918 = tpu.memref_slice %arg6[%dma_start3A_916, %dma_start3A_917] : memref<147456x128xf32, #tpu.memory_space<hbm>> -> memref<147456x128xf32, #tpu.memory_space<hbm>>
      tpu.enqueue_indirect_dma source(%dma_start3A_918 : memref<147456x128xf32, #tpu.memory_space<hbm>>) target(%dma_start3A_912 : memref<128x128xf32, #tpu.memory_space<vmem>>) offsets(%dma_start3A_915 : memref<128xi32, #tpu.memory_space<vmem>>) semaphore(%arg15 : memref<!tpu.dma_semaphore, #tpu.memory_space<semaphore_mem>>)
      %lt3A_919 = arith.constant 15 : i32
      %lt3A_920 = arith.cmpi slt, %scan3A_241, %lt3A_919 : i32
      %convert_element_type3A_921 = arith.extui %lt3A_920 : i1 to i32
      %cond3A_922 = arith.constant 0 : i32
      %cond3A_923 = arith.cmpi ne, %convert_element_type3A_921, %cond3A_922 : i32
      scf.if %cond3A_923 {
        %sub3A_1544 = arith.constant 1 : i32
        %sub3A_1545 = arith.subi %sub3A_1544, %rem3A_243 : i32
        %broadcast_in_dim3A_1546 = vector.broadcast %sub3A_1545 : i32 to vector<16xi32>
        %scan3A_1547 = arith.constant 0 : i32
        %scan3A_1548 = arith.constant 128 : i32
        %scan3A_1549 = arith.constant 16 : i32
        %scan3A_1550 = arith.addi %scan3A_1548, %scan3A_1549 : i32
        %scan3A_1551 = arith.constant 1 : i32
        scf.for %scan3A_1553 = %scan3A_1548 to %scan3A_1550 step %scan3A_1551  : i32 {
          %iota3A = tpu.iota {dimensions = array<i32: 0>} : vector<16xi32>
          %and3A = arith.constant 7 : i32
          %and3A_1554 = vector.broadcast %and3A : i32 to vector<16xi32>
          %and3A_1555 = arith.andi %iota3A, %and3A_1554 : vector<16xi32>
          %shift_right_logical3A = arith.constant 3 : i32
          %shift_right_logical3A_1556 = vector.broadcast %shift_right_logical3A : i32 to vector<16xi32>
          %shift_right_logical3A_1557 = arith.shrui %iota3A, %shift_right_logical3A_1556 : vector<16xi32>
          %mul3A_1558 = arith.constant 2 : i32
          %mul3A_1559 = arith.muli %mul3A_1558, %scan3A_1553 : i32
          %add3A_1560 = vector.broadcast %mul3A_1559 : i32 to vector<16xi32>
          %add3A_1561 = arith.addi %shift_right_logical3A_1557, %add3A_1560 : vector<16xi32>
          %mul3A_1562 = arith.constant 2 : i32
          %mul3A_1563 = vector.broadcast %mul3A_1562 : i32 to vector<16xi32>
          %mul3A_1564 = arith.muli %add3A_1561, %mul3A_1563 : vector<16xi32>
          %shift_right_logical3A_1565 = arith.constant 7 : i32
          %shift_right_logical3A_1566 = vector.broadcast %shift_right_logical3A_1565 : i32 to vector<16xi32>
          %shift_right_logical3A_1567 = arith.shrui %mul3A_1564, %shift_right_logical3A_1566 : vector<16xi32>
          %and3A_1568 = arith.constant 127 : i32
          %and3A_1569 = vector.broadcast %and3A_1568 : i32 to vector<16xi32>
          %and3A_1570 = arith.andi %mul3A_1564, %and3A_1569 : vector<16xi32>
          %gather3A = tpu.vector_load_idx %arg12[%broadcast_in_dim3A_1546, %shift_right_logical3A_1567, %and3A_1555, %and3A_1570] : memref<2x8x8x128xi32, #tpu.memory_space<vmem>>[vector<16xi32>, vector<16xi32>, vector<16xi32>, vector<16xi32>], vector<16xi32>,
          %add3A_1571 = arith.constant 1 : i32
          %add3A_1572 = vector.broadcast %add3A_1571 : i32 to vector<16xi32>
          %add3A_1573 = arith.addi %and3A_1570, %add3A_1572 : vector<16xi32>
          %gather3A_1574 = tpu.vector_load_idx %arg12[%broadcast_in_dim3A_1546, %shift_right_logical3A_1567, %and3A_1555, %add3A_1573] : memref<2x8x8x128xi32, #tpu.memory_space<vmem>>[vector<16xi32>, vector<16xi32>, vector<16xi32>, vector<16xi32>], vector<16xi32>,
          %mul3A_1575 = arith.constant 12 : i32
          %mul3A_1576 = vector.broadcast %mul3A_1575 : i32 to vector<16xi32>
          %mul3A_1577 = arith.muli %gather3A, %mul3A_1576 : vector<16xi32>
          %add3A_1578 = arith.addi %mul3A_1577, %gather3A_1574 : vector<16xi32>
          %mul3A_1579 = arith.constant 16 : i32
          %mul3A_1580 = arith.muli %scan3A_1553, %mul3A_1579 : i32
          %get3A = arith.index_cast %mul3A_1580 : i32 to index
          %get3A_1581 = tpu.vector_load %arg11[%get3A] {strides = array<i32>} : memref<4096xi32, #tpu.memory_space<vmem>>, vector<16xi32>,
          %add3A_1582 = arith.addi %add3A_1578, %get3A_1581 : vector<16xi32>
          %mul3A_1583 = arith.constant 16 : i32
          %mul3A_1584 = arith.muli %scan3A_1553, %mul3A_1583 : i32
          %swap3A = arith.index_cast %sub3A_1545 : i32 to index
          %swap3A_1585 = arith.index_cast %mul3A_1584 : i32 to index
          %swap3A_1586 = tpu.vector_load %arg13[%swap3A, %swap3A_1585] {strides = array<i32>} : memref<2x4096xi32, #tpu.memory_space<vmem>>, vector<16xi32>,
          tpu.vector_store %arg13[%swap3A, %swap3A_1585], %add3A_1582 {strides = array<i32>} : memref<2x4096xi32, #tpu.memory_space<vmem>>, vector<16xi32>,
        }
        %scan3A_1552 = arith.constant 16 : i32
      } else {
      }
      %dma_wait3A_924 = arith.constant 0 : i32
      %dma_wait3A_925 = arith.constant 0 : i32
      %dma_wait3A_926 = arith.constant 0 : i32
      %dma_wait3A_927 = tpu.memref_slice %arg14[%dma_wait3A_924, %dma_wait3A_925, %dma_wait3A_926] : memref<2x256x128xf32, #tpu.memory_space<vmem>> -> memref<1x128x128xf32, #tpu.memory_space<vmem>>
      %dma_wait3A_928 = tpu.memref_squeeze %dma_wait3A_927 : memref<1x128x128xf32, #tpu.memory_space<vmem>> -> memref<128x128xf32, #tpu.memory_space<vmem>>
      %dma_wait3A_929 = arith.constant 2048 : i32
      %dma_wait3A_930 = tpu.memref_slice %arg13[%rem3A_243, %dma_wait3A_929] : memref<2x4096xi32, #tpu.memory_space<vmem>> -> memref<1x128xi32, #tpu.memory_space<vmem>>
      %dma_wait3A_931 = tpu.memref_squeeze %dma_wait3A_930 : memref<1x128xi32, #tpu.memory_space<vmem>> -> memref<128xi32, #tpu.memory_space<vmem>>
      %dma_wait3A_932 = arith.constant 0 : i32
      %dma_wait3A_933 = arith.constant 0 : i32
      %dma_wait3A_934 = tpu.memref_slice %arg6[%dma_wait3A_932, %dma_wait3A_933] : memref<147456x128xf32, #tpu.memory_space<hbm>> -> memref<147456x128xf32, #tpu.memory_space<hbm>>
      tpu.wait_indirect_dma semaphore(%arg15 : memref<!tpu.dma_semaphore, #tpu.memory_space<semaphore_mem>>) src(%dma_wait3A_934 : memref<147456x128xf32, #tpu.memory_space<hbm>>) dst(%dma_wait3A_928 : memref<128x128xf32, #tpu.memory_space<vmem>>)
      %dma_wait3A_935 = arith.constant 0 : i32
      %dma_wait3A_936 = arith.constant 128 : i32
      %dma_wait3A_937 = arith.constant 0 : i32
      %dma_wait3A_938 = tpu.memref_slice %arg14[%dma_wait3A_935, %dma_wait3A_936, %dma_wait3A_937] : memref<2x256x128xf32, #tpu.memory_space<vmem>> -> memref<1x128x128xf32, #tpu.memory_space<vmem>>
      %dma_wait3A_939 = tpu.memref_squeeze %dma_wait3A_938 : memref<1x128x128xf32, #tpu.memory_space<vmem>> -> memref<128x128xf32, #tpu.memory_space<vmem>>
      %dma_wait3A_940 = arith.constant 2176 : i32
      %dma_wait3A_941 = tpu.memref_slice %arg13[%rem3A_243, %dma_wait3A_940] : memref<2x4096xi32, #tpu.memory_space<vmem>> -> memref<1x128xi32, #tpu.memory_space<vmem>>
      %dma_wait3A_942 = tpu.memref_squeeze %dma_wait3A_941 : memref<1x128xi32, #tpu.memory_space<vmem>> -> memref<128xi32, #tpu.memory_space<vmem>>
      %dma_wait3A_943 = arith.constant 0 : i32
      %dma_wait3A_944 = arith.constant 0 : i32
      %dma_wait3A_945 = tpu.memref_slice %arg6[%dma_wait3A_943, %dma_wait3A_944] : memref<147456x128xf32, #tpu.memory_space<hbm>> -> memref<147456x128xf32, #tpu.memory_space<hbm>>
      tpu.wait_indirect_dma semaphore(%arg15 : memref<!tpu.dma_semaphore, #tpu.memory_space<semaphore_mem>>) src(%dma_wait3A_945 : memref<147456x128xf32, #tpu.memory_space<hbm>>) dst(%dma_wait3A_939 : memref<128x128xf32, #tpu.memory_space<vmem>>)
      %dma_start3A_946 = arith.constant 0 : i32
      %dma_start3A_947 = arith.constant 0 : i32
      %dma_start3A_948 = arith.constant 0 : i32
      %dma_start3A_949 = tpu.memref_slice %arg14[%dma_start3A_946, %dma_start3A_947, %dma_start3A_948] : memref<2x256x128xf32, #tpu.memory_space<vmem>> -> memref<1x256x128xf32, #tpu.memory_space<vmem>>
      %dma_start3A_950 = tpu.memref_squeeze %dma_start3A_949 : memref<1x256x128xf32, #tpu.memory_space<vmem>> -> memref<256x128xf32, #tpu.memory_space<vmem>>
      %dma_start3A_951 = arith.constant 2048 : i32
      %dma_start3A_952 = arith.constant 0 : i32
      %dma_start3A_953 = tpu.memref_slice %arg5[%add3A_242, %dma_start3A_951, %dma_start3A_952] : memref<512x4096x128xf32, #tpu.memory_space<hbm>> -> memref<1x256x128xf32, #tpu.memory_space<hbm>>
      %dma_start3A_954 = tpu.memref_squeeze %dma_start3A_953 : memref<1x256x128xf32, #tpu.memory_space<hbm>> -> memref<256x128xf32, #tpu.memory_space<hbm>>
      %dma_start3A_955 = arith.constant 2048 : i32
      %dma_start3A_956 = arith.constant 0 : i32
      %dma_start3A_957 = tpu.memref_slice %arg5[%add3A_242, %dma_start3A_955, %dma_start3A_956] : memref<512x4096x128xf32, #tpu.memory_space<hbm>> -> memref<1x256x128xf32, #tpu.memory_space<hbm>>
      %dma_start3A_958 = tpu.memref_squeeze %dma_start3A_957 : memref<1x256x128xf32, #tpu.memory_space<hbm>> -> memref<256x128xf32, #tpu.memory_space<hbm>>
      %dma_start3A_959 = arith.constant 0 : i32
      %dma_start3A_960 = arith.constant 0 : i32
      %dma_start3A_961 = tpu.memref_slice %arg14[%dma_start3A_946, %dma_start3A_959, %dma_start3A_960] : memref<2x256x128xf32, #tpu.memory_space<vmem>> -> memref<1x256x128xf32, #tpu.memory_space<vmem>>
      %dma_start3A_962 = tpu.memref_squeeze %dma_start3A_961 : memref<1x256x128xf32, #tpu.memory_space<vmem>> -> memref<256x128xf32, #tpu.memory_space<vmem>>
      tpu.enqueue_dma source(%dma_start3A_962 : memref<256x128xf32, #tpu.memory_space<vmem>>) target(%dma_start3A_958 : memref<256x128xf32, #tpu.memory_space<hbm>>) target_semaphore(%arg18 : memref<!tpu.dma_semaphore, #tpu.memory_space<semaphore_mem>>)
      %dma_wait3A_963 = arith.constant 1 : i32
      %dma_wait3A_964 = arith.constant 0 : i32
      %dma_wait3A_965 = arith.constant 0 : i32
      %dma_wait3A_966 = tpu.memref_slice %arg14[%dma_wait3A_963, %dma_wait3A_964, %dma_wait3A_965] : memref<2x256x128xf32, #tpu.memory_space<vmem>> -> memref<1x256x128xf32, #tpu.memory_space<vmem>>
      %dma_wait3A_967 = tpu.memref_squeeze %dma_wait3A_966 : memref<1x256x128xf32, #tpu.memory_space<vmem>> -> memref<256x128xf32, #tpu.memory_space<vmem>>
      %dma_wait3A_968 = arith.constant 2304 : i32
      %dma_wait3A_969 = arith.constant 0 : i32
      %dma_wait3A_970 = tpu.memref_slice %arg5[%add3A_242, %dma_wait3A_968, %dma_wait3A_969] : memref<512x4096x128xf32, #tpu.memory_space<hbm>> -> memref<1x256x128xf32, #tpu.memory_space<hbm>>
      %dma_wait3A_971 = tpu.memref_squeeze %dma_wait3A_970 : memref<1x256x128xf32, #tpu.memory_space<hbm>> -> memref<256x128xf32, #tpu.memory_space<hbm>>
      %dma_wait3A_972 = arith.constant 2304 : i32
      %dma_wait3A_973 = arith.constant 0 : i32
      %dma_wait3A_974 = tpu.memref_slice %arg5[%add3A_242, %dma_wait3A_972, %dma_wait3A_973] : memref<512x4096x128xf32, #tpu.memory_space<hbm>> -> memref<1x256x128xf32, #tpu.memory_space<hbm>>
      %dma_wait3A_975 = tpu.memref_squeeze %dma_wait3A_974 : memref<1x256x128xf32, #tpu.memory_space<hbm>> -> memref<256x128xf32, #tpu.memory_space<hbm>>
      %dma_wait3A_976 = arith.constant 0 : i32
      %dma_wait3A_977 = arith.constant 0 : i32
      %dma_wait3A_978 = tpu.memref_slice %arg14[%dma_wait3A_963, %dma_wait3A_976, %dma_wait3A_977] : memref<2x256x128xf32, #tpu.memory_space<vmem>> -> memref<1x256x128xf32, #tpu.memory_space<vmem>>
      %dma_wait3A_979 = tpu.memref_squeeze %dma_wait3A_978 : memref<1x256x128xf32, #tpu.memory_space<vmem>> -> memref<256x128xf32, #tpu.memory_space<vmem>>
      tpu.wait_dma2 semaphore(%arg19 : memref<!tpu.dma_semaphore, #tpu.memory_space<semaphore_mem>>) src(%dma_wait3A_979 : memref<256x128xf32, #tpu.memory_space<vmem>>) dst(%dma_wait3A_975 : memref<256x128xf32, #tpu.memory_space<hbm>>)
      %dma_start3A_980 = arith.constant 1 : i32
      %dma_start3A_981 = arith.constant 0 : i32
      %dma_start3A_982 = arith.constant 0 : i32
      %dma_start3A_983 = tpu.memref_slice %arg14[%dma_start3A_980, %dma_start3A_981, %dma_start3A_982] : memref<2x256x128xf32, #tpu.memory_space<vmem>> -> memref<1x128x128xf32, #tpu.memory_space<vmem>>
      %dma_start3A_984 = tpu.memref_squeeze %dma_start3A_983 : memref<1x128x128xf32, #tpu.memory_space<vmem>> -> memref<128x128xf32, #tpu.memory_space<vmem>>
      %dma_start3A_985 = arith.constant 2304 : i32
      %dma_start3A_986 = tpu.memref_slice %arg13[%rem3A_243, %dma_start3A_985] : memref<2x4096xi32, #tpu.memory_space<vmem>> -> memref<1x128xi32, #tpu.memory_space<vmem>>
      %dma_start3A_987 = tpu.memref_squeeze %dma_start3A_986 : memref<1x128xi32, #tpu.memory_space<vmem>> -> memref<128xi32, #tpu.memory_space<vmem>>
      %dma_start3A_988 = arith.constant 0 : i32
      %dma_start3A_989 = arith.constant 0 : i32
      %dma_start3A_990 = tpu.memref_slice %arg6[%dma_start3A_988, %dma_start3A_989] : memref<147456x128xf32, #tpu.memory_space<hbm>> -> memref<147456x128xf32, #tpu.memory_space<hbm>>
      tpu.enqueue_indirect_dma source(%dma_start3A_990 : memref<147456x128xf32, #tpu.memory_space<hbm>>) target(%dma_start3A_984 : memref<128x128xf32, #tpu.memory_space<vmem>>) offsets(%dma_start3A_987 : memref<128xi32, #tpu.memory_space<vmem>>) semaphore(%arg16 : memref<!tpu.dma_semaphore, #tpu.memory_space<semaphore_mem>>)
      %dma_start3A_991 = arith.constant 1 : i32
      %dma_start3A_992 = arith.constant 128 : i32
      %dma_start3A_993 = arith.constant 0 : i32
      %dma_start3A_994 = tpu.memref_slice %arg14[%dma_start3A_991, %dma_start3A_992, %dma_start3A_993] : memref<2x256x128xf32, #tpu.memory_space<vmem>> -> memref<1x128x128xf32, #tpu.memory_space<vmem>>
      %dma_start3A_995 = tpu.memref_squeeze %dma_start3A_994 : memref<1x128x128xf32, #tpu.memory_space<vmem>> -> memref<128x128xf32, #tpu.memory_space<vmem>>
      %dma_start3A_996 = arith.constant 2432 : i32
      %dma_start3A_997 = tpu.memref_slice %arg13[%rem3A_243, %dma_start3A_996] : memref<2x4096xi32, #tpu.memory_space<vmem>> -> memref<1x128xi32, #tpu.memory_space<vmem>>
      %dma_start3A_998 = tpu.memref_squeeze %dma_start3A_997 : memref<1x128xi32, #tpu.memory_space<vmem>> -> memref<128xi32, #tpu.memory_space<vmem>>
      %dma_start3A_999 = arith.constant 0 : i32
      %dma_start3A_1000 = arith.constant 0 : i32
      %dma_start3A_1001 = tpu.memref_slice %arg6[%dma_start3A_999, %dma_start3A_1000] : memref<147456x128xf32, #tpu.memory_space<hbm>> -> memref<147456x128xf32, #tpu.memory_space<hbm>>
      tpu.enqueue_indirect_dma source(%dma_start3A_1001 : memref<147456x128xf32, #tpu.memory_space<hbm>>) target(%dma_start3A_995 : memref<128x128xf32, #tpu.memory_space<vmem>>) offsets(%dma_start3A_998 : memref<128xi32, #tpu.memory_space<vmem>>) semaphore(%arg16 : memref<!tpu.dma_semaphore, #tpu.memory_space<semaphore_mem>>)
      %lt3A_1002 = arith.constant 15 : i32
      %lt3A_1003 = arith.cmpi slt, %scan3A_241, %lt3A_1002 : i32
      %convert_element_type3A_1004 = arith.extui %lt3A_1003 : i1 to i32
      %cond3A_1005 = arith.constant 0 : i32
      %cond3A_1006 = arith.cmpi ne, %convert_element_type3A_1004, %cond3A_1005 : i32
      scf.if %cond3A_1006 {
        %sub3A_1544 = arith.constant 1 : i32
        %sub3A_1545 = arith.subi %sub3A_1544, %rem3A_243 : i32
        %broadcast_in_dim3A_1546 = vector.broadcast %sub3A_1545 : i32 to vector<16xi32>
        %scan3A_1547 = arith.constant 0 : i32
        %scan3A_1548 = arith.constant 144 : i32
        %scan3A_1549 = arith.constant 16 : i32
        %scan3A_1550 = arith.addi %scan3A_1548, %scan3A_1549 : i32
        %scan3A_1551 = arith.constant 1 : i32
        scf.for %scan3A_1553 = %scan3A_1548 to %scan3A_1550 step %scan3A_1551  : i32 {
          %iota3A = tpu.iota {dimensions = array<i32: 0>} : vector<16xi32>
          %and3A = arith.constant 7 : i32
          %and3A_1554 = vector.broadcast %and3A : i32 to vector<16xi32>
          %and3A_1555 = arith.andi %iota3A, %and3A_1554 : vector<16xi32>
          %shift_right_logical3A = arith.constant 3 : i32
          %shift_right_logical3A_1556 = vector.broadcast %shift_right_logical3A : i32 to vector<16xi32>
          %shift_right_logical3A_1557 = arith.shrui %iota3A, %shift_right_logical3A_1556 : vector<16xi32>
          %mul3A_1558 = arith.constant 2 : i32
          %mul3A_1559 = arith.muli %mul3A_1558, %scan3A_1553 : i32
          %add3A_1560 = vector.broadcast %mul3A_1559 : i32 to vector<16xi32>
          %add3A_1561 = arith.addi %shift_right_logical3A_1557, %add3A_1560 : vector<16xi32>
          %mul3A_1562 = arith.constant 2 : i32
          %mul3A_1563 = vector.broadcast %mul3A_1562 : i32 to vector<16xi32>
          %mul3A_1564 = arith.muli %add3A_1561, %mul3A_1563 : vector<16xi32>
          %shift_right_logical3A_1565 = arith.constant 7 : i32
          %shift_right_logical3A_1566 = vector.broadcast %shift_right_logical3A_1565 : i32 to vector<16xi32>
          %shift_right_logical3A_1567 = arith.shrui %mul3A_1564, %shift_right_logical3A_1566 : vector<16xi32>
          %and3A_1568 = arith.constant 127 : i32
          %and3A_1569 = vector.broadcast %and3A_1568 : i32 to vector<16xi32>
          %and3A_1570 = arith.andi %mul3A_1564, %and3A_1569 : vector<16xi32>
          %gather3A = tpu.vector_load_idx %arg12[%broadcast_in_dim3A_1546, %shift_right_logical3A_1567, %and3A_1555, %and3A_1570] : memref<2x8x8x128xi32, #tpu.memory_space<vmem>>[vector<16xi32>, vector<16xi32>, vector<16xi32>, vector<16xi32>], vector<16xi32>,
          %add3A_1571 = arith.constant 1 : i32
          %add3A_1572 = vector.broadcast %add3A_1571 : i32 to vector<16xi32>
          %add3A_1573 = arith.addi %and3A_1570, %add3A_1572 : vector<16xi32>
          %gather3A_1574 = tpu.vector_load_idx %arg12[%broadcast_in_dim3A_1546, %shift_right_logical3A_1567, %and3A_1555, %add3A_1573] : memref<2x8x8x128xi32, #tpu.memory_space<vmem>>[vector<16xi32>, vector<16xi32>, vector<16xi32>, vector<16xi32>], vector<16xi32>,
          %mul3A_1575 = arith.constant 12 : i32
          %mul3A_1576 = vector.broadcast %mul3A_1575 : i32 to vector<16xi32>
          %mul3A_1577 = arith.muli %gather3A, %mul3A_1576 : vector<16xi32>
          %add3A_1578 = arith.addi %mul3A_1577, %gather3A_1574 : vector<16xi32>
          %mul3A_1579 = arith.constant 16 : i32
          %mul3A_1580 = arith.muli %scan3A_1553, %mul3A_1579 : i32
          %get3A = arith.index_cast %mul3A_1580 : i32 to index
          %get3A_1581 = tpu.vector_load %arg11[%get3A] {strides = array<i32>} : memref<4096xi32, #tpu.memory_space<vmem>>, vector<16xi32>,
          %add3A_1582 = arith.addi %add3A_1578, %get3A_1581 : vector<16xi32>
          %mul3A_1583 = arith.constant 16 : i32
          %mul3A_1584 = arith.muli %scan3A_1553, %mul3A_1583 : i32
          %swap3A = arith.index_cast %sub3A_1545 : i32 to index
          %swap3A_1585 = arith.index_cast %mul3A_1584 : i32 to index
          %swap3A_1586 = tpu.vector_load %arg13[%swap3A, %swap3A_1585] {strides = array<i32>} : memref<2x4096xi32, #tpu.memory_space<vmem>>, vector<16xi32>,
          tpu.vector_store %arg13[%swap3A, %swap3A_1585], %add3A_1582 {strides = array<i32>} : memref<2x4096xi32, #tpu.memory_space<vmem>>, vector<16xi32>,
        }
        %scan3A_1552 = arith.constant 16 : i32
      } else {
      }
      %dma_wait3A_1007 = arith.constant 1 : i32
      %dma_wait3A_1008 = arith.constant 0 : i32
      %dma_wait3A_1009 = arith.constant 0 : i32
      %dma_wait3A_1010 = tpu.memref_slice %arg14[%dma_wait3A_1007, %dma_wait3A_1008, %dma_wait3A_1009] : memref<2x256x128xf32, #tpu.memory_space<vmem>> -> memref<1x128x128xf32, #tpu.memory_space<vmem>>
      %dma_wait3A_1011 = tpu.memref_squeeze %dma_wait3A_1010 : memref<1x128x128xf32, #tpu.memory_space<vmem>> -> memref<128x128xf32, #tpu.memory_space<vmem>>
      %dma_wait3A_1012 = arith.constant 2304 : i32
      %dma_wait3A_1013 = tpu.memref_slice %arg13[%rem3A_243, %dma_wait3A_1012] : memref<2x4096xi32, #tpu.memory_space<vmem>> -> memref<1x128xi32, #tpu.memory_space<vmem>>
      %dma_wait3A_1014 = tpu.memref_squeeze %dma_wait3A_1013 : memref<1x128xi32, #tpu.memory_space<vmem>> -> memref<128xi32, #tpu.memory_space<vmem>>
      %dma_wait3A_1015 = arith.constant 0 : i32
      %dma_wait3A_1016 = arith.constant 0 : i32
      %dma_wait3A_1017 = tpu.memref_slice %arg6[%dma_wait3A_1015, %dma_wait3A_1016] : memref<147456x128xf32, #tpu.memory_space<hbm>> -> memref<147456x128xf32, #tpu.memory_space<hbm>>
      tpu.wait_indirect_dma semaphore(%arg16 : memref<!tpu.dma_semaphore, #tpu.memory_space<semaphore_mem>>) src(%dma_wait3A_1017 : memref<147456x128xf32, #tpu.memory_space<hbm>>) dst(%dma_wait3A_1011 : memref<128x128xf32, #tpu.memory_space<vmem>>)
      %dma_wait3A_1018 = arith.constant 1 : i32
      %dma_wait3A_1019 = arith.constant 128 : i32
      %dma_wait3A_1020 = arith.constant 0 : i32
      %dma_wait3A_1021 = tpu.memref_slice %arg14[%dma_wait3A_1018, %dma_wait3A_1019, %dma_wait3A_1020] : memref<2x256x128xf32, #tpu.memory_space<vmem>> -> memref<1x128x128xf32, #tpu.memory_space<vmem>>
      %dma_wait3A_1022 = tpu.memref_squeeze %dma_wait3A_1021 : memref<1x128x128xf32, #tpu.memory_space<vmem>> -> memref<128x128xf32, #tpu.memory_space<vmem>>
      %dma_wait3A_1023 = arith.constant 2432 : i32
      %dma_wait3A_1024 = tpu.memref_slice %arg13[%rem3A_243, %dma_wait3A_1023] : memref<2x4096xi32, #tpu.memory_space<vmem>> -> memref<1x128xi32, #tpu.memory_space<vmem>>
      %dma_wait3A_1025 = tpu.memref_squeeze %dma_wait3A_1024 : memref<1x128xi32, #tpu.memory_space<vmem>> -> memref<128xi32, #tpu.memory_space<vmem>>
      %dma_wait3A_1026 = arith.constant 0 : i32
      %dma_wait3A_1027 = arith.constant 0 : i32
      %dma_wait3A_1028 = tpu.memref_slice %arg6[%dma_wait3A_1026, %dma_wait3A_1027] : memref<147456x128xf32, #tpu.memory_space<hbm>> -> memref<147456x128xf32, #tpu.memory_space<hbm>>
      tpu.wait_indirect_dma semaphore(%arg16 : memref<!tpu.dma_semaphore, #tpu.memory_space<semaphore_mem>>) src(%dma_wait3A_1028 : memref<147456x128xf32, #tpu.memory_space<hbm>>) dst(%dma_wait3A_1022 : memref<128x128xf32, #tpu.memory_space<vmem>>)
      %dma_start3A_1029 = arith.constant 1 : i32
      %dma_start3A_1030 = arith.constant 0 : i32
      %dma_start3A_1031 = arith.constant 0 : i32
      %dma_start3A_1032 = tpu.memref_slice %arg14[%dma_start3A_1029, %dma_start3A_1030, %dma_start3A_1031] : memref<2x256x128xf32, #tpu.memory_space<vmem>> -> memref<1x256x128xf32, #tpu.memory_space<vmem>>
      %dma_start3A_1033 = tpu.memref_squeeze %dma_start3A_1032 : memref<1x256x128xf32, #tpu.memory_space<vmem>> -> memref<256x128xf32, #tpu.memory_space<vmem>>
      %dma_start3A_1034 = arith.constant 2304 : i32
      %dma_start3A_1035 = arith.constant 0 : i32
      %dma_start3A_1036 = tpu.memref_slice %arg5[%add3A_242, %dma_start3A_1034, %dma_start3A_1035] : memref<512x4096x128xf32, #tpu.memory_space<hbm>> -> memref<1x256x128xf32, #tpu.memory_space<hbm>>
      %dma_start3A_1037 = tpu.memref_squeeze %dma_start3A_1036 : memref<1x256x128xf32, #tpu.memory_space<hbm>> -> memref<256x128xf32, #tpu.memory_space<hbm>>
      %dma_start3A_1038 = arith.constant 2304 : i32
      %dma_start3A_1039 = arith.constant 0 : i32
      %dma_start3A_1040 = tpu.memref_slice %arg5[%add3A_242, %dma_start3A_1038, %dma_start3A_1039] : memref<512x4096x128xf32, #tpu.memory_space<hbm>> -> memref<1x256x128xf32, #tpu.memory_space<hbm>>
      %dma_start3A_1041 = tpu.memref_squeeze %dma_start3A_1040 : memref<1x256x128xf32, #tpu.memory_space<hbm>> -> memref<256x128xf32, #tpu.memory_space<hbm>>
      %dma_start3A_1042 = arith.constant 0 : i32
      %dma_start3A_1043 = arith.constant 0 : i32
      %dma_start3A_1044 = tpu.memref_slice %arg14[%dma_start3A_1029, %dma_start3A_1042, %dma_start3A_1043] : memref<2x256x128xf32, #tpu.memory_space<vmem>> -> memref<1x256x128xf32, #tpu.memory_space<vmem>>
      %dma_start3A_1045 = tpu.memref_squeeze %dma_start3A_1044 : memref<1x256x128xf32, #tpu.memory_space<vmem>> -> memref<256x128xf32, #tpu.memory_space<vmem>>
      tpu.enqueue_dma source(%dma_start3A_1045 : memref<256x128xf32, #tpu.memory_space<vmem>>) target(%dma_start3A_1041 : memref<256x128xf32, #tpu.memory_space<hbm>>) target_semaphore(%arg19 : memref<!tpu.dma_semaphore, #tpu.memory_space<semaphore_mem>>)
      %dma_wait3A_1046 = arith.constant 0 : i32
      %dma_wait3A_1047 = arith.constant 0 : i32
      %dma_wait3A_1048 = arith.constant 0 : i32
      %dma_wait3A_1049 = tpu.memref_slice %arg14[%dma_wait3A_1046, %dma_wait3A_1047, %dma_wait3A_1048] : memref<2x256x128xf32, #tpu.memory_space<vmem>> -> memref<1x256x128xf32, #tpu.memory_space<vmem>>
      %dma_wait3A_1050 = tpu.memref_squeeze %dma_wait3A_1049 : memref<1x256x128xf32, #tpu.memory_space<vmem>> -> memref<256x128xf32, #tpu.memory_space<vmem>>
      %dma_wait3A_1051 = arith.constant 2560 : i32
      %dma_wait3A_1052 = arith.constant 0 : i32
      %dma_wait3A_1053 = tpu.memref_slice %arg5[%add3A_242, %dma_wait3A_1051, %dma_wait3A_1052] : memref<512x4096x128xf32, #tpu.memory_space<hbm>> -> memref<1x256x128xf32, #tpu.memory_space<hbm>>
      %dma_wait3A_1054 = tpu.memref_squeeze %dma_wait3A_1053 : memref<1x256x128xf32, #tpu.memory_space<hbm>> -> memref<256x128xf32, #tpu.memory_space<hbm>>
      %dma_wait3A_1055 = arith.constant 2560 : i32
      %dma_wait3A_1056 = arith.constant 0 : i32
      %dma_wait3A_1057 = tpu.memref_slice %arg5[%add3A_242, %dma_wait3A_1055, %dma_wait3A_1056] : memref<512x4096x128xf32, #tpu.memory_space<hbm>> -> memref<1x256x128xf32, #tpu.memory_space<hbm>>
      %dma_wait3A_1058 = tpu.memref_squeeze %dma_wait3A_1057 : memref<1x256x128xf32, #tpu.memory_space<hbm>> -> memref<256x128xf32, #tpu.memory_space<hbm>>
      %dma_wait3A_1059 = arith.constant 0 : i32
      %dma_wait3A_1060 = arith.constant 0 : i32
      %dma_wait3A_1061 = tpu.memref_slice %arg14[%dma_wait3A_1046, %dma_wait3A_1059, %dma_wait3A_1060] : memref<2x256x128xf32, #tpu.memory_space<vmem>> -> memref<1x256x128xf32, #tpu.memory_space<vmem>>
      %dma_wait3A_1062 = tpu.memref_squeeze %dma_wait3A_1061 : memref<1x256x128xf32, #tpu.memory_space<vmem>> -> memref<256x128xf32, #tpu.memory_space<vmem>>
      tpu.wait_dma2 semaphore(%arg18 : memref<!tpu.dma_semaphore, #tpu.memory_space<semaphore_mem>>) src(%dma_wait3A_1062 : memref<256x128xf32, #tpu.memory_space<vmem>>) dst(%dma_wait3A_1058 : memref<256x128xf32, #tpu.memory_space<hbm>>)
      %dma_start3A_1063 = arith.constant 0 : i32
      %dma_start3A_1064 = arith.constant 0 : i32
      %dma_start3A_1065 = arith.constant 0 : i32
      %dma_start3A_1066 = tpu.memref_slice %arg14[%dma_start3A_1063, %dma_start3A_1064, %dma_start3A_1065] : memref<2x256x128xf32, #tpu.memory_space<vmem>> -> memref<1x128x128xf32, #tpu.memory_space<vmem>>
      %dma_start3A_1067 = tpu.memref_squeeze %dma_start3A_1066 : memref<1x128x128xf32, #tpu.memory_space<vmem>> -> memref<128x128xf32, #tpu.memory_space<vmem>>
      %dma_start3A_1068 = arith.constant 2560 : i32
      %dma_start3A_1069 = tpu.memref_slice %arg13[%rem3A_243, %dma_start3A_1068] : memref<2x4096xi32, #tpu.memory_space<vmem>> -> memref<1x128xi32, #tpu.memory_space<vmem>>
      %dma_start3A_1070 = tpu.memref_squeeze %dma_start3A_1069 : memref<1x128xi32, #tpu.memory_space<vmem>> -> memref<128xi32, #tpu.memory_space<vmem>>
      %dma_start3A_1071 = arith.constant 0 : i32
      %dma_start3A_1072 = arith.constant 0 : i32
      %dma_start3A_1073 = tpu.memref_slice %arg6[%dma_start3A_1071, %dma_start3A_1072] : memref<147456x128xf32, #tpu.memory_space<hbm>> -> memref<147456x128xf32, #tpu.memory_space<hbm>>
      tpu.enqueue_indirect_dma source(%dma_start3A_1073 : memref<147456x128xf32, #tpu.memory_space<hbm>>) target(%dma_start3A_1067 : memref<128x128xf32, #tpu.memory_space<vmem>>) offsets(%dma_start3A_1070 : memref<128xi32, #tpu.memory_space<vmem>>) semaphore(%arg15 : memref<!tpu.dma_semaphore, #tpu.memory_space<semaphore_mem>>)
      %dma_start3A_1074 = arith.constant 0 : i32
      %dma_start3A_1075 = arith.constant 128 : i32
      %dma_start3A_1076 = arith.constant 0 : i32
      %dma_start3A_1077 = tpu.memref_slice %arg14[%dma_start3A_1074, %dma_start3A_1075, %dma_start3A_1076] : memref<2x256x128xf32, #tpu.memory_space<vmem>> -> memref<1x128x128xf32, #tpu.memory_space<vmem>>
      %dma_start3A_1078 = tpu.memref_squeeze %dma_start3A_1077 : memref<1x128x128xf32, #tpu.memory_space<vmem>> -> memref<128x128xf32, #tpu.memory_space<vmem>>
      %dma_start3A_1079 = arith.constant 2688 : i32
      %dma_start3A_1080 = tpu.memref_slice %arg13[%rem3A_243, %dma_start3A_1079] : memref<2x4096xi32, #tpu.memory_space<vmem>> -> memref<1x128xi32, #tpu.memory_space<vmem>>
      %dma_start3A_1081 = tpu.memref_squeeze %dma_start3A_1080 : memref<1x128xi32, #tpu.memory_space<vmem>> -> memref<128xi32, #tpu.memory_space<vmem>>
      %dma_start3A_1082 = arith.constant 0 : i32
      %dma_start3A_1083 = arith.constant 0 : i32
      %dma_start3A_1084 = tpu.memref_slice %arg6[%dma_start3A_1082, %dma_start3A_1083] : memref<147456x128xf32, #tpu.memory_space<hbm>> -> memref<147456x128xf32, #tpu.memory_space<hbm>>
      tpu.enqueue_indirect_dma source(%dma_start3A_1084 : memref<147456x128xf32, #tpu.memory_space<hbm>>) target(%dma_start3A_1078 : memref<128x128xf32, #tpu.memory_space<vmem>>) offsets(%dma_start3A_1081 : memref<128xi32, #tpu.memory_space<vmem>>) semaphore(%arg15 : memref<!tpu.dma_semaphore, #tpu.memory_space<semaphore_mem>>)
      %lt3A_1085 = arith.constant 15 : i32
      %lt3A_1086 = arith.cmpi slt, %scan3A_241, %lt3A_1085 : i32
      %convert_element_type3A_1087 = arith.extui %lt3A_1086 : i1 to i32
      %cond3A_1088 = arith.constant 0 : i32
      %cond3A_1089 = arith.cmpi ne, %convert_element_type3A_1087, %cond3A_1088 : i32
      scf.if %cond3A_1089 {
        %sub3A_1544 = arith.constant 1 : i32
        %sub3A_1545 = arith.subi %sub3A_1544, %rem3A_243 : i32
        %broadcast_in_dim3A_1546 = vector.broadcast %sub3A_1545 : i32 to vector<16xi32>
        %scan3A_1547 = arith.constant 0 : i32
        %scan3A_1548 = arith.constant 160 : i32
        %scan3A_1549 = arith.constant 16 : i32
        %scan3A_1550 = arith.addi %scan3A_1548, %scan3A_1549 : i32
        %scan3A_1551 = arith.constant 1 : i32
        scf.for %scan3A_1553 = %scan3A_1548 to %scan3A_1550 step %scan3A_1551  : i32 {
          %iota3A = tpu.iota {dimensions = array<i32: 0>} : vector<16xi32>
          %and3A = arith.constant 7 : i32
          %and3A_1554 = vector.broadcast %and3A : i32 to vector<16xi32>
          %and3A_1555 = arith.andi %iota3A, %and3A_1554 : vector<16xi32>
          %shift_right_logical3A = arith.constant 3 : i32
          %shift_right_logical3A_1556 = vector.broadcast %shift_right_logical3A : i32 to vector<16xi32>
          %shift_right_logical3A_1557 = arith.shrui %iota3A, %shift_right_logical3A_1556 : vector<16xi32>
          %mul3A_1558 = arith.constant 2 : i32
          %mul3A_1559 = arith.muli %mul3A_1558, %scan3A_1553 : i32
          %add3A_1560 = vector.broadcast %mul3A_1559 : i32 to vector<16xi32>
          %add3A_1561 = arith.addi %shift_right_logical3A_1557, %add3A_1560 : vector<16xi32>
          %mul3A_1562 = arith.constant 2 : i32
          %mul3A_1563 = vector.broadcast %mul3A_1562 : i32 to vector<16xi32>
          %mul3A_1564 = arith.muli %add3A_1561, %mul3A_1563 : vector<16xi32>
          %shift_right_logical3A_1565 = arith.constant 7 : i32
          %shift_right_logical3A_1566 = vector.broadcast %shift_right_logical3A_1565 : i32 to vector<16xi32>
          %shift_right_logical3A_1567 = arith.shrui %mul3A_1564, %shift_right_logical3A_1566 : vector<16xi32>
          %and3A_1568 = arith.constant 127 : i32
          %and3A_1569 = vector.broadcast %and3A_1568 : i32 to vector<16xi32>
          %and3A_1570 = arith.andi %mul3A_1564, %and3A_1569 : vector<16xi32>
          %gather3A = tpu.vector_load_idx %arg12[%broadcast_in_dim3A_1546, %shift_right_logical3A_1567, %and3A_1555, %and3A_1570] : memref<2x8x8x128xi32, #tpu.memory_space<vmem>>[vector<16xi32>, vector<16xi32>, vector<16xi32>, vector<16xi32>], vector<16xi32>,
          %add3A_1571 = arith.constant 1 : i32
          %add3A_1572 = vector.broadcast %add3A_1571 : i32 to vector<16xi32>
          %add3A_1573 = arith.addi %and3A_1570, %add3A_1572 : vector<16xi32>
          %gather3A_1574 = tpu.vector_load_idx %arg12[%broadcast_in_dim3A_1546, %shift_right_logical3A_1567, %and3A_1555, %add3A_1573] : memref<2x8x8x128xi32, #tpu.memory_space<vmem>>[vector<16xi32>, vector<16xi32>, vector<16xi32>, vector<16xi32>], vector<16xi32>,
          %mul3A_1575 = arith.constant 12 : i32
          %mul3A_1576 = vector.broadcast %mul3A_1575 : i32 to vector<16xi32>
          %mul3A_1577 = arith.muli %gather3A, %mul3A_1576 : vector<16xi32>
          %add3A_1578 = arith.addi %mul3A_1577, %gather3A_1574 : vector<16xi32>
          %mul3A_1579 = arith.constant 16 : i32
          %mul3A_1580 = arith.muli %scan3A_1553, %mul3A_1579 : i32
          %get3A = arith.index_cast %mul3A_1580 : i32 to index
          %get3A_1581 = tpu.vector_load %arg11[%get3A] {strides = array<i32>} : memref<4096xi32, #tpu.memory_space<vmem>>, vector<16xi32>,
          %add3A_1582 = arith.addi %add3A_1578, %get3A_1581 : vector<16xi32>
          %mul3A_1583 = arith.constant 16 : i32
          %mul3A_1584 = arith.muli %scan3A_1553, %mul3A_1583 : i32
          %swap3A = arith.index_cast %sub3A_1545 : i32 to index
          %swap3A_1585 = arith.index_cast %mul3A_1584 : i32 to index
          %swap3A_1586 = tpu.vector_load %arg13[%swap3A, %swap3A_1585] {strides = array<i32>} : memref<2x4096xi32, #tpu.memory_space<vmem>>, vector<16xi32>,
          tpu.vector_store %arg13[%swap3A, %swap3A_1585], %add3A_1582 {strides = array<i32>} : memref<2x4096xi32, #tpu.memory_space<vmem>>, vector<16xi32>,
        }
        %scan3A_1552 = arith.constant 16 : i32
      } else {
      }
      %dma_wait3A_1090 = arith.constant 0 : i32
      %dma_wait3A_1091 = arith.constant 0 : i32
      %dma_wait3A_1092 = arith.constant 0 : i32
      %dma_wait3A_1093 = tpu.memref_slice %arg14[%dma_wait3A_1090, %dma_wait3A_1091, %dma_wait3A_1092] : memref<2x256x128xf32, #tpu.memory_space<vmem>> -> memref<1x128x128xf32, #tpu.memory_space<vmem>>
      %dma_wait3A_1094 = tpu.memref_squeeze %dma_wait3A_1093 : memref<1x128x128xf32, #tpu.memory_space<vmem>> -> memref<128x128xf32, #tpu.memory_space<vmem>>
      %dma_wait3A_1095 = arith.constant 2560 : i32
      %dma_wait3A_1096 = tpu.memref_slice %arg13[%rem3A_243, %dma_wait3A_1095] : memref<2x4096xi32, #tpu.memory_space<vmem>> -> memref<1x128xi32, #tpu.memory_space<vmem>>
      %dma_wait3A_1097 = tpu.memref_squeeze %dma_wait3A_1096 : memref<1x128xi32, #tpu.memory_space<vmem>> -> memref<128xi32, #tpu.memory_space<vmem>>
      %dma_wait3A_1098 = arith.constant 0 : i32
      %dma_wait3A_1099 = arith.constant 0 : i32
      %dma_wait3A_1100 = tpu.memref_slice %arg6[%dma_wait3A_1098, %dma_wait3A_1099] : memref<147456x128xf32, #tpu.memory_space<hbm>> -> memref<147456x128xf32, #tpu.memory_space<hbm>>
      tpu.wait_indirect_dma semaphore(%arg15 : memref<!tpu.dma_semaphore, #tpu.memory_space<semaphore_mem>>) src(%dma_wait3A_1100 : memref<147456x128xf32, #tpu.memory_space<hbm>>) dst(%dma_wait3A_1094 : memref<128x128xf32, #tpu.memory_space<vmem>>)
      %dma_wait3A_1101 = arith.constant 0 : i32
      %dma_wait3A_1102 = arith.constant 128 : i32
      %dma_wait3A_1103 = arith.constant 0 : i32
      %dma_wait3A_1104 = tpu.memref_slice %arg14[%dma_wait3A_1101, %dma_wait3A_1102, %dma_wait3A_1103] : memref<2x256x128xf32, #tpu.memory_space<vmem>> -> memref<1x128x128xf32, #tpu.memory_space<vmem>>
      %dma_wait3A_1105 = tpu.memref_squeeze %dma_wait3A_1104 : memref<1x128x128xf32, #tpu.memory_space<vmem>> -> memref<128x128xf32, #tpu.memory_space<vmem>>
      %dma_wait3A_1106 = arith.constant 2688 : i32
      %dma_wait3A_1107 = tpu.memref_slice %arg13[%rem3A_243, %dma_wait3A_1106] : memref<2x4096xi32, #tpu.memory_space<vmem>> -> memref<1x128xi32, #tpu.memory_space<vmem>>
      %dma_wait3A_1108 = tpu.memref_squeeze %dma_wait3A_1107 : memref<1x128xi32, #tpu.memory_space<vmem>> -> memref<128xi32, #tpu.memory_space<vmem>>
      %dma_wait3A_1109 = arith.constant 0 : i32
      %dma_wait3A_1110 = arith.constant 0 : i32
      %dma_wait3A_1111 = tpu.memref_slice %arg6[%dma_wait3A_1109, %dma_wait3A_1110] : memref<147456x128xf32, #tpu.memory_space<hbm>> -> memref<147456x128xf32, #tpu.memory_space<hbm>>
      tpu.wait_indirect_dma semaphore(%arg15 : memref<!tpu.dma_semaphore, #tpu.memory_space<semaphore_mem>>) src(%dma_wait3A_1111 : memref<147456x128xf32, #tpu.memory_space<hbm>>) dst(%dma_wait3A_1105 : memref<128x128xf32, #tpu.memory_space<vmem>>)
      %dma_start3A_1112 = arith.constant 0 : i32
      %dma_start3A_1113 = arith.constant 0 : i32
      %dma_start3A_1114 = arith.constant 0 : i32
      %dma_start3A_1115 = tpu.memref_slice %arg14[%dma_start3A_1112, %dma_start3A_1113, %dma_start3A_1114] : memref<2x256x128xf32, #tpu.memory_space<vmem>> -> memref<1x256x128xf32, #tpu.memory_space<vmem>>
      %dma_start3A_1116 = tpu.memref_squeeze %dma_start3A_1115 : memref<1x256x128xf32, #tpu.memory_space<vmem>> -> memref<256x128xf32, #tpu.memory_space<vmem>>
      %dma_start3A_1117 = arith.constant 2560 : i32
      %dma_start3A_1118 = arith.constant 0 : i32
      %dma_start3A_1119 = tpu.memref_slice %arg5[%add3A_242, %dma_start3A_1117, %dma_start3A_1118] : memref<512x4096x128xf32, #tpu.memory_space<hbm>> -> memref<1x256x128xf32, #tpu.memory_space<hbm>>
      %dma_start3A_1120 = tpu.memref_squeeze %dma_start3A_1119 : memref<1x256x128xf32, #tpu.memory_space<hbm>> -> memref<256x128xf32, #tpu.memory_space<hbm>>
      %dma_start3A_1121 = arith.constant 2560 : i32
      %dma_start3A_1122 = arith.constant 0 : i32
      %dma_start3A_1123 = tpu.memref_slice %arg5[%add3A_242, %dma_start3A_1121, %dma_start3A_1122] : memref<512x4096x128xf32, #tpu.memory_space<hbm>> -> memref<1x256x128xf32, #tpu.memory_space<hbm>>
      %dma_start3A_1124 = tpu.memref_squeeze %dma_start3A_1123 : memref<1x256x128xf32, #tpu.memory_space<hbm>> -> memref<256x128xf32, #tpu.memory_space<hbm>>
      %dma_start3A_1125 = arith.constant 0 : i32
      %dma_start3A_1126 = arith.constant 0 : i32
      %dma_start3A_1127 = tpu.memref_slice %arg14[%dma_start3A_1112, %dma_start3A_1125, %dma_start3A_1126] : memref<2x256x128xf32, #tpu.memory_space<vmem>> -> memref<1x256x128xf32, #tpu.memory_space<vmem>>
      %dma_start3A_1128 = tpu.memref_squeeze %dma_start3A_1127 : memref<1x256x128xf32, #tpu.memory_space<vmem>> -> memref<256x128xf32, #tpu.memory_space<vmem>>
      tpu.enqueue_dma source(%dma_start3A_1128 : memref<256x128xf32, #tpu.memory_space<vmem>>) target(%dma_start3A_1124 : memref<256x128xf32, #tpu.memory_space<hbm>>) target_semaphore(%arg18 : memref<!tpu.dma_semaphore, #tpu.memory_space<semaphore_mem>>)
      %dma_wait3A_1129 = arith.constant 1 : i32
      %dma_wait3A_1130 = arith.constant 0 : i32
      %dma_wait3A_1131 = arith.constant 0 : i32
      %dma_wait3A_1132 = tpu.memref_slice %arg14[%dma_wait3A_1129, %dma_wait3A_1130, %dma_wait3A_1131] : memref<2x256x128xf32, #tpu.memory_space<vmem>> -> memref<1x256x128xf32, #tpu.memory_space<vmem>>
      %dma_wait3A_1133 = tpu.memref_squeeze %dma_wait3A_1132 : memref<1x256x128xf32, #tpu.memory_space<vmem>> -> memref<256x128xf32, #tpu.memory_space<vmem>>
      %dma_wait3A_1134 = arith.constant 2816 : i32
      %dma_wait3A_1135 = arith.constant 0 : i32
      %dma_wait3A_1136 = tpu.memref_slice %arg5[%add3A_242, %dma_wait3A_1134, %dma_wait3A_1135] : memref<512x4096x128xf32, #tpu.memory_space<hbm>> -> memref<1x256x128xf32, #tpu.memory_space<hbm>>
      %dma_wait3A_1137 = tpu.memref_squeeze %dma_wait3A_1136 : memref<1x256x128xf32, #tpu.memory_space<hbm>> -> memref<256x128xf32, #tpu.memory_space<hbm>>
      %dma_wait3A_1138 = arith.constant 2816 : i32
      %dma_wait3A_1139 = arith.constant 0 : i32
      %dma_wait3A_1140 = tpu.memref_slice %arg5[%add3A_242, %dma_wait3A_1138, %dma_wait3A_1139] : memref<512x4096x128xf32, #tpu.memory_space<hbm>> -> memref<1x256x128xf32, #tpu.memory_space<hbm>>
      %dma_wait3A_1141 = tpu.memref_squeeze %dma_wait3A_1140 : memref<1x256x128xf32, #tpu.memory_space<hbm>> -> memref<256x128xf32, #tpu.memory_space<hbm>>
      %dma_wait3A_1142 = arith.constant 0 : i32
      %dma_wait3A_1143 = arith.constant 0 : i32
      %dma_wait3A_1144 = tpu.memref_slice %arg14[%dma_wait3A_1129, %dma_wait3A_1142, %dma_wait3A_1143] : memref<2x256x128xf32, #tpu.memory_space<vmem>> -> memref<1x256x128xf32, #tpu.memory_space<vmem>>
      %dma_wait3A_1145 = tpu.memref_squeeze %dma_wait3A_1144 : memref<1x256x128xf32, #tpu.memory_space<vmem>> -> memref<256x128xf32, #tpu.memory_space<vmem>>
      tpu.wait_dma2 semaphore(%arg19 : memref<!tpu.dma_semaphore, #tpu.memory_space<semaphore_mem>>) src(%dma_wait3A_1145 : memref<256x128xf32, #tpu.memory_space<vmem>>) dst(%dma_wait3A_1141 : memref<256x128xf32, #tpu.memory_space<hbm>>)
      %dma_start3A_1146 = arith.constant 1 : i32
      %dma_start3A_1147 = arith.constant 0 : i32
      %dma_start3A_1148 = arith.constant 0 : i32
      %dma_start3A_1149 = tpu.memref_slice %arg14[%dma_start3A_1146, %dma_start3A_1147, %dma_start3A_1148] : memref<2x256x128xf32, #tpu.memory_space<vmem>> -> memref<1x128x128xf32, #tpu.memory_space<vmem>>
      %dma_start3A_1150 = tpu.memref_squeeze %dma_start3A_1149 : memref<1x128x128xf32, #tpu.memory_space<vmem>> -> memref<128x128xf32, #tpu.memory_space<vmem>>
      %dma_start3A_1151 = arith.constant 2816 : i32
      %dma_start3A_1152 = tpu.memref_slice %arg13[%rem3A_243, %dma_start3A_1151] : memref<2x4096xi32, #tpu.memory_space<vmem>> -> memref<1x128xi32, #tpu.memory_space<vmem>>
      %dma_start3A_1153 = tpu.memref_squeeze %dma_start3A_1152 : memref<1x128xi32, #tpu.memory_space<vmem>> -> memref<128xi32, #tpu.memory_space<vmem>>
      %dma_start3A_1154 = arith.constant 0 : i32
      %dma_start3A_1155 = arith.constant 0 : i32
      %dma_start3A_1156 = tpu.memref_slice %arg6[%dma_start3A_1154, %dma_start3A_1155] : memref<147456x128xf32, #tpu.memory_space<hbm>> -> memref<147456x128xf32, #tpu.memory_space<hbm>>
      tpu.enqueue_indirect_dma source(%dma_start3A_1156 : memref<147456x128xf32, #tpu.memory_space<hbm>>) target(%dma_start3A_1150 : memref<128x128xf32, #tpu.memory_space<vmem>>) offsets(%dma_start3A_1153 : memref<128xi32, #tpu.memory_space<vmem>>) semaphore(%arg16 : memref<!tpu.dma_semaphore, #tpu.memory_space<semaphore_mem>>)
      %dma_start3A_1157 = arith.constant 1 : i32
      %dma_start3A_1158 = arith.constant 128 : i32
      %dma_start3A_1159 = arith.constant 0 : i32
      %dma_start3A_1160 = tpu.memref_slice %arg14[%dma_start3A_1157, %dma_start3A_1158, %dma_start3A_1159] : memref<2x256x128xf32, #tpu.memory_space<vmem>> -> memref<1x128x128xf32, #tpu.memory_space<vmem>>
      %dma_start3A_1161 = tpu.memref_squeeze %dma_start3A_1160 : memref<1x128x128xf32, #tpu.memory_space<vmem>> -> memref<128x128xf32, #tpu.memory_space<vmem>>
      %dma_start3A_1162 = arith.constant 2944 : i32
      %dma_start3A_1163 = tpu.memref_slice %arg13[%rem3A_243, %dma_start3A_1162] : memref<2x4096xi32, #tpu.memory_space<vmem>> -> memref<1x128xi32, #tpu.memory_space<vmem>>
      %dma_start3A_1164 = tpu.memref_squeeze %dma_start3A_1163 : memref<1x128xi32, #tpu.memory_space<vmem>> -> memref<128xi32, #tpu.memory_space<vmem>>
      %dma_start3A_1165 = arith.constant 0 : i32
      %dma_start3A_1166 = arith.constant 0 : i32
      %dma_start3A_1167 = tpu.memref_slice %arg6[%dma_start3A_1165, %dma_start3A_1166] : memref<147456x128xf32, #tpu.memory_space<hbm>> -> memref<147456x128xf32, #tpu.memory_space<hbm>>
      tpu.enqueue_indirect_dma source(%dma_start3A_1167 : memref<147456x128xf32, #tpu.memory_space<hbm>>) target(%dma_start3A_1161 : memref<128x128xf32, #tpu.memory_space<vmem>>) offsets(%dma_start3A_1164 : memref<128xi32, #tpu.memory_space<vmem>>) semaphore(%arg16 : memref<!tpu.dma_semaphore, #tpu.memory_space<semaphore_mem>>)
      %lt3A_1168 = arith.constant 15 : i32
      %lt3A_1169 = arith.cmpi slt, %scan3A_241, %lt3A_1168 : i32
      %convert_element_type3A_1170 = arith.extui %lt3A_1169 : i1 to i32
      %cond3A_1171 = arith.constant 0 : i32
      %cond3A_1172 = arith.cmpi ne, %convert_element_type3A_1170, %cond3A_1171 : i32
      scf.if %cond3A_1172 {
        %sub3A_1544 = arith.constant 1 : i32
        %sub3A_1545 = arith.subi %sub3A_1544, %rem3A_243 : i32
        %broadcast_in_dim3A_1546 = vector.broadcast %sub3A_1545 : i32 to vector<16xi32>
        %scan3A_1547 = arith.constant 0 : i32
        %scan3A_1548 = arith.constant 176 : i32
        %scan3A_1549 = arith.constant 16 : i32
        %scan3A_1550 = arith.addi %scan3A_1548, %scan3A_1549 : i32
        %scan3A_1551 = arith.constant 1 : i32
        scf.for %scan3A_1553 = %scan3A_1548 to %scan3A_1550 step %scan3A_1551  : i32 {
          %iota3A = tpu.iota {dimensions = array<i32: 0>} : vector<16xi32>
          %and3A = arith.constant 7 : i32
          %and3A_1554 = vector.broadcast %and3A : i32 to vector<16xi32>
          %and3A_1555 = arith.andi %iota3A, %and3A_1554 : vector<16xi32>
          %shift_right_logical3A = arith.constant 3 : i32
          %shift_right_logical3A_1556 = vector.broadcast %shift_right_logical3A : i32 to vector<16xi32>
          %shift_right_logical3A_1557 = arith.shrui %iota3A, %shift_right_logical3A_1556 : vector<16xi32>
          %mul3A_1558 = arith.constant 2 : i32
          %mul3A_1559 = arith.muli %mul3A_1558, %scan3A_1553 : i32
          %add3A_1560 = vector.broadcast %mul3A_1559 : i32 to vector<16xi32>
          %add3A_1561 = arith.addi %shift_right_logical3A_1557, %add3A_1560 : vector<16xi32>
          %mul3A_1562 = arith.constant 2 : i32
          %mul3A_1563 = vector.broadcast %mul3A_1562 : i32 to vector<16xi32>
          %mul3A_1564 = arith.muli %add3A_1561, %mul3A_1563 : vector<16xi32>
          %shift_right_logical3A_1565 = arith.constant 7 : i32
          %shift_right_logical3A_1566 = vector.broadcast %shift_right_logical3A_1565 : i32 to vector<16xi32>
          %shift_right_logical3A_1567 = arith.shrui %mul3A_1564, %shift_right_logical3A_1566 : vector<16xi32>
          %and3A_1568 = arith.constant 127 : i32
          %and3A_1569 = vector.broadcast %and3A_1568 : i32 to vector<16xi32>
          %and3A_1570 = arith.andi %mul3A_1564, %and3A_1569 : vector<16xi32>
          %gather3A = tpu.vector_load_idx %arg12[%broadcast_in_dim3A_1546, %shift_right_logical3A_1567, %and3A_1555, %and3A_1570] : memref<2x8x8x128xi32, #tpu.memory_space<vmem>>[vector<16xi32>, vector<16xi32>, vector<16xi32>, vector<16xi32>], vector<16xi32>,
          %add3A_1571 = arith.constant 1 : i32
          %add3A_1572 = vector.broadcast %add3A_1571 : i32 to vector<16xi32>
          %add3A_1573 = arith.addi %and3A_1570, %add3A_1572 : vector<16xi32>
          %gather3A_1574 = tpu.vector_load_idx %arg12[%broadcast_in_dim3A_1546, %shift_right_logical3A_1567, %and3A_1555, %add3A_1573] : memref<2x8x8x128xi32, #tpu.memory_space<vmem>>[vector<16xi32>, vector<16xi32>, vector<16xi32>, vector<16xi32>], vector<16xi32>,
          %mul3A_1575 = arith.constant 12 : i32
          %mul3A_1576 = vector.broadcast %mul3A_1575 : i32 to vector<16xi32>
          %mul3A_1577 = arith.muli %gather3A, %mul3A_1576 : vector<16xi32>
          %add3A_1578 = arith.addi %mul3A_1577, %gather3A_1574 : vector<16xi32>
          %mul3A_1579 = arith.constant 16 : i32
          %mul3A_1580 = arith.muli %scan3A_1553, %mul3A_1579 : i32
          %get3A = arith.index_cast %mul3A_1580 : i32 to index
          %get3A_1581 = tpu.vector_load %arg11[%get3A] {strides = array<i32>} : memref<4096xi32, #tpu.memory_space<vmem>>, vector<16xi32>,
          %add3A_1582 = arith.addi %add3A_1578, %get3A_1581 : vector<16xi32>
          %mul3A_1583 = arith.constant 16 : i32
          %mul3A_1584 = arith.muli %scan3A_1553, %mul3A_1583 : i32
          %swap3A = arith.index_cast %sub3A_1545 : i32 to index
          %swap3A_1585 = arith.index_cast %mul3A_1584 : i32 to index
          %swap3A_1586 = tpu.vector_load %arg13[%swap3A, %swap3A_1585] {strides = array<i32>} : memref<2x4096xi32, #tpu.memory_space<vmem>>, vector<16xi32>,
          tpu.vector_store %arg13[%swap3A, %swap3A_1585], %add3A_1582 {strides = array<i32>} : memref<2x4096xi32, #tpu.memory_space<vmem>>, vector<16xi32>,
        }
        %scan3A_1552 = arith.constant 16 : i32
      } else {
      }
      %dma_wait3A_1173 = arith.constant 1 : i32
      %dma_wait3A_1174 = arith.constant 0 : i32
      %dma_wait3A_1175 = arith.constant 0 : i32
      %dma_wait3A_1176 = tpu.memref_slice %arg14[%dma_wait3A_1173, %dma_wait3A_1174, %dma_wait3A_1175] : memref<2x256x128xf32, #tpu.memory_space<vmem>> -> memref<1x128x128xf32, #tpu.memory_space<vmem>>
      %dma_wait3A_1177 = tpu.memref_squeeze %dma_wait3A_1176 : memref<1x128x128xf32, #tpu.memory_space<vmem>> -> memref<128x128xf32, #tpu.memory_space<vmem>>
      %dma_wait3A_1178 = arith.constant 2816 : i32
      %dma_wait3A_1179 = tpu.memref_slice %arg13[%rem3A_243, %dma_wait3A_1178] : memref<2x4096xi32, #tpu.memory_space<vmem>> -> memref<1x128xi32, #tpu.memory_space<vmem>>
      %dma_wait3A_1180 = tpu.memref_squeeze %dma_wait3A_1179 : memref<1x128xi32, #tpu.memory_space<vmem>> -> memref<128xi32, #tpu.memory_space<vmem>>
      %dma_wait3A_1181 = arith.constant 0 : i32
      %dma_wait3A_1182 = arith.constant 0 : i32
      %dma_wait3A_1183 = tpu.memref_slice %arg6[%dma_wait3A_1181, %dma_wait3A_1182] : memref<147456x128xf32, #tpu.memory_space<hbm>> -> memref<147456x128xf32, #tpu.memory_space<hbm>>
      tpu.wait_indirect_dma semaphore(%arg16 : memref<!tpu.dma_semaphore, #tpu.memory_space<semaphore_mem>>) src(%dma_wait3A_1183 : memref<147456x128xf32, #tpu.memory_space<hbm>>) dst(%dma_wait3A_1177 : memref<128x128xf32, #tpu.memory_space<vmem>>)
      %dma_wait3A_1184 = arith.constant 1 : i32
      %dma_wait3A_1185 = arith.constant 128 : i32
      %dma_wait3A_1186 = arith.constant 0 : i32
      %dma_wait3A_1187 = tpu.memref_slice %arg14[%dma_wait3A_1184, %dma_wait3A_1185, %dma_wait3A_1186] : memref<2x256x128xf32, #tpu.memory_space<vmem>> -> memref<1x128x128xf32, #tpu.memory_space<vmem>>
      %dma_wait3A_1188 = tpu.memref_squeeze %dma_wait3A_1187 : memref<1x128x128xf32, #tpu.memory_space<vmem>> -> memref<128x128xf32, #tpu.memory_space<vmem>>
      %dma_wait3A_1189 = arith.constant 2944 : i32
      %dma_wait3A_1190 = tpu.memref_slice %arg13[%rem3A_243, %dma_wait3A_1189] : memref<2x4096xi32, #tpu.memory_space<vmem>> -> memref<1x128xi32, #tpu.memory_space<vmem>>
      %dma_wait3A_1191 = tpu.memref_squeeze %dma_wait3A_1190 : memref<1x128xi32, #tpu.memory_space<vmem>> -> memref<128xi32, #tpu.memory_space<vmem>>
      %dma_wait3A_1192 = arith.constant 0 : i32
      %dma_wait3A_1193 = arith.constant 0 : i32
      %dma_wait3A_1194 = tpu.memref_slice %arg6[%dma_wait3A_1192, %dma_wait3A_1193] : memref<147456x128xf32, #tpu.memory_space<hbm>> -> memref<147456x128xf32, #tpu.memory_space<hbm>>
      tpu.wait_indirect_dma semaphore(%arg16 : memref<!tpu.dma_semaphore, #tpu.memory_space<semaphore_mem>>) src(%dma_wait3A_1194 : memref<147456x128xf32, #tpu.memory_space<hbm>>) dst(%dma_wait3A_1188 : memref<128x128xf32, #tpu.memory_space<vmem>>)
      %dma_start3A_1195 = arith.constant 1 : i32
      %dma_start3A_1196 = arith.constant 0 : i32
      %dma_start3A_1197 = arith.constant 0 : i32
      %dma_start3A_1198 = tpu.memref_slice %arg14[%dma_start3A_1195, %dma_start3A_1196, %dma_start3A_1197] : memref<2x256x128xf32, #tpu.memory_space<vmem>> -> memref<1x256x128xf32, #tpu.memory_space<vmem>>
      %dma_start3A_1199 = tpu.memref_squeeze %dma_start3A_1198 : memref<1x256x128xf32, #tpu.memory_space<vmem>> -> memref<256x128xf32, #tpu.memory_space<vmem>>
      %dma_start3A_1200 = arith.constant 2816 : i32
      %dma_start3A_1201 = arith.constant 0 : i32
      %dma_start3A_1202 = tpu.memref_slice %arg5[%add3A_242, %dma_start3A_1200, %dma_start3A_1201] : memref<512x4096x128xf32, #tpu.memory_space<hbm>> -> memref<1x256x128xf32, #tpu.memory_space<hbm>>
      %dma_start3A_1203 = tpu.memref_squeeze %dma_start3A_1202 : memref<1x256x128xf32, #tpu.memory_space<hbm>> -> memref<256x128xf32, #tpu.memory_space<hbm>>
      %dma_start3A_1204 = arith.constant 2816 : i32
      %dma_start3A_1205 = arith.constant 0 : i32
      %dma_start3A_1206 = tpu.memref_slice %arg5[%add3A_242, %dma_start3A_1204, %dma_start3A_1205] : memref<512x4096x128xf32, #tpu.memory_space<hbm>> -> memref<1x256x128xf32, #tpu.memory_space<hbm>>
      %dma_start3A_1207 = tpu.memref_squeeze %dma_start3A_1206 : memref<1x256x128xf32, #tpu.memory_space<hbm>> -> memref<256x128xf32, #tpu.memory_space<hbm>>
      %dma_start3A_1208 = arith.constant 0 : i32
      %dma_start3A_1209 = arith.constant 0 : i32
      %dma_start3A_1210 = tpu.memref_slice %arg14[%dma_start3A_1195, %dma_start3A_1208, %dma_start3A_1209] : memref<2x256x128xf32, #tpu.memory_space<vmem>> -> memref<1x256x128xf32, #tpu.memory_space<vmem>>
      %dma_start3A_1211 = tpu.memref_squeeze %dma_start3A_1210 : memref<1x256x128xf32, #tpu.memory_space<vmem>> -> memref<256x128xf32, #tpu.memory_space<vmem>>
      tpu.enqueue_dma source(%dma_start3A_1211 : memref<256x128xf32, #tpu.memory_space<vmem>>) target(%dma_start3A_1207 : memref<256x128xf32, #tpu.memory_space<hbm>>) target_semaphore(%arg19 : memref<!tpu.dma_semaphore, #tpu.memory_space<semaphore_mem>>)
      %dma_wait3A_1212 = arith.constant 0 : i32
      %dma_wait3A_1213 = arith.constant 0 : i32
      %dma_wait3A_1214 = arith.constant 0 : i32
      %dma_wait3A_1215 = tpu.memref_slice %arg14[%dma_wait3A_1212, %dma_wait3A_1213, %dma_wait3A_1214] : memref<2x256x128xf32, #tpu.memory_space<vmem>> -> memref<1x256x128xf32, #tpu.memory_space<vmem>>
      %dma_wait3A_1216 = tpu.memref_squeeze %dma_wait3A_1215 : memref<1x256x128xf32, #tpu.memory_space<vmem>> -> memref<256x128xf32, #tpu.memory_space<vmem>>
      %dma_wait3A_1217 = arith.constant 3072 : i32
      %dma_wait3A_1218 = arith.constant 0 : i32
      %dma_wait3A_1219 = tpu.memref_slice %arg5[%add3A_242, %dma_wait3A_1217, %dma_wait3A_1218] : memref<512x4096x128xf32, #tpu.memory_space<hbm>> -> memref<1x256x128xf32, #tpu.memory_space<hbm>>
      %dma_wait3A_1220 = tpu.memref_squeeze %dma_wait3A_1219 : memref<1x256x128xf32, #tpu.memory_space<hbm>> -> memref<256x128xf32, #tpu.memory_space<hbm>>
      %dma_wait3A_1221 = arith.constant 3072 : i32
      %dma_wait3A_1222 = arith.constant 0 : i32
      %dma_wait3A_1223 = tpu.memref_slice %arg5[%add3A_242, %dma_wait3A_1221, %dma_wait3A_1222] : memref<512x4096x128xf32, #tpu.memory_space<hbm>> -> memref<1x256x128xf32, #tpu.memory_space<hbm>>
      %dma_wait3A_1224 = tpu.memref_squeeze %dma_wait3A_1223 : memref<1x256x128xf32, #tpu.memory_space<hbm>> -> memref<256x128xf32, #tpu.memory_space<hbm>>
      %dma_wait3A_1225 = arith.constant 0 : i32
      %dma_wait3A_1226 = arith.constant 0 : i32
      %dma_wait3A_1227 = tpu.memref_slice %arg14[%dma_wait3A_1212, %dma_wait3A_1225, %dma_wait3A_1226] : memref<2x256x128xf32, #tpu.memory_space<vmem>> -> memref<1x256x128xf32, #tpu.memory_space<vmem>>
      %dma_wait3A_1228 = tpu.memref_squeeze %dma_wait3A_1227 : memref<1x256x128xf32, #tpu.memory_space<vmem>> -> memref<256x128xf32, #tpu.memory_space<vmem>>
      tpu.wait_dma2 semaphore(%arg18 : memref<!tpu.dma_semaphore, #tpu.memory_space<semaphore_mem>>) src(%dma_wait3A_1228 : memref<256x128xf32, #tpu.memory_space<vmem>>) dst(%dma_wait3A_1224 : memref<256x128xf32, #tpu.memory_space<hbm>>)
      %dma_start3A_1229 = arith.constant 0 : i32
      %dma_start3A_1230 = arith.constant 0 : i32
      %dma_start3A_1231 = arith.constant 0 : i32
      %dma_start3A_1232 = tpu.memref_slice %arg14[%dma_start3A_1229, %dma_start3A_1230, %dma_start3A_1231] : memref<2x256x128xf32, #tpu.memory_space<vmem>> -> memref<1x128x128xf32, #tpu.memory_space<vmem>>
      %dma_start3A_1233 = tpu.memref_squeeze %dma_start3A_1232 : memref<1x128x128xf32, #tpu.memory_space<vmem>> -> memref<128x128xf32, #tpu.memory_space<vmem>>
      %dma_start3A_1234 = arith.constant 3072 : i32
      %dma_start3A_1235 = tpu.memref_slice %arg13[%rem3A_243, %dma_start3A_1234] : memref<2x4096xi32, #tpu.memory_space<vmem>> -> memref<1x128xi32, #tpu.memory_space<vmem>>
      %dma_start3A_1236 = tpu.memref_squeeze %dma_start3A_1235 : memref<1x128xi32, #tpu.memory_space<vmem>> -> memref<128xi32, #tpu.memory_space<vmem>>
      %dma_start3A_1237 = arith.constant 0 : i32
      %dma_start3A_1238 = arith.constant 0 : i32
      %dma_start3A_1239 = tpu.memref_slice %arg6[%dma_start3A_1237, %dma_start3A_1238] : memref<147456x128xf32, #tpu.memory_space<hbm>> -> memref<147456x128xf32, #tpu.memory_space<hbm>>
      tpu.enqueue_indirect_dma source(%dma_start3A_1239 : memref<147456x128xf32, #tpu.memory_space<hbm>>) target(%dma_start3A_1233 : memref<128x128xf32, #tpu.memory_space<vmem>>) offsets(%dma_start3A_1236 : memref<128xi32, #tpu.memory_space<vmem>>) semaphore(%arg15 : memref<!tpu.dma_semaphore, #tpu.memory_space<semaphore_mem>>)
      %dma_start3A_1240 = arith.constant 0 : i32
      %dma_start3A_1241 = arith.constant 128 : i32
      %dma_start3A_1242 = arith.constant 0 : i32
      %dma_start3A_1243 = tpu.memref_slice %arg14[%dma_start3A_1240, %dma_start3A_1241, %dma_start3A_1242] : memref<2x256x128xf32, #tpu.memory_space<vmem>> -> memref<1x128x128xf32, #tpu.memory_space<vmem>>
      %dma_start3A_1244 = tpu.memref_squeeze %dma_start3A_1243 : memref<1x128x128xf32, #tpu.memory_space<vmem>> -> memref<128x128xf32, #tpu.memory_space<vmem>>
      %dma_start3A_1245 = arith.constant 3200 : i32
      %dma_start3A_1246 = tpu.memref_slice %arg13[%rem3A_243, %dma_start3A_1245] : memref<2x4096xi32, #tpu.memory_space<vmem>> -> memref<1x128xi32, #tpu.memory_space<vmem>>
      %dma_start3A_1247 = tpu.memref_squeeze %dma_start3A_1246 : memref<1x128xi32, #tpu.memory_space<vmem>> -> memref<128xi32, #tpu.memory_space<vmem>>
      %dma_start3A_1248 = arith.constant 0 : i32
      %dma_start3A_1249 = arith.constant 0 : i32
      %dma_start3A_1250 = tpu.memref_slice %arg6[%dma_start3A_1248, %dma_start3A_1249] : memref<147456x128xf32, #tpu.memory_space<hbm>> -> memref<147456x128xf32, #tpu.memory_space<hbm>>
      tpu.enqueue_indirect_dma source(%dma_start3A_1250 : memref<147456x128xf32, #tpu.memory_space<hbm>>) target(%dma_start3A_1244 : memref<128x128xf32, #tpu.memory_space<vmem>>) offsets(%dma_start3A_1247 : memref<128xi32, #tpu.memory_space<vmem>>) semaphore(%arg15 : memref<!tpu.dma_semaphore, #tpu.memory_space<semaphore_mem>>)
      %lt3A_1251 = arith.constant 15 : i32
      %lt3A_1252 = arith.cmpi slt, %scan3A_241, %lt3A_1251 : i32
      %convert_element_type3A_1253 = arith.extui %lt3A_1252 : i1 to i32
      %cond3A_1254 = arith.constant 0 : i32
      %cond3A_1255 = arith.cmpi ne, %convert_element_type3A_1253, %cond3A_1254 : i32
      scf.if %cond3A_1255 {
        %sub3A_1544 = arith.constant 1 : i32
        %sub3A_1545 = arith.subi %sub3A_1544, %rem3A_243 : i32
        %broadcast_in_dim3A_1546 = vector.broadcast %sub3A_1545 : i32 to vector<16xi32>
        %scan3A_1547 = arith.constant 0 : i32
        %scan3A_1548 = arith.constant 192 : i32
        %scan3A_1549 = arith.constant 16 : i32
        %scan3A_1550 = arith.addi %scan3A_1548, %scan3A_1549 : i32
        %scan3A_1551 = arith.constant 1 : i32
        scf.for %scan3A_1553 = %scan3A_1548 to %scan3A_1550 step %scan3A_1551  : i32 {
          %iota3A = tpu.iota {dimensions = array<i32: 0>} : vector<16xi32>
          %and3A = arith.constant 7 : i32
          %and3A_1554 = vector.broadcast %and3A : i32 to vector<16xi32>
          %and3A_1555 = arith.andi %iota3A, %and3A_1554 : vector<16xi32>
          %shift_right_logical3A = arith.constant 3 : i32
          %shift_right_logical3A_1556 = vector.broadcast %shift_right_logical3A : i32 to vector<16xi32>
          %shift_right_logical3A_1557 = arith.shrui %iota3A, %shift_right_logical3A_1556 : vector<16xi32>
          %mul3A_1558 = arith.constant 2 : i32
          %mul3A_1559 = arith.muli %mul3A_1558, %scan3A_1553 : i32
          %add3A_1560 = vector.broadcast %mul3A_1559 : i32 to vector<16xi32>
          %add3A_1561 = arith.addi %shift_right_logical3A_1557, %add3A_1560 : vector<16xi32>
          %mul3A_1562 = arith.constant 2 : i32
          %mul3A_1563 = vector.broadcast %mul3A_1562 : i32 to vector<16xi32>
          %mul3A_1564 = arith.muli %add3A_1561, %mul3A_1563 : vector<16xi32>
          %shift_right_logical3A_1565 = arith.constant 7 : i32
          %shift_right_logical3A_1566 = vector.broadcast %shift_right_logical3A_1565 : i32 to vector<16xi32>
          %shift_right_logical3A_1567 = arith.shrui %mul3A_1564, %shift_right_logical3A_1566 : vector<16xi32>
          %and3A_1568 = arith.constant 127 : i32
          %and3A_1569 = vector.broadcast %and3A_1568 : i32 to vector<16xi32>
          %and3A_1570 = arith.andi %mul3A_1564, %and3A_1569 : vector<16xi32>
          %gather3A = tpu.vector_load_idx %arg12[%broadcast_in_dim3A_1546, %shift_right_logical3A_1567, %and3A_1555, %and3A_1570] : memref<2x8x8x128xi32, #tpu.memory_space<vmem>>[vector<16xi32>, vector<16xi32>, vector<16xi32>, vector<16xi32>], vector<16xi32>,
          %add3A_1571 = arith.constant 1 : i32
          %add3A_1572 = vector.broadcast %add3A_1571 : i32 to vector<16xi32>
          %add3A_1573 = arith.addi %and3A_1570, %add3A_1572 : vector<16xi32>
          %gather3A_1574 = tpu.vector_load_idx %arg12[%broadcast_in_dim3A_1546, %shift_right_logical3A_1567, %and3A_1555, %add3A_1573] : memref<2x8x8x128xi32, #tpu.memory_space<vmem>>[vector<16xi32>, vector<16xi32>, vector<16xi32>, vector<16xi32>], vector<16xi32>,
          %mul3A_1575 = arith.constant 12 : i32
          %mul3A_1576 = vector.broadcast %mul3A_1575 : i32 to vector<16xi32>
          %mul3A_1577 = arith.muli %gather3A, %mul3A_1576 : vector<16xi32>
          %add3A_1578 = arith.addi %mul3A_1577, %gather3A_1574 : vector<16xi32>
          %mul3A_1579 = arith.constant 16 : i32
          %mul3A_1580 = arith.muli %scan3A_1553, %mul3A_1579 : i32
          %get3A = arith.index_cast %mul3A_1580 : i32 to index
          %get3A_1581 = tpu.vector_load %arg11[%get3A] {strides = array<i32>} : memref<4096xi32, #tpu.memory_space<vmem>>, vector<16xi32>,
          %add3A_1582 = arith.addi %add3A_1578, %get3A_1581 : vector<16xi32>
          %mul3A_1583 = arith.constant 16 : i32
          %mul3A_1584 = arith.muli %scan3A_1553, %mul3A_1583 : i32
          %swap3A = arith.index_cast %sub3A_1545 : i32 to index
          %swap3A_1585 = arith.index_cast %mul3A_1584 : i32 to index
          %swap3A_1586 = tpu.vector_load %arg13[%swap3A, %swap3A_1585] {strides = array<i32>} : memref<2x4096xi32, #tpu.memory_space<vmem>>, vector<16xi32>,
          tpu.vector_store %arg13[%swap3A, %swap3A_1585], %add3A_1582 {strides = array<i32>} : memref<2x4096xi32, #tpu.memory_space<vmem>>, vector<16xi32>,
        }
        %scan3A_1552 = arith.constant 16 : i32
      } else {
      }
      %dma_wait3A_1256 = arith.constant 0 : i32
      %dma_wait3A_1257 = arith.constant 0 : i32
      %dma_wait3A_1258 = arith.constant 0 : i32
      %dma_wait3A_1259 = tpu.memref_slice %arg14[%dma_wait3A_1256, %dma_wait3A_1257, %dma_wait3A_1258] : memref<2x256x128xf32, #tpu.memory_space<vmem>> -> memref<1x128x128xf32, #tpu.memory_space<vmem>>
      %dma_wait3A_1260 = tpu.memref_squeeze %dma_wait3A_1259 : memref<1x128x128xf32, #tpu.memory_space<vmem>> -> memref<128x128xf32, #tpu.memory_space<vmem>>
      %dma_wait3A_1261 = arith.constant 3072 : i32
      %dma_wait3A_1262 = tpu.memref_slice %arg13[%rem3A_243, %dma_wait3A_1261] : memref<2x4096xi32, #tpu.memory_space<vmem>> -> memref<1x128xi32, #tpu.memory_space<vmem>>
      %dma_wait3A_1263 = tpu.memref_squeeze %dma_wait3A_1262 : memref<1x128xi32, #tpu.memory_space<vmem>> -> memref<128xi32, #tpu.memory_space<vmem>>
      %dma_wait3A_1264 = arith.constant 0 : i32
      %dma_wait3A_1265 = arith.constant 0 : i32
      %dma_wait3A_1266 = tpu.memref_slice %arg6[%dma_wait3A_1264, %dma_wait3A_1265] : memref<147456x128xf32, #tpu.memory_space<hbm>> -> memref<147456x128xf32, #tpu.memory_space<hbm>>
      tpu.wait_indirect_dma semaphore(%arg15 : memref<!tpu.dma_semaphore, #tpu.memory_space<semaphore_mem>>) src(%dma_wait3A_1266 : memref<147456x128xf32, #tpu.memory_space<hbm>>) dst(%dma_wait3A_1260 : memref<128x128xf32, #tpu.memory_space<vmem>>)
      %dma_wait3A_1267 = arith.constant 0 : i32
      %dma_wait3A_1268 = arith.constant 128 : i32
      %dma_wait3A_1269 = arith.constant 0 : i32
      %dma_wait3A_1270 = tpu.memref_slice %arg14[%dma_wait3A_1267, %dma_wait3A_1268, %dma_wait3A_1269] : memref<2x256x128xf32, #tpu.memory_space<vmem>> -> memref<1x128x128xf32, #tpu.memory_space<vmem>>
      %dma_wait3A_1271 = tpu.memref_squeeze %dma_wait3A_1270 : memref<1x128x128xf32, #tpu.memory_space<vmem>> -> memref<128x128xf32, #tpu.memory_space<vmem>>
      %dma_wait3A_1272 = arith.constant 3200 : i32
      %dma_wait3A_1273 = tpu.memref_slice %arg13[%rem3A_243, %dma_wait3A_1272] : memref<2x4096xi32, #tpu.memory_space<vmem>> -> memref<1x128xi32, #tpu.memory_space<vmem>>
      %dma_wait3A_1274 = tpu.memref_squeeze %dma_wait3A_1273 : memref<1x128xi32, #tpu.memory_space<vmem>> -> memref<128xi32, #tpu.memory_space<vmem>>
      %dma_wait3A_1275 = arith.constant 0 : i32
      %dma_wait3A_1276 = arith.constant 0 : i32
      %dma_wait3A_1277 = tpu.memref_slice %arg6[%dma_wait3A_1275, %dma_wait3A_1276] : memref<147456x128xf32, #tpu.memory_space<hbm>> -> memref<147456x128xf32, #tpu.memory_space<hbm>>
      tpu.wait_indirect_dma semaphore(%arg15 : memref<!tpu.dma_semaphore, #tpu.memory_space<semaphore_mem>>) src(%dma_wait3A_1277 : memref<147456x128xf32, #tpu.memory_space<hbm>>) dst(%dma_wait3A_1271 : memref<128x128xf32, #tpu.memory_space<vmem>>)
      %dma_start3A_1278 = arith.constant 0 : i32
      %dma_start3A_1279 = arith.constant 0 : i32
      %dma_start3A_1280 = arith.constant 0 : i32
      %dma_start3A_1281 = tpu.memref_slice %arg14[%dma_start3A_1278, %dma_start3A_1279, %dma_start3A_1280] : memref<2x256x128xf32, #tpu.memory_space<vmem>> -> memref<1x256x128xf32, #tpu.memory_space<vmem>>
      %dma_start3A_1282 = tpu.memref_squeeze %dma_start3A_1281 : memref<1x256x128xf32, #tpu.memory_space<vmem>> -> memref<256x128xf32, #tpu.memory_space<vmem>>
      %dma_start3A_1283 = arith.constant 3072 : i32
      %dma_start3A_1284 = arith.constant 0 : i32
      %dma_start3A_1285 = tpu.memref_slice %arg5[%add3A_242, %dma_start3A_1283, %dma_start3A_1284] : memref<512x4096x128xf32, #tpu.memory_space<hbm>> -> memref<1x256x128xf32, #tpu.memory_space<hbm>>
      %dma_start3A_1286 = tpu.memref_squeeze %dma_start3A_1285 : memref<1x256x128xf32, #tpu.memory_space<hbm>> -> memref<256x128xf32, #tpu.memory_space<hbm>>
      %dma_start3A_1287 = arith.constant 3072 : i32
      %dma_start3A_1288 = arith.constant 0 : i32
      %dma_start3A_1289 = tpu.memref_slice %arg5[%add3A_242, %dma_start3A_1287, %dma_start3A_1288] : memref<512x4096x128xf32, #tpu.memory_space<hbm>> -> memref<1x256x128xf32, #tpu.memory_space<hbm>>
      %dma_start3A_1290 = tpu.memref_squeeze %dma_start3A_1289 : memref<1x256x128xf32, #tpu.memory_space<hbm>> -> memref<256x128xf32, #tpu.memory_space<hbm>>
      %dma_start3A_1291 = arith.constant 0 : i32
      %dma_start3A_1292 = arith.constant 0 : i32
      %dma_start3A_1293 = tpu.memref_slice %arg14[%dma_start3A_1278, %dma_start3A_1291, %dma_start3A_1292] : memref<2x256x128xf32, #tpu.memory_space<vmem>> -> memref<1x256x128xf32, #tpu.memory_space<vmem>>
      %dma_start3A_1294 = tpu.memref_squeeze %dma_start3A_1293 : memref<1x256x128xf32, #tpu.memory_space<vmem>> -> memref<256x128xf32, #tpu.memory_space<vmem>>
      tpu.enqueue_dma source(%dma_start3A_1294 : memref<256x128xf32, #tpu.memory_space<vmem>>) target(%dma_start3A_1290 : memref<256x128xf32, #tpu.memory_space<hbm>>) target_semaphore(%arg18 : memref<!tpu.dma_semaphore, #tpu.memory_space<semaphore_mem>>)
      %dma_wait3A_1295 = arith.constant 1 : i32
      %dma_wait3A_1296 = arith.constant 0 : i32
      %dma_wait3A_1297 = arith.constant 0 : i32
      %dma_wait3A_1298 = tpu.memref_slice %arg14[%dma_wait3A_1295, %dma_wait3A_1296, %dma_wait3A_1297] : memref<2x256x128xf32, #tpu.memory_space<vmem>> -> memref<1x256x128xf32, #tpu.memory_space<vmem>>
      %dma_wait3A_1299 = tpu.memref_squeeze %dma_wait3A_1298 : memref<1x256x128xf32, #tpu.memory_space<vmem>> -> memref<256x128xf32, #tpu.memory_space<vmem>>
      %dma_wait3A_1300 = arith.constant 3328 : i32
      %dma_wait3A_1301 = arith.constant 0 : i32
      %dma_wait3A_1302 = tpu.memref_slice %arg5[%add3A_242, %dma_wait3A_1300, %dma_wait3A_1301] : memref<512x4096x128xf32, #tpu.memory_space<hbm>> -> memref<1x256x128xf32, #tpu.memory_space<hbm>>
      %dma_wait3A_1303 = tpu.memref_squeeze %dma_wait3A_1302 : memref<1x256x128xf32, #tpu.memory_space<hbm>> -> memref<256x128xf32, #tpu.memory_space<hbm>>
      %dma_wait3A_1304 = arith.constant 3328 : i32
      %dma_wait3A_1305 = arith.constant 0 : i32
      %dma_wait3A_1306 = tpu.memref_slice %arg5[%add3A_242, %dma_wait3A_1304, %dma_wait3A_1305] : memref<512x4096x128xf32, #tpu.memory_space<hbm>> -> memref<1x256x128xf32, #tpu.memory_space<hbm>>
      %dma_wait3A_1307 = tpu.memref_squeeze %dma_wait3A_1306 : memref<1x256x128xf32, #tpu.memory_space<hbm>> -> memref<256x128xf32, #tpu.memory_space<hbm>>
      %dma_wait3A_1308 = arith.constant 0 : i32
      %dma_wait3A_1309 = arith.constant 0 : i32
      %dma_wait3A_1310 = tpu.memref_slice %arg14[%dma_wait3A_1295, %dma_wait3A_1308, %dma_wait3A_1309] : memref<2x256x128xf32, #tpu.memory_space<vmem>> -> memref<1x256x128xf32, #tpu.memory_space<vmem>>
      %dma_wait3A_1311 = tpu.memref_squeeze %dma_wait3A_1310 : memref<1x256x128xf32, #tpu.memory_space<vmem>> -> memref<256x128xf32, #tpu.memory_space<vmem>>
      tpu.wait_dma2 semaphore(%arg19 : memref<!tpu.dma_semaphore, #tpu.memory_space<semaphore_mem>>) src(%dma_wait3A_1311 : memref<256x128xf32, #tpu.memory_space<vmem>>) dst(%dma_wait3A_1307 : memref<256x128xf32, #tpu.memory_space<hbm>>)
      %dma_start3A_1312 = arith.constant 1 : i32
      %dma_start3A_1313 = arith.constant 0 : i32
      %dma_start3A_1314 = arith.constant 0 : i32
      %dma_start3A_1315 = tpu.memref_slice %arg14[%dma_start3A_1312, %dma_start3A_1313, %dma_start3A_1314] : memref<2x256x128xf32, #tpu.memory_space<vmem>> -> memref<1x128x128xf32, #tpu.memory_space<vmem>>
      %dma_start3A_1316 = tpu.memref_squeeze %dma_start3A_1315 : memref<1x128x128xf32, #tpu.memory_space<vmem>> -> memref<128x128xf32, #tpu.memory_space<vmem>>
      %dma_start3A_1317 = arith.constant 3328 : i32
      %dma_start3A_1318 = tpu.memref_slice %arg13[%rem3A_243, %dma_start3A_1317] : memref<2x4096xi32, #tpu.memory_space<vmem>> -> memref<1x128xi32, #tpu.memory_space<vmem>>
      %dma_start3A_1319 = tpu.memref_squeeze %dma_start3A_1318 : memref<1x128xi32, #tpu.memory_space<vmem>> -> memref<128xi32, #tpu.memory_space<vmem>>
      %dma_start3A_1320 = arith.constant 0 : i32
      %dma_start3A_1321 = arith.constant 0 : i32
      %dma_start3A_1322 = tpu.memref_slice %arg6[%dma_start3A_1320, %dma_start3A_1321] : memref<147456x128xf32, #tpu.memory_space<hbm>> -> memref<147456x128xf32, #tpu.memory_space<hbm>>
      tpu.enqueue_indirect_dma source(%dma_start3A_1322 : memref<147456x128xf32, #tpu.memory_space<hbm>>) target(%dma_start3A_1316 : memref<128x128xf32, #tpu.memory_space<vmem>>) offsets(%dma_start3A_1319 : memref<128xi32, #tpu.memory_space<vmem>>) semaphore(%arg16 : memref<!tpu.dma_semaphore, #tpu.memory_space<semaphore_mem>>)
      %dma_start3A_1323 = arith.constant 1 : i32
      %dma_start3A_1324 = arith.constant 128 : i32
      %dma_start3A_1325 = arith.constant 0 : i32
      %dma_start3A_1326 = tpu.memref_slice %arg14[%dma_start3A_1323, %dma_start3A_1324, %dma_start3A_1325] : memref<2x256x128xf32, #tpu.memory_space<vmem>> -> memref<1x128x128xf32, #tpu.memory_space<vmem>>
      %dma_start3A_1327 = tpu.memref_squeeze %dma_start3A_1326 : memref<1x128x128xf32, #tpu.memory_space<vmem>> -> memref<128x128xf32, #tpu.memory_space<vmem>>
      %dma_start3A_1328 = arith.constant 3456 : i32
      %dma_start3A_1329 = tpu.memref_slice %arg13[%rem3A_243, %dma_start3A_1328] : memref<2x4096xi32, #tpu.memory_space<vmem>> -> memref<1x128xi32, #tpu.memory_space<vmem>>
      %dma_start3A_1330 = tpu.memref_squeeze %dma_start3A_1329 : memref<1x128xi32, #tpu.memory_space<vmem>> -> memref<128xi32, #tpu.memory_space<vmem>>
      %dma_start3A_1331 = arith.constant 0 : i32
      %dma_start3A_1332 = arith.constant 0 : i32
      %dma_start3A_1333 = tpu.memref_slice %arg6[%dma_start3A_1331, %dma_start3A_1332] : memref<147456x128xf32, #tpu.memory_space<hbm>> -> memref<147456x128xf32, #tpu.memory_space<hbm>>
      tpu.enqueue_indirect_dma source(%dma_start3A_1333 : memref<147456x128xf32, #tpu.memory_space<hbm>>) target(%dma_start3A_1327 : memref<128x128xf32, #tpu.memory_space<vmem>>) offsets(%dma_start3A_1330 : memref<128xi32, #tpu.memory_space<vmem>>) semaphore(%arg16 : memref<!tpu.dma_semaphore, #tpu.memory_space<semaphore_mem>>)
      %lt3A_1334 = arith.constant 15 : i32
      %lt3A_1335 = arith.cmpi slt, %scan3A_241, %lt3A_1334 : i32
      %convert_element_type3A_1336 = arith.extui %lt3A_1335 : i1 to i32
      %cond3A_1337 = arith.constant 0 : i32
      %cond3A_1338 = arith.cmpi ne, %convert_element_type3A_1336, %cond3A_1337 : i32
      scf.if %cond3A_1338 {
        %sub3A_1544 = arith.constant 1 : i32
        %sub3A_1545 = arith.subi %sub3A_1544, %rem3A_243 : i32
        %broadcast_in_dim3A_1546 = vector.broadcast %sub3A_1545 : i32 to vector<16xi32>
        %scan3A_1547 = arith.constant 0 : i32
        %scan3A_1548 = arith.constant 208 : i32
        %scan3A_1549 = arith.constant 16 : i32
        %scan3A_1550 = arith.addi %scan3A_1548, %scan3A_1549 : i32
        %scan3A_1551 = arith.constant 1 : i32
        scf.for %scan3A_1553 = %scan3A_1548 to %scan3A_1550 step %scan3A_1551  : i32 {
          %iota3A = tpu.iota {dimensions = array<i32: 0>} : vector<16xi32>
          %and3A = arith.constant 7 : i32
          %and3A_1554 = vector.broadcast %and3A : i32 to vector<16xi32>
          %and3A_1555 = arith.andi %iota3A, %and3A_1554 : vector<16xi32>
          %shift_right_logical3A = arith.constant 3 : i32
          %shift_right_logical3A_1556 = vector.broadcast %shift_right_logical3A : i32 to vector<16xi32>
          %shift_right_logical3A_1557 = arith.shrui %iota3A, %shift_right_logical3A_1556 : vector<16xi32>
          %mul3A_1558 = arith.constant 2 : i32
          %mul3A_1559 = arith.muli %mul3A_1558, %scan3A_1553 : i32
          %add3A_1560 = vector.broadcast %mul3A_1559 : i32 to vector<16xi32>
          %add3A_1561 = arith.addi %shift_right_logical3A_1557, %add3A_1560 : vector<16xi32>
          %mul3A_1562 = arith.constant 2 : i32
          %mul3A_1563 = vector.broadcast %mul3A_1562 : i32 to vector<16xi32>
          %mul3A_1564 = arith.muli %add3A_1561, %mul3A_1563 : vector<16xi32>
          %shift_right_logical3A_1565 = arith.constant 7 : i32
          %shift_right_logical3A_1566 = vector.broadcast %shift_right_logical3A_1565 : i32 to vector<16xi32>
          %shift_right_logical3A_1567 = arith.shrui %mul3A_1564, %shift_right_logical3A_1566 : vector<16xi32>
          %and3A_1568 = arith.constant 127 : i32
          %and3A_1569 = vector.broadcast %and3A_1568 : i32 to vector<16xi32>
          %and3A_1570 = arith.andi %mul3A_1564, %and3A_1569 : vector<16xi32>
          %gather3A = tpu.vector_load_idx %arg12[%broadcast_in_dim3A_1546, %shift_right_logical3A_1567, %and3A_1555, %and3A_1570] : memref<2x8x8x128xi32, #tpu.memory_space<vmem>>[vector<16xi32>, vector<16xi32>, vector<16xi32>, vector<16xi32>], vector<16xi32>,
          %add3A_1571 = arith.constant 1 : i32
          %add3A_1572 = vector.broadcast %add3A_1571 : i32 to vector<16xi32>
          %add3A_1573 = arith.addi %and3A_1570, %add3A_1572 : vector<16xi32>
          %gather3A_1574 = tpu.vector_load_idx %arg12[%broadcast_in_dim3A_1546, %shift_right_logical3A_1567, %and3A_1555, %add3A_1573] : memref<2x8x8x128xi32, #tpu.memory_space<vmem>>[vector<16xi32>, vector<16xi32>, vector<16xi32>, vector<16xi32>], vector<16xi32>,
          %mul3A_1575 = arith.constant 12 : i32
          %mul3A_1576 = vector.broadcast %mul3A_1575 : i32 to vector<16xi32>
          %mul3A_1577 = arith.muli %gather3A, %mul3A_1576 : vector<16xi32>
          %add3A_1578 = arith.addi %mul3A_1577, %gather3A_1574 : vector<16xi32>
          %mul3A_1579 = arith.constant 16 : i32
          %mul3A_1580 = arith.muli %scan3A_1553, %mul3A_1579 : i32
          %get3A = arith.index_cast %mul3A_1580 : i32 to index
          %get3A_1581 = tpu.vector_load %arg11[%get3A] {strides = array<i32>} : memref<4096xi32, #tpu.memory_space<vmem>>, vector<16xi32>,
          %add3A_1582 = arith.addi %add3A_1578, %get3A_1581 : vector<16xi32>
          %mul3A_1583 = arith.constant 16 : i32
          %mul3A_1584 = arith.muli %scan3A_1553, %mul3A_1583 : i32
          %swap3A = arith.index_cast %sub3A_1545 : i32 to index
          %swap3A_1585 = arith.index_cast %mul3A_1584 : i32 to index
          %swap3A_1586 = tpu.vector_load %arg13[%swap3A, %swap3A_1585] {strides = array<i32>} : memref<2x4096xi32, #tpu.memory_space<vmem>>, vector<16xi32>,
          tpu.vector_store %arg13[%swap3A, %swap3A_1585], %add3A_1582 {strides = array<i32>} : memref<2x4096xi32, #tpu.memory_space<vmem>>, vector<16xi32>,
        }
        %scan3A_1552 = arith.constant 16 : i32
      } else {
      }
      %dma_wait3A_1339 = arith.constant 1 : i32
      %dma_wait3A_1340 = arith.constant 0 : i32
      %dma_wait3A_1341 = arith.constant 0 : i32
      %dma_wait3A_1342 = tpu.memref_slice %arg14[%dma_wait3A_1339, %dma_wait3A_1340, %dma_wait3A_1341] : memref<2x256x128xf32, #tpu.memory_space<vmem>> -> memref<1x128x128xf32, #tpu.memory_space<vmem>>
      %dma_wait3A_1343 = tpu.memref_squeeze %dma_wait3A_1342 : memref<1x128x128xf32, #tpu.memory_space<vmem>> -> memref<128x128xf32, #tpu.memory_space<vmem>>
      %dma_wait3A_1344 = arith.constant 3328 : i32
      %dma_wait3A_1345 = tpu.memref_slice %arg13[%rem3A_243, %dma_wait3A_1344] : memref<2x4096xi32, #tpu.memory_space<vmem>> -> memref<1x128xi32, #tpu.memory_space<vmem>>
      %dma_wait3A_1346 = tpu.memref_squeeze %dma_wait3A_1345 : memref<1x128xi32, #tpu.memory_space<vmem>> -> memref<128xi32, #tpu.memory_space<vmem>>
      %dma_wait3A_1347 = arith.constant 0 : i32
      %dma_wait3A_1348 = arith.constant 0 : i32
      %dma_wait3A_1349 = tpu.memref_slice %arg6[%dma_wait3A_1347, %dma_wait3A_1348] : memref<147456x128xf32, #tpu.memory_space<hbm>> -> memref<147456x128xf32, #tpu.memory_space<hbm>>
      tpu.wait_indirect_dma semaphore(%arg16 : memref<!tpu.dma_semaphore, #tpu.memory_space<semaphore_mem>>) src(%dma_wait3A_1349 : memref<147456x128xf32, #tpu.memory_space<hbm>>) dst(%dma_wait3A_1343 : memref<128x128xf32, #tpu.memory_space<vmem>>)
      %dma_wait3A_1350 = arith.constant 1 : i32
      %dma_wait3A_1351 = arith.constant 128 : i32
      %dma_wait3A_1352 = arith.constant 0 : i32
      %dma_wait3A_1353 = tpu.memref_slice %arg14[%dma_wait3A_1350, %dma_wait3A_1351, %dma_wait3A_1352] : memref<2x256x128xf32, #tpu.memory_space<vmem>> -> memref<1x128x128xf32, #tpu.memory_space<vmem>>
      %dma_wait3A_1354 = tpu.memref_squeeze %dma_wait3A_1353 : memref<1x128x128xf32, #tpu.memory_space<vmem>> -> memref<128x128xf32, #tpu.memory_space<vmem>>
      %dma_wait3A_1355 = arith.constant 3456 : i32
      %dma_wait3A_1356 = tpu.memref_slice %arg13[%rem3A_243, %dma_wait3A_1355] : memref<2x4096xi32, #tpu.memory_space<vmem>> -> memref<1x128xi32, #tpu.memory_space<vmem>>
      %dma_wait3A_1357 = tpu.memref_squeeze %dma_wait3A_1356 : memref<1x128xi32, #tpu.memory_space<vmem>> -> memref<128xi32, #tpu.memory_space<vmem>>
      %dma_wait3A_1358 = arith.constant 0 : i32
      %dma_wait3A_1359 = arith.constant 0 : i32
      %dma_wait3A_1360 = tpu.memref_slice %arg6[%dma_wait3A_1358, %dma_wait3A_1359] : memref<147456x128xf32, #tpu.memory_space<hbm>> -> memref<147456x128xf32, #tpu.memory_space<hbm>>
      tpu.wait_indirect_dma semaphore(%arg16 : memref<!tpu.dma_semaphore, #tpu.memory_space<semaphore_mem>>) src(%dma_wait3A_1360 : memref<147456x128xf32, #tpu.memory_space<hbm>>) dst(%dma_wait3A_1354 : memref<128x128xf32, #tpu.memory_space<vmem>>)
      %dma_start3A_1361 = arith.constant 1 : i32
      %dma_start3A_1362 = arith.constant 0 : i32
      %dma_start3A_1363 = arith.constant 0 : i32
      %dma_start3A_1364 = tpu.memref_slice %arg14[%dma_start3A_1361, %dma_start3A_1362, %dma_start3A_1363] : memref<2x256x128xf32, #tpu.memory_space<vmem>> -> memref<1x256x128xf32, #tpu.memory_space<vmem>>
      %dma_start3A_1365 = tpu.memref_squeeze %dma_start3A_1364 : memref<1x256x128xf32, #tpu.memory_space<vmem>> -> memref<256x128xf32, #tpu.memory_space<vmem>>
      %dma_start3A_1366 = arith.constant 3328 : i32
      %dma_start3A_1367 = arith.constant 0 : i32
      %dma_start3A_1368 = tpu.memref_slice %arg5[%add3A_242, %dma_start3A_1366, %dma_start3A_1367] : memref<512x4096x128xf32, #tpu.memory_space<hbm>> -> memref<1x256x128xf32, #tpu.memory_space<hbm>>
      %dma_start3A_1369 = tpu.memref_squeeze %dma_start3A_1368 : memref<1x256x128xf32, #tpu.memory_space<hbm>> -> memref<256x128xf32, #tpu.memory_space<hbm>>
      %dma_start3A_1370 = arith.constant 3328 : i32
      %dma_start3A_1371 = arith.constant 0 : i32
      %dma_start3A_1372 = tpu.memref_slice %arg5[%add3A_242, %dma_start3A_1370, %dma_start3A_1371] : memref<512x4096x128xf32, #tpu.memory_space<hbm>> -> memref<1x256x128xf32, #tpu.memory_space<hbm>>
      %dma_start3A_1373 = tpu.memref_squeeze %dma_start3A_1372 : memref<1x256x128xf32, #tpu.memory_space<hbm>> -> memref<256x128xf32, #tpu.memory_space<hbm>>
      %dma_start3A_1374 = arith.constant 0 : i32
      %dma_start3A_1375 = arith.constant 0 : i32
      %dma_start3A_1376 = tpu.memref_slice %arg14[%dma_start3A_1361, %dma_start3A_1374, %dma_start3A_1375] : memref<2x256x128xf32, #tpu.memory_space<vmem>> -> memref<1x256x128xf32, #tpu.memory_space<vmem>>
      %dma_start3A_1377 = tpu.memref_squeeze %dma_start3A_1376 : memref<1x256x128xf32, #tpu.memory_space<vmem>> -> memref<256x128xf32, #tpu.memory_space<vmem>>
      tpu.enqueue_dma source(%dma_start3A_1377 : memref<256x128xf32, #tpu.memory_space<vmem>>) target(%dma_start3A_1373 : memref<256x128xf32, #tpu.memory_space<hbm>>) target_semaphore(%arg19 : memref<!tpu.dma_semaphore, #tpu.memory_space<semaphore_mem>>)
      %dma_wait3A_1378 = arith.constant 0 : i32
      %dma_wait3A_1379 = arith.constant 0 : i32
      %dma_wait3A_1380 = arith.constant 0 : i32
      %dma_wait3A_1381 = tpu.memref_slice %arg14[%dma_wait3A_1378, %dma_wait3A_1379, %dma_wait3A_1380] : memref<2x256x128xf32, #tpu.memory_space<vmem>> -> memref<1x256x128xf32, #tpu.memory_space<vmem>>
      %dma_wait3A_1382 = tpu.memref_squeeze %dma_wait3A_1381 : memref<1x256x128xf32, #tpu.memory_space<vmem>> -> memref<256x128xf32, #tpu.memory_space<vmem>>
      %dma_wait3A_1383 = arith.constant 3584 : i32
      %dma_wait3A_1384 = arith.constant 0 : i32
      %dma_wait3A_1385 = tpu.memref_slice %arg5[%add3A_242, %dma_wait3A_1383, %dma_wait3A_1384] : memref<512x4096x128xf32, #tpu.memory_space<hbm>> -> memref<1x256x128xf32, #tpu.memory_space<hbm>>
      %dma_wait3A_1386 = tpu.memref_squeeze %dma_wait3A_1385 : memref<1x256x128xf32, #tpu.memory_space<hbm>> -> memref<256x128xf32, #tpu.memory_space<hbm>>
      %dma_wait3A_1387 = arith.constant 3584 : i32
      %dma_wait3A_1388 = arith.constant 0 : i32
      %dma_wait3A_1389 = tpu.memref_slice %arg5[%add3A_242, %dma_wait3A_1387, %dma_wait3A_1388] : memref<512x4096x128xf32, #tpu.memory_space<hbm>> -> memref<1x256x128xf32, #tpu.memory_space<hbm>>
      %dma_wait3A_1390 = tpu.memref_squeeze %dma_wait3A_1389 : memref<1x256x128xf32, #tpu.memory_space<hbm>> -> memref<256x128xf32, #tpu.memory_space<hbm>>
      %dma_wait3A_1391 = arith.constant 0 : i32
      %dma_wait3A_1392 = arith.constant 0 : i32
      %dma_wait3A_1393 = tpu.memref_slice %arg14[%dma_wait3A_1378, %dma_wait3A_1391, %dma_wait3A_1392] : memref<2x256x128xf32, #tpu.memory_space<vmem>> -> memref<1x256x128xf32, #tpu.memory_space<vmem>>
      %dma_wait3A_1394 = tpu.memref_squeeze %dma_wait3A_1393 : memref<1x256x128xf32, #tpu.memory_space<vmem>> -> memref<256x128xf32, #tpu.memory_space<vmem>>
      tpu.wait_dma2 semaphore(%arg18 : memref<!tpu.dma_semaphore, #tpu.memory_space<semaphore_mem>>) src(%dma_wait3A_1394 : memref<256x128xf32, #tpu.memory_space<vmem>>) dst(%dma_wait3A_1390 : memref<256x128xf32, #tpu.memory_space<hbm>>)
      %dma_start3A_1395 = arith.constant 0 : i32
      %dma_start3A_1396 = arith.constant 0 : i32
      %dma_start3A_1397 = arith.constant 0 : i32
      %dma_start3A_1398 = tpu.memref_slice %arg14[%dma_start3A_1395, %dma_start3A_1396, %dma_start3A_1397] : memref<2x256x128xf32, #tpu.memory_space<vmem>> -> memref<1x128x128xf32, #tpu.memory_space<vmem>>
      %dma_start3A_1399 = tpu.memref_squeeze %dma_start3A_1398 : memref<1x128x128xf32, #tpu.memory_space<vmem>> -> memref<128x128xf32, #tpu.memory_space<vmem>>
      %dma_start3A_1400 = arith.constant 3584 : i32
      %dma_start3A_1401 = tpu.memref_slice %arg13[%rem3A_243, %dma_start3A_1400] : memref<2x4096xi32, #tpu.memory_space<vmem>> -> memref<1x128xi32, #tpu.memory_space<vmem>>
      %dma_start3A_1402 = tpu.memref_squeeze %dma_start3A_1401 : memref<1x128xi32, #tpu.memory_space<vmem>> -> memref<128xi32, #tpu.memory_space<vmem>>
      %dma_start3A_1403 = arith.constant 0 : i32
      %dma_start3A_1404 = arith.constant 0 : i32
      %dma_start3A_1405 = tpu.memref_slice %arg6[%dma_start3A_1403, %dma_start3A_1404] : memref<147456x128xf32, #tpu.memory_space<hbm>> -> memref<147456x128xf32, #tpu.memory_space<hbm>>
      tpu.enqueue_indirect_dma source(%dma_start3A_1405 : memref<147456x128xf32, #tpu.memory_space<hbm>>) target(%dma_start3A_1399 : memref<128x128xf32, #tpu.memory_space<vmem>>) offsets(%dma_start3A_1402 : memref<128xi32, #tpu.memory_space<vmem>>) semaphore(%arg15 : memref<!tpu.dma_semaphore, #tpu.memory_space<semaphore_mem>>)
      %dma_start3A_1406 = arith.constant 0 : i32
      %dma_start3A_1407 = arith.constant 128 : i32
      %dma_start3A_1408 = arith.constant 0 : i32
      %dma_start3A_1409 = tpu.memref_slice %arg14[%dma_start3A_1406, %dma_start3A_1407, %dma_start3A_1408] : memref<2x256x128xf32, #tpu.memory_space<vmem>> -> memref<1x128x128xf32, #tpu.memory_space<vmem>>
      %dma_start3A_1410 = tpu.memref_squeeze %dma_start3A_1409 : memref<1x128x128xf32, #tpu.memory_space<vmem>> -> memref<128x128xf32, #tpu.memory_space<vmem>>
      %dma_start3A_1411 = arith.constant 3712 : i32
      %dma_start3A_1412 = tpu.memref_slice %arg13[%rem3A_243, %dma_start3A_1411] : memref<2x4096xi32, #tpu.memory_space<vmem>> -> memref<1x128xi32, #tpu.memory_space<vmem>>
      %dma_start3A_1413 = tpu.memref_squeeze %dma_start3A_1412 : memref<1x128xi32, #tpu.memory_space<vmem>> -> memref<128xi32, #tpu.memory_space<vmem>>
      %dma_start3A_1414 = arith.constant 0 : i32
      %dma_start3A_1415 = arith.constant 0 : i32
      %dma_start3A_1416 = tpu.memref_slice %arg6[%dma_start3A_1414, %dma_start3A_1415] : memref<147456x128xf32, #tpu.memory_space<hbm>> -> memref<147456x128xf32, #tpu.memory_space<hbm>>
      tpu.enqueue_indirect_dma source(%dma_start3A_1416 : memref<147456x128xf32, #tpu.memory_space<hbm>>) target(%dma_start3A_1410 : memref<128x128xf32, #tpu.memory_space<vmem>>) offsets(%dma_start3A_1413 : memref<128xi32, #tpu.memory_space<vmem>>) semaphore(%arg15 : memref<!tpu.dma_semaphore, #tpu.memory_space<semaphore_mem>>)
      %lt3A_1417 = arith.constant 15 : i32
      %lt3A_1418 = arith.cmpi slt, %scan3A_241, %lt3A_1417 : i32
      %convert_element_type3A_1419 = arith.extui %lt3A_1418 : i1 to i32
      %cond3A_1420 = arith.constant 0 : i32
      %cond3A_1421 = arith.cmpi ne, %convert_element_type3A_1419, %cond3A_1420 : i32
      scf.if %cond3A_1421 {
        %sub3A_1544 = arith.constant 1 : i32
        %sub3A_1545 = arith.subi %sub3A_1544, %rem3A_243 : i32
        %broadcast_in_dim3A_1546 = vector.broadcast %sub3A_1545 : i32 to vector<16xi32>
        %scan3A_1547 = arith.constant 0 : i32
        %scan3A_1548 = arith.constant 224 : i32
        %scan3A_1549 = arith.constant 16 : i32
        %scan3A_1550 = arith.addi %scan3A_1548, %scan3A_1549 : i32
        %scan3A_1551 = arith.constant 1 : i32
        scf.for %scan3A_1553 = %scan3A_1548 to %scan3A_1550 step %scan3A_1551  : i32 {
          %iota3A = tpu.iota {dimensions = array<i32: 0>} : vector<16xi32>
          %and3A = arith.constant 7 : i32
          %and3A_1554 = vector.broadcast %and3A : i32 to vector<16xi32>
          %and3A_1555 = arith.andi %iota3A, %and3A_1554 : vector<16xi32>
          %shift_right_logical3A = arith.constant 3 : i32
          %shift_right_logical3A_1556 = vector.broadcast %shift_right_logical3A : i32 to vector<16xi32>
          %shift_right_logical3A_1557 = arith.shrui %iota3A, %shift_right_logical3A_1556 : vector<16xi32>
          %mul3A_1558 = arith.constant 2 : i32
          %mul3A_1559 = arith.muli %mul3A_1558, %scan3A_1553 : i32
          %add3A_1560 = vector.broadcast %mul3A_1559 : i32 to vector<16xi32>
          %add3A_1561 = arith.addi %shift_right_logical3A_1557, %add3A_1560 : vector<16xi32>
          %mul3A_1562 = arith.constant 2 : i32
          %mul3A_1563 = vector.broadcast %mul3A_1562 : i32 to vector<16xi32>
          %mul3A_1564 = arith.muli %add3A_1561, %mul3A_1563 : vector<16xi32>
          %shift_right_logical3A_1565 = arith.constant 7 : i32
          %shift_right_logical3A_1566 = vector.broadcast %shift_right_logical3A_1565 : i32 to vector<16xi32>
          %shift_right_logical3A_1567 = arith.shrui %mul3A_1564, %shift_right_logical3A_1566 : vector<16xi32>
          %and3A_1568 = arith.constant 127 : i32
          %and3A_1569 = vector.broadcast %and3A_1568 : i32 to vector<16xi32>
          %and3A_1570 = arith.andi %mul3A_1564, %and3A_1569 : vector<16xi32>
          %gather3A = tpu.vector_load_idx %arg12[%broadcast_in_dim3A_1546, %shift_right_logical3A_1567, %and3A_1555, %and3A_1570] : memref<2x8x8x128xi32, #tpu.memory_space<vmem>>[vector<16xi32>, vector<16xi32>, vector<16xi32>, vector<16xi32>], vector<16xi32>,
          %add3A_1571 = arith.constant 1 : i32
          %add3A_1572 = vector.broadcast %add3A_1571 : i32 to vector<16xi32>
          %add3A_1573 = arith.addi %and3A_1570, %add3A_1572 : vector<16xi32>
          %gather3A_1574 = tpu.vector_load_idx %arg12[%broadcast_in_dim3A_1546, %shift_right_logical3A_1567, %and3A_1555, %add3A_1573] : memref<2x8x8x128xi32, #tpu.memory_space<vmem>>[vector<16xi32>, vector<16xi32>, vector<16xi32>, vector<16xi32>], vector<16xi32>,
          %mul3A_1575 = arith.constant 12 : i32
          %mul3A_1576 = vector.broadcast %mul3A_1575 : i32 to vector<16xi32>
          %mul3A_1577 = arith.muli %gather3A, %mul3A_1576 : vector<16xi32>
          %add3A_1578 = arith.addi %mul3A_1577, %gather3A_1574 : vector<16xi32>
          %mul3A_1579 = arith.constant 16 : i32
          %mul3A_1580 = arith.muli %scan3A_1553, %mul3A_1579 : i32
          %get3A = arith.index_cast %mul3A_1580 : i32 to index
          %get3A_1581 = tpu.vector_load %arg11[%get3A] {strides = array<i32>} : memref<4096xi32, #tpu.memory_space<vmem>>, vector<16xi32>,
          %add3A_1582 = arith.addi %add3A_1578, %get3A_1581 : vector<16xi32>
          %mul3A_1583 = arith.constant 16 : i32
          %mul3A_1584 = arith.muli %scan3A_1553, %mul3A_1583 : i32
          %swap3A = arith.index_cast %sub3A_1545 : i32 to index
          %swap3A_1585 = arith.index_cast %mul3A_1584 : i32 to index
          %swap3A_1586 = tpu.vector_load %arg13[%swap3A, %swap3A_1585] {strides = array<i32>} : memref<2x4096xi32, #tpu.memory_space<vmem>>, vector<16xi32>,
          tpu.vector_store %arg13[%swap3A, %swap3A_1585], %add3A_1582 {strides = array<i32>} : memref<2x4096xi32, #tpu.memory_space<vmem>>, vector<16xi32>,
        }
        %scan3A_1552 = arith.constant 16 : i32
      } else {
      }
      %dma_wait3A_1422 = arith.constant 0 : i32
      %dma_wait3A_1423 = arith.constant 0 : i32
      %dma_wait3A_1424 = arith.constant 0 : i32
      %dma_wait3A_1425 = tpu.memref_slice %arg14[%dma_wait3A_1422, %dma_wait3A_1423, %dma_wait3A_1424] : memref<2x256x128xf32, #tpu.memory_space<vmem>> -> memref<1x128x128xf32, #tpu.memory_space<vmem>>
      %dma_wait3A_1426 = tpu.memref_squeeze %dma_wait3A_1425 : memref<1x128x128xf32, #tpu.memory_space<vmem>> -> memref<128x128xf32, #tpu.memory_space<vmem>>
      %dma_wait3A_1427 = arith.constant 3584 : i32
      %dma_wait3A_1428 = tpu.memref_slice %arg13[%rem3A_243, %dma_wait3A_1427] : memref<2x4096xi32, #tpu.memory_space<vmem>> -> memref<1x128xi32, #tpu.memory_space<vmem>>
      %dma_wait3A_1429 = tpu.memref_squeeze %dma_wait3A_1428 : memref<1x128xi32, #tpu.memory_space<vmem>> -> memref<128xi32, #tpu.memory_space<vmem>>
      %dma_wait3A_1430 = arith.constant 0 : i32
      %dma_wait3A_1431 = arith.constant 0 : i32
      %dma_wait3A_1432 = tpu.memref_slice %arg6[%dma_wait3A_1430, %dma_wait3A_1431] : memref<147456x128xf32, #tpu.memory_space<hbm>> -> memref<147456x128xf32, #tpu.memory_space<hbm>>
      tpu.wait_indirect_dma semaphore(%arg15 : memref<!tpu.dma_semaphore, #tpu.memory_space<semaphore_mem>>) src(%dma_wait3A_1432 : memref<147456x128xf32, #tpu.memory_space<hbm>>) dst(%dma_wait3A_1426 : memref<128x128xf32, #tpu.memory_space<vmem>>)
      %dma_wait3A_1433 = arith.constant 0 : i32
      %dma_wait3A_1434 = arith.constant 128 : i32
      %dma_wait3A_1435 = arith.constant 0 : i32
      %dma_wait3A_1436 = tpu.memref_slice %arg14[%dma_wait3A_1433, %dma_wait3A_1434, %dma_wait3A_1435] : memref<2x256x128xf32, #tpu.memory_space<vmem>> -> memref<1x128x128xf32, #tpu.memory_space<vmem>>
      %dma_wait3A_1437 = tpu.memref_squeeze %dma_wait3A_1436 : memref<1x128x128xf32, #tpu.memory_space<vmem>> -> memref<128x128xf32, #tpu.memory_space<vmem>>
      %dma_wait3A_1438 = arith.constant 3712 : i32
      %dma_wait3A_1439 = tpu.memref_slice %arg13[%rem3A_243, %dma_wait3A_1438] : memref<2x4096xi32, #tpu.memory_space<vmem>> -> memref<1x128xi32, #tpu.memory_space<vmem>>
      %dma_wait3A_1440 = tpu.memref_squeeze %dma_wait3A_1439 : memref<1x128xi32, #tpu.memory_space<vmem>> -> memref<128xi32, #tpu.memory_space<vmem>>
      %dma_wait3A_1441 = arith.constant 0 : i32
      %dma_wait3A_1442 = arith.constant 0 : i32
      %dma_wait3A_1443 = tpu.memref_slice %arg6[%dma_wait3A_1441, %dma_wait3A_1442] : memref<147456x128xf32, #tpu.memory_space<hbm>> -> memref<147456x128xf32, #tpu.memory_space<hbm>>
      tpu.wait_indirect_dma semaphore(%arg15 : memref<!tpu.dma_semaphore, #tpu.memory_space<semaphore_mem>>) src(%dma_wait3A_1443 : memref<147456x128xf32, #tpu.memory_space<hbm>>) dst(%dma_wait3A_1437 : memref<128x128xf32, #tpu.memory_space<vmem>>)
      %dma_start3A_1444 = arith.constant 0 : i32
      %dma_start3A_1445 = arith.constant 0 : i32
      %dma_start3A_1446 = arith.constant 0 : i32
      %dma_start3A_1447 = tpu.memref_slice %arg14[%dma_start3A_1444, %dma_start3A_1445, %dma_start3A_1446] : memref<2x256x128xf32, #tpu.memory_space<vmem>> -> memref<1x256x128xf32, #tpu.memory_space<vmem>>
      %dma_start3A_1448 = tpu.memref_squeeze %dma_start3A_1447 : memref<1x256x128xf32, #tpu.memory_space<vmem>> -> memref<256x128xf32, #tpu.memory_space<vmem>>
      %dma_start3A_1449 = arith.constant 3584 : i32
      %dma_start3A_1450 = arith.constant 0 : i32
      %dma_start3A_1451 = tpu.memref_slice %arg5[%add3A_242, %dma_start3A_1449, %dma_start3A_1450] : memref<512x4096x128xf32, #tpu.memory_space<hbm>> -> memref<1x256x128xf32, #tpu.memory_space<hbm>>
      %dma_start3A_1452 = tpu.memref_squeeze %dma_start3A_1451 : memref<1x256x128xf32, #tpu.memory_space<hbm>> -> memref<256x128xf32, #tpu.memory_space<hbm>>
      %dma_start3A_1453 = arith.constant 3584 : i32
      %dma_start3A_1454 = arith.constant 0 : i32
      %dma_start3A_1455 = tpu.memref_slice %arg5[%add3A_242, %dma_start3A_1453, %dma_start3A_1454] : memref<512x4096x128xf32, #tpu.memory_space<hbm>> -> memref<1x256x128xf32, #tpu.memory_space<hbm>>
      %dma_start3A_1456 = tpu.memref_squeeze %dma_start3A_1455 : memref<1x256x128xf32, #tpu.memory_space<hbm>> -> memref<256x128xf32, #tpu.memory_space<hbm>>
      %dma_start3A_1457 = arith.constant 0 : i32
      %dma_start3A_1458 = arith.constant 0 : i32
      %dma_start3A_1459 = tpu.memref_slice %arg14[%dma_start3A_1444, %dma_start3A_1457, %dma_start3A_1458] : memref<2x256x128xf32, #tpu.memory_space<vmem>> -> memref<1x256x128xf32, #tpu.memory_space<vmem>>
      %dma_start3A_1460 = tpu.memref_squeeze %dma_start3A_1459 : memref<1x256x128xf32, #tpu.memory_space<vmem>> -> memref<256x128xf32, #tpu.memory_space<vmem>>
      tpu.enqueue_dma source(%dma_start3A_1460 : memref<256x128xf32, #tpu.memory_space<vmem>>) target(%dma_start3A_1456 : memref<256x128xf32, #tpu.memory_space<hbm>>) target_semaphore(%arg18 : memref<!tpu.dma_semaphore, #tpu.memory_space<semaphore_mem>>)
      %dma_wait3A_1461 = arith.constant 1 : i32
      %dma_wait3A_1462 = arith.constant 0 : i32
      %dma_wait3A_1463 = arith.constant 0 : i32
      %dma_wait3A_1464 = tpu.memref_slice %arg14[%dma_wait3A_1461, %dma_wait3A_1462, %dma_wait3A_1463] : memref<2x256x128xf32, #tpu.memory_space<vmem>> -> memref<1x256x128xf32, #tpu.memory_space<vmem>>
      %dma_wait3A_1465 = tpu.memref_squeeze %dma_wait3A_1464 : memref<1x256x128xf32, #tpu.memory_space<vmem>> -> memref<256x128xf32, #tpu.memory_space<vmem>>
      %dma_wait3A_1466 = arith.constant 3840 : i32
      %dma_wait3A_1467 = arith.constant 0 : i32
      %dma_wait3A_1468 = tpu.memref_slice %arg5[%add3A_242, %dma_wait3A_1466, %dma_wait3A_1467] : memref<512x4096x128xf32, #tpu.memory_space<hbm>> -> memref<1x256x128xf32, #tpu.memory_space<hbm>>
      %dma_wait3A_1469 = tpu.memref_squeeze %dma_wait3A_1468 : memref<1x256x128xf32, #tpu.memory_space<hbm>> -> memref<256x128xf32, #tpu.memory_space<hbm>>
      %dma_wait3A_1470 = arith.constant 3840 : i32
      %dma_wait3A_1471 = arith.constant 0 : i32
      %dma_wait3A_1472 = tpu.memref_slice %arg5[%add3A_242, %dma_wait3A_1470, %dma_wait3A_1471] : memref<512x4096x128xf32, #tpu.memory_space<hbm>> -> memref<1x256x128xf32, #tpu.memory_space<hbm>>
      %dma_wait3A_1473 = tpu.memref_squeeze %dma_wait3A_1472 : memref<1x256x128xf32, #tpu.memory_space<hbm>> -> memref<256x128xf32, #tpu.memory_space<hbm>>
      %dma_wait3A_1474 = arith.constant 0 : i32
      %dma_wait3A_1475 = arith.constant 0 : i32
      %dma_wait3A_1476 = tpu.memref_slice %arg14[%dma_wait3A_1461, %dma_wait3A_1474, %dma_wait3A_1475] : memref<2x256x128xf32, #tpu.memory_space<vmem>> -> memref<1x256x128xf32, #tpu.memory_space<vmem>>
      %dma_wait3A_1477 = tpu.memref_squeeze %dma_wait3A_1476 : memref<1x256x128xf32, #tpu.memory_space<vmem>> -> memref<256x128xf32, #tpu.memory_space<vmem>>
      tpu.wait_dma2 semaphore(%arg19 : memref<!tpu.dma_semaphore, #tpu.memory_space<semaphore_mem>>) src(%dma_wait3A_1477 : memref<256x128xf32, #tpu.memory_space<vmem>>) dst(%dma_wait3A_1473 : memref<256x128xf32, #tpu.memory_space<hbm>>)
      %dma_start3A_1478 = arith.constant 1 : i32
      %dma_start3A_1479 = arith.constant 0 : i32
      %dma_start3A_1480 = arith.constant 0 : i32
      %dma_start3A_1481 = tpu.memref_slice %arg14[%dma_start3A_1478, %dma_start3A_1479, %dma_start3A_1480] : memref<2x256x128xf32, #tpu.memory_space<vmem>> -> memref<1x128x128xf32, #tpu.memory_space<vmem>>
      %dma_start3A_1482 = tpu.memref_squeeze %dma_start3A_1481 : memref<1x128x128xf32, #tpu.memory_space<vmem>> -> memref<128x128xf32, #tpu.memory_space<vmem>>
      %dma_start3A_1483 = arith.constant 3840 : i32
      %dma_start3A_1484 = tpu.memref_slice %arg13[%rem3A_243, %dma_start3A_1483] : memref<2x4096xi32, #tpu.memory_space<vmem>> -> memref<1x128xi32, #tpu.memory_space<vmem>>
      %dma_start3A_1485 = tpu.memref_squeeze %dma_start3A_1484 : memref<1x128xi32, #tpu.memory_space<vmem>> -> memref<128xi32, #tpu.memory_space<vmem>>
      %dma_start3A_1486 = arith.constant 0 : i32
      %dma_start3A_1487 = arith.constant 0 : i32
      %dma_start3A_1488 = tpu.memref_slice %arg6[%dma_start3A_1486, %dma_start3A_1487] : memref<147456x128xf32, #tpu.memory_space<hbm>> -> memref<147456x128xf32, #tpu.memory_space<hbm>>
      tpu.enqueue_indirect_dma source(%dma_start3A_1488 : memref<147456x128xf32, #tpu.memory_space<hbm>>) target(%dma_start3A_1482 : memref<128x128xf32, #tpu.memory_space<vmem>>) offsets(%dma_start3A_1485 : memref<128xi32, #tpu.memory_space<vmem>>) semaphore(%arg16 : memref<!tpu.dma_semaphore, #tpu.memory_space<semaphore_mem>>)
      %dma_start3A_1489 = arith.constant 1 : i32
      %dma_start3A_1490 = arith.constant 128 : i32
      %dma_start3A_1491 = arith.constant 0 : i32
      %dma_start3A_1492 = tpu.memref_slice %arg14[%dma_start3A_1489, %dma_start3A_1490, %dma_start3A_1491] : memref<2x256x128xf32, #tpu.memory_space<vmem>> -> memref<1x128x128xf32, #tpu.memory_space<vmem>>
      %dma_start3A_1493 = tpu.memref_squeeze %dma_start3A_1492 : memref<1x128x128xf32, #tpu.memory_space<vmem>> -> memref<128x128xf32, #tpu.memory_space<vmem>>
      %dma_start3A_1494 = arith.constant 3968 : i32
      %dma_start3A_1495 = tpu.memref_slice %arg13[%rem3A_243, %dma_start3A_1494] : memref<2x4096xi32, #tpu.memory_space<vmem>> -> memref<1x128xi32, #tpu.memory_space<vmem>>
      %dma_start3A_1496 = tpu.memref_squeeze %dma_start3A_1495 : memref<1x128xi32, #tpu.memory_space<vmem>> -> memref<128xi32, #tpu.memory_space<vmem>>
      %dma_start3A_1497 = arith.constant 0 : i32
      %dma_start3A_1498 = arith.constant 0 : i32
      %dma_start3A_1499 = tpu.memref_slice %arg6[%dma_start3A_1497, %dma_start3A_1498] : memref<147456x128xf32, #tpu.memory_space<hbm>> -> memref<147456x128xf32, #tpu.memory_space<hbm>>
      tpu.enqueue_indirect_dma source(%dma_start3A_1499 : memref<147456x128xf32, #tpu.memory_space<hbm>>) target(%dma_start3A_1493 : memref<128x128xf32, #tpu.memory_space<vmem>>) offsets(%dma_start3A_1496 : memref<128xi32, #tpu.memory_space<vmem>>) semaphore(%arg16 : memref<!tpu.dma_semaphore, #tpu.memory_space<semaphore_mem>>)
      %lt3A_1500 = arith.constant 15 : i32
      %lt3A_1501 = arith.cmpi slt, %scan3A_241, %lt3A_1500 : i32
      %convert_element_type3A_1502 = arith.extui %lt3A_1501 : i1 to i32
      %cond3A_1503 = arith.constant 0 : i32
      %cond3A_1504 = arith.cmpi ne, %convert_element_type3A_1502, %cond3A_1503 : i32
      scf.if %cond3A_1504 {
        %sub3A_1544 = arith.constant 1 : i32
        %sub3A_1545 = arith.subi %sub3A_1544, %rem3A_243 : i32
        %broadcast_in_dim3A_1546 = vector.broadcast %sub3A_1545 : i32 to vector<16xi32>
        %scan3A_1547 = arith.constant 0 : i32
        %scan3A_1548 = arith.constant 240 : i32
        %scan3A_1549 = arith.constant 16 : i32
        %scan3A_1550 = arith.addi %scan3A_1548, %scan3A_1549 : i32
        %scan3A_1551 = arith.constant 1 : i32
        scf.for %scan3A_1553 = %scan3A_1548 to %scan3A_1550 step %scan3A_1551  : i32 {
          %iota3A = tpu.iota {dimensions = array<i32: 0>} : vector<16xi32>
          %and3A = arith.constant 7 : i32
          %and3A_1554 = vector.broadcast %and3A : i32 to vector<16xi32>
          %and3A_1555 = arith.andi %iota3A, %and3A_1554 : vector<16xi32>
          %shift_right_logical3A = arith.constant 3 : i32
          %shift_right_logical3A_1556 = vector.broadcast %shift_right_logical3A : i32 to vector<16xi32>
          %shift_right_logical3A_1557 = arith.shrui %iota3A, %shift_right_logical3A_1556 : vector<16xi32>
          %mul3A_1558 = arith.constant 2 : i32
          %mul3A_1559 = arith.muli %mul3A_1558, %scan3A_1553 : i32
          %add3A_1560 = vector.broadcast %mul3A_1559 : i32 to vector<16xi32>
          %add3A_1561 = arith.addi %shift_right_logical3A_1557, %add3A_1560 : vector<16xi32>
          %mul3A_1562 = arith.constant 2 : i32
          %mul3A_1563 = vector.broadcast %mul3A_1562 : i32 to vector<16xi32>
          %mul3A_1564 = arith.muli %add3A_1561, %mul3A_1563 : vector<16xi32>
          %shift_right_logical3A_1565 = arith.constant 7 : i32
          %shift_right_logical3A_1566 = vector.broadcast %shift_right_logical3A_1565 : i32 to vector<16xi32>
          %shift_right_logical3A_1567 = arith.shrui %mul3A_1564, %shift_right_logical3A_1566 : vector<16xi32>
          %and3A_1568 = arith.constant 127 : i32
          %and3A_1569 = vector.broadcast %and3A_1568 : i32 to vector<16xi32>
          %and3A_1570 = arith.andi %mul3A_1564, %and3A_1569 : vector<16xi32>
          %gather3A = tpu.vector_load_idx %arg12[%broadcast_in_dim3A_1546, %shift_right_logical3A_1567, %and3A_1555, %and3A_1570] : memref<2x8x8x128xi32, #tpu.memory_space<vmem>>[vector<16xi32>, vector<16xi32>, vector<16xi32>, vector<16xi32>], vector<16xi32>,
          %add3A_1571 = arith.constant 1 : i32
          %add3A_1572 = vector.broadcast %add3A_1571 : i32 to vector<16xi32>
          %add3A_1573 = arith.addi %and3A_1570, %add3A_1572 : vector<16xi32>
          %gather3A_1574 = tpu.vector_load_idx %arg12[%broadcast_in_dim3A_1546, %shift_right_logical3A_1567, %and3A_1555, %add3A_1573] : memref<2x8x8x128xi32, #tpu.memory_space<vmem>>[vector<16xi32>, vector<16xi32>, vector<16xi32>, vector<16xi32>], vector<16xi32>,
          %mul3A_1575 = arith.constant 12 : i32
          %mul3A_1576 = vector.broadcast %mul3A_1575 : i32 to vector<16xi32>
          %mul3A_1577 = arith.muli %gather3A, %mul3A_1576 : vector<16xi32>
          %add3A_1578 = arith.addi %mul3A_1577, %gather3A_1574 : vector<16xi32>
          %mul3A_1579 = arith.constant 16 : i32
          %mul3A_1580 = arith.muli %scan3A_1553, %mul3A_1579 : i32
          %get3A = arith.index_cast %mul3A_1580 : i32 to index
          %get3A_1581 = tpu.vector_load %arg11[%get3A] {strides = array<i32>} : memref<4096xi32, #tpu.memory_space<vmem>>, vector<16xi32>,
          %add3A_1582 = arith.addi %add3A_1578, %get3A_1581 : vector<16xi32>
          %mul3A_1583 = arith.constant 16 : i32
          %mul3A_1584 = arith.muli %scan3A_1553, %mul3A_1583 : i32
          %swap3A = arith.index_cast %sub3A_1545 : i32 to index
          %swap3A_1585 = arith.index_cast %mul3A_1584 : i32 to index
          %swap3A_1586 = tpu.vector_load %arg13[%swap3A, %swap3A_1585] {strides = array<i32>} : memref<2x4096xi32, #tpu.memory_space<vmem>>, vector<16xi32>,
          tpu.vector_store %arg13[%swap3A, %swap3A_1585], %add3A_1582 {strides = array<i32>} : memref<2x4096xi32, #tpu.memory_space<vmem>>, vector<16xi32>,
        }
        %scan3A_1552 = arith.constant 16 : i32
      } else {
      }
      %dma_wait3A_1505 = arith.constant 1 : i32
      %dma_wait3A_1506 = arith.constant 0 : i32
      %dma_wait3A_1507 = arith.constant 0 : i32
      %dma_wait3A_1508 = tpu.memref_slice %arg14[%dma_wait3A_1505, %dma_wait3A_1506, %dma_wait3A_1507] : memref<2x256x128xf32, #tpu.memory_space<vmem>> -> memref<1x128x128xf32, #tpu.memory_space<vmem>>
      %dma_wait3A_1509 = tpu.memref_squeeze %dma_wait3A_1508 : memref<1x128x128xf32, #tpu.memory_space<vmem>> -> memref<128x128xf32, #tpu.memory_space<vmem>>
      %dma_wait3A_1510 = arith.constant 3840 : i32
      %dma_wait3A_1511 = tpu.memref_slice %arg13[%rem3A_243, %dma_wait3A_1510] : memref<2x4096xi32, #tpu.memory_space<vmem>> -> memref<1x128xi32, #tpu.memory_space<vmem>>
      %dma_wait3A_1512 = tpu.memref_squeeze %dma_wait3A_1511 : memref<1x128xi32, #tpu.memory_space<vmem>> -> memref<128xi32, #tpu.memory_space<vmem>>
      %dma_wait3A_1513 = arith.constant 0 : i32
      %dma_wait3A_1514 = arith.constant 0 : i32
      %dma_wait3A_1515 = tpu.memref_slice %arg6[%dma_wait3A_1513, %dma_wait3A_1514] : memref<147456x128xf32, #tpu.memory_space<hbm>> -> memref<147456x128xf32, #tpu.memory_space<hbm>>
      tpu.wait_indirect_dma semaphore(%arg16 : memref<!tpu.dma_semaphore, #tpu.memory_space<semaphore_mem>>) src(%dma_wait3A_1515 : memref<147456x128xf32, #tpu.memory_space<hbm>>) dst(%dma_wait3A_1509 : memref<128x128xf32, #tpu.memory_space<vmem>>)
      %dma_wait3A_1516 = arith.constant 1 : i32
      %dma_wait3A_1517 = arith.constant 128 : i32
      %dma_wait3A_1518 = arith.constant 0 : i32
      %dma_wait3A_1519 = tpu.memref_slice %arg14[%dma_wait3A_1516, %dma_wait3A_1517, %dma_wait3A_1518] : memref<2x256x128xf32, #tpu.memory_space<vmem>> -> memref<1x128x128xf32, #tpu.memory_space<vmem>>
      %dma_wait3A_1520 = tpu.memref_squeeze %dma_wait3A_1519 : memref<1x128x128xf32, #tpu.memory_space<vmem>> -> memref<128x128xf32, #tpu.memory_space<vmem>>
      %dma_wait3A_1521 = arith.constant 3968 : i32
      %dma_wait3A_1522 = tpu.memref_slice %arg13[%rem3A_243, %dma_wait3A_1521] : memref<2x4096xi32, #tpu.memory_space<vmem>> -> memref<1x128xi32, #tpu.memory_space<vmem>>
      %dma_wait3A_1523 = tpu.memref_squeeze %dma_wait3A_1522 : memref<1x128xi32, #tpu.memory_space<vmem>> -> memref<128xi32, #tpu.memory_space<vmem>>
      %dma_wait3A_1524 = arith.constant 0 : i32
      %dma_wait3A_1525 = arith.constant 0 : i32
      %dma_wait3A_1526 = tpu.memref_slice %arg6[%dma_wait3A_1524, %dma_wait3A_1525] : memref<147456x128xf32, #tpu.memory_space<hbm>> -> memref<147456x128xf32, #tpu.memory_space<hbm>>
      tpu.wait_indirect_dma semaphore(%arg16 : memref<!tpu.dma_semaphore, #tpu.memory_space<semaphore_mem>>) src(%dma_wait3A_1526 : memref<147456x128xf32, #tpu.memory_space<hbm>>) dst(%dma_wait3A_1520 : memref<128x128xf32, #tpu.memory_space<vmem>>)
      %dma_start3A_1527 = arith.constant 1 : i32
      %dma_start3A_1528 = arith.constant 0 : i32
      %dma_start3A_1529 = arith.constant 0 : i32
      %dma_start3A_1530 = tpu.memref_slice %arg14[%dma_start3A_1527, %dma_start3A_1528, %dma_start3A_1529] : memref<2x256x128xf32, #tpu.memory_space<vmem>> -> memref<1x256x128xf32, #tpu.memory_space<vmem>>
      %dma_start3A_1531 = tpu.memref_squeeze %dma_start3A_1530 : memref<1x256x128xf32, #tpu.memory_space<vmem>> -> memref<256x128xf32, #tpu.memory_space<vmem>>
      %dma_start3A_1532 = arith.constant 3840 : i32
      %dma_start3A_1533 = arith.constant 0 : i32
      %dma_start3A_1534 = tpu.memref_slice %arg5[%add3A_242, %dma_start3A_1532, %dma_start3A_1533] : memref<512x4096x128xf32, #tpu.memory_space<hbm>> -> memref<1x256x128xf32, #tpu.memory_space<hbm>>
      %dma_start3A_1535 = tpu.memref_squeeze %dma_start3A_1534 : memref<1x256x128xf32, #tpu.memory_space<hbm>> -> memref<256x128xf32, #tpu.memory_space<hbm>>
      %dma_start3A_1536 = arith.constant 3840 : i32
      %dma_start3A_1537 = arith.constant 0 : i32
      %dma_start3A_1538 = tpu.memref_slice %arg5[%add3A_242, %dma_start3A_1536, %dma_start3A_1537] : memref<512x4096x128xf32, #tpu.memory_space<hbm>> -> memref<1x256x128xf32, #tpu.memory_space<hbm>>
      %dma_start3A_1539 = tpu.memref_squeeze %dma_start3A_1538 : memref<1x256x128xf32, #tpu.memory_space<hbm>> -> memref<256x128xf32, #tpu.memory_space<hbm>>
      %dma_start3A_1540 = arith.constant 0 : i32
      %dma_start3A_1541 = arith.constant 0 : i32
      %dma_start3A_1542 = tpu.memref_slice %arg14[%dma_start3A_1527, %dma_start3A_1540, %dma_start3A_1541] : memref<2x256x128xf32, #tpu.memory_space<vmem>> -> memref<1x256x128xf32, #tpu.memory_space<vmem>>
      %dma_start3A_1543 = tpu.memref_squeeze %dma_start3A_1542 : memref<1x256x128xf32, #tpu.memory_space<vmem>> -> memref<256x128xf32, #tpu.memory_space<vmem>>
      tpu.enqueue_dma source(%dma_start3A_1543 : memref<256x128xf32, #tpu.memory_space<vmem>>) target(%dma_start3A_1539 : memref<256x128xf32, #tpu.memory_space<hbm>>) target_semaphore(%arg19 : memref<!tpu.dma_semaphore, #tpu.memory_space<semaphore_mem>>)
    }
    %scan3A_201 = arith.constant 16 : i32
    %mul3A_202 = arith.constant 16 : i32
    %mul3A_203 = arith.muli %add3A, %mul3A_202 : i32
    %add3A_204 = arith.constant 16 : i32
    %add3A_205 = arith.addi %mul3A_203, %add3A_204 : i32
    %sub3A = arith.constant 1 : i32
    %sub3A_206 = arith.subi %add3A_205, %sub3A : i32
    %dma_wait3A_207 = arith.constant 0 : i32
    %dma_wait3A_208 = arith.constant 0 : i32
    %dma_wait3A_209 = arith.constant 0 : i32
    %dma_wait3A_210 = tpu.memref_slice %arg14[%dma_wait3A_207, %dma_wait3A_208, %dma_wait3A_209] : memref<2x256x128xf32, #tpu.memory_space<vmem>> -> memref<1x256x128xf32, #tpu.memory_space<vmem>>
    %dma_wait3A_211 = tpu.memref_squeeze %dma_wait3A_210 : memref<1x256x128xf32, #tpu.memory_space<vmem>> -> memref<256x128xf32, #tpu.memory_space<vmem>>
    %dma_wait3A_212 = arith.constant 3584 : i32
    %dma_wait3A_213 = arith.constant 0 : i32
    %dma_wait3A_214 = tpu.memref_slice %arg5[%sub3A_206, %dma_wait3A_212, %dma_wait3A_213] : memref<512x4096x128xf32, #tpu.memory_space<hbm>> -> memref<1x256x128xf32, #tpu.memory_space<hbm>>
    %dma_wait3A_215 = tpu.memref_squeeze %dma_wait3A_214 : memref<1x256x128xf32, #tpu.memory_space<hbm>> -> memref<256x128xf32, #tpu.memory_space<hbm>>
    %dma_wait3A_216 = arith.constant 3584 : i32
    %dma_wait3A_217 = arith.constant 0 : i32
    %dma_wait3A_218 = tpu.memref_slice %arg5[%sub3A_206, %dma_wait3A_216, %dma_wait3A_217] : memref<512x4096x128xf32, #tpu.memory_space<hbm>> -> memref<1x256x128xf32, #tpu.memory_space<hbm>>
    %dma_wait3A_219 = tpu.memref_squeeze %dma_wait3A_218 : memref<1x256x128xf32, #tpu.memory_space<hbm>> -> memref<256x128xf32, #tpu.memory_space<hbm>>
    %dma_wait3A_220 = arith.constant 0 : i32
    %dma_wait3A_221 = arith.constant 0 : i32
    %dma_wait3A_222 = tpu.memref_slice %arg14[%dma_wait3A_207, %dma_wait3A_220, %dma_wait3A_221] : memref<2x256x128xf32, #tpu.memory_space<vmem>> -> memref<1x256x128xf32, #tpu.memory_space<vmem>>
    %dma_wait3A_223 = tpu.memref_squeeze %dma_wait3A_222 : memref<1x256x128xf32, #tpu.memory_space<vmem>> -> memref<256x128xf32, #tpu.memory_space<vmem>>
    tpu.wait_dma2 semaphore(%arg18 : memref<!tpu.dma_semaphore, #tpu.memory_space<semaphore_mem>>) src(%dma_wait3A_223 : memref<256x128xf32, #tpu.memory_space<vmem>>) dst(%dma_wait3A_219 : memref<256x128xf32, #tpu.memory_space<hbm>>)
    %dma_wait3A_224 = arith.constant 1 : i32
    %dma_wait3A_225 = arith.constant 0 : i32
    %dma_wait3A_226 = arith.constant 0 : i32
    %dma_wait3A_227 = tpu.memref_slice %arg14[%dma_wait3A_224, %dma_wait3A_225, %dma_wait3A_226] : memref<2x256x128xf32, #tpu.memory_space<vmem>> -> memref<1x256x128xf32, #tpu.memory_space<vmem>>
    %dma_wait3A_228 = tpu.memref_squeeze %dma_wait3A_227 : memref<1x256x128xf32, #tpu.memory_space<vmem>> -> memref<256x128xf32, #tpu.memory_space<vmem>>
    %dma_wait3A_229 = arith.constant 3840 : i32
    %dma_wait3A_230 = arith.constant 0 : i32
    %dma_wait3A_231 = tpu.memref_slice %arg5[%sub3A_206, %dma_wait3A_229, %dma_wait3A_230] : memref<512x4096x128xf32, #tpu.memory_space<hbm>> -> memref<1x256x128xf32, #tpu.memory_space<hbm>>
    %dma_wait3A_232 = tpu.memref_squeeze %dma_wait3A_231 : memref<1x256x128xf32, #tpu.memory_space<hbm>> -> memref<256x128xf32, #tpu.memory_space<hbm>>
    %dma_wait3A_233 = arith.constant 3840 : i32
    %dma_wait3A_234 = arith.constant 0 : i32
    %dma_wait3A_235 = tpu.memref_slice %arg5[%sub3A_206, %dma_wait3A_233, %dma_wait3A_234] : memref<512x4096x128xf32, #tpu.memory_space<hbm>> -> memref<1x256x128xf32, #tpu.memory_space<hbm>>
    %dma_wait3A_236 = tpu.memref_squeeze %dma_wait3A_235 : memref<1x256x128xf32, #tpu.memory_space<hbm>> -> memref<256x128xf32, #tpu.memory_space<hbm>>
    %dma_wait3A_237 = arith.constant 0 : i32
    %dma_wait3A_238 = arith.constant 0 : i32
    %dma_wait3A_239 = tpu.memref_slice %arg14[%dma_wait3A_224, %dma_wait3A_237, %dma_wait3A_238] : memref<2x256x128xf32, #tpu.memory_space<vmem>> -> memref<1x256x128xf32, #tpu.memory_space<vmem>>
    %dma_wait3A_240 = tpu.memref_squeeze %dma_wait3A_239 : memref<1x256x128xf32, #tpu.memory_space<vmem>> -> memref<256x128xf32, #tpu.memory_space<vmem>>
    tpu.wait_dma2 semaphore(%arg19 : memref<!tpu.dma_semaphore, #tpu.memory_space<semaphore_mem>>) src(%dma_wait3A_240 : memref<256x128xf32, #tpu.memory_space<vmem>>) dst(%dma_wait3A_236 : memref<256x128xf32, #tpu.memory_space<hbm>>)
    return
  }
}

</mosaic_0001>

<sc_bundles>
// kernel: kernel.3.cloned.1.call-start
scs
__scs_entry_jumppad:
0x0: {  	(pc) =	sbr.rel $0x88, $3  }
0x1: {  	(tag) =	ssettag $0x0;
	lr =	simm.s32 $0x1  }
0x2: {  	[smem:$0x3F9E] =	sst lr;
	_ =	strace $0xD0000000  }
0x3: {  	_ = 	snop  }
0x4: {  	_ = 	snop  }
0x5: {  	_ = 	snop  }
0x6: {  	_ = 	snop  }
0x7: {  	_ = 	snop  }
__scs_overlays_trampoline_lowered:
0x8: {  	[smem:$0x3FAD] =	sst s0  }
0x9: {  	[smem:$0x3FAE] =	sst s1  }
0xa: {  	[smem:$0x3FAF] =	sst s2  }
0xb: {  	[smem:$0x3FB0] =	sst s3  }
0xc: {  	[smem:$0x3FB1] =	sst s4  }
0xd: {  	[smem:$0x3FB2] =	sst s5  }
0xe: {  	[smem:$0x3FB3] =	sst s6  }
0xf: {  	[smem:$0x3FB4] =	sst s7  }
0x10: {  	[smem:$0x3FB5] =	sst s8  }
0x11: {  	[smem:$0x3FB6] =	sst s9;
	s0 =	simm.s32 @!p0 $0x0  }
0x12: {  	s1 =	sld [smem:$0x3F9C];
	s0 =	simm.s32 @p0 $0x1  }
0x13: {  	[smem:$0x3FB7] =	sst s0;
	s0 =	simm.s32 @!p1 $0x0  }
0x14: {  	s2 =	sld [smem:$0x3F9B];
	s0 =	simm.s32 @p1 $0x1  }
0x15: {  	[smem:$0x3FB8] =	sst s0;
	s0 =	simm.s32 @!p2 $0x0  }
0x16: {  	s3 =	sld [smem:$0x3FDB];
	s0 =	simm.s32 @p2 $0x1  }
0x17: {  	s4 =	simm.s32 $0x1BF5;
	[smem:$0x3FBA] =	sst s0  }
0x18: {  	s0 =	sld [smem:$0x3F9D];
	_ =	swait.ge [sflag:s4], $0x0  }
0x19: {  	s7 =	sld [smem:$0x3F9E]  }
0x1a: {  	s8 =	sadd.s32 $0xFFFFE003, lr  }
0x1b: {  	s9 =	sadd.s32 $0xFFFFFEF7, lr;
	s5 =	simm.s32 $0xFFFFFFFF;
	p2 =	slt.u32 s8, $0xFFFFF086  }
0x1c: {  	p1 =	slt.u32 s9, $0xF7A;
	s5 =	simm.s32 @!p2 $0x0  }
0x1d: {  	s5 =	simm.s32 @p1 $0x1;
	p0 =	seq.s32 s7, s2  }
0x1e: {  	s7 =	smul.u32 @!p0 $0xF7A, s2;
	p2 =	seq.s32 @!p0 s5, $0x0  }
0x1f: {  	s9 =	smul.u32 $0xF7A, s1;
	s8 =	simm.s32 @!p0 $0x1BF5;
	p2 =	por !p2, p0  }
0x20: {  	[sflag:s8] =	ssyncset.s32 @!p0 $0xFFFFF086;
	s6 =	sadd.s32 @!p0 s3, s7;
	s7 =	simm.s32 @!p0 $0x108  }
0x21: {  	s3 =	sadd.s32 s3, s9;
	s6 =	sadd.s32 @!p0 $0x88, s6;
	s7 =	simm.s32 @p2 $0x1082  }
0x22: {  	[simem:s7], [sflag:s8] =	dma.local @!p0 [hbm:s6], $0xF7A  }
0x23: {  	s9 =	sor.u32 $0xD0000000, s2;
	s6 =	simm.s32 $0x108;
	_ =	swait.ge @!p0 [sflag:s8], $0x0  }
0x24: {  	s3 =	sadd.s32 $0x88, s3;
	s6 =	simm.s32 @!p1 $0x1082;
	[sflag:s4] =	ssyncset.s32 $0xFFFFF086  }
0x25: {  	[simem:s6], [sflag:s4] =	dma.local [hbm:s3], $0xF7A  }
0x26: {  	[smem:$0x3F9E] =	sst s1;
	(tag) =	ssettag s2;
	_ =	strace s9  }
0x27: {  	s1 =	sld [smem:$0x3FAE]  }
0x28: {  	s2 =	sld [smem:$0x3FAF]  }
0x29: {  	s4 =	sld [smem:$0x3FB1]  }
0x2a: {  	p0 =	seq.s32 s5, $0x0;
	s5 =	sld [smem:$0x3FB2]  }
0x2b: {  	s6 =	sld [smem:$0x3FB3]  }
0x2c: {  	s7 =	sld [smem:$0x3FB4]  }
0x2d: {  	s3 =	simm.s32 $0x108;
	s8 =	sld [smem:$0x3FB5]  }
0x2e: {  	s3 =	simm.s32 @!p0 $0x1082;
	s9 =	sld [smem:$0x3FB6]  }
0x2f: {  	lr =	sadd.s32 s0, s3;
	s0 =	sld [smem:$0x3FAD]  }
0x30: {  	s3 =	sld [smem:$0x3FB0]  }
0x31: {  	[smem:$0x3FB9] =	sst s10  }
0x32: {  	s10 =	sld [smem:$0x3FB7];
	_ =	sdelay $0x3  }
0x33: {  	p0 =	seq.s32 s10, $0x1;
	s10 =	sld [smem:$0x3FB9];
	_ =	sdelay $0x3  }
0x34: {  	[smem:$0x3FB9] =	sst s10  }
0x35: {  	s10 =	sld [smem:$0x3FB8];
	_ =	sdelay $0x3  }
0x36: {  	p1 =	seq.s32 s10, $0x1;
	s10 =	sld [smem:$0x3FB9];
	_ =	sdelay $0x3  }
0x37: {  	[smem:$0x3FB9] =	sst s10  }
0x38: {  	s10 =	sld [smem:$0x3FBA]  }
0x39: {  	_ = 	snop;
	(pc) =	sbr.ind lr, $3  }
0x3a: {  	_ = 	snop  }
0x3b: {  	_ = 	snop  }
0x3c: {  	p2 =	seq.s32 s10, $0x1;
	s10 =	sld [smem:$0x3FB9]  }
0x3d: {  	_ =	shalt  }
0x3e: {  	_ =	shalt  }
0x3f: {  	_ =	shalt  }
0x40: {  	_ =	shalt  }
0x41: {  	_ =	shalt  }
0x42: {  	_ =	shalt  }
0x43: {  	_ =	shalt  }
0x44: {  	_ =	shalt  }
0x45: {  	_ =	shalt  }
0x46: {  	_ =	shalt  }
0x47: {  	_ =	shalt  }
0x48: {  	_ =	shalt  }
0x49: {  	_ =	shalt  }
0x4a: {  	_ =	shalt  }
0x4b: {  	_ =	shalt  }
0x4c: {  	_ =	shalt  }
0x4d: {  	_ =	shalt  }
0x4e: {  	_ =	shalt  }
0x4f: {  	_ =	shalt  }
0x50: {  	_ =	shalt  }
0x51: {  	_ =	shalt  }
0x52: {  	_ =	shalt  }
0x53: {  	_ =	shalt  }
0x54: {  	_ =	shalt  }
0x55: {  	_ =	shalt  }
0x56: {  	_ =	shalt  }
0x57: {  	_ =	shalt  }
0x58: {  	_ =	shalt  }
0x59: {  	_ =	shalt  }
0x5a: {  	_ =	shalt  }
0x5b: {  	_ =	shalt  }
0x5c: {  	_ =	shalt  }
0x5d: {  	_ =	shalt  }
0x5e: {  	_ =	shalt  }
0x5f: {  	_ =	shalt  }
0x60: {  	_ =	shalt  }
0x61: {  	_ =	shalt  }
0x62: {  	_ =	shalt  }
0x63: {  	_ =	shalt  }
0x64: {  	_ =	shalt  }
0x65: {  	_ =	shalt  }
0x66: {  	_ =	shalt  }
0x67: {  	_ =	shalt  }
0x68: {  	_ =	shalt  }
0x69: {  	_ =	shalt  }
0x6a: {  	_ =	shalt  }
0x6b: {  	_ =	shalt  }
0x6c: {  	_ =	shalt  }
0x6d: {  	_ =	shalt  }
0x6e: {  	_ =	shalt  }
0x6f: {  	_ =	shalt  }
0x70: {  	_ =	shalt  }
0x71: {  	_ =	shalt  }
0x72: {  	_ =	shalt  }
0x73: {  	_ =	shalt  }
0x74: {  	_ =	shalt  }
0x75: {  	_ =	shalt  }
0x76: {  	_ =	shalt  }
0x77: {  	_ =	shalt  }
0x78: {  	_ =	shalt  }
0x79: {  	_ =	shalt  }
0x7a: {  	_ =	shalt  }
0x7b: {  	_ =	shalt  }
0x7c: {  	_ =	shalt  }
0x7d: {  	_ =	shalt  }
0x7e: {  	_ =	shalt  }
0x7f: {  	_ =	shalt  }
0x80: {  	_ =	shalt  }
0x81: {  	_ =	shalt  }
0x82: {  	_ =	shalt  }
0x83: {  	_ =	shalt  }
0x84: {  	_ =	shalt  }
0x85: {  	_ =	shalt  }
0x86: {  	_ =	shalt  }
0x87: {  	_ =	shalt  }
.Lfunc_end0:
.L_simem_size_0:
called_computation_lowered:
.L_overlay_start_0:
0x88: {  	s2 =	sld [smem:$0x3FD9]  }
0x89: {  	s3 =	sld [smem:$0x3FFE];
	_ =	sdelay $0x1  }
0x8a: {  	s1 =	srdreg.scid  }
0x8b: {  	s0 =	sand.u32 $0x1, s1  }
0x8c: {  	s17 =	sshll.u32 s0, $0xA;
	s2 =	sadd.s32 s3, s2  }
0x8d: {  	s2 =	sadd.s32 s2, s17  }
0x8e: {  	[smem:$0x3FC5] =	sst s2  }
0x8f: {  	_ = 	snop  }
0x90: {  	s2 =	sld [smem:$0x3FC9]  }
0x91: {  	s18 =	sld [smem:$0x3FD0];
	(tm) =	ssettm $0x1  }
0x92: {  	s4 =	sld [smem:$0x3FFB];
	_ =	sdelay $0x3  }
0x93: {  	_ =	strace s4  }
0x94: {  	s4 =	sld [smem:$0x3FFC];
	_ =	sdelay $0x3  }
0x95: {  	_ =	strace s4  }
0x96: {  	s4 =	sld [smem:$0x3FFD];
	_ =	sdelay $0x3  }
0x97: {  	_ =	strace s4  }
0x98: {  	_ =	strace $0x8FFFFFFF  }
0x99: {  	s19 =	sld [smem:$0x3FDB];
	_ =	sdelay $0x1  }
0x9a: {  	s5 =	simm.s32 $_scs_section_size  }
0x9b: {  	s6 =	simm.s32 $_size__tile_overlayer_lowered;
	s7 =	simm.s32 $_tile_overlayer_lowered  }
0x9c: {  	s22 =	simm.s32 $0x1BFF;
	s21 =	sshll.u32 s7, $0x1;
	s4 =	sadd.s32 s5, s19  }
0x9d: {  	s8 =	simm.s32 $0x0;
	s20 =	sshll.u32 s6, $0x1;
	s6 =	sadd.s32 s21, s4  }
0x9e: {  	[timem:s8], [sflag:s22] =	dma.local [hbm:s6], s20  }
0x9f: {  	_ =	swait.ge [sflag:s22], s20  }
0xa0: {  	s5 =	ssub.s32 $0x0, s20;
	[sflag:s22] =	ssyncset.done $0x0  }
0xa1: {  	[sflag:s22] =	ssyncadd.s32 s5;
	_ =	sdelay $0x1  }
0xa2: {  	s23 =	simm.s32 $0x1B8B  }
0xa3: {  	_ =	swait.ge [sflag:s23], $0x1  }
0xa4: {  	[sflag:s23] =	ssyncset.done $0x0  }
0xa5: {  	s25 =	simm.s32 $0x1B8E;
	s24 =	sld [smem:$0x3FFE];
	[sflag:s23] =	ssyncadd.s32 $0xFFFFFFFF  }
0xa6: {  	s26 =	simm.s32 $execute0_lowered;
	[smem:$0x3FD2] =	sst s25  }
0xa7: {  	s6 =	sshll.u32 s26, $0x1;
	_ =	strace $0x80000046;
	[dreg:$0x1] =	wrdreg $0xFFFFFFFF  }
0xa8: {  	s28 =	simm.s32 $_size_execute0_lowered;
	s4 =	sadd.s32 s4, s6;
	[dreg:$0x0] =	wrdreg $0x0  }
0xa9: {  	s6 =	sshll.u32 s28, $0x1;
	[dreg:$0x2] =	wrdreg s4  }
0xaa: {  	[dreg:$0x3] =	wrdreg s6  }
0xab: {  	[dreg:$0x4] =	wrdreg $0xC0  }
0xac: {  	_ =	task [dreg:s8], $0x5FFFF  }
0xad: {  	[dreg:$0x1] =	wrdreg $0xFFFFFFFF  }
0xae: {  	[dreg:$0x0] =	wrdreg $0x60  }
0xaf: {  	[dreg:$0x2] =	wrdreg s2  }
0xb0: {  	[dreg:$0x3] =	wrdreg s24  }
0xb1: {  	[dreg:$0x4] =	wrdreg s18  }
0xb2: {  	[dreg:$0x5] =	wrdreg $0x9  }
0xb3: {  	_ =	task.clear_ibuf [dreg:s8], $0x6FFFF;
	_ =	strace $0x90000046  }
0xb4: {  	s29 =	simm.s32 $0x9;
	_ =	strace $0x80000048  }
0xb5: {  	_ =	swait.ge [sflag:s29], $0x1  }
0xb6: {  	[sflag:s29] =	ssyncadd.s32 $0xFFFFFFFF  }
0xb7: {  	_ =	strace $0x90000048  }
0xb8: {  	_ =	sfence  }
0xb9: {  	s30 =	sld [smem:$0x0];
	_ =	sdelay $0x2  }
0xba: {  	s31 =	sshll.u32 s1, $0xD;
	s1 =	sshrl.u32 s1, $0x2  }
0xbb: {  	s3 =	sand.u32 $0x4000, s31;
	s1 =	sadd.s32 s1, s30  }
0xbc: {  	s0 =	sor.u32 s3, s0;
	s1 =	sshll.u32 s1, $0x11  }
0xbd: {  	s0 =	sor.u32 s1, s0  }
0xbe: {  	s0 =	sadd.s32 $0x8F2B, s0  }
0xbf: {  	[sflag:s0] =	ssyncadd.remote.s32 $0x1  }
0xc0: {  	_ =	sfence.sel $0xFFFF  }
0xc1: {  	[dreg:$0x0] =	wrdreg $0xFFFFFFFF;
	(pc) =	sbr.abs _section_cstart, $3  }
0xc2: {  	[dreg:$0x1] =	wrdreg $0xFFFFFFFF  }
0xc3: {  	_ =	task.clear_ibuf [dreg:s8], $0x2FFFF;
	_ =	strace $0x9FFFFFFF  }
0xc4: {  	(tm) =	ssettm $0x7FFFFFFF  }
0xc5: {  	_ =	shalt  }
tec
execute0_lowered:
.L_overlay_start_1:
0x0: {  	(tag) =	ssettag $0x1  }
0x1: {  	s0 =	rddreg [dreg:$0x0]  }
0x2: {  	s1 =	rddreg [dreg:$0x1]  }
0x3: {  	s9 =	rddreg [dreg:$0x2];
	s3 =	simm.s32 $0x0  }
0x4: {  	s6 =	stileid.u32;
	s4 =	srdreg.scid;
	s11 =	simm.s32 $0x80  }
0x5: {  	s31 =	simm.s32 $0xD100;
	[smem:$0x7FF] =	sst s3;
	s2 =	sshll.u32 s6, $0x9  }
0x6: {  	s5 =	sadd.s32 $0x800, s1;
	s4 =	sand.u32 $0x1, s4;
	s10 =	sshll.u32 s6, $0x5  }
0x7: {  	s6 =	sadd.s32 $0x2A00, s1;
	s16 =	sadd.s32 $0x1000, s9;
	s17 =	sadd.s32 $0x2000, s9  }
0x8: {  	s18 =	sadd.s32 $0x3000, s9;
	_ =	strace $0x80000047;
	[dreg:$0x4] =	wrdreg s5  }
0x9: {  	s21 =	sadd.s32 $0x4000, s9;
	s22 =	sadd.s32 $0x5000, s9;
	[dreg:$0xa] =	wrdreg s16  }
0xa: {  	s23 =	sadd.s32 $0x6000, s9;
	s24 =	sadd.s32 $0x7000, s9;
	[dreg:$0xb] =	wrdreg s17  }
0xb: {  	s25 =	sadd.s32 $0x8000, s9;
	s28 =	sadd.s32 $0xD000, s9;
	[dreg:$0xc] =	wrdreg s18  }
0xc: {  	s29 =	sadd.s32 $0xE000, s9;
	s30 =	sadd.s32 $0xF000, s9;
	[dreg:$0xd] =	wrdreg s21  }
0xd: {  	s2 =	sadd.s32 s2, s1;
	s12 =	ssub.s32 $0x2, s4;
	[dreg:$0xe] =	wrdreg s22  }
0xe: {  	s7 =	sshll.u32 s4, $0x4;
	s19 =	smov.u32 s10;
	[dreg:$0xf] =	wrdreg s23  }
0xf: {  	s14 =	smul.u32 $0x12000, s4;
	s1 =	sadd.s32 $0x2E80, s1;
	[dreg:$0x10] =	wrdreg s24  }
0x10: {  	[dreg:$0x11] =	wrdreg s25;
	s22 =	sadd.s32 $0x9000, s9;
	s23 =	sadd.s32 $0xA000, s9  }
0x11: {  	s24 =	sadd.s32 $0xB000, s9;
	s4 =	simm.s32 $0x4;
	s25 =	simm.s32 $0x1  }
0x12: {  	s8 =	sshrl.u32 s12, $0x1;
	s2 =	sadd.s32 $0xA00, s2;
	[dreg:$0x6] =	wrdreg s1  }
0x13: {  	s7 =	sor.u32 s7, s10;
	s5 =	ssub.s32 s12, s8;
	[dreg:$0x5] =	wrdreg s2  }
0x14: {  	s20 =	smov.u32 s7;
	s13 =	sshll.u32 s7, $0xA;
	s8 =	simm.s32 $0x5  }
0x15: {  	s12 =	simm.s32 $0x7100;
	s21 =	smov.u32 s14;
	s2 =	simm.s32 $0x15100  }
.Ltmp0:
0x16: {  	v2 =	vlaneseq.u32;
	s15 =	sadd.s32 s0, s13;
	s0 =	sadd.s32 $0x800, s0;
	(pc) =	sbr.rel .LBB2_1-.Ltmp0, $4  }
0x17: {  	v0 =	vand.u32 $0x7, v2;
	s26 =	smax.u32 s5, $0x1;
	s13 =	simm.s32 $0x19100;
	[dreg:$0x7] =	wrdreg s15  }
0x18: {  	v3 =	vshrl.u32 v2, $0x3;
	v0 =	vmul.u32 $0x80, v0;
	s5 =	simm.s32 $0x2;
	s1 =	sadd.s32 $0x400, s15;
	[dreg:$0x9] =	wrdreg s0  }
0x19: {  	v2 =	vmul.u32 $0x90, v3;
	[dreg:$0x12] =	wrdreg s26;
	s26 =	sadd.s32 $0xC000, s9;
	s0 =	simm.s32 $0x3  }
0x1a: {  	v3 =	vmul.u32 $0x2, v3;
	v1 =	vmov s14;
	v4 =	vor.u32 $0x1, v0;
	s9 =	simm.s32 $0x0;
	[dreg:$0x8] =	wrdreg s1;
	s1 =	simm.s32 $0x11100  }
.LBB2_117:
0x1b: {  	_ =	swait.ge [sflag:s4], $0x8000  }
0x1c: {  	[sflag:s4] =	ssyncset.done $0x0  }
0x1d: {  	[sflag:s4] =	ssyncadd.s32 $0xFFFF8000  }
0x1e: {  	_ =	swait.ge [sflag:s8], $0x8000  }
0x1f: {  	s9 =	rddreg [dreg:$0x13]  }
0x20: {  	s7 =	rddreg [dreg:$0x12];
	s9 =	sadd.s32 $0x1, s9  }
0x21: {  	p0 =	sne.s32 s9, s7  }
.Ltmp1:
0x22: {  	_ = 	snop;
	(pc) =	sbr.rel @!p0 .LBB2_118-.Ltmp1, $3  }
0x23: {  	_ =	sdelay $0x1  }
0x24: {  	[sflag:s8] =	ssyncset.done $0x0  }
0x25: {  	[sflag:s8] =	ssyncadd.s32 $0xFFFF8000  }
.LBB2_1:
0x26: {  	[dreg:$0x13] =	wrdreg s9  }
0x27: {  	s7 =	rddreg [dreg:$0x4];
	s17 =	simm.s32 $0x6  }
0x28: {  	[tilespmem:s3], [sflag:$0x6] =	stream.linear.gather [hbm4b:s7+s3], $0x300, $0x38;
	[tilespmem:$0x1D100] =	vst v63  }
0x29: {  	_ =	swait.ge [sflag:s17], $0x300  }
0x2a: {  	[sflag:s17] =	ssyncset.done $0x0  }
0x2b: {  	s10 =	simm.s32 $0x300;
	s18 =	rddreg [dreg:$0x5];
	[sflag:s17] =	ssyncadd.s32 $0xFFFFFD00  }
0x2c: {  	[tilespmem:s10], [sflag:$0x6] =	stream.linear.gather [hbm4b:s18+s3], $0x1000, $0x38;
	[tilespmem:$0x1D100] =	vst v63  }
0x2d: {  	_ =	swait.ge [sflag:s17], $0x1000  }
0x2e: {  	[sflag:s17] =	ssyncset.done $0x0  }
0x2f: {  	s7 =	simm.s32 $0x0;
	[sflag:s17] =	ssyncadd.s32 $0xFFFFF000  }
.LBB2_2:
0x30: {  	s10 =	sshll.u32 s7, $0x7;
	s9 =	simm.s32 $0x0  }
0x31: {  	s14 =	simm.s32 $0x100;
	s10 =	sand.u32 $0x3FFFFF80, s10;
	v5 =	vld [tilespmem:s9+$0x0]  }
.LBB2_3:
0x32: {  	p0 =	sne.s32 s14, $0xB00;
	v6 =	vld [tilespmem:s10+$0x300];
	_ =	sdelay $0x4  }
0x33: {  	v6 =	vadd.f32 v5, v6;
	_ =	sdelay $0x1  }
0x34: {  	[tilespmem:s9+$0x5B00] =	vst v6  }
0x35: {  	v6 =	vld [tilespmem:s10+$0x340];
	_ =	sdelay $0x4  }
0x36: {  	v5 =	vadd.f32 v5, v6;
	_ =	sdelay $0x1  }
0x37: {  	[tilespmem:s9+$0x5E00] =	vst v5;
	v5 =	vld [tilespmem:s9+$0x10]  }
0x38: {  	v6 =	vld [tilespmem:s10+$0x310];
	_ =	sdelay $0x4  }
0x39: {  	v6 =	vadd.f32 v5, v6;
	_ =	sdelay $0x1  }
0x3a: {  	[tilespmem:s9+$0x5B10] =	vst v6  }
0x3b: {  	v6 =	vld [tilespmem:s10+$0x350];
	_ =	sdelay $0x4  }
0x3c: {  	v5 =	vadd.f32 v5, v6;
	_ =	sdelay $0x1  }
0x3d: {  	[tilespmem:s9+$0x5E10] =	vst v5;
	v5 =	vld [tilespmem:s9+$0x20]  }
0x3e: {  	v6 =	vld [tilespmem:s10+$0x320];
	_ =	sdelay $0x4  }
0x3f: {  	v6 =	vadd.f32 v5, v6;
	_ =	sdelay $0x1  }
0x40: {  	[tilespmem:s9+$0x5B20] =	vst v6  }
0x41: {  	v6 =	vld [tilespmem:s10+$0x360];
	_ =	sdelay $0x4  }
0x42: {  	v5 =	vadd.f32 v5, v6;
	_ =	sdelay $0x1  }
0x43: {  	[tilespmem:s9+$0x5E20] =	vst v5;
	v5 =	vld [tilespmem:s9+$0x30]  }
0x44: {  	v6 =	vld [tilespmem:s10+$0x330];
	_ =	sdelay $0x4  }
0x45: {  	v5 =	vadd.f32 v5, v6;
	_ =	sdelay $0x1  }
0x46: {  	[tilespmem:s9+$0x5B30] =	vst v5;
	v5 =	vld [tilespmem:s9+$0x30]  }
0x47: {  	v6 =	vld [tilespmem:s10+$0x370];
	_ =	sdelay $0x2  }
.Ltmp2:
0x48: {  	(pc) =	sbr.rel @p0 .LBB2_3-.Ltmp2, $4  }
0x49: {  	_ = 	snop  }
0x4a: {  	v6 =	vadd.f32 v5, v6  }
0x4b: {  	s15 =	sshra.s32 s14, $0x2  }
0x4c: {  	s14 =	sadd.s32 $0x100, s14;
	v5 =	vld [tilespmem:s15+$0x0];
	[tilespmem:s9+$0x5E30] =	vst v6;
	s9 =	smov.u32 s15  }
0x4d: {  	v6 =	vld [tilespmem:s10+$0x300];
	_ =	sdelay $0x4  }
0x4e: {  	v6 =	vadd.f32 v5, v6;
	_ =	sdelay $0x1  }
0x4f: {  	[tilespmem:s9+$0x5B00] =	vst v6  }
0x50: {  	v6 =	vld [tilespmem:s10+$0x340];
	_ =	sdelay $0x4  }
0x51: {  	v5 =	vadd.f32 v5, v6;
	_ =	sdelay $0x1  }
0x52: {  	[tilespmem:s9+$0x5E00] =	vst v5;
	v5 =	vld [tilespmem:s9+$0x10]  }
0x53: {  	v6 =	vld [tilespmem:s10+$0x310];
	_ =	sdelay $0x4  }
0x54: {  	v6 =	vadd.f32 v5, v6;
	_ =	sdelay $0x1  }
0x55: {  	[tilespmem:s9+$0x5B10] =	vst v6  }
0x56: {  	v6 =	vld [tilespmem:s10+$0x350];
	_ =	sdelay $0x4  }
0x57: {  	v5 =	vadd.f32 v5, v6;
	_ =	sdelay $0x1  }
0x58: {  	[tilespmem:s9+$0x5E10] =	vst v5;
	v5 =	vld [tilespmem:s9+$0x20]  }
0x59: {  	v6 =	vld [tilespmem:s10+$0x320];
	_ =	sdelay $0x4  }
0x5a: {  	v6 =	vadd.f32 v5, v6;
	_ =	sdelay $0x1  }
0x5b: {  	[tilespmem:s9+$0x5B20] =	vst v6  }
0x5c: {  	v6 =	vld [tilespmem:s10+$0x360];
	_ =	sdelay $0x4  }
0x5d: {  	v5 =	vadd.f32 v5, v6;
	_ =	sdelay $0x1  }
0x5e: {  	[tilespmem:s9+$0x5E20] =	vst v5;
	v5 =	vld [tilespmem:s9+$0x30]  }
0x5f: {  	v6 =	vld [tilespmem:s10+$0x330];
	_ =	sdelay $0x4  }
0x60: {  	v5 =	vadd.f32 v5, v6;
	_ =	sdelay $0x1  }
0x61: {  	[tilespmem:s9+$0x5B30] =	vst v5;
	v5 =	vld [tilespmem:s9+$0x30]  }
0x62: {  	v6 =	vld [tilespmem:s10+$0x370];
	_ =	sdelay $0x4  }
0x63: {  	v5 =	vadd.f32 v5, v6  }
0x64: {  	p0 =	seq.s32 s7, $0x0  }
0x65: {  	[tilespmem:s9+$0x5E30] =	vst v5;
	s9 =	simm.s32 @!p0 $0x4  }
0x66: {  	_ =	swait.ge @!p0 [sflag:s9], $0x2400  }
0x67: {  	[sflag:s9] =	ssyncset.done @!p0 $0x0  }
0x68: {  	s10 =	simm.s32 $0x1340;
	[sflag:s9] =	ssyncadd.s32 @!p0 $0xFFFFDC00;
	s9 =	simm.s32 $0x0  }
.LBB2_5:
0x69: {  	s14 =	sshll.u32 s9, $0x6  }
0x6a: {  	s14 =	sand.u32 $0x3FFFFFC0, s14  }
0x6b: {  	v8 =	vld [tilespmem:s14+$0x5B00];
	_ =	sdelay $0x2  }
0x6c: {  	v7 =	vld [tilespmem:s14+$0x5B10]  }
0x6d: {  	s16 =	simm.s32 $0x0;
	v6 =	vld [tilespmem:s14+$0x5B20]  }
0x6e: {  	s17 =	simm.s32 $0x100;
	s15 =	smov.u32 s10;
	v5 =	vld [tilespmem:s14+$0x5B30];
	s14 =	smov.u32 s10;
	[tilespmem:s10+$0xFFFFFFC0] =	vst v8  }
.LBB2_6:
0x6f: {  	p1 =	sne.s32 s17, $0xB00;
	v9 =	vld [tilespmem:s16+$0x5E00];
	_ =	sdelay $0x3  }
0x70: {  	[tilespmem:s15+$0xFFFFFFD0] =	vst v7  }
0x71: {  	[tilespmem:s15+$0x0] =	vst v9  }
0x72: {  	v9 =	vld [tilespmem:s16+$0x5E10];
	_ =	sdelay $0x3  }
0x73: {  	[tilespmem:s15+$0xFFFFFFE0] =	vst v6  }
0x74: {  	[tilespmem:s15+$0x10] =	vst v9  }
0x75: {  	v9 =	vld [tilespmem:s16+$0x5E20];
	_ =	sdelay $0x3  }
0x76: {  	[tilespmem:s15+$0xFFFFFFF0] =	vst v5  }
0x77: {  	[tilespmem:s15+$0x20] =	vst v9  }
0x78: {  	v9 =	vld [tilespmem:s16+$0x5E30]  }
.Ltmp3:
0x79: {  	(pc) =	sbr.rel @p1 .LBB2_6-.Ltmp3, $4  }
0x7a: {  	_ = 	snop  }
0x7b: {  	s15 =	sadd.s32 $0x80, s15  }
0x7c: {  	[tilespmem:s15+$0xFFFFFFC0] =	vst v8  }
0x7d: {  	s16 =	sshra.s32 s17, $0x2;
	s17 =	sadd.s32 $0x100, s17;
	[tilespmem:s14+$0x30] =	vst v9;
	s14 =	smov.u32 s15  }
0x7e: {  	v8 =	vld [tilespmem:s16+$0x5E00];
	_ =	sdelay $0x3  }
0x7f: {  	[tilespmem:s15+$0xFFFFFFD0] =	vst v7  }
0x80: {  	[tilespmem:s15+$0x0] =	vst v8  }
0x81: {  	v7 =	vld [tilespmem:s16+$0x5E10];
	_ =	sdelay $0x3  }
0x82: {  	[tilespmem:s15+$0xFFFFFFE0] =	vst v6  }
0x83: {  	[tilespmem:s15+$0x10] =	vst v7  }
0x84: {  	v6 =	vld [tilespmem:s16+$0x5E20];
	_ =	sdelay $0x3  }
0x85: {  	[tilespmem:s15+$0xFFFFFFF0] =	vst v5  }
0x86: {  	s9 =	sadd.s32 $0x1, s9;
	[tilespmem:s15+$0x20] =	vst v6  }
0x87: {  	p1 =	sne.s32 s9, $0x6;
	v5 =	vld [tilespmem:s16+$0x5E30]  }
.Ltmp4:
0x88: {  	_ = 	snop;
	(pc) =	sbr.rel @p1 .LBB2_5-.Ltmp4, $2  }
0x89: {  	_ =	sdelay $0x2  }
0x8a: {  	s10 =	sadd.s32 $0x600, s10;
	[tilespmem:s14+$0x30] =	vst v5  }
0x8b: {  	s9 =	sadd.s32 s19, s7  }
0x8c: {  	s9 =	smul.u32 $0x90, s9;
	_ =	sdelay $0x1  }
0x8d: {  	s9 =	sadd.s32 s21, s9  }
0x8e: {  	s9 =	sshll.u32 s9, $0x4  }
0x8f: {  	s14 =	simm.s32 $0x1300;
	s10 =	sadd.s32 s6, s9  }
0x90: {  	[hbm4b:s10+s3] =	stream.linear.scatter [tilespmem:s14], [sflag:$0x4], $0x2400, $0x38;
	[tilespmem:$0x1D100] =	vst v63  }
0x91: {  	s10 =	simm.s32 @!p0 $0x5  }
0x92: {  	_ =	swait.ge @!p0 [sflag:s10], $0x2400  }
0x93: {  	[sflag:s10] =	ssyncset.done @!p0 $0x0  }
0x94: {  	s14 =	simm.s32 $0x3770;
	[sflag:s10] =	ssyncadd.s32 @!p0 $0xFFFFDC00;
	s10 =	simm.s32 $0x0  }
.LBB2_9:
0x95: {  	s15 =	sshll.u32 s10, $0x6  }
0x96: {  	s15 =	sand.u32 $0x3FFFFFC0, s15  }
0x97: {  	v8 =	vld [tilespmem:s15+$0x5C80];
	_ =	sdelay $0x2  }
0x98: {  	v7 =	vld [tilespmem:s15+$0x5C90]  }
0x99: {  	s17 =	simm.s32 $0x0;
	v6 =	vld [tilespmem:s15+$0x5CA0]  }
0x9a: {  	s18 =	simm.s32 $0x100;
	s16 =	smov.u32 s14;
	v5 =	vld [tilespmem:s15+$0x5CB0];
	s15 =	smov.u32 s14;
	[tilespmem:s14+$0xFFFFFF90] =	vst v8  }
.LBB2_10:
0x9b: {  	p0 =	sne.s32 s18, $0xB00;
	v9 =	vld [tilespmem:s17+$0x5E00];
	_ =	sdelay $0x3  }
0x9c: {  	[tilespmem:s16+$0xFFFFFFA0] =	vst v7  }
0x9d: {  	[tilespmem:s16+$0xFFFFFFD0] =	vst v9  }
0x9e: {  	v9 =	vld [tilespmem:s17+$0x5E10];
	_ =	sdelay $0x3  }
0x9f: {  	[tilespmem:s16+$0xFFFFFFB0] =	vst v6  }
0xa0: {  	[tilespmem:s16+$0xFFFFFFE0] =	vst v9  }
0xa1: {  	v9 =	vld [tilespmem:s17+$0x5E20];
	_ =	sdelay $0x3  }
0xa2: {  	[tilespmem:s16+$0xFFFFFFC0] =	vst v5  }
0xa3: {  	[tilespmem:s16+$0xFFFFFFF0] =	vst v9  }
0xa4: {  	v9 =	vld [tilespmem:s17+$0x5E30]  }
.Ltmp5:
0xa5: {  	(pc) =	sbr.rel @p0 .LBB2_10-.Ltmp5, $4  }
0xa6: {  	_ = 	snop  }
0xa7: {  	s16 =	sadd.s32 $0x80, s16  }
0xa8: {  	[tilespmem:s16+$0xFFFFFF90] =	vst v8  }
0xa9: {  	s17 =	sshra.s32 s18, $0x2;
	s18 =	sadd.s32 $0x100, s18;
	[tilespmem:s15+$0x0] =	vst v9;
	s15 =	smov.u32 s16  }
0xaa: {  	v8 =	vld [tilespmem:s17+$0x5E00];
	_ =	sdelay $0x3  }
0xab: {  	[tilespmem:s16+$0xFFFFFFA0] =	vst v7  }
0xac: {  	[tilespmem:s16+$0xFFFFFFD0] =	vst v8  }
0xad: {  	v7 =	vld [tilespmem:s17+$0x5E10];
	_ =	sdelay $0x3  }
0xae: {  	[tilespmem:s16+$0xFFFFFFB0] =	vst v6  }
0xaf: {  	[tilespmem:s16+$0xFFFFFFE0] =	vst v7  }
0xb0: {  	v6 =	vld [tilespmem:s17+$0x5E20];
	_ =	sdelay $0x3  }
0xb1: {  	[tilespmem:s16+$0xFFFFFFC0] =	vst v5  }
0xb2: {  	s10 =	sadd.s32 $0x1, s10;
	[tilespmem:s16+$0xFFFFFFF0] =	vst v6  }
0xb3: {  	p0 =	sne.s32 s10, $0x6;
	v5 =	vld [tilespmem:s17+$0x5E30]  }
.Ltmp6:
0xb4: {  	_ = 	snop;
	(pc) =	sbr.rel @p0 .LBB2_9-.Ltmp6, $2  }
0xb5: {  	_ =	sdelay $0x2  }
0xb6: {  	s14 =	sadd.s32 $0x600, s14;
	[tilespmem:s15+$0x0] =	vst v5  }
0xb7: {  	s7 =	sadd.s32 $0x1, s7  }
0xb8: {  	p0 =	sne.s32 s7, $0x20  }
.Ltmp7:
0xb9: {  	_ = 	snop;
	(pc) =	sbr.rel @p0 .LBB2_2-.Ltmp7, $4  }
0xba: {  	_ = 	snop  }
0xbb: {  	s10 =	rddreg [dreg:$0x6]  }
0xbc: {  	s18 =	simm.s32 $0x3700;
	s9 =	sadd.s32 s9, s10  }
0xbd: {  	[hbm4b:s9+s3] =	stream.linear.scatter [tilespmem:s18], [sflag:$0x5], $0x2400, $0x38;
	[tilespmem:$0x1D100] =	vst v63  }
0xbe: {  	s7 =	simm.s32 $0x0  }
0xbf: {  	v5 =	vmov s7  }
0xc0: {  	_ =	swait.ge [sflag:s4], $0x2400;
	v5 =	vmul.u32 $0x90, v5  }
0xc1: {  	s18 =	simm.s32 $0x2;
	[sflag:s4] =	ssyncset.done $0x0  }
0xc2: {  	v6 =	vmov s18;
	[sflag:s4] =	ssyncadd.s32 $0xFFFFDC00;
	v5 =	vadd.s32 v1, v5  }
0xc3: {  	v6 =	vmul.u32 $0x90, v6;
	_ =	swait.ge [sflag:s8], $0x2400;
	v5 =	vbroadcast v5, $0x0  }
0xc4: {  	[sflag:s8] =	ssyncset.done $0x0  }
0xc5: {  	s7 =	simm.s32 $0x6100;
	v6 =	vadd.s32 v1, v6;
	[sflag:s8] =	ssyncadd.s32 $0xFFFFDC00;
	v5 =	vadd.s32 v2, v5  }
0xc6: {  	s9 =	simm.s32 $0x4;
	[tilespmem:s7+$0x0] =	vst v5;
	v5 =	vbroadcast v6, $0x0  }
.LBB2_14:
0xc7: {  	p0 =	sne.s32 s9, $0x1FE  }
.Ltmp8:
0xc8: {  	v6 =	vmov s9;
	s9 =	sadd.s32 $0x2, s9;
	s7 =	sadd.s32 $0x10, s7;
	v5 =	vadd.s32 v2, v5;
	(pc) =	sbr.rel @p0 .LBB2_14-.Ltmp8, $3  }
0xc9: {  	v6 =	vmul.u32 $0x90, v6;
	[tilespmem:s7+$0x0] =	vst v5;
	_ =	sdelay $0x1  }
0xca: {  	v5 =	vadd.s32 v1, v6  }
0xcb: {  	v5 =	vbroadcast v5, $0x0  }
0xcc: {  	s9 =	simm.s32 $0x0  }
0xcd: {  	v6 =	vmov s9  }
0xce: {  	v6 =	vshll.u32 v6, $0x1  }
0xcf: {  	s7 =	sadd.s32 $0x10, s7;
	v5 =	vadd.s32 v2, v5;
	v6 =	vor.u32 v3, v6  }
0xd0: {  	s14 =	rddreg [dreg:$0x7];
	s15 =	simm.s32 $0x6;
	[tilespmem:s7+$0x0] =	vst v5;
	v5 =	vor.u32 v0, v6  }
0xd1: {  	[tilespmem:s12], [sflag:$0x6] =	stream.linear.gather [hbm4b:s14+s9], $0x2000, $0x38;
	[tilespmem:$0x1D100] =	vst v63  }
0xd2: {  	_ =	swait.ge [sflag:s15], $0x2000;
	v6 =	vor.u32 v4, v6  }
0xd3: {  	[sflag:s15] =	ssyncset.done $0x0  }
0xd4: {  	[sflag:s15] =	ssyncadd.s32 $0xFFFFE000  }
0xd5: {  	v5 =	vld.idx.msk [tilespmem:v5+s12+$0x0], $0xffff  }
0xd6: {  	s16 =	simm.s32 $0x2  }
0xd7: {  	s17 =	simm.s32 $0x6100;
	v7 =	vmov s16;
	v6 =	vld.idx.msk [tilespmem:v6+s12+$0x0], $0xffff  }
0xd8: {  	v7 =	vshll.u32 v7, $0x1;
	v8 =	vld [tilespmem:s17+$0x0]  }
0xd9: {  	v7 =	vor.u32 v3, v7  }
0xda: {  	v9 =	vor.u32 v0, v7;
	v5 =	vmul.u32 $0xC, v5;
	_ =	sdelay $0x1  }
0xdb: {  	v7 =	vor.u32 v4, v7;
	v5 =	vadd.s32 v6, v5  }
0xdc: {  	s7 =	simm.s32 $0xB100;
	v5 =	vadd.s32 v8, v5  }
0xdd: {  	[tilespmem:s7+$0x0] =	vst v5  }
0xde: {  	v6 =	vld.idx.msk [tilespmem:v9+s12+$0x0], $0xffff  }
0xdf: {  	s18 =	simm.s32 $0x4  }
0xe0: {  	s10 =	simm.s32 $0x6;
	s9 =	simm.s32 $0x6110;
	v5 =	vld.idx.msk [tilespmem:v7+s12+$0x0], $0xffff;
	v7 =	vmov s18  }
.LBB2_16:
0xe1: {  	p0 =	sne.s32 s10, $0x1E;
	v7 =	vshll.u32 v7, $0x1;
	v8 =	vld [tilespmem:s9+$0x0]  }
0xe2: {  	v7 =	vor.u32 v3, v7  }
0xe3: {  	v6 =	vmul.u32 $0xC, v6;
	v9 =	vor.u32 v0, v7;
	_ =	sdelay $0x1  }
0xe4: {  	v7 =	vor.u32 v4, v7;
	v5 =	vadd.s32 v5, v6  }
0xe5: {  	s7 =	sadd.s32 $0x10, s7;
	v5 =	vadd.s32 v8, v5  }
.Ltmp9:
0xe6: {  	[tilespmem:s7+$0x0] =	vst v5;
	(pc) =	sbr.rel @p0 .LBB2_16-.Ltmp9, $3  }
0xe7: {  	v6 =	vld.idx.msk [tilespmem:v9+s12+$0x0], $0xffff;
	_ =	sdelay $0x1  }
0xe8: {  	v5 =	vld.idx.msk [tilespmem:v7+s12+$0x0], $0xffff  }
0xe9: {  	s9 =	sadd.s32 $0x10, s9;
	v7 =	vmov s10;
	s10 =	sadd.s32 $0x2, s10  }
0xea: {  	v7 =	vshll.u32 v7, $0x1;
	v8 =	vld [tilespmem:s9+$0x0]  }
0xeb: {  	v7 =	vor.u32 v3, v7  }
0xec: {  	v6 =	vmul.u32 $0xC, v6;
	v9 =	vor.u32 v0, v7;
	_ =	sdelay $0x1  }
0xed: {  	v7 =	vor.u32 v4, v7;
	v5 =	vadd.s32 v5, v6  }
0xee: {  	s7 =	sadd.s32 $0x10, s7;
	v5 =	vadd.s32 v8, v5  }
0xef: {  	[tilespmem:s7+$0x0] =	vst v5  }
0xf0: {  	v5 =	vld.idx.msk [tilespmem:v9+s12+$0x0], $0xffff  }
0xf1: {  	s10 =	simm.s32 $0x20  }
0xf2: {  	s15 =	sadd.s32 $0x10, s9;
	v6 =	vld.idx.msk [tilespmem:v7+s12+$0x0], $0xffff;
	v7 =	vmov s10  }
0xf3: {  	v8 =	vld [tilespmem:s15+$0x0];
	v7 =	vshll.u32 v7, $0x1  }
0xf4: {  	v7 =	vor.u32 v3, v7  }
0xf5: {  	v62 =	vor.u32 v0, v7;
	v5 =	vmul.u32 $0xC, v5;
	_ =	sdelay $0x1  }
0xf6: {  	v5 =	vadd.s32 v6, v5;
	v6 =	vor.u32 v4, v7  }
0xf7: {  	s7 =	sadd.s32 $0x10, s7;
	v5 =	vadd.s32 v8, v5  }
0xf8: {  	[tilespmem:s7+$0x0] =	vst v5  }
0xf9: {  	v5 =	vld.idx.msk [tilespmem:v62+s12+$0x0], $0xffff  }
0xfa: {  	s16 =	simm.s32 $0x22  }
0xfb: {  	s17 =	simm.s32 $0x6200;
	v7 =	vmov s16;
	v6 =	vld.idx.msk [tilespmem:v6+s12+$0x0], $0xffff  }
0xfc: {  	v7 =	vshll.u32 v7, $0x1;
	v8 =	vld [tilespmem:s17+$0x0]  }
0xfd: {  	v7 =	vor.u32 v3, v7  }
0xfe: {  	v63 =	vor.u32 v0, v7;
	v5 =	vmul.u32 $0xC, v5;
	_ =	sdelay $0x1  }
0xff: {  	v7 =	vor.u32 v4, v7;
	v5 =	vadd.s32 v6, v5  }
0x100: {  	s7 =	simm.s32 $0xB200;
	v5 =	vadd.s32 v8, v5  }
0x101: {  	[tilespmem:s7+$0x0] =	vst v5  }
0x102: {  	v6 =	vld.idx.msk [tilespmem:v63+s12+$0x0], $0xffff  }
0x103: {  	s18 =	simm.s32 $0x24  }
0x104: {  	s9 =	simm.s32 $0x6210;
	s10 =	simm.s32 $0x26;
	v5 =	vld.idx.msk [tilespmem:v7+s12+$0x0], $0xffff;
	v7 =	vmov s18  }
.LBB2_18:
0x105: {  	p0 =	sne.s32 s10, $0x3E;
	v7 =	vshll.u32 v7, $0x1;
	v8 =	vld [tilespmem:s9+$0x0]  }
0x106: {  	v7 =	vor.u32 v3, v7  }
0x107: {  	v6 =	vmul.u32 $0xC, v6;
	v9 =	vor.u32 v0, v7;
	_ =	sdelay $0x1  }
0x108: {  	v7 =	vor.u32 v4, v7;
	v5 =	vadd.s32 v5, v6  }
0x109: {  	s7 =	sadd.s32 $0x10, s7;
	v5 =	vadd.s32 v8, v5  }
.Ltmp10:
0x10a: {  	[tilespmem:s7+$0x0] =	vst v5;
	(pc) =	sbr.rel @p0 .LBB2_18-.Ltmp10, $3  }
0x10b: {  	v6 =	vld.idx.msk [tilespmem:v9+s12+$0x0], $0xffff;
	_ =	sdelay $0x1  }
0x10c: {  	v5 =	vld.idx.msk [tilespmem:v7+s12+$0x0], $0xffff  }
0x10d: {  	s9 =	sadd.s32 $0x10, s9;
	v7 =	vmov s10;
	s10 =	sadd.s32 $0x2, s10  }
0x10e: {  	v7 =	vshll.u32 v7, $0x1;
	v8 =	vld [tilespmem:s9+$0x0]  }
0x10f: {  	v7 =	vor.u32 v3, v7  }
0x110: {  	v6 =	vmul.u32 $0xC, v6;
	v9 =	vor.u32 v0, v7;
	_ =	sdelay $0x1  }
0x111: {  	v7 =	vor.u32 v4, v7;
	v5 =	vadd.s32 v5, v6  }
0x112: {  	s7 =	sadd.s32 $0x10, s7;
	v5 =	vadd.s32 v8, v5  }
0x113: {  	s10 =	simm.s32 $0x40;
	[tilespmem:s7+$0x0] =	vst v5  }
0x114: {  	v6 =	vmov s10;
	v5 =	vld.idx.msk [tilespmem:v9+s12+$0x0], $0xffff  }
0x115: {  	v8 =	vshll.u32 v6, $0x1  }
0x116: {  	s16 =	sadd.s32 $0x10, s9;
	v6 =	vshll.u32 v6, $0x4;
	v8 =	vor.u32 v3, v8;
	v7 =	vld.idx.msk [tilespmem:v7+s12+$0x0], $0xffff  }
0x117: {  	v6 =	vand.u32 $0x400, v6;
	v62 =	vld [tilespmem:s16+$0x0];
	v8 =	vand.u32 $0x7E, v8  }
0x118: {  	v6 =	vor.u32 v8, v6  }
0x119: {  	v8 =	vor.u32 v0, v6;
	v5 =	vmul.u32 $0xC, v5;
	_ =	sdelay $0x1  }
0x11a: {  	v6 =	vor.u32 v4, v6;
	v5 =	vadd.s32 v7, v5  }
0x11b: {  	s7 =	sadd.s32 $0x10, s7;
	v5 =	vadd.s32 v62, v5  }
0x11c: {  	[tilespmem:s7+$0x0] =	vst v5  }
0x11d: {  	s17 =	simm.s32 $0x42;
	v5 =	vld.idx.msk [tilespmem:v8+s12+$0x0], $0xffff  }
0x11e: {  	v7 =	vmov s17  }
0x11f: {  	v8 =	vshll.u32 v7, $0x1;
	v6 =	vld.idx.msk [tilespmem:v6+s12+$0x0], $0xffff  }
0x120: {  	s7 =	simm.s32 $0x6300;
	v7 =	vshll.u32 v7, $0x4;
	v8 =	vor.u32 v3, v8  }
0x121: {  	v63 =	vld [tilespmem:s7+$0x0];
	v7 =	vand.u32 $0x400, v7;
	v8 =	vand.u32 $0x7E, v8  }
0x122: {  	v7 =	vor.u32 v8, v7;
	v5 =	vmul.u32 $0xC, v5  }
0x123: {  	v8 =	vor.u32 v0, v7  }
0x124: {  	v5 =	vadd.s32 v6, v5;
	v6 =	vor.u32 v4, v7;
	_ =	sdelay $0x1  }
0x125: {  	s9 =	simm.s32 $0xB300;
	v5 =	vadd.s32 v63, v5  }
0x126: {  	s18 =	simm.s32 $0x44;
	[tilespmem:s9+$0x0] =	vst v5  }
0x127: {  	s10 =	simm.s32 $0x46;
	v7 =	vmov s18;
	v5 =	vld.idx.msk [tilespmem:v8+s12+$0x0], $0xffff  }
.LBB2_20:
0x128: {  	p0 =	sne.s32 s10, $0x5E;
	v8 =	vshll.u32 v7, $0x1;
	v9 =	vld.idx.msk [tilespmem:v6+s12+$0x0], $0xffff  }
0x129: {  	v7 =	vshll.u32 v7, $0x4;
	s7 =	sadd.s32 $0x10, s7;
	v6 =	vor.u32 v3, v8  }
0x12a: {  	v7 =	vand.u32 $0x400, v7;
	v6 =	vand.u32 $0x7E, v6;
	v8 =	vld [tilespmem:s7+$0x0]  }
0x12b: {  	v6 =	vor.u32 v6, v7  }
0x12c: {  	v5 =	vmul.u32 $0xC, v5;
	v7 =	vor.u32 v0, v6;
	_ =	sdelay $0x1  }
.Ltmp11:
0x12d: {  	v6 =	vor.u32 v4, v6;
	v5 =	vadd.s32 v9, v5;
	(pc) =	sbr.rel @p0 .LBB2_20-.Ltmp11, $4  }
0x12e: {  	s9 =	sadd.s32 $0x10, s9;
	v5 =	vadd.s32 v8, v5  }
0x12f: {  	[tilespmem:s9+$0x0] =	vst v5  }
0x130: {  	v5 =	vld.idx.msk [tilespmem:v7+s12+$0x0], $0xffff  }
0x131: {  	v7 =	vmov s10;
	s10 =	sadd.s32 $0x2, s10  }
0x132: {  	_ =	sdelay $0x2  }
0x133: {  	v8 =	vshll.u32 v7, $0x1  }
0x134: {  	v6 =	vld.idx.msk [tilespmem:v6+s12+$0x0], $0xffff;
	v7 =	vshll.u32 v7, $0x4;
	s7 =	sadd.s32 $0x10, s7;
	v8 =	vor.u32 v3, v8  }
0x135: {  	v7 =	vand.u32 $0x400, v7;
	v9 =	vld [tilespmem:s7+$0x0];
	v8 =	vand.u32 $0x7E, v8  }
0x136: {  	v7 =	vor.u32 v8, v7  }
0x137: {  	v5 =	vmul.u32 $0xC, v5;
	v8 =	vor.u32 v0, v7;
	_ =	sdelay $0x1  }
0x138: {  	v7 =	vor.u32 v4, v7;
	v5 =	vadd.s32 v6, v5  }
0x139: {  	s9 =	sadd.s32 $0x10, s9;
	v5 =	vadd.s32 v9, v5  }
0x13a: {  	s10 =	simm.s32 $0x60;
	[tilespmem:s9+$0x0] =	vst v5  }
0x13b: {  	v6 =	vmov s10;
	v5 =	vld.idx.msk [tilespmem:v8+s12+$0x0], $0xffff  }
0x13c: {  	v8 =	vshll.u32 v6, $0x1  }
0x13d: {  	s7 =	sadd.s32 $0x10, s7;
	v7 =	vld.idx.msk [tilespmem:v7+s12+$0x0], $0xffff;
	v6 =	vshll.u32 v6, $0x4;
	v8 =	vor.u32 v3, v8  }
0x13e: {  	v62 =	vld [tilespmem:s7+$0x0];
	v6 =	vand.u32 $0x400, v6;
	v8 =	vand.u32 $0x7E, v8  }
0x13f: {  	v6 =	vor.u32 v8, v6  }
0x140: {  	v8 =	vor.u32 v0, v6;
	v5 =	vmul.u32 $0xC, v5;
	_ =	sdelay $0x1  }
0x141: {  	v6 =	vor.u32 v4, v6;
	v5 =	vadd.s32 v7, v5  }
0x142: {  	s16 =	sadd.s32 $0x10, s9;
	v5 =	vadd.s32 v62, v5  }
0x143: {  	[tilespmem:s16+$0x0] =	vst v5  }
0x144: {  	s17 =	simm.s32 $0x62;
	v5 =	vld.idx.msk [tilespmem:v8+s12+$0x0], $0xffff  }
0x145: {  	v7 =	vmov s17  }
0x146: {  	v8 =	vshll.u32 v7, $0x1;
	v6 =	vld.idx.msk [tilespmem:v6+s12+$0x0], $0xffff  }
0x147: {  	s7 =	simm.s32 $0x6400;
	v7 =	vshll.u32 v7, $0x4;
	v8 =	vor.u32 v3, v8  }
0x148: {  	v63 =	vld [tilespmem:s7+$0x0];
	v7 =	vand.u32 $0x400, v7;
	v8 =	vand.u32 $0x7E, v8  }
0x149: {  	v7 =	vor.u32 v8, v7;
	v5 =	vmul.u32 $0xC, v5  }
0x14a: {  	v8 =	vor.u32 v0, v7  }
0x14b: {  	v5 =	vadd.s32 v6, v5;
	v6 =	vor.u32 v4, v7;
	_ =	sdelay $0x1  }
0x14c: {  	s9 =	simm.s32 $0xB400;
	v5 =	vadd.s32 v63, v5  }
0x14d: {  	s18 =	simm.s32 $0x64;
	[tilespmem:s9+$0x0] =	vst v5  }
0x14e: {  	s10 =	simm.s32 $0x66;
	v7 =	vmov s18;
	v5 =	vld.idx.msk [tilespmem:v8+s12+$0x0], $0xffff  }
.LBB2_22:
0x14f: {  	p0 =	sne.s32 s10, $0x7E;
	v8 =	vshll.u32 v7, $0x1;
	v9 =	vld.idx.msk [tilespmem:v6+s12+$0x0], $0xffff  }
0x150: {  	v7 =	vshll.u32 v7, $0x4;
	s7 =	sadd.s32 $0x10, s7;
	v6 =	vor.u32 v3, v8  }
0x151: {  	v7 =	vand.u32 $0x400, v7;
	v6 =	vand.u32 $0x7E, v6;
	v8 =	vld [tilespmem:s7+$0x0]  }
0x152: {  	v6 =	vor.u32 v6, v7  }
0x153: {  	v5 =	vmul.u32 $0xC, v5;
	v7 =	vor.u32 v0, v6;
	_ =	sdelay $0x1  }
.Ltmp12:
0x154: {  	v6 =	vor.u32 v4, v6;
	v5 =	vadd.s32 v9, v5;
	(pc) =	sbr.rel @p0 .LBB2_22-.Ltmp12, $4  }
0x155: {  	s9 =	sadd.s32 $0x10, s9;
	v5 =	vadd.s32 v8, v5  }
0x156: {  	[tilespmem:s9+$0x0] =	vst v5  }
0x157: {  	v5 =	vld.idx.msk [tilespmem:v7+s12+$0x0], $0xffff  }
0x158: {  	v7 =	vmov s10;
	s10 =	sadd.s32 $0x2, s10  }
0x159: {  	_ =	sdelay $0x2  }
0x15a: {  	v8 =	vshll.u32 v7, $0x1  }
0x15b: {  	v6 =	vld.idx.msk [tilespmem:v6+s12+$0x0], $0xffff;
	v7 =	vshll.u32 v7, $0x4;
	s7 =	sadd.s32 $0x10, s7;
	v8 =	vor.u32 v3, v8  }
0x15c: {  	v7 =	vand.u32 $0x400, v7;
	v9 =	vld [tilespmem:s7+$0x0];
	v8 =	vand.u32 $0x7E, v8  }
0x15d: {  	v7 =	vor.u32 v8, v7  }
0x15e: {  	v5 =	vmul.u32 $0xC, v5;
	v8 =	vor.u32 v0, v7;
	_ =	sdelay $0x1  }
0x15f: {  	v7 =	vor.u32 v4, v7;
	v5 =	vadd.s32 v6, v5  }
0x160: {  	s9 =	sadd.s32 $0x10, s9;
	v5 =	vadd.s32 v9, v5  }
0x161: {  	s10 =	simm.s32 $0x80;
	[tilespmem:s9+$0x0] =	vst v5  }
0x162: {  	v6 =	vmov s10;
	v5 =	vld.idx.msk [tilespmem:v8+s12+$0x0], $0xffff  }
0x163: {  	v8 =	vshll.u32 v6, $0x1  }
0x164: {  	s7 =	sadd.s32 $0x10, s7;
	v7 =	vld.idx.msk [tilespmem:v7+s12+$0x0], $0xffff;
	v6 =	vshll.u32 v6, $0x4;
	v8 =	vor.u32 v3, v8  }
0x165: {  	v62 =	vld [tilespmem:s7+$0x0];
	v6 =	vand.u32 $0xC00, v6;
	v8 =	vand.u32 $0x7E, v8  }
0x166: {  	v6 =	vor.u32 v8, v6  }
0x167: {  	v8 =	vor.u32 v0, v6;
	v5 =	vmul.u32 $0xC, v5;
	_ =	sdelay $0x1  }
0x168: {  	v6 =	vor.u32 v4, v6;
	v5 =	vadd.s32 v7, v5  }
0x169: {  	s16 =	sadd.s32 $0x10, s9;
	v5 =	vadd.s32 v62, v5  }
0x16a: {  	[tilespmem:s16+$0x0] =	vst v5  }
0x16b: {  	s17 =	simm.s32 $0x82;
	v5 =	vld.idx.msk [tilespmem:v8+s12+$0x0], $0xffff  }
0x16c: {  	v7 =	vmov s17  }
0x16d: {  	v8 =	vshll.u32 v7, $0x1;
	v6 =	vld.idx.msk [tilespmem:v6+s12+$0x0], $0xffff  }
0x16e: {  	s7 =	simm.s32 $0x6500;
	v7 =	vshll.u32 v7, $0x4;
	v8 =	vor.u32 v3, v8  }
0x16f: {  	v63 =	vld [tilespmem:s7+$0x0];
	v7 =	vand.u32 $0xC00, v7;
	v8 =	vand.u32 $0x7E, v8  }
0x170: {  	v7 =	vor.u32 v8, v7;
	v5 =	vmul.u32 $0xC, v5  }
0x171: {  	v8 =	vor.u32 v0, v7  }
0x172: {  	v5 =	vadd.s32 v6, v5;
	v6 =	vor.u32 v4, v7;
	_ =	sdelay $0x1  }
0x173: {  	s9 =	simm.s32 $0xB500;
	v5 =	vadd.s32 v63, v5  }
0x174: {  	s18 =	simm.s32 $0x84;
	[tilespmem:s9+$0x0] =	vst v5  }
0x175: {  	s10 =	simm.s32 $0x86;
	v7 =	vmov s18;
	v5 =	vld.idx.msk [tilespmem:v8+s12+$0x0], $0xffff  }
.LBB2_24:
0x176: {  	p0 =	sne.s32 s10, $0x9E;
	v8 =	vshll.u32 v7, $0x1;
	v9 =	vld.idx.msk [tilespmem:v6+s12+$0x0], $0xffff  }
0x177: {  	v7 =	vshll.u32 v7, $0x4;
	s7 =	sadd.s32 $0x10, s7;
	v6 =	vor.u32 v3, v8  }
0x178: {  	v7 =	vand.u32 $0xC00, v7;
	v6 =	vand.u32 $0x7E, v6;
	v8 =	vld [tilespmem:s7+$0x0]  }
0x179: {  	v6 =	vor.u32 v6, v7  }
0x17a: {  	v5 =	vmul.u32 $0xC, v5;
	v7 =	vor.u32 v0, v6;
	_ =	sdelay $0x1  }
.Ltmp13:
0x17b: {  	v6 =	vor.u32 v4, v6;
	v5 =	vadd.s32 v9, v5;
	(pc) =	sbr.rel @p0 .LBB2_24-.Ltmp13, $4  }
0x17c: {  	s9 =	sadd.s32 $0x10, s9;
	v5 =	vadd.s32 v8, v5  }
0x17d: {  	[tilespmem:s9+$0x0] =	vst v5  }
0x17e: {  	v5 =	vld.idx.msk [tilespmem:v7+s12+$0x0], $0xffff  }
0x17f: {  	v7 =	vmov s10;
	s10 =	sadd.s32 $0x2, s10  }
0x180: {  	_ =	sdelay $0x2  }
0x181: {  	v8 =	vshll.u32 v7, $0x1  }
0x182: {  	v6 =	vld.idx.msk [tilespmem:v6+s12+$0x0], $0xffff;
	v7 =	vshll.u32 v7, $0x4;
	s7 =	sadd.s32 $0x10, s7;
	v8 =	vor.u32 v3, v8  }
0x183: {  	v7 =	vand.u32 $0xC00, v7;
	v9 =	vld [tilespmem:s7+$0x0];
	v8 =	vand.u32 $0x7E, v8  }
0x184: {  	v7 =	vor.u32 v8, v7  }
0x185: {  	v5 =	vmul.u32 $0xC, v5;
	v8 =	vor.u32 v0, v7;
	_ =	sdelay $0x1  }
0x186: {  	v7 =	vor.u32 v4, v7;
	v5 =	vadd.s32 v6, v5  }
0x187: {  	s9 =	sadd.s32 $0x10, s9;
	v5 =	vadd.s32 v9, v5  }
0x188: {  	s10 =	simm.s32 $0xA0;
	[tilespmem:s9+$0x0] =	vst v5  }
0x189: {  	v6 =	vmov s10;
	v5 =	vld.idx.msk [tilespmem:v8+s12+$0x0], $0xffff  }
0x18a: {  	v8 =	vshll.u32 v6, $0x1  }
0x18b: {  	s7 =	sadd.s32 $0x10, s7;
	v7 =	vld.idx.msk [tilespmem:v7+s12+$0x0], $0xffff;
	v6 =	vshll.u32 v6, $0x4;
	v8 =	vor.u32 v3, v8  }
0x18c: {  	v62 =	vld [tilespmem:s7+$0x0];
	v6 =	vand.u32 $0xC00, v6;
	v8 =	vand.u32 $0x7E, v8  }
0x18d: {  	v6 =	vor.u32 v8, v6  }
0x18e: {  	v8 =	vor.u32 v0, v6;
	v5 =	vmul.u32 $0xC, v5;
	_ =	sdelay $0x1  }
0x18f: {  	v6 =	vor.u32 v4, v6;
	v5 =	vadd.s32 v7, v5  }
0x190: {  	s16 =	sadd.s32 $0x10, s9;
	v5 =	vadd.s32 v62, v5  }
0x191: {  	[tilespmem:s16+$0x0] =	vst v5  }
0x192: {  	s17 =	simm.s32 $0xA2;
	v5 =	vld.idx.msk [tilespmem:v8+s12+$0x0], $0xffff  }
0x193: {  	v7 =	vmov s17  }
0x194: {  	v8 =	vshll.u32 v7, $0x1;
	v6 =	vld.idx.msk [tilespmem:v6+s12+$0x0], $0xffff  }
0x195: {  	s7 =	simm.s32 $0x6600;
	v7 =	vshll.u32 v7, $0x4;
	v8 =	vor.u32 v3, v8  }
0x196: {  	v63 =	vld [tilespmem:s7+$0x0];
	v7 =	vand.u32 $0xC00, v7;
	v8 =	vand.u32 $0x7E, v8  }
0x197: {  	v7 =	vor.u32 v8, v7;
	v5 =	vmul.u32 $0xC, v5  }
0x198: {  	v8 =	vor.u32 v0, v7  }
0x199: {  	v5 =	vadd.s32 v6, v5;
	v6 =	vor.u32 v4, v7;
	_ =	sdelay $0x1  }
0x19a: {  	s9 =	simm.s32 $0xB600;
	v5 =	vadd.s32 v63, v5  }
0x19b: {  	s18 =	simm.s32 $0xA4;
	[tilespmem:s9+$0x0] =	vst v5  }
0x19c: {  	s10 =	simm.s32 $0xA6;
	v7 =	vmov s18;
	v5 =	vld.idx.msk [tilespmem:v8+s12+$0x0], $0xffff  }
.LBB2_26:
0x19d: {  	p0 =	sne.s32 s10, $0xBE;
	v8 =	vshll.u32 v7, $0x1;
	v9 =	vld.idx.msk [tilespmem:v6+s12+$0x0], $0xffff  }
0x19e: {  	v7 =	vshll.u32 v7, $0x4;
	s7 =	sadd.s32 $0x10, s7;
	v6 =	vor.u32 v3, v8  }
0x19f: {  	v7 =	vand.u32 $0xC00, v7;
	v6 =	vand.u32 $0x7E, v6;
	v8 =	vld [tilespmem:s7+$0x0]  }
0x1a0: {  	v6 =	vor.u32 v6, v7  }
0x1a1: {  	v5 =	vmul.u32 $0xC, v5;
	v7 =	vor.u32 v0, v6;
	_ =	sdelay $0x1  }
.Ltmp14:
0x1a2: {  	v6 =	vor.u32 v4, v6;
	v5 =	vadd.s32 v9, v5;
	(pc) =	sbr.rel @p0 .LBB2_26-.Ltmp14, $4  }
0x1a3: {  	s9 =	sadd.s32 $0x10, s9;
	v5 =	vadd.s32 v8, v5  }
0x1a4: {  	[tilespmem:s9+$0x0] =	vst v5  }
0x1a5: {  	v5 =	vld.idx.msk [tilespmem:v7+s12+$0x0], $0xffff  }
0x1a6: {  	v7 =	vmov s10;
	s10 =	sadd.s32 $0x2, s10  }
0x1a7: {  	_ =	sdelay $0x2  }
0x1a8: {  	v8 =	vshll.u32 v7, $0x1  }
0x1a9: {  	v6 =	vld.idx.msk [tilespmem:v6+s12+$0x0], $0xffff;
	v7 =	vshll.u32 v7, $0x4;
	s7 =	sadd.s32 $0x10, s7;
	v8 =	vor.u32 v3, v8  }
0x1aa: {  	v7 =	vand.u32 $0xC00, v7;
	v9 =	vld [tilespmem:s7+$0x0];
	v8 =	vand.u32 $0x7E, v8  }
0x1ab: {  	v7 =	vor.u32 v8, v7  }
0x1ac: {  	v5 =	vmul.u32 $0xC, v5;
	v8 =	vor.u32 v0, v7;
	_ =	sdelay $0x1  }
0x1ad: {  	v7 =	vor.u32 v4, v7;
	v5 =	vadd.s32 v6, v5  }
0x1ae: {  	s9 =	sadd.s32 $0x10, s9;
	v5 =	vadd.s32 v9, v5  }
0x1af: {  	s10 =	simm.s32 $0xC0;
	[tilespmem:s9+$0x0] =	vst v5  }
0x1b0: {  	v6 =	vmov s10;
	v5 =	vld.idx.msk [tilespmem:v8+s12+$0x0], $0xffff  }
0x1b1: {  	v8 =	vshll.u32 v6, $0x1  }
0x1b2: {  	s7 =	sadd.s32 $0x10, s7;
	v7 =	vld.idx.msk [tilespmem:v7+s12+$0x0], $0xffff;
	v6 =	vshll.u32 v6, $0x4;
	v8 =	vor.u32 v3, v8  }
0x1b3: {  	v62 =	vld [tilespmem:s7+$0x0];
	v6 =	vand.u32 $0xC00, v6;
	v8 =	vand.u32 $0x7E, v8  }
0x1b4: {  	v6 =	vor.u32 v8, v6  }
0x1b5: {  	v8 =	vor.u32 v0, v6;
	v5 =	vmul.u32 $0xC, v5;
	_ =	sdelay $0x1  }
0x1b6: {  	v6 =	vor.u32 v4, v6;
	v5 =	vadd.s32 v7, v5  }
0x1b7: {  	s16 =	sadd.s32 $0x10, s9;
	v5 =	vadd.s32 v62, v5  }
0x1b8: {  	[tilespmem:s16+$0x0] =	vst v5  }
0x1b9: {  	s17 =	simm.s32 $0xC2;
	v5 =	vld.idx.msk [tilespmem:v8+s12+$0x0], $0xffff  }
0x1ba: {  	v7 =	vmov s17  }
0x1bb: {  	v8 =	vshll.u32 v7, $0x1;
	v6 =	vld.idx.msk [tilespmem:v6+s12+$0x0], $0xffff  }
0x1bc: {  	s7 =	simm.s32 $0x6700;
	v7 =	vshll.u32 v7, $0x4;
	v8 =	vor.u32 v3, v8  }
0x1bd: {  	v63 =	vld [tilespmem:s7+$0x0];
	v7 =	vand.u32 $0xC00, v7;
	v8 =	vand.u32 $0x7E, v8  }
0x1be: {  	v7 =	vor.u32 v8, v7;
	v5 =	vmul.u32 $0xC, v5  }
0x1bf: {  	v8 =	vor.u32 v0, v7  }
0x1c0: {  	v5 =	vadd.s32 v6, v5;
	v6 =	vor.u32 v4, v7;
	_ =	sdelay $0x1  }
0x1c1: {  	s9 =	simm.s32 $0xB700;
	v5 =	vadd.s32 v63, v5  }
0x1c2: {  	s18 =	simm.s32 $0xC4;
	[tilespmem:s9+$0x0] =	vst v5  }
0x1c3: {  	s10 =	simm.s32 $0xC6;
	v7 =	vmov s18;
	v5 =	vld.idx.msk [tilespmem:v8+s12+$0x0], $0xffff  }
.LBB2_28:
0x1c4: {  	p0 =	sne.s32 s10, $0xDE;
	v8 =	vshll.u32 v7, $0x1;
	v9 =	vld.idx.msk [tilespmem:v6+s12+$0x0], $0xffff  }
0x1c5: {  	v7 =	vshll.u32 v7, $0x4;
	s7 =	sadd.s32 $0x10, s7;
	v6 =	vor.u32 v3, v8  }
0x1c6: {  	v7 =	vand.u32 $0xC00, v7;
	v6 =	vand.u32 $0x7E, v6;
	v8 =	vld [tilespmem:s7+$0x0]  }
0x1c7: {  	v6 =	vor.u32 v6, v7  }
0x1c8: {  	v5 =	vmul.u32 $0xC, v5;
	v7 =	vor.u32 v0, v6;
	_ =	sdelay $0x1  }
.Ltmp15:
0x1c9: {  	v6 =	vor.u32 v4, v6;
	v5 =	vadd.s32 v9, v5;
	(pc) =	sbr.rel @p0 .LBB2_28-.Ltmp15, $4  }
0x1ca: {  	s9 =	sadd.s32 $0x10, s9;
	v5 =	vadd.s32 v8, v5  }
0x1cb: {  	[tilespmem:s9+$0x0] =	vst v5  }
0x1cc: {  	v5 =	vld.idx.msk [tilespmem:v7+s12+$0x0], $0xffff  }
0x1cd: {  	v7 =	vmov s10;
	s10 =	sadd.s32 $0x2, s10  }
0x1ce: {  	_ =	sdelay $0x2  }
0x1cf: {  	v8 =	vshll.u32 v7, $0x1  }
0x1d0: {  	v6 =	vld.idx.msk [tilespmem:v6+s12+$0x0], $0xffff;
	v7 =	vshll.u32 v7, $0x4;
	s7 =	sadd.s32 $0x10, s7;
	v8 =	vor.u32 v3, v8  }
0x1d1: {  	v7 =	vand.u32 $0xC00, v7;
	v9 =	vld [tilespmem:s7+$0x0];
	v8 =	vand.u32 $0x7E, v8  }
0x1d2: {  	v7 =	vor.u32 v8, v7  }
0x1d3: {  	v5 =	vmul.u32 $0xC, v5;
	v8 =	vor.u32 v0, v7;
	_ =	sdelay $0x1  }
0x1d4: {  	v7 =	vor.u32 v4, v7;
	v5 =	vadd.s32 v6, v5  }
0x1d5: {  	s9 =	sadd.s32 $0x10, s9;
	v5 =	vadd.s32 v9, v5  }
0x1d6: {  	s10 =	simm.s32 $0xE0;
	[tilespmem:s9+$0x0] =	vst v5  }
0x1d7: {  	v6 =	vmov s10;
	v5 =	vld.idx.msk [tilespmem:v8+s12+$0x0], $0xffff  }
0x1d8: {  	v8 =	vshll.u32 v6, $0x1  }
0x1d9: {  	s7 =	sadd.s32 $0x10, s7;
	v7 =	vld.idx.msk [tilespmem:v7+s12+$0x0], $0xffff;
	v6 =	vshll.u32 v6, $0x4;
	v8 =	vor.u32 v3, v8  }
0x1da: {  	v62 =	vld [tilespmem:s7+$0x0];
	v6 =	vand.u32 $0xC00, v6;
	v8 =	vand.u32 $0x7E, v8  }
0x1db: {  	v6 =	vor.u32 v8, v6  }
0x1dc: {  	v8 =	vor.u32 v0, v6;
	v5 =	vmul.u32 $0xC, v5;
	_ =	sdelay $0x1  }
0x1dd: {  	v6 =	vor.u32 v4, v6;
	v5 =	vadd.s32 v7, v5  }
0x1de: {  	s16 =	sadd.s32 $0x10, s9;
	v5 =	vadd.s32 v62, v5  }
0x1df: {  	[tilespmem:s16+$0x0] =	vst v5  }
0x1e0: {  	s17 =	simm.s32 $0xE2;
	v5 =	vld.idx.msk [tilespmem:v8+s12+$0x0], $0xffff  }
0x1e1: {  	v7 =	vmov s17  }
0x1e2: {  	v8 =	vshll.u32 v7, $0x1;
	v6 =	vld.idx.msk [tilespmem:v6+s12+$0x0], $0xffff  }
0x1e3: {  	s7 =	simm.s32 $0x6800;
	v7 =	vshll.u32 v7, $0x4;
	v8 =	vor.u32 v3, v8  }
0x1e4: {  	v63 =	vld [tilespmem:s7+$0x0];
	v7 =	vand.u32 $0xC00, v7;
	v8 =	vand.u32 $0x7E, v8  }
0x1e5: {  	v7 =	vor.u32 v8, v7;
	v5 =	vmul.u32 $0xC, v5  }
0x1e6: {  	v8 =	vor.u32 v0, v7  }
0x1e7: {  	v5 =	vadd.s32 v6, v5;
	v6 =	vor.u32 v4, v7;
	_ =	sdelay $0x1  }
0x1e8: {  	s9 =	simm.s32 $0xB800;
	v5 =	vadd.s32 v63, v5  }
0x1e9: {  	s18 =	simm.s32 $0xE4;
	[tilespmem:s9+$0x0] =	vst v5  }
0x1ea: {  	s10 =	simm.s32 $0xE6;
	v7 =	vmov s18;
	v5 =	vld.idx.msk [tilespmem:v8+s12+$0x0], $0xffff  }
.LBB2_30:
0x1eb: {  	p0 =	sne.s32 s10, $0xFE;
	v8 =	vshll.u32 v7, $0x1;
	v9 =	vld.idx.msk [tilespmem:v6+s12+$0x0], $0xffff  }
0x1ec: {  	v7 =	vshll.u32 v7, $0x4;
	s7 =	sadd.s32 $0x10, s7;
	v6 =	vor.u32 v3, v8  }
0x1ed: {  	v7 =	vand.u32 $0xC00, v7;
	v6 =	vand.u32 $0x7E, v6;
	v8 =	vld [tilespmem:s7+$0x0]  }
0x1ee: {  	v6 =	vor.u32 v6, v7  }
0x1ef: {  	v5 =	vmul.u32 $0xC, v5;
	v7 =	vor.u32 v0, v6;
	_ =	sdelay $0x1  }
.Ltmp16:
0x1f0: {  	v6 =	vor.u32 v4, v6;
	v5 =	vadd.s32 v9, v5;
	(pc) =	sbr.rel @p0 .LBB2_30-.Ltmp16, $4  }
0x1f1: {  	s9 =	sadd.s32 $0x10, s9;
	v5 =	vadd.s32 v8, v5  }
0x1f2: {  	[tilespmem:s9+$0x0] =	vst v5  }
0x1f3: {  	v5 =	vld.idx.msk [tilespmem:v7+s12+$0x0], $0xffff  }
0x1f4: {  	v7 =	vmov s10;
	s10 =	sadd.s32 $0x2, s10  }
0x1f5: {  	_ =	sdelay $0x2  }
0x1f6: {  	v8 =	vshll.u32 v7, $0x1  }
0x1f7: {  	v6 =	vld.idx.msk [tilespmem:v6+s12+$0x0], $0xffff;
	v7 =	vshll.u32 v7, $0x4;
	s7 =	sadd.s32 $0x10, s7;
	v8 =	vor.u32 v3, v8  }
0x1f8: {  	v7 =	vand.u32 $0xC00, v7;
	v9 =	vld [tilespmem:s7+$0x0];
	v8 =	vand.u32 $0x7E, v8  }
0x1f9: {  	v7 =	vor.u32 v8, v7  }
0x1fa: {  	v5 =	vmul.u32 $0xC, v5;
	v8 =	vor.u32 v0, v7;
	_ =	sdelay $0x1  }
0x1fb: {  	v7 =	vor.u32 v4, v7;
	v5 =	vadd.s32 v6, v5  }
0x1fc: {  	s9 =	sadd.s32 $0x10, s9;
	v5 =	vadd.s32 v9, v5  }
0x1fd: {  	s10 =	simm.s32 $0x100;
	[tilespmem:s9+$0x0] =	vst v5  }
0x1fe: {  	v6 =	vmov s10;
	v5 =	vld.idx.msk [tilespmem:v8+s12+$0x0], $0xffff  }
0x1ff: {  	v8 =	vshll.u32 v6, $0x1  }
0x200: {  	s7 =	sadd.s32 $0x10, s7;
	v7 =	vld.idx.msk [tilespmem:v7+s12+$0x0], $0xffff;
	v6 =	vshll.u32 v6, $0x4;
	v8 =	vor.u32 v3, v8  }
0x201: {  	v62 =	vld [tilespmem:s7+$0x0];
	v6 =	vand.u32 $0x1C00, v6;
	v8 =	vand.u32 $0x7E, v8  }
0x202: {  	v6 =	vor.u32 v8, v6  }
0x203: {  	v8 =	vor.u32 v0, v6;
	v5 =	vmul.u32 $0xC, v5;
	_ =	sdelay $0x1  }
0x204: {  	v6 =	vor.u32 v4, v6;
	v5 =	vadd.s32 v7, v5  }
0x205: {  	s16 =	sadd.s32 $0x10, s9;
	v5 =	vadd.s32 v62, v5  }
0x206: {  	[tilespmem:s16+$0x0] =	vst v5  }
0x207: {  	s17 =	simm.s32 $0x102;
	v5 =	vld.idx.msk [tilespmem:v8+s12+$0x0], $0xffff  }
0x208: {  	v7 =	vmov s17  }
0x209: {  	v8 =	vshll.u32 v7, $0x1;
	v6 =	vld.idx.msk [tilespmem:v6+s12+$0x0], $0xffff  }
0x20a: {  	s7 =	simm.s32 $0x6900;
	v7 =	vshll.u32 v7, $0x4;
	v8 =	vor.u32 v3, v8  }
0x20b: {  	v63 =	vld [tilespmem:s7+$0x0];
	v7 =	vand.u32 $0x1C00, v7;
	v8 =	vand.u32 $0x7E, v8  }
0x20c: {  	v7 =	vor.u32 v8, v7;
	v5 =	vmul.u32 $0xC, v5  }
0x20d: {  	v8 =	vor.u32 v0, v7  }
0x20e: {  	v5 =	vadd.s32 v6, v5;
	v6 =	vor.u32 v4, v7;
	_ =	sdelay $0x1  }
0x20f: {  	s9 =	simm.s32 $0xB900;
	v5 =	vadd.s32 v63, v5  }
0x210: {  	s18 =	simm.s32 $0x104;
	[tilespmem:s9+$0x0] =	vst v5  }
0x211: {  	s10 =	simm.s32 $0x106;
	v7 =	vmov s18;
	v5 =	vld.idx.msk [tilespmem:v8+s12+$0x0], $0xffff  }
.LBB2_32:
0x212: {  	p0 =	sne.s32 s10, $0x11E;
	v8 =	vshll.u32 v7, $0x1;
	v9 =	vld.idx.msk [tilespmem:v6+s12+$0x0], $0xffff  }
0x213: {  	v7 =	vshll.u32 v7, $0x4;
	s7 =	sadd.s32 $0x10, s7;
	v6 =	vor.u32 v3, v8  }
0x214: {  	v7 =	vand.u32 $0x1C00, v7;
	v6 =	vand.u32 $0x7E, v6;
	v8 =	vld [tilespmem:s7+$0x0]  }
0x215: {  	v6 =	vor.u32 v6, v7  }
0x216: {  	v5 =	vmul.u32 $0xC, v5;
	v7 =	vor.u32 v0, v6;
	_ =	sdelay $0x1  }
.Ltmp17:
0x217: {  	v6 =	vor.u32 v4, v6;
	v5 =	vadd.s32 v9, v5;
	(pc) =	sbr.rel @p0 .LBB2_32-.Ltmp17, $4  }
0x218: {  	s9 =	sadd.s32 $0x10, s9;
	v5 =	vadd.s32 v8, v5  }
0x219: {  	[tilespmem:s9+$0x0] =	vst v5  }
0x21a: {  	v5 =	vld.idx.msk [tilespmem:v7+s12+$0x0], $0xffff  }
0x21b: {  	v7 =	vmov s10;
	s10 =	sadd.s32 $0x2, s10  }
0x21c: {  	_ =	sdelay $0x2  }
0x21d: {  	v8 =	vshll.u32 v7, $0x1  }
0x21e: {  	v6 =	vld.idx.msk [tilespmem:v6+s12+$0x0], $0xffff;
	v7 =	vshll.u32 v7, $0x4;
	s7 =	sadd.s32 $0x10, s7;
	v8 =	vor.u32 v3, v8  }
0x21f: {  	v7 =	vand.u32 $0x1C00, v7;
	v9 =	vld [tilespmem:s7+$0x0];
	v8 =	vand.u32 $0x7E, v8  }
0x220: {  	v7 =	vor.u32 v8, v7  }
0x221: {  	v5 =	vmul.u32 $0xC, v5;
	v8 =	vor.u32 v0, v7;
	_ =	sdelay $0x1  }
0x222: {  	v7 =	vor.u32 v4, v7;
	v5 =	vadd.s32 v6, v5  }
0x223: {  	s9 =	sadd.s32 $0x10, s9;
	v5 =	vadd.s32 v9, v5  }
0x224: {  	s10 =	simm.s32 $0x120;
	[tilespmem:s9+$0x0] =	vst v5  }
0x225: {  	v6 =	vmov s10;
	v5 =	vld.idx.msk [tilespmem:v8+s12+$0x0], $0xffff  }
0x226: {  	v8 =	vshll.u32 v6, $0x1  }
0x227: {  	s7 =	sadd.s32 $0x10, s7;
	v7 =	vld.idx.msk [tilespmem:v7+s12+$0x0], $0xffff;
	v6 =	vshll.u32 v6, $0x4;
	v8 =	vor.u32 v3, v8  }
0x228: {  	v62 =	vld [tilespmem:s7+$0x0];
	v6 =	vand.u32 $0x1C00, v6;
	v8 =	vand.u32 $0x7E, v8  }
0x229: {  	v6 =	vor.u32 v8, v6  }
0x22a: {  	v8 =	vor.u32 v0, v6;
	v5 =	vmul.u32 $0xC, v5;
	_ =	sdelay $0x1  }
0x22b: {  	v6 =	vor.u32 v4, v6;
	v5 =	vadd.s32 v7, v5  }
0x22c: {  	s16 =	sadd.s32 $0x10, s9;
	v5 =	vadd.s32 v62, v5  }
0x22d: {  	[tilespmem:s16+$0x0] =	vst v5  }
0x22e: {  	s17 =	simm.s32 $0x122;
	v5 =	vld.idx.msk [tilespmem:v8+s12+$0x0], $0xffff  }
0x22f: {  	v7 =	vmov s17  }
0x230: {  	v8 =	vshll.u32 v7, $0x1;
	v6 =	vld.idx.msk [tilespmem:v6+s12+$0x0], $0xffff  }
0x231: {  	s7 =	simm.s32 $0x6A00;
	v7 =	vshll.u32 v7, $0x4;
	v8 =	vor.u32 v3, v8  }
0x232: {  	v63 =	vld [tilespmem:s7+$0x0];
	v7 =	vand.u32 $0x1C00, v7;
	v8 =	vand.u32 $0x7E, v8  }
0x233: {  	v7 =	vor.u32 v8, v7;
	v5 =	vmul.u32 $0xC, v5  }
0x234: {  	v8 =	vor.u32 v0, v7  }
0x235: {  	v5 =	vadd.s32 v6, v5;
	v6 =	vor.u32 v4, v7;
	_ =	sdelay $0x1  }
0x236: {  	s9 =	simm.s32 $0xBA00;
	v5 =	vadd.s32 v63, v5  }
0x237: {  	s18 =	simm.s32 $0x124;
	[tilespmem:s9+$0x0] =	vst v5  }
0x238: {  	s10 =	simm.s32 $0x126;
	v7 =	vmov s18;
	v5 =	vld.idx.msk [tilespmem:v8+s12+$0x0], $0xffff  }
.LBB2_34:
0x239: {  	p0 =	sne.s32 s10, $0x13E;
	v8 =	vshll.u32 v7, $0x1;
	v9 =	vld.idx.msk [tilespmem:v6+s12+$0x0], $0xffff  }
0x23a: {  	v7 =	vshll.u32 v7, $0x4;
	s7 =	sadd.s32 $0x10, s7;
	v6 =	vor.u32 v3, v8  }
0x23b: {  	v7 =	vand.u32 $0x1C00, v7;
	v6 =	vand.u32 $0x7E, v6;
	v8 =	vld [tilespmem:s7+$0x0]  }
0x23c: {  	v6 =	vor.u32 v6, v7  }
0x23d: {  	v5 =	vmul.u32 $0xC, v5;
	v7 =	vor.u32 v0, v6;
	_ =	sdelay $0x1  }
.Ltmp18:
0x23e: {  	v6 =	vor.u32 v4, v6;
	v5 =	vadd.s32 v9, v5;
	(pc) =	sbr.rel @p0 .LBB2_34-.Ltmp18, $4  }
0x23f: {  	s9 =	sadd.s32 $0x10, s9;
	v5 =	vadd.s32 v8, v5  }
0x240: {  	[tilespmem:s9+$0x0] =	vst v5  }
0x241: {  	v5 =	vld.idx.msk [tilespmem:v7+s12+$0x0], $0xffff  }
0x242: {  	v7 =	vmov s10;
	s10 =	sadd.s32 $0x2, s10  }
0x243: {  	_ =	sdelay $0x2  }
0x244: {  	v8 =	vshll.u32 v7, $0x1  }
0x245: {  	v6 =	vld.idx.msk [tilespmem:v6+s12+$0x0], $0xffff;
	v7 =	vshll.u32 v7, $0x4;
	s7 =	sadd.s32 $0x10, s7;
	v8 =	vor.u32 v3, v8  }
0x246: {  	v7 =	vand.u32 $0x1C00, v7;
	v9 =	vld [tilespmem:s7+$0x0];
	v8 =	vand.u32 $0x7E, v8  }
0x247: {  	v7 =	vor.u32 v8, v7  }
0x248: {  	v5 =	vmul.u32 $0xC, v5;
	v8 =	vor.u32 v0, v7;
	_ =	sdelay $0x1  }
0x249: {  	v7 =	vor.u32 v4, v7;
	v5 =	vadd.s32 v6, v5  }
0x24a: {  	s9 =	sadd.s32 $0x10, s9;
	v5 =	vadd.s32 v9, v5  }
0x24b: {  	s10 =	simm.s32 $0x140;
	[tilespmem:s9+$0x0] =	vst v5  }
0x24c: {  	v6 =	vmov s10;
	v5 =	vld.idx.msk [tilespmem:v8+s12+$0x0], $0xffff  }
0x24d: {  	v8 =	vshll.u32 v6, $0x1  }
0x24e: {  	s7 =	sadd.s32 $0x10, s7;
	v7 =	vld.idx.msk [tilespmem:v7+s12+$0x0], $0xffff;
	v6 =	vshll.u32 v6, $0x4;
	v8 =	vor.u32 v3, v8  }
0x24f: {  	v62 =	vld [tilespmem:s7+$0x0];
	v6 =	vand.u32 $0x1C00, v6;
	v8 =	vand.u32 $0x7E, v8  }
0x250: {  	v6 =	vor.u32 v8, v6  }
0x251: {  	v8 =	vor.u32 v0, v6;
	v5 =	vmul.u32 $0xC, v5;
	_ =	sdelay $0x1  }
0x252: {  	v6 =	vor.u32 v4, v6;
	v5 =	vadd.s32 v7, v5  }
0x253: {  	s16 =	sadd.s32 $0x10, s9;
	v5 =	vadd.s32 v62, v5  }
0x254: {  	[tilespmem:s16+$0x0] =	vst v5  }
0x255: {  	s17 =	simm.s32 $0x142;
	v5 =	vld.idx.msk [tilespmem:v8+s12+$0x0], $0xffff  }
0x256: {  	v7 =	vmov s17  }
0x257: {  	v8 =	vshll.u32 v7, $0x1;
	v6 =	vld.idx.msk [tilespmem:v6+s12+$0x0], $0xffff  }
0x258: {  	s7 =	simm.s32 $0x6B00;
	v7 =	vshll.u32 v7, $0x4;
	v8 =	vor.u32 v3, v8  }
0x259: {  	v63 =	vld [tilespmem:s7+$0x0];
	v7 =	vand.u32 $0x1C00, v7;
	v8 =	vand.u32 $0x7E, v8  }
0x25a: {  	v7 =	vor.u32 v8, v7;
	v5 =	vmul.u32 $0xC, v5  }
0x25b: {  	v8 =	vor.u32 v0, v7  }
0x25c: {  	v5 =	vadd.s32 v6, v5;
	v6 =	vor.u32 v4, v7;
	_ =	sdelay $0x1  }
0x25d: {  	s9 =	simm.s32 $0xBB00;
	v5 =	vadd.s32 v63, v5  }
0x25e: {  	s18 =	simm.s32 $0x144;
	[tilespmem:s9+$0x0] =	vst v5  }
0x25f: {  	s10 =	simm.s32 $0x146;
	v7 =	vmov s18;
	v5 =	vld.idx.msk [tilespmem:v8+s12+$0x0], $0xffff  }
.LBB2_36:
0x260: {  	p0 =	sne.s32 s10, $0x15E;
	v8 =	vshll.u32 v7, $0x1;
	v9 =	vld.idx.msk [tilespmem:v6+s12+$0x0], $0xffff  }
0x261: {  	v7 =	vshll.u32 v7, $0x4;
	s7 =	sadd.s32 $0x10, s7;
	v6 =	vor.u32 v3, v8  }
0x262: {  	v7 =	vand.u32 $0x1C00, v7;
	v6 =	vand.u32 $0x7E, v6;
	v8 =	vld [tilespmem:s7+$0x0]  }
0x263: {  	v6 =	vor.u32 v6, v7  }
0x264: {  	v5 =	vmul.u32 $0xC, v5;
	v7 =	vor.u32 v0, v6;
	_ =	sdelay $0x1  }
.Ltmp19:
0x265: {  	v6 =	vor.u32 v4, v6;
	v5 =	vadd.s32 v9, v5;
	(pc) =	sbr.rel @p0 .LBB2_36-.Ltmp19, $4  }
0x266: {  	s9 =	sadd.s32 $0x10, s9;
	v5 =	vadd.s32 v8, v5  }
0x267: {  	[tilespmem:s9+$0x0] =	vst v5  }
0x268: {  	v5 =	vld.idx.msk [tilespmem:v7+s12+$0x0], $0xffff  }
0x269: {  	v7 =	vmov s10;
	s10 =	sadd.s32 $0x2, s10  }
0x26a: {  	_ =	sdelay $0x2  }
0x26b: {  	v8 =	vshll.u32 v7, $0x1  }
0x26c: {  	v6 =	vld.idx.msk [tilespmem:v6+s12+$0x0], $0xffff;
	v7 =	vshll.u32 v7, $0x4;
	s7 =	sadd.s32 $0x10, s7;
	v8 =	vor.u32 v3, v8  }
0x26d: {  	v7 =	vand.u32 $0x1C00, v7;
	v9 =	vld [tilespmem:s7+$0x0];
	v8 =	vand.u32 $0x7E, v8  }
0x26e: {  	v7 =	vor.u32 v8, v7  }
0x26f: {  	v5 =	vmul.u32 $0xC, v5;
	v8 =	vor.u32 v0, v7;
	_ =	sdelay $0x1  }
0x270: {  	v7 =	vor.u32 v4, v7;
	v5 =	vadd.s32 v6, v5  }
0x271: {  	s9 =	sadd.s32 $0x10, s9;
	v5 =	vadd.s32 v9, v5  }
0x272: {  	s10 =	simm.s32 $0x160;
	[tilespmem:s9+$0x0] =	vst v5  }
0x273: {  	v6 =	vmov s10;
	v5 =	vld.idx.msk [tilespmem:v8+s12+$0x0], $0xffff  }
0x274: {  	v8 =	vshll.u32 v6, $0x1  }
0x275: {  	s7 =	sadd.s32 $0x10, s7;
	v7 =	vld.idx.msk [tilespmem:v7+s12+$0x0], $0xffff;
	v6 =	vshll.u32 v6, $0x4;
	v8 =	vor.u32 v3, v8  }
0x276: {  	v62 =	vld [tilespmem:s7+$0x0];
	v6 =	vand.u32 $0x1C00, v6;
	v8 =	vand.u32 $0x7E, v8  }
0x277: {  	v6 =	vor.u32 v8, v6  }
0x278: {  	v8 =	vor.u32 v0, v6;
	v5 =	vmul.u32 $0xC, v5;
	_ =	sdelay $0x1  }
0x279: {  	v6 =	vor.u32 v4, v6;
	v5 =	vadd.s32 v7, v5  }
0x27a: {  	s16 =	sadd.s32 $0x10, s9;
	v5 =	vadd.s32 v62, v5  }
0x27b: {  	[tilespmem:s16+$0x0] =	vst v5  }
0x27c: {  	s17 =	simm.s32 $0x162;
	v5 =	vld.idx.msk [tilespmem:v8+s12+$0x0], $0xffff  }
0x27d: {  	v7 =	vmov s17  }
0x27e: {  	v8 =	vshll.u32 v7, $0x1;
	v6 =	vld.idx.msk [tilespmem:v6+s12+$0x0], $0xffff  }
0x27f: {  	s7 =	simm.s32 $0x6C00;
	v7 =	vshll.u32 v7, $0x4;
	v8 =	vor.u32 v3, v8  }
0x280: {  	v63 =	vld [tilespmem:s7+$0x0];
	v7 =	vand.u32 $0x1C00, v7;
	v8 =	vand.u32 $0x7E, v8  }
0x281: {  	v7 =	vor.u32 v8, v7;
	v5 =	vmul.u32 $0xC, v5  }
0x282: {  	v8 =	vor.u32 v0, v7  }
0x283: {  	v5 =	vadd.s32 v6, v5;
	v6 =	vor.u32 v4, v7;
	_ =	sdelay $0x1  }
0x284: {  	s9 =	simm.s32 $0xBC00;
	v5 =	vadd.s32 v63, v5  }
0x285: {  	s18 =	simm.s32 $0x164;
	[tilespmem:s9+$0x0] =	vst v5  }
0x286: {  	s10 =	simm.s32 $0x166;
	v7 =	vmov s18;
	v5 =	vld.idx.msk [tilespmem:v8+s12+$0x0], $0xffff  }
.LBB2_38:
0x287: {  	p0 =	sne.s32 s10, $0x17E;
	v8 =	vshll.u32 v7, $0x1;
	v9 =	vld.idx.msk [tilespmem:v6+s12+$0x0], $0xffff  }
0x288: {  	v7 =	vshll.u32 v7, $0x4;
	s7 =	sadd.s32 $0x10, s7;
	v6 =	vor.u32 v3, v8  }
0x289: {  	v7 =	vand.u32 $0x1C00, v7;
	v6 =	vand.u32 $0x7E, v6;
	v8 =	vld [tilespmem:s7+$0x0]  }
0x28a: {  	v6 =	vor.u32 v6, v7  }
0x28b: {  	v5 =	vmul.u32 $0xC, v5;
	v7 =	vor.u32 v0, v6;
	_ =	sdelay $0x1  }
.Ltmp20:
0x28c: {  	v6 =	vor.u32 v4, v6;
	v5 =	vadd.s32 v9, v5;
	(pc) =	sbr.rel @p0 .LBB2_38-.Ltmp20, $4  }
0x28d: {  	s9 =	sadd.s32 $0x10, s9;
	v5 =	vadd.s32 v8, v5  }
0x28e: {  	[tilespmem:s9+$0x0] =	vst v5  }
0x28f: {  	v5 =	vld.idx.msk [tilespmem:v7+s12+$0x0], $0xffff  }
0x290: {  	v7 =	vmov s10;
	s10 =	sadd.s32 $0x2, s10  }
0x291: {  	_ =	sdelay $0x2  }
0x292: {  	v8 =	vshll.u32 v7, $0x1  }
0x293: {  	v6 =	vld.idx.msk [tilespmem:v6+s12+$0x0], $0xffff;
	v7 =	vshll.u32 v7, $0x4;
	s7 =	sadd.s32 $0x10, s7;
	v8 =	vor.u32 v3, v8  }
0x294: {  	v7 =	vand.u32 $0x1C00, v7;
	v9 =	vld [tilespmem:s7+$0x0];
	v8 =	vand.u32 $0x7E, v8  }
0x295: {  	v7 =	vor.u32 v8, v7  }
0x296: {  	v5 =	vmul.u32 $0xC, v5;
	v8 =	vor.u32 v0, v7;
	_ =	sdelay $0x1  }
0x297: {  	v7 =	vor.u32 v4, v7;
	v5 =	vadd.s32 v6, v5  }
0x298: {  	s9 =	sadd.s32 $0x10, s9;
	v5 =	vadd.s32 v9, v5  }
0x299: {  	s10 =	simm.s32 $0x180;
	[tilespmem:s9+$0x0] =	vst v5  }
0x29a: {  	v6 =	vmov s10;
	v5 =	vld.idx.msk [tilespmem:v8+s12+$0x0], $0xffff  }
0x29b: {  	v8 =	vshll.u32 v6, $0x1  }
0x29c: {  	s7 =	sadd.s32 $0x10, s7;
	v7 =	vld.idx.msk [tilespmem:v7+s12+$0x0], $0xffff;
	v6 =	vshll.u32 v6, $0x4;
	v8 =	vor.u32 v3, v8  }
0x29d: {  	v62 =	vld [tilespmem:s7+$0x0];
	v6 =	vand.u32 $0x1C00, v6;
	v8 =	vand.u32 $0x7E, v8  }
0x29e: {  	v6 =	vor.u32 v8, v6  }
0x29f: {  	v8 =	vor.u32 v0, v6;
	v5 =	vmul.u32 $0xC, v5;
	_ =	sdelay $0x1  }
0x2a0: {  	v6 =	vor.u32 v4, v6;
	v5 =	vadd.s32 v7, v5  }
0x2a1: {  	s16 =	sadd.s32 $0x10, s9;
	v5 =	vadd.s32 v62, v5  }
0x2a2: {  	[tilespmem:s16+$0x0] =	vst v5  }
0x2a3: {  	s17 =	simm.s32 $0x182;
	v5 =	vld.idx.msk [tilespmem:v8+s12+$0x0], $0xffff  }
0x2a4: {  	v7 =	vmov s17  }
0x2a5: {  	v8 =	vshll.u32 v7, $0x1;
	v6 =	vld.idx.msk [tilespmem:v6+s12+$0x0], $0xffff  }
0x2a6: {  	s7 =	simm.s32 $0x6D00;
	v7 =	vshll.u32 v7, $0x4;
	v8 =	vor.u32 v3, v8  }
0x2a7: {  	v63 =	vld [tilespmem:s7+$0x0];
	v7 =	vand.u32 $0x1C00, v7;
	v8 =	vand.u32 $0x7E, v8  }
0x2a8: {  	v7 =	vor.u32 v8, v7;
	v5 =	vmul.u32 $0xC, v5  }
0x2a9: {  	v8 =	vor.u32 v0, v7  }
0x2aa: {  	v5 =	vadd.s32 v6, v5;
	v6 =	vor.u32 v4, v7;
	_ =	sdelay $0x1  }
0x2ab: {  	s9 =	simm.s32 $0xBD00;
	v5 =	vadd.s32 v63, v5  }
0x2ac: {  	s18 =	simm.s32 $0x184;
	[tilespmem:s9+$0x0] =	vst v5  }
0x2ad: {  	s10 =	simm.s32 $0x186;
	v7 =	vmov s18;
	v5 =	vld.idx.msk [tilespmem:v8+s12+$0x0], $0xffff  }
.LBB2_40:
0x2ae: {  	p0 =	sne.s32 s10, $0x19E;
	v8 =	vshll.u32 v7, $0x1;
	v9 =	vld.idx.msk [tilespmem:v6+s12+$0x0], $0xffff  }
0x2af: {  	v7 =	vshll.u32 v7, $0x4;
	s7 =	sadd.s32 $0x10, s7;
	v6 =	vor.u32 v3, v8  }
0x2b0: {  	v7 =	vand.u32 $0x1C00, v7;
	v6 =	vand.u32 $0x7E, v6;
	v8 =	vld [tilespmem:s7+$0x0]  }
0x2b1: {  	v6 =	vor.u32 v6, v7  }
0x2b2: {  	v5 =	vmul.u32 $0xC, v5;
	v7 =	vor.u32 v0, v6;
	_ =	sdelay $0x1  }
.Ltmp21:
0x2b3: {  	v6 =	vor.u32 v4, v6;
	v5 =	vadd.s32 v9, v5;
	(pc) =	sbr.rel @p0 .LBB2_40-.Ltmp21, $4  }
0x2b4: {  	s9 =	sadd.s32 $0x10, s9;
	v5 =	vadd.s32 v8, v5  }
0x2b5: {  	[tilespmem:s9+$0x0] =	vst v5  }
0x2b6: {  	v5 =	vld.idx.msk [tilespmem:v7+s12+$0x0], $0xffff  }
0x2b7: {  	v7 =	vmov s10;
	s10 =	sadd.s32 $0x2, s10  }
0x2b8: {  	_ =	sdelay $0x2  }
0x2b9: {  	v8 =	vshll.u32 v7, $0x1  }
0x2ba: {  	v6 =	vld.idx.msk [tilespmem:v6+s12+$0x0], $0xffff;
	v7 =	vshll.u32 v7, $0x4;
	s7 =	sadd.s32 $0x10, s7;
	v8 =	vor.u32 v3, v8  }
0x2bb: {  	v7 =	vand.u32 $0x1C00, v7;
	v9 =	vld [tilespmem:s7+$0x0];
	v8 =	vand.u32 $0x7E, v8  }
0x2bc: {  	v7 =	vor.u32 v8, v7  }
0x2bd: {  	v5 =	vmul.u32 $0xC, v5;
	v8 =	vor.u32 v0, v7;
	_ =	sdelay $0x1  }
0x2be: {  	v7 =	vor.u32 v4, v7;
	v5 =	vadd.s32 v6, v5  }
0x2bf: {  	s9 =	sadd.s32 $0x10, s9;
	v5 =	vadd.s32 v9, v5  }
0x2c0: {  	s10 =	simm.s32 $0x1A0;
	[tilespmem:s9+$0x0] =	vst v5  }
0x2c1: {  	v6 =	vmov s10;
	v5 =	vld.idx.msk [tilespmem:v8+s12+$0x0], $0xffff  }
0x2c2: {  	v8 =	vshll.u32 v6, $0x1  }
0x2c3: {  	s7 =	sadd.s32 $0x10, s7;
	v7 =	vld.idx.msk [tilespmem:v7+s12+$0x0], $0xffff;
	v6 =	vshll.u32 v6, $0x4;
	v8 =	vor.u32 v3, v8  }
0x2c4: {  	v62 =	vld [tilespmem:s7+$0x0];
	v6 =	vand.u32 $0x1C00, v6;
	v8 =	vand.u32 $0x7E, v8  }
0x2c5: {  	v6 =	vor.u32 v8, v6  }
0x2c6: {  	v8 =	vor.u32 v0, v6;
	v5 =	vmul.u32 $0xC, v5;
	_ =	sdelay $0x1  }
0x2c7: {  	v6 =	vor.u32 v4, v6;
	v5 =	vadd.s32 v7, v5  }
0x2c8: {  	s16 =	sadd.s32 $0x10, s9;
	v5 =	vadd.s32 v62, v5  }
0x2c9: {  	[tilespmem:s16+$0x0] =	vst v5  }
0x2ca: {  	s17 =	simm.s32 $0x1A2;
	v5 =	vld.idx.msk [tilespmem:v8+s12+$0x0], $0xffff  }
0x2cb: {  	v7 =	vmov s17  }
0x2cc: {  	v8 =	vshll.u32 v7, $0x1;
	v6 =	vld.idx.msk [tilespmem:v6+s12+$0x0], $0xffff  }
0x2cd: {  	s7 =	simm.s32 $0x6E00;
	v7 =	vshll.u32 v7, $0x4;
	v8 =	vor.u32 v3, v8  }
0x2ce: {  	v63 =	vld [tilespmem:s7+$0x0];
	v7 =	vand.u32 $0x1C00, v7;
	v8 =	vand.u32 $0x7E, v8  }
0x2cf: {  	v7 =	vor.u32 v8, v7;
	v5 =	vmul.u32 $0xC, v5  }
0x2d0: {  	v8 =	vor.u32 v0, v7  }
0x2d1: {  	v5 =	vadd.s32 v6, v5;
	v6 =	vor.u32 v4, v7;
	_ =	sdelay $0x1  }
0x2d2: {  	s9 =	simm.s32 $0xBE00;
	v5 =	vadd.s32 v63, v5  }
0x2d3: {  	s18 =	simm.s32 $0x1A4;
	[tilespmem:s9+$0x0] =	vst v5  }
0x2d4: {  	s10 =	simm.s32 $0x1A6;
	v7 =	vmov s18;
	v5 =	vld.idx.msk [tilespmem:v8+s12+$0x0], $0xffff  }
.LBB2_42:
0x2d5: {  	p0 =	sne.s32 s10, $0x1BE;
	v8 =	vshll.u32 v7, $0x1;
	v9 =	vld.idx.msk [tilespmem:v6+s12+$0x0], $0xffff  }
0x2d6: {  	v7 =	vshll.u32 v7, $0x4;
	s7 =	sadd.s32 $0x10, s7;
	v6 =	vor.u32 v3, v8  }
0x2d7: {  	v7 =	vand.u32 $0x1C00, v7;
	v6 =	vand.u32 $0x7E, v6;
	v8 =	vld [tilespmem:s7+$0x0]  }
0x2d8: {  	v6 =	vor.u32 v6, v7  }
0x2d9: {  	v5 =	vmul.u32 $0xC, v5;
	v7 =	vor.u32 v0, v6;
	_ =	sdelay $0x1  }
.Ltmp22:
0x2da: {  	v6 =	vor.u32 v4, v6;
	v5 =	vadd.s32 v9, v5;
	(pc) =	sbr.rel @p0 .LBB2_42-.Ltmp22, $4  }
0x2db: {  	s9 =	sadd.s32 $0x10, s9;
	v5 =	vadd.s32 v8, v5  }
0x2dc: {  	[tilespmem:s9+$0x0] =	vst v5  }
0x2dd: {  	v5 =	vld.idx.msk [tilespmem:v7+s12+$0x0], $0xffff  }
0x2de: {  	v7 =	vmov s10;
	s10 =	sadd.s32 $0x2, s10  }
0x2df: {  	_ =	sdelay $0x2  }
0x2e0: {  	v8 =	vshll.u32 v7, $0x1  }
0x2e1: {  	v6 =	vld.idx.msk [tilespmem:v6+s12+$0x0], $0xffff;
	v7 =	vshll.u32 v7, $0x4;
	s7 =	sadd.s32 $0x10, s7;
	v8 =	vor.u32 v3, v8  }
0x2e2: {  	v7 =	vand.u32 $0x1C00, v7;
	v9 =	vld [tilespmem:s7+$0x0];
	v8 =	vand.u32 $0x7E, v8  }
0x2e3: {  	v7 =	vor.u32 v8, v7  }
0x2e4: {  	v5 =	vmul.u32 $0xC, v5;
	v8 =	vor.u32 v0, v7;
	_ =	sdelay $0x1  }
0x2e5: {  	v7 =	vor.u32 v4, v7;
	v5 =	vadd.s32 v6, v5  }
0x2e6: {  	s9 =	sadd.s32 $0x10, s9;
	v5 =	vadd.s32 v9, v5  }
0x2e7: {  	s10 =	simm.s32 $0x1C0;
	[tilespmem:s9+$0x0] =	vst v5  }
0x2e8: {  	v6 =	vmov s10;
	v5 =	vld.idx.msk [tilespmem:v8+s12+$0x0], $0xffff  }
0x2e9: {  	v8 =	vshll.u32 v6, $0x1  }
0x2ea: {  	s7 =	sadd.s32 $0x10, s7;
	v7 =	vld.idx.msk [tilespmem:v7+s12+$0x0], $0xffff;
	v6 =	vshll.u32 v6, $0x4;
	v8 =	vor.u32 v3, v8  }
0x2eb: {  	v62 =	vld [tilespmem:s7+$0x0];
	v6 =	vand.u32 $0x1C00, v6;
	v8 =	vand.u32 $0x7E, v8  }
0x2ec: {  	v6 =	vor.u32 v8, v6  }
0x2ed: {  	v8 =	vor.u32 v0, v6;
	v5 =	vmul.u32 $0xC, v5;
	_ =	sdelay $0x1  }
0x2ee: {  	v6 =	vor.u32 v4, v6;
	v5 =	vadd.s32 v7, v5  }
0x2ef: {  	s16 =	sadd.s32 $0x10, s9;
	v5 =	vadd.s32 v62, v5  }
0x2f0: {  	[tilespmem:s16+$0x0] =	vst v5  }
0x2f1: {  	s17 =	simm.s32 $0x1C2;
	v5 =	vld.idx.msk [tilespmem:v8+s12+$0x0], $0xffff  }
0x2f2: {  	v7 =	vmov s17  }
0x2f3: {  	v8 =	vshll.u32 v7, $0x1;
	v6 =	vld.idx.msk [tilespmem:v6+s12+$0x0], $0xffff  }
0x2f4: {  	s7 =	simm.s32 $0x6F00;
	v7 =	vshll.u32 v7, $0x4;
	v8 =	vor.u32 v3, v8  }
0x2f5: {  	v63 =	vld [tilespmem:s7+$0x0];
	v7 =	vand.u32 $0x1C00, v7;
	v8 =	vand.u32 $0x7E, v8  }
0x2f6: {  	v7 =	vor.u32 v8, v7;
	v5 =	vmul.u32 $0xC, v5  }
0x2f7: {  	v8 =	vor.u32 v0, v7  }
0x2f8: {  	v5 =	vadd.s32 v6, v5;
	v6 =	vor.u32 v4, v7;
	_ =	sdelay $0x1  }
0x2f9: {  	s9 =	simm.s32 $0xBF00;
	v5 =	vadd.s32 v63, v5  }
0x2fa: {  	s18 =	simm.s32 $0x1C4;
	[tilespmem:s9+$0x0] =	vst v5  }
0x2fb: {  	s10 =	simm.s32 $0x1C6;
	v7 =	vmov s18;
	v5 =	vld.idx.msk [tilespmem:v8+s12+$0x0], $0xffff  }
.LBB2_44:
0x2fc: {  	p0 =	sne.s32 s10, $0x1DE;
	v8 =	vshll.u32 v7, $0x1;
	v9 =	vld.idx.msk [tilespmem:v6+s12+$0x0], $0xffff  }
0x2fd: {  	v7 =	vshll.u32 v7, $0x4;
	s7 =	sadd.s32 $0x10, s7;
	v6 =	vor.u32 v3, v8  }
0x2fe: {  	v7 =	vand.u32 $0x1C00, v7;
	v6 =	vand.u32 $0x7E, v6;
	v8 =	vld [tilespmem:s7+$0x0]  }
0x2ff: {  	v6 =	vor.u32 v6, v7  }
0x300: {  	v5 =	vmul.u32 $0xC, v5;
	v7 =	vor.u32 v0, v6;
	_ =	sdelay $0x1  }
.Ltmp23:
0x301: {  	v6 =	vor.u32 v4, v6;
	v5 =	vadd.s32 v9, v5;
	(pc) =	sbr.rel @p0 .LBB2_44-.Ltmp23, $4  }
0x302: {  	s9 =	sadd.s32 $0x10, s9;
	v5 =	vadd.s32 v8, v5  }
0x303: {  	[tilespmem:s9+$0x0] =	vst v5  }
0x304: {  	v5 =	vld.idx.msk [tilespmem:v7+s12+$0x0], $0xffff  }
0x305: {  	v7 =	vmov s10;
	s10 =	sadd.s32 $0x2, s10  }
0x306: {  	_ =	sdelay $0x2  }
0x307: {  	v8 =	vshll.u32 v7, $0x1  }
0x308: {  	v6 =	vld.idx.msk [tilespmem:v6+s12+$0x0], $0xffff;
	v7 =	vshll.u32 v7, $0x4;
	s7 =	sadd.s32 $0x10, s7;
	v8 =	vor.u32 v3, v8  }
0x309: {  	v7 =	vand.u32 $0x1C00, v7;
	v9 =	vld [tilespmem:s7+$0x0];
	v8 =	vand.u32 $0x7E, v8  }
0x30a: {  	v7 =	vor.u32 v8, v7  }
0x30b: {  	v5 =	vmul.u32 $0xC, v5;
	v8 =	vor.u32 v0, v7;
	_ =	sdelay $0x1  }
0x30c: {  	v7 =	vor.u32 v4, v7;
	v5 =	vadd.s32 v6, v5  }
0x30d: {  	s9 =	sadd.s32 $0x10, s9;
	v5 =	vadd.s32 v9, v5  }
0x30e: {  	s10 =	simm.s32 $0x1E0;
	[tilespmem:s9+$0x0] =	vst v5  }
0x30f: {  	v6 =	vmov s10;
	v5 =	vld.idx.msk [tilespmem:v8+s12+$0x0], $0xffff  }
0x310: {  	v8 =	vshll.u32 v6, $0x1  }
0x311: {  	s7 =	sadd.s32 $0x10, s7;
	v7 =	vld.idx.msk [tilespmem:v7+s12+$0x0], $0xffff;
	v6 =	vshll.u32 v6, $0x4;
	v8 =	vor.u32 v3, v8  }
0x312: {  	v62 =	vld [tilespmem:s7+$0x0];
	v6 =	vand.u32 $0x1C00, v6;
	v8 =	vand.u32 $0x7E, v8  }
0x313: {  	v6 =	vor.u32 v8, v6  }
0x314: {  	v8 =	vor.u32 v0, v6;
	v5 =	vmul.u32 $0xC, v5;
	_ =	sdelay $0x1  }
0x315: {  	v6 =	vor.u32 v4, v6;
	v5 =	vadd.s32 v7, v5  }
0x316: {  	s16 =	sadd.s32 $0x10, s9;
	v5 =	vadd.s32 v62, v5  }
0x317: {  	[tilespmem:s16+$0x0] =	vst v5  }
0x318: {  	s17 =	simm.s32 $0x1E2;
	v5 =	vld.idx.msk [tilespmem:v8+s12+$0x0], $0xffff  }
0x319: {  	v7 =	vmov s17  }
0x31a: {  	v8 =	vshll.u32 v7, $0x1;
	v6 =	vld.idx.msk [tilespmem:v6+s12+$0x0], $0xffff  }
0x31b: {  	s7 =	simm.s32 $0x7000;
	v7 =	vshll.u32 v7, $0x4;
	v8 =	vor.u32 v3, v8  }
0x31c: {  	v63 =	vld [tilespmem:s7+$0x0];
	v7 =	vand.u32 $0x1C00, v7;
	v8 =	vand.u32 $0x7E, v8  }
0x31d: {  	v7 =	vor.u32 v8, v7;
	v5 =	vmul.u32 $0xC, v5  }
0x31e: {  	v8 =	vor.u32 v0, v7  }
0x31f: {  	v5 =	vadd.s32 v6, v5;
	v6 =	vor.u32 v4, v7;
	_ =	sdelay $0x1  }
0x320: {  	s9 =	simm.s32 $0xC000;
	v5 =	vadd.s32 v63, v5  }
0x321: {  	s18 =	simm.s32 $0x1E4;
	[tilespmem:s9+$0x0] =	vst v5  }
0x322: {  	s10 =	simm.s32 $0x1E6;
	v7 =	vmov s18;
	v5 =	vld.idx.msk [tilespmem:v8+s12+$0x0], $0xffff  }
.LBB2_46:
0x323: {  	p0 =	sne.s32 s10, $0x1FE;
	v8 =	vshll.u32 v7, $0x1;
	v9 =	vld.idx.msk [tilespmem:v6+s12+$0x0], $0xffff  }
0x324: {  	v7 =	vshll.u32 v7, $0x4;
	s7 =	sadd.s32 $0x10, s7;
	v6 =	vor.u32 v3, v8  }
0x325: {  	v7 =	vand.u32 $0x1C00, v7;
	v6 =	vand.u32 $0x7E, v6;
	v8 =	vld [tilespmem:s7+$0x0]  }
0x326: {  	v6 =	vor.u32 v6, v7  }
0x327: {  	v5 =	vmul.u32 $0xC, v5;
	v7 =	vor.u32 v0, v6;
	_ =	sdelay $0x1  }
.Ltmp24:
0x328: {  	v6 =	vor.u32 v4, v6;
	v5 =	vadd.s32 v9, v5;
	(pc) =	sbr.rel @p0 .LBB2_46-.Ltmp24, $4  }
0x329: {  	s9 =	sadd.s32 $0x10, s9;
	v5 =	vadd.s32 v8, v5  }
0x32a: {  	[tilespmem:s9+$0x0] =	vst v5  }
0x32b: {  	v5 =	vld.idx.msk [tilespmem:v7+s12+$0x0], $0xffff  }
0x32c: {  	v7 =	vmov s10;
	s10 =	sadd.s32 $0x2, s10  }
0x32d: {  	_ =	sdelay $0x2  }
0x32e: {  	v8 =	vshll.u32 v7, $0x1  }
0x32f: {  	v6 =	vld.idx.msk [tilespmem:v6+s12+$0x0], $0xffff;
	v7 =	vshll.u32 v7, $0x4;
	s7 =	sadd.s32 $0x10, s7;
	v8 =	vor.u32 v3, v8  }
0x330: {  	v7 =	vand.u32 $0x1C00, v7;
	v9 =	vld [tilespmem:s7+$0x0];
	v8 =	vand.u32 $0x7E, v8  }
0x331: {  	v7 =	vor.u32 v8, v7  }
0x332: {  	v5 =	vmul.u32 $0xC, v5;
	v8 =	vor.u32 v0, v7;
	_ =	sdelay $0x1  }
0x333: {  	v7 =	vor.u32 v4, v7;
	v5 =	vadd.s32 v6, v5  }
0x334: {  	s9 =	sadd.s32 $0x10, s9;
	v5 =	vadd.s32 v9, v5  }
0x335: {  	[tilespmem:s9+$0x0] =	vst v5  }
0x336: {  	v5 =	vld.idx.msk [tilespmem:v8+s12+$0x0], $0xffff;
	_ =	sdelay $0x1  }
0x337: {  	s7 =	sadd.s32 $0x10, s7;
	v6 =	vld.idx.msk [tilespmem:v7+s12+$0x0], $0xffff  }
0x338: {  	v7 =	vld [tilespmem:s7+$0x0];
	_ =	sdelay $0x1  }
0x339: {  	v5 =	vmul.u32 $0xC, v5;
	_ =	sdelay $0x1  }
0x33a: {  	v5 =	vadd.s32 v6, v5  }
.Ltmp25:
0x33b: {  	s17 =	sadd.s32 $0x10, s9;
	v5 =	vadd.s32 v7, v5;
	(pc) =	sbr.rel .LBB2_48-.Ltmp25, $4  }
0x33c: {  	s18 =	rddreg [dreg:$0x8];
	s10 =	simm.s32 $0x9100;
	s7 =	simm.s32 $0x0;
	[tilespmem:s17+$0x0] =	vst v5  }
0x33d: {  	[tilespmem:s10], [sflag:$0x3] =	stream.linear.gather [hbm4b:s18+s7], $0x2000, $0x38;
	[tilespmem:$0x1D100] =	vst v63  }
0x33e: {  	[bflag:$0x0] =	sbarrier.arrive $0xFFFF  }
0x33f: {  	p0 =	por $0x1, $0x1  }
.LBB2_116:
0x340: {  	_ =	swait.ge [sflag:s5], $0x4000;
	s7 =	sadd.s32 $0x1, s7  }
0x341: {  	[sflag:s5] =	ssyncset.done $0x0;
	p1 =	sne.s32 s7, $0x10  }
.Ltmp26:
0x342: {  	[sflag:s5] =	ssyncadd.s32 $0xFFFFC000;
	(pc) =	sbr.rel @!p1 .LBB2_117-.Ltmp26, $4  }
0x343: {  	_ =	swait.ge [sflag:s5], $0x4000  }
0x344: {  	[sflag:s5] =	ssyncset.done $0x0  }
0x345: {  	s9 =	sadd.s32 s15, s30;
	p0 =	por !p0, !p0;
	[sflag:s5] =	ssyncadd.s32 $0xFFFFC000  }
0x346: {  	[hbm4b:s9+s3] =	stream.linear.scatter [tilespmem:s2], [sflag:$0x5], $0x8000, $0x38;
	[tilespmem:$0x1D100] =	vst v63  }
.LBB2_48:
0x347: {  	p2 =	sne.s32 s7, $0x0  }
.Ltmp27:
0x348: {  	_ = 	snop;
	(pc) =	sbr.rel @!p2 .LBB2_49-.Ltmp27, $4  }
0x349: {  	_ = 	snop  }
0x34a: {  	s9 =	simm.s32 $0x1  }
0x34b: {  	s9 =	simm.s32 @!p0 $0x0  }
0x34c: {  	s15 =	sor.u32 s20, s7;
	s10 =	sshll.u32 s9, $0xC;
	s9 =	sand.u32 $0x1, s7  }
0x34d: {  	_ =	swait.ge [sflag:s4], $0x8000;
	p3 =	seq.s32 s7, $0xF  }
.Ltmp28:
0x34e: {  	s16 =	sshll.u32 s9, $0xC;
	[sflag:s4] =	ssyncset.done $0x0;
	(pc) =	sbr.rel @p3 .LBB2_54-.Ltmp28, $4  }
.Ltmp29:
0x34f: {  	s14 =	sadd.s32 $0xB100, s16;
	[sflag:s4] =	ssyncadd.s32 $0xFFFF8000;
	(pc) =	sbr.rel @!p3 .LBB2_51-.Ltmp29, $4  }
0x350: {  	[tilespmem:s31], [sflag:$0x1] =	stream.indirect.gather [hbm4b:s6+s11], $0x80, s14, s11, $0xb8;
	[tilespmem:$0x1D100] =	vst v63  }
0x351: {  	p1 =	por $0x1, $0x1;
	s16 =	sadd.s32 $0xB180, s16  }
0x352: {  	[tilespmem:s1], [sflag:$0x1] =	stream.indirect.gather [hbm4b:s6+s11], $0x80, s16, s11, $0xb8;
	[tilespmem:$0x1D100] =	vst v63  }
0x353: {  	_ = 	snop  }
.LBB2_49:
0x354: {  	s14 =	simm.s32 $0xB100  }
0x355: {  	[tilespmem:s31], [sflag:$0x1] =	stream.indirect.gather [hbm4b:s6+s11], $0x80, s14, s11, $0xb8;
	[tilespmem:$0x1D100] =	vst v63  }
0x356: {  	s16 =	simm.s32 $0xB180  }
0x357: {  	[tilespmem:s1], [sflag:$0x1] =	stream.indirect.gather [hbm4b:s6+s11], $0x80, s16, s11, $0xb8;
	[tilespmem:$0x1D100] =	vst v63  }
.LBB2_51:
0x358: {  	s16 =	simm.s32 $0x0  }
0x359: {  	s17 =	sxor.u32 $0x1, s9;
	v5 =	vmov s16  }
0x35a: {  	s18 =	sshll.u32 s17, $0xD;
	v6 =	vshll.u32 v5, $0x1  }
0x35b: {  	v5 =	vor.u32 s18, v0;
	v7 =	vor.u32 v3, v6  }
0x35c: {  	_ =	swait.ge [sflag:s0], $0x2000;
	p1 =	sgt.u32 s7, $0xD;
	v8 =	vor.u32 v5, v7  }
0x35d: {  	[sflag:s0] =	ssyncset.done $0x0;
	s16 =	sshll.u32 @!p1 s15, $0xA;
	v6 =	vor.u32 s18, v4  }
0x35e: {  	s17 =	sshll.u32 @!p1 s9, $0xD;
	[sflag:s0] =	ssyncadd.s32 $0xFFFFE000;
	s18 =	rddreg [dreg:$0x9];
	v7 =	vor.u32 v6, v7  }
0x35f: {  	s17 =	sadd.s32 @!p1 $0x7100, s17;
	s16 =	sadd.s32 @!p1 s16, s18;
	s18 =	simm.s32 @!p1 $0x0  }
0x360: {  	[tilespmem:s17], [sflag:$0x3] =	stream.linear.gather @!p1 [hbm4b:s16+s18], $0x2000, $0x38;
	[tilespmem:$0x1D100] =	vst v63  }
0x361: {  	v8 =	vld.idx.msk [tilespmem:v8+s12+$0x0], $0xffff  }
0x362: {  	s17 =	simm.s32 $0x2  }
0x363: {  	s18 =	simm.s32 $0x6100;
	v9 =	vmov s17;
	v7 =	vld.idx.msk [tilespmem:v7+s12+$0x0], $0xffff  }
0x364: {  	v10 =	vld [tilespmem:s18+$0x0];
	v9 =	vshll.u32 v9, $0x1  }
0x365: {  	v9 =	vor.u32 v3, v9  }
0x366: {  	v11 =	vor.u32 v5, v9;
	v8 =	vmul.u32 $0xC, v8;
	_ =	sdelay $0x1  }
0x367: {  	v9 =	vor.u32 v6, v9;
	v7 =	vadd.s32 v7, v8  }
0x368: {  	s16 =	sadd.s32 $0xB100, s10;
	v7 =	vadd.s32 v10, v7  }
0x369: {  	[tilespmem:s16+$0x0] =	vst v7  }
0x36a: {  	v8 =	vld.idx.msk [tilespmem:v11+s12+$0x0], $0xffff  }
0x36b: {  	s18 =	simm.s32 $0x4  }
0x36c: {  	s17 =	simm.s32 $0x6110;
	v7 =	vld.idx.msk [tilespmem:v9+s12+$0x0], $0xffff;
	v9 =	vmov s18;
	s18 =	simm.s32 $0x6  }
.LBB2_52:
0x36d: {  	p1 =	sne.s32 s18, $0x1E;
	v9 =	vshll.u32 v9, $0x1;
	v10 =	vld [tilespmem:s17+$0x0]  }
0x36e: {  	v9 =	vor.u32 v3, v9  }
0x36f: {  	v8 =	vmul.u32 $0xC, v8;
	v11 =	vor.u32 v5, v9;
	_ =	sdelay $0x1  }
0x370: {  	v9 =	vor.u32 v6, v9;
	v7 =	vadd.s32 v7, v8  }
0x371: {  	s16 =	sadd.s32 $0x10, s16;
	v7 =	vadd.s32 v10, v7  }
.Ltmp30:
0x372: {  	[tilespmem:s16+$0x0] =	vst v7;
	(pc) =	sbr.rel @p1 .LBB2_52-.Ltmp30, $3  }
0x373: {  	v8 =	vld.idx.msk [tilespmem:v11+s12+$0x0], $0xffff;
	_ =	sdelay $0x1  }
0x374: {  	v7 =	vld.idx.msk [tilespmem:v9+s12+$0x0], $0xffff  }
0x375: {  	s17 =	sadd.s32 $0x10, s17;
	v9 =	vmov s18;
	s18 =	sadd.s32 $0x2, s18  }
0x376: {  	v9 =	vshll.u32 v9, $0x1;
	v10 =	vld [tilespmem:s17+$0x0]  }
0x377: {  	v9 =	vor.u32 v3, v9  }
0x378: {  	v8 =	vmul.u32 $0xC, v8;
	v5 =	vor.u32 v5, v9;
	_ =	sdelay $0x1  }
0x379: {  	v6 =	vor.u32 v6, v9;
	v7 =	vadd.s32 v7, v8  }
0x37a: {  	s16 =	sadd.s32 $0x10, s16;
	v7 =	vadd.s32 v10, v7  }
0x37b: {  	[tilespmem:s16+$0x0] =	vst v7  }
0x37c: {  	v5 =	vld.idx.msk [tilespmem:v5+s12+$0x0], $0xffff;
	_ =	sdelay $0x1  }
0x37d: {  	s18 =	sadd.s32 $0x10, s17;
	v6 =	vld.idx.msk [tilespmem:v6+s12+$0x0], $0xffff  }
0x37e: {  	v7 =	vld [tilespmem:s18+$0x0];
	_ =	sdelay $0x1  }
0x37f: {  	v5 =	vmul.u32 $0xC, v5;
	_ =	sdelay $0x1  }
0x380: {  	v5 =	vadd.s32 v6, v5  }
0x381: {  	s16 =	sadd.s32 $0x10, s16;
	v5 =	vadd.s32 v7, v5  }
0x382: {  	p1 =	por $0x0, $0x0;
	[tilespmem:s16+$0x0] =	vst v5  }
.LBB2_54:
0x383: {  	_ =	swait.ge [sflag:s25], $0x4000  }
0x384: {  	[sflag:s25] =	ssyncset.done $0x0  }
0x385: {  	[sflag:s25] =	ssyncadd.s32 $0xFFFFC000  }
0x386: {  	_ =	swait.ge [sflag:s25], $0x4000  }
0x387: {  	[sflag:s25] =	ssyncset.done $0x0  }
.Ltmp31:
0x388: {  	[sflag:s25] =	ssyncadd.s32 $0xFFFFC000;
	(pc) =	sbr.rel @!p2 .LBB2_55-.Ltmp31, $4  }
0x389: {  	s15 =	sshll.u32 s15, $0x10;
	s16 =	rddreg [dreg:$0x2]  }
0x38a: {  	s16 =	sadd.s32 s16, s15  }
0x38b: {  	[hbm4b:s16+s3] =	stream.linear.scatter [tilespmem:s31], [sflag:$0x4], $0x8000, $0x38;
	[tilespmem:$0x1D100] =	vst v63  }
0x38c: {  	s17 =	sadd.s32 $0x100, s14;
	s16 =	sadd.s32 $0x180, s14  }
0x38d: {  	_ =	swait.ge [sflag:s8], $0x8000  }
.Ltmp32:
0x38e: {  	[sflag:s8] =	ssyncset.done $0x0;
	(pc) =	sbr.rel @p1 .LBB2_60-.Ltmp32, $4  }
.Ltmp33:
0x38f: {  	[sflag:s8] =	ssyncadd.s32 $0xFFFF8000;
	(pc) =	sbr.rel @!p1 .LBB2_57-.Ltmp33, $4  }
0x390: {  	[tilespmem:s2], [sflag:$0x2] =	stream.indirect.gather [hbm4b:s6+s11], $0x80, s17, s11, $0xb8;
	[tilespmem:$0x1D100] =	vst v63  }
0x391: {  	_ = 	snop  }
0x392: {  	[tilespmem:s13], [sflag:$0x2] =	stream.indirect.gather [hbm4b:s6+s11], $0x80, s16, s11, $0xb8;
	[tilespmem:$0x1D100] =	vst v63  }
0x393: {  	_ = 	snop  }
.LBB2_55:
0x394: {  	[tilespmem:s2], [sflag:$0x2] =	stream.indirect.gather [hbm4b:s6+s11], $0x80, s17, s11, $0xb8;
	[tilespmem:$0x1D100] =	vst v63  }
0x395: {  	_ = 	snop  }
0x396: {  	[tilespmem:s13], [sflag:$0x2] =	stream.indirect.gather [hbm4b:s6+s11], $0x80, s16, s11, $0xb8;
	[tilespmem:$0x1D100] =	vst v63  }
.LBB2_57:
0x397: {  	s16 =	simm.s32 $0x20  }
0x398: {  	s17 =	sxor.u32 $0x1, s9;
	v5 =	vmov s16  }
0x399: {  	s18 =	sshll.u32 s17, $0xD;
	v6 =	vshll.u32 v5, $0x1  }
0x39a: {  	v5 =	vor.u32 s18, v0;
	v7 =	vor.u32 v3, v6  }
0x39b: {  	v8 =	vor.u32 v5, v7  }
0x39c: {  	v6 =	vor.u32 s18, v4  }
0x39d: {  	v7 =	vor.u32 v6, v7;
	_ =	sdelay $0x2  }
0x39e: {  	v8 =	vld.idx.msk [tilespmem:v8+s12+$0x0], $0xffff  }
0x39f: {  	s17 =	simm.s32 $0x22  }
0x3a0: {  	v9 =	vmov s17;
	s18 =	simm.s32 $0x6200;
	v7 =	vld.idx.msk [tilespmem:v7+s12+$0x0], $0xffff  }
0x3a1: {  	v9 =	vshll.u32 v9, $0x1;
	v10 =	vld [tilespmem:s18+$0x0]  }
0x3a2: {  	v9 =	vor.u32 v3, v9  }
0x3a3: {  	v11 =	vor.u32 v5, v9;
	v8 =	vmul.u32 $0xC, v8;
	_ =	sdelay $0x1  }
0x3a4: {  	v9 =	vor.u32 v6, v9;
	v7 =	vadd.s32 v7, v8  }
0x3a5: {  	s16 =	sadd.s32 $0xB200, s10;
	v7 =	vadd.s32 v10, v7  }
0x3a6: {  	[tilespmem:s16+$0x0] =	vst v7  }
0x3a7: {  	v8 =	vld.idx.msk [tilespmem:v11+s12+$0x0], $0xffff  }
0x3a8: {  	s18 =	simm.s32 $0x24  }
0x3a9: {  	s17 =	simm.s32 $0x6210;
	v7 =	vld.idx.msk [tilespmem:v9+s12+$0x0], $0xffff;
	v9 =	vmov s18;
	s18 =	simm.s32 $0x26  }
.LBB2_58:
0x3aa: {  	p2 =	sne.s32 s18, $0x3E;
	v9 =	vshll.u32 v9, $0x1;
	v10 =	vld [tilespmem:s17+$0x0]  }
0x3ab: {  	v9 =	vor.u32 v3, v9  }
0x3ac: {  	v8 =	vmul.u32 $0xC, v8;
	v11 =	vor.u32 v5, v9;
	_ =	sdelay $0x1  }
0x3ad: {  	v9 =	vor.u32 v6, v9;
	v7 =	vadd.s32 v7, v8  }
0x3ae: {  	s16 =	sadd.s32 $0x10, s16;
	v7 =	vadd.s32 v10, v7  }
.Ltmp34:
0x3af: {  	[tilespmem:s16+$0x0] =	vst v7;
	(pc) =	sbr.rel @p2 .LBB2_58-.Ltmp34, $3  }
0x3b0: {  	v8 =	vld.idx.msk [tilespmem:v11+s12+$0x0], $0xffff;
	_ =	sdelay $0x1  }
0x3b1: {  	v7 =	vld.idx.msk [tilespmem:v9+s12+$0x0], $0xffff  }
0x3b2: {  	s17 =	sadd.s32 $0x10, s17;
	v9 =	vmov s18;
	s18 =	sadd.s32 $0x2, s18  }
0x3b3: {  	v9 =	vshll.u32 v9, $0x1;
	v10 =	vld [tilespmem:s17+$0x0]  }
0x3b4: {  	v9 =	vor.u32 v3, v9  }
0x3b5: {  	v8 =	vmul.u32 $0xC, v8;
	v5 =	vor.u32 v5, v9;
	_ =	sdelay $0x1  }
0x3b6: {  	v6 =	vor.u32 v6, v9;
	v7 =	vadd.s32 v7, v8  }
0x3b7: {  	s16 =	sadd.s32 $0x10, s16;
	v7 =	vadd.s32 v10, v7  }
0x3b8: {  	[tilespmem:s16+$0x0] =	vst v7  }
0x3b9: {  	v5 =	vld.idx.msk [tilespmem:v5+s12+$0x0], $0xffff;
	_ =	sdelay $0x1  }
0x3ba: {  	s18 =	sadd.s32 $0x10, s17;
	v6 =	vld.idx.msk [tilespmem:v6+s12+$0x0], $0xffff  }
0x3bb: {  	v7 =	vld [tilespmem:s18+$0x0];
	_ =	sdelay $0x1  }
0x3bc: {  	v5 =	vmul.u32 $0xC, v5;
	_ =	sdelay $0x1  }
0x3bd: {  	v5 =	vadd.s32 v6, v5  }
0x3be: {  	s16 =	sadd.s32 $0x10, s16;
	v5 =	vadd.s32 v7, v5  }
0x3bf: {  	[tilespmem:s16+$0x0] =	vst v5  }
.LBB2_60:
0x3c0: {  	_ =	swait.ge [sflag:s5], $0x4000  }
0x3c1: {  	[sflag:s5] =	ssyncset.done $0x0  }
0x3c2: {  	[sflag:s5] =	ssyncadd.s32 $0xFFFFC000  }
0x3c3: {  	_ =	swait.ge [sflag:s5], $0x4000  }
0x3c4: {  	[sflag:s5] =	ssyncset.done $0x0;
	s16 =	rddreg [dreg:$0xa]  }
0x3c5: {  	[sflag:s5] =	ssyncadd.s32 $0xFFFFC000;
	s16 =	sadd.s32 s15, s16  }
0x3c6: {  	[hbm4b:s16+s3] =	stream.linear.scatter [tilespmem:s2], [sflag:$0x5], $0x8000, $0x38;
	[tilespmem:$0x1D100] =	vst v63  }
0x3c7: {  	_ =	swait.ge [sflag:s4], $0x8000  }
.Ltmp35:
0x3c8: {  	[sflag:s4] =	ssyncset.done $0x0;
	(pc) =	sbr.rel @p1 .LBB2_64-.Ltmp35, $4  }
0x3c9: {  	s17 =	sadd.s32 $0x200, s14;
	[sflag:s4] =	ssyncadd.s32 $0xFFFF8000  }
0x3ca: {  	[tilespmem:s31], [sflag:$0x1] =	stream.indirect.gather [hbm4b:s6+s11], $0x80, s17, s11, $0xb8;
	[tilespmem:$0x1D100] =	vst v63  }
0x3cb: {  	s18 =	sadd.s32 $0x280, s14  }
0x3cc: {  	[tilespmem:s1], [sflag:$0x1] =	stream.indirect.gather [hbm4b:s6+s11], $0x80, s18, s11, $0xb8;
	[tilespmem:$0x1D100] =	vst v63  }
0x3cd: {  	s16 =	simm.s32 $0x40  }
0x3ce: {  	s17 =	sxor.u32 $0x1, s9;
	v5 =	vmov s16  }
0x3cf: {  	s17 =	sshll.u32 s17, $0xD;
	v6 =	vshll.u32 v5, $0x1;
	v7 =	vshll.u32 v5, $0x4  }
0x3d0: {  	v5 =	vor.u32 s17, v0;
	v6 =	vor.u32 v3, v6;
	v7 =	vand.u32 $0x400, v7  }
0x3d1: {  	v7 =	vor.u32 v7, v5;
	v6 =	vand.u32 $0x7E, v6  }
0x3d2: {  	v6 =	vor.u32 v6, v7;
	_ =	sdelay $0x1  }
0x3d3: {  	v7 =	vor.u32 $0x1, v6;
	_ =	sdelay $0x2  }
0x3d4: {  	s18 =	simm.s32 $0x42;
	v6 =	vld.idx.msk [tilespmem:v6+s12+$0x0], $0xffff  }
0x3d5: {  	v8 =	vmov s18  }
0x3d6: {  	s16 =	simm.s32 $0x6300;
	v9 =	vshll.u32 v8, $0x1;
	v8 =	vshll.u32 v8, $0x4;
	v7 =	vld.idx.msk [tilespmem:v7+s12+$0x0], $0xffff  }
0x3d7: {  	v10 =	vld [tilespmem:s16+$0x0];
	v9 =	vor.u32 v3, v9;
	v8 =	vand.u32 $0x400, v8  }
0x3d8: {  	v8 =	vor.u32 v8, v5;
	v9 =	vand.u32 $0x7E, v9  }
0x3d9: {  	v8 =	vor.u32 v9, v8;
	v6 =	vmul.u32 $0xC, v6  }
0x3da: {  	v9 =	vor.u32 $0x1, v8  }
0x3db: {  	v6 =	vadd.s32 v7, v6  }
0x3dc: {  	s17 =	sadd.s32 $0xB300, s10;
	v6 =	vadd.s32 v10, v6  }
0x3dd: {  	[tilespmem:s17+$0x0] =	vst v6  }
0x3de: {  	s18 =	simm.s32 $0x44;
	v6 =	vld.idx.msk [tilespmem:v8+s12+$0x0], $0xffff  }
0x3df: {  	v8 =	vmov s18;
	s18 =	simm.s32 $0x46;
	v7 =	vld.idx.msk [tilespmem:v9+s12+$0x0], $0xffff  }
.LBB2_62:
0x3e0: {  	p2 =	sne.s32 s18, $0x5E;
	v9 =	vshll.u32 v8, $0x1;
	v8 =	vshll.u32 v8, $0x4;
	s16 =	sadd.s32 $0x10, s16  }
0x3e1: {  	v9 =	vor.u32 v3, v9;
	v8 =	vand.u32 $0x400, v8;
	v10 =	vld [tilespmem:s16+$0x0]  }
0x3e2: {  	v8 =	vor.u32 v8, v5;
	v9 =	vand.u32 $0x7E, v9  }
0x3e3: {  	v6 =	vmul.u32 $0xC, v6;
	v8 =	vor.u32 v9, v8;
	_ =	sdelay $0x1  }
0x3e4: {  	v9 =	vor.u32 $0x1, v8;
	v6 =	vadd.s32 v7, v6  }
.Ltmp36:
0x3e5: {  	s17 =	sadd.s32 $0x10, s17;
	v6 =	vadd.s32 v10, v6;
	(pc) =	sbr.rel @p2 .LBB2_62-.Ltmp36, $3  }
0x3e6: {  	[tilespmem:s17+$0x0] =	vst v6  }
0x3e7: {  	v6 =	vld.idx.msk [tilespmem:v8+s12+$0x0], $0xffff;
	_ =	sdelay $0x1  }
0x3e8: {  	v8 =	vmov s18;
	s18 =	sadd.s32 $0x2, s18;
	v7 =	vld.idx.msk [tilespmem:v9+s12+$0x0], $0xffff  }
0x3e9: {  	v9 =	vshll.u32 v8, $0x1;
	v62 =	vshll.u32 v8, $0x4;
	s16 =	sadd.s32 $0x10, s16  }
0x3ea: {  	v9 =	vor.u32 v3, v9;
	v8 =	vand.u32 $0x400, v62;
	v10 =	vld [tilespmem:s16+$0x0]  }
0x3eb: {  	v5 =	vor.u32 v8, v5;
	v63 =	vand.u32 $0x7E, v9  }
0x3ec: {  	v6 =	vmul.u32 $0xC, v6;
	v5 =	vor.u32 v63, v5;
	_ =	sdelay $0x1  }
0x3ed: {  	v8 =	vor.u32 $0x1, v5;
	v6 =	vadd.s32 v7, v6  }
0x3ee: {  	s17 =	sadd.s32 $0x10, s17;
	v6 =	vadd.s32 v10, v6  }
0x3ef: {  	[tilespmem:s17+$0x0] =	vst v6  }
0x3f0: {  	v5 =	vld.idx.msk [tilespmem:v5+s12+$0x0], $0xffff;
	_ =	sdelay $0x1  }
0x3f1: {  	s16 =	sadd.s32 $0x10, s16;
	v6 =	vld.idx.msk [tilespmem:v8+s12+$0x0], $0xffff  }
0x3f2: {  	v7 =	vld [tilespmem:s16+$0x0];
	_ =	sdelay $0x1  }
0x3f3: {  	v5 =	vmul.u32 $0xC, v5;
	_ =	sdelay $0x1  }
0x3f4: {  	v5 =	vadd.s32 v6, v5  }
0x3f5: {  	s18 =	sadd.s32 $0x10, s17;
	v5 =	vadd.s32 v7, v5  }
0x3f6: {  	[tilespmem:s18+$0x0] =	vst v5  }
.LBB2_64:
0x3f7: {  	_ =	swait.ge [sflag:s25], $0x4000  }
0x3f8: {  	[sflag:s25] =	ssyncset.done $0x0  }
0x3f9: {  	[sflag:s25] =	ssyncadd.s32 $0xFFFFC000  }
0x3fa: {  	_ =	swait.ge [sflag:s25], $0x4000  }
0x3fb: {  	[sflag:s25] =	ssyncset.done $0x0;
	s16 =	rddreg [dreg:$0xb]  }
0x3fc: {  	s16 =	sadd.s32 s15, s16;
	[sflag:s25] =	ssyncadd.s32 $0xFFFFC000  }
0x3fd: {  	[hbm4b:s16+s3] =	stream.linear.scatter [tilespmem:s31], [sflag:$0x4], $0x8000, $0x38;
	[tilespmem:$0x1D100] =	vst v63  }
0x3fe: {  	_ =	swait.ge [sflag:s8], $0x8000  }
.Ltmp37:
0x3ff: {  	[sflag:s8] =	ssyncset.done $0x0;
	(pc) =	sbr.rel @p1 .LBB2_68-.Ltmp37, $4  }
0x400: {  	s17 =	sadd.s32 $0x300, s14;
	[sflag:s8] =	ssyncadd.s32 $0xFFFF8000  }
0x401: {  	[tilespmem:s2], [sflag:$0x2] =	stream.indirect.gather [hbm4b:s6+s11], $0x80, s17, s11, $0xb8;
	[tilespmem:$0x1D100] =	vst v63  }
0x402: {  	s18 =	sadd.s32 $0x380, s14  }
0x403: {  	[tilespmem:s13], [sflag:$0x2] =	stream.indirect.gather [hbm4b:s6+s11], $0x80, s18, s11, $0xb8;
	[tilespmem:$0x1D100] =	vst v63  }
0x404: {  	s16 =	simm.s32 $0x60  }
0x405: {  	s17 =	sxor.u32 $0x1, s9;
	v5 =	vmov s16  }
0x406: {  	s17 =	sshll.u32 s17, $0xD;
	v6 =	vshll.u32 v5, $0x1;
	v7 =	vshll.u32 v5, $0x4  }
0x407: {  	v5 =	vor.u32 s17, v0;
	v6 =	vor.u32 v3, v6;
	v7 =	vand.u32 $0x400, v7  }
0x408: {  	v7 =	vor.u32 v7, v5;
	v6 =	vand.u32 $0x7E, v6  }
0x409: {  	v6 =	vor.u32 v6, v7;
	_ =	sdelay $0x1  }
0x40a: {  	v7 =	vor.u32 $0x1, v6;
	_ =	sdelay $0x2  }
0x40b: {  	s18 =	simm.s32 $0x62;
	v6 =	vld.idx.msk [tilespmem:v6+s12+$0x0], $0xffff  }
0x40c: {  	v8 =	vmov s18  }
0x40d: {  	s16 =	simm.s32 $0x6400;
	v9 =	vshll.u32 v8, $0x1;
	v8 =	vshll.u32 v8, $0x4;
	v7 =	vld.idx.msk [tilespmem:v7+s12+$0x0], $0xffff  }
0x40e: {  	v10 =	vld [tilespmem:s16+$0x0];
	v9 =	vor.u32 v3, v9;
	v8 =	vand.u32 $0x400, v8  }
0x40f: {  	v8 =	vor.u32 v8, v5;
	v9 =	vand.u32 $0x7E, v9  }
0x410: {  	v8 =	vor.u32 v9, v8;
	v6 =	vmul.u32 $0xC, v6  }
0x411: {  	v9 =	vor.u32 $0x1, v8  }
0x412: {  	v6 =	vadd.s32 v7, v6  }
0x413: {  	s17 =	sadd.s32 $0xB400, s10;
	v6 =	vadd.s32 v10, v6  }
0x414: {  	[tilespmem:s17+$0x0] =	vst v6  }
0x415: {  	s18 =	simm.s32 $0x64;
	v6 =	vld.idx.msk [tilespmem:v8+s12+$0x0], $0xffff  }
0x416: {  	v8 =	vmov s18;
	s18 =	simm.s32 $0x66;
	v7 =	vld.idx.msk [tilespmem:v9+s12+$0x0], $0xffff  }
.LBB2_66:
0x417: {  	p2 =	sne.s32 s18, $0x7E;
	v9 =	vshll.u32 v8, $0x1;
	v8 =	vshll.u32 v8, $0x4;
	s16 =	sadd.s32 $0x10, s16  }
0x418: {  	v9 =	vor.u32 v3, v9;
	v8 =	vand.u32 $0x400, v8;
	v10 =	vld [tilespmem:s16+$0x0]  }
0x419: {  	v8 =	vor.u32 v8, v5;
	v9 =	vand.u32 $0x7E, v9  }
0x41a: {  	v6 =	vmul.u32 $0xC, v6;
	v8 =	vor.u32 v9, v8;
	_ =	sdelay $0x1  }
0x41b: {  	v9 =	vor.u32 $0x1, v8;
	v6 =	vadd.s32 v7, v6  }
.Ltmp38:
0x41c: {  	s17 =	sadd.s32 $0x10, s17;
	v6 =	vadd.s32 v10, v6;
	(pc) =	sbr.rel @p2 .LBB2_66-.Ltmp38, $3  }
0x41d: {  	[tilespmem:s17+$0x0] =	vst v6  }
0x41e: {  	v6 =	vld.idx.msk [tilespmem:v8+s12+$0x0], $0xffff;
	_ =	sdelay $0x1  }
0x41f: {  	v8 =	vmov s18;
	s18 =	sadd.s32 $0x2, s18;
	v7 =	vld.idx.msk [tilespmem:v9+s12+$0x0], $0xffff  }
0x420: {  	v9 =	vshll.u32 v8, $0x1;
	v62 =	vshll.u32 v8, $0x4;
	s16 =	sadd.s32 $0x10, s16  }
0x421: {  	v9 =	vor.u32 v3, v9;
	v8 =	vand.u32 $0x400, v62;
	v10 =	vld [tilespmem:s16+$0x0]  }
0x422: {  	v5 =	vor.u32 v8, v5;
	v63 =	vand.u32 $0x7E, v9  }
0x423: {  	v6 =	vmul.u32 $0xC, v6;
	v5 =	vor.u32 v63, v5;
	_ =	sdelay $0x1  }
0x424: {  	v8 =	vor.u32 $0x1, v5;
	v6 =	vadd.s32 v7, v6  }
0x425: {  	s17 =	sadd.s32 $0x10, s17;
	v6 =	vadd.s32 v10, v6  }
0x426: {  	[tilespmem:s17+$0x0] =	vst v6  }
0x427: {  	v5 =	vld.idx.msk [tilespmem:v5+s12+$0x0], $0xffff;
	_ =	sdelay $0x1  }
0x428: {  	s16 =	sadd.s32 $0x10, s16;
	v6 =	vld.idx.msk [tilespmem:v8+s12+$0x0], $0xffff  }
0x429: {  	v7 =	vld [tilespmem:s16+$0x0];
	_ =	sdelay $0x1  }
0x42a: {  	v5 =	vmul.u32 $0xC, v5;
	_ =	sdelay $0x1  }
0x42b: {  	v5 =	vadd.s32 v6, v5  }
0x42c: {  	s18 =	sadd.s32 $0x10, s17;
	v5 =	vadd.s32 v7, v5  }
0x42d: {  	[tilespmem:s18+$0x0] =	vst v5  }
.LBB2_68:
0x42e: {  	_ =	swait.ge [sflag:s5], $0x4000  }
0x42f: {  	[sflag:s5] =	ssyncset.done $0x0  }
0x430: {  	[sflag:s5] =	ssyncadd.s32 $0xFFFFC000  }
0x431: {  	_ =	swait.ge [sflag:s5], $0x4000  }
0x432: {  	[sflag:s5] =	ssyncset.done $0x0;
	s16 =	rddreg [dreg:$0xc]  }
0x433: {  	s16 =	sadd.s32 s15, s16;
	[sflag:s5] =	ssyncadd.s32 $0xFFFFC000  }
0x434: {  	[hbm4b:s16+s3] =	stream.linear.scatter [tilespmem:s2], [sflag:$0x5], $0x8000, $0x38;
	[tilespmem:$0x1D100] =	vst v63  }
0x435: {  	_ =	swait.ge [sflag:s4], $0x8000  }
.Ltmp39:
0x436: {  	[sflag:s4] =	ssyncset.done $0x0;
	(pc) =	sbr.rel @p1 .LBB2_72-.Ltmp39, $4  }
0x437: {  	s17 =	sadd.s32 $0x400, s14;
	[sflag:s4] =	ssyncadd.s32 $0xFFFF8000  }
0x438: {  	[tilespmem:s31], [sflag:$0x1] =	stream.indirect.gather [hbm4b:s6+s11], $0x80, s17, s11, $0xb8;
	[tilespmem:$0x1D100] =	vst v63  }
0x439: {  	s18 =	sadd.s32 $0x480, s14  }
0x43a: {  	[tilespmem:s1], [sflag:$0x1] =	stream.indirect.gather [hbm4b:s6+s11], $0x80, s18, s11, $0xb8;
	[tilespmem:$0x1D100] =	vst v63  }
0x43b: {  	s16 =	simm.s32 $0x80  }
0x43c: {  	s17 =	sxor.u32 $0x1, s9;
	v5 =	vmov s16  }
0x43d: {  	s17 =	sshll.u32 s17, $0xD;
	v6 =	vshll.u32 v5, $0x1;
	v7 =	vshll.u32 v5, $0x4  }
0x43e: {  	v5 =	vor.u32 s17, v0;
	v6 =	vor.u32 v3, v6;
	v7 =	vand.u32 $0xC00, v7  }
0x43f: {  	v7 =	vor.u32 v7, v5;
	v6 =	vand.u32 $0x7E, v6  }
0x440: {  	v6 =	vor.u32 v6, v7;
	_ =	sdelay $0x1  }
0x441: {  	v7 =	vor.u32 $0x1, v6;
	_ =	sdelay $0x2  }
0x442: {  	s18 =	simm.s32 $0x82;
	v6 =	vld.idx.msk [tilespmem:v6+s12+$0x0], $0xffff  }
0x443: {  	v8 =	vmov s18  }
0x444: {  	s16 =	simm.s32 $0x6500;
	v9 =	vshll.u32 v8, $0x1;
	v8 =	vshll.u32 v8, $0x4;
	v7 =	vld.idx.msk [tilespmem:v7+s12+$0x0], $0xffff  }
0x445: {  	v10 =	vld [tilespmem:s16+$0x0];
	v9 =	vor.u32 v3, v9;
	v8 =	vand.u32 $0xC00, v8  }
0x446: {  	v8 =	vor.u32 v8, v5;
	v9 =	vand.u32 $0x7E, v9  }
0x447: {  	v8 =	vor.u32 v9, v8;
	v6 =	vmul.u32 $0xC, v6  }
0x448: {  	v9 =	vor.u32 $0x1, v8  }
0x449: {  	v6 =	vadd.s32 v7, v6  }
0x44a: {  	s17 =	sadd.s32 $0xB500, s10;
	v6 =	vadd.s32 v10, v6  }
0x44b: {  	[tilespmem:s17+$0x0] =	vst v6  }
0x44c: {  	s18 =	simm.s32 $0x84;
	v6 =	vld.idx.msk [tilespmem:v8+s12+$0x0], $0xffff  }
0x44d: {  	v8 =	vmov s18;
	s18 =	simm.s32 $0x86;
	v7 =	vld.idx.msk [tilespmem:v9+s12+$0x0], $0xffff  }
.LBB2_70:
0x44e: {  	p2 =	sne.s32 s18, $0x9E;
	v9 =	vshll.u32 v8, $0x1;
	v8 =	vshll.u32 v8, $0x4;
	s16 =	sadd.s32 $0x10, s16  }
0x44f: {  	v9 =	vor.u32 v3, v9;
	v8 =	vand.u32 $0xC00, v8;
	v10 =	vld [tilespmem:s16+$0x0]  }
0x450: {  	v8 =	vor.u32 v8, v5;
	v9 =	vand.u32 $0x7E, v9  }
0x451: {  	v6 =	vmul.u32 $0xC, v6;
	v8 =	vor.u32 v9, v8;
	_ =	sdelay $0x1  }
0x452: {  	v9 =	vor.u32 $0x1, v8;
	v6 =	vadd.s32 v7, v6  }
.Ltmp40:
0x453: {  	s17 =	sadd.s32 $0x10, s17;
	v6 =	vadd.s32 v10, v6;
	(pc) =	sbr.rel @p2 .LBB2_70-.Ltmp40, $3  }
0x454: {  	[tilespmem:s17+$0x0] =	vst v6  }
0x455: {  	v6 =	vld.idx.msk [tilespmem:v8+s12+$0x0], $0xffff;
	_ =	sdelay $0x1  }
0x456: {  	v8 =	vmov s18;
	s18 =	sadd.s32 $0x2, s18;
	v7 =	vld.idx.msk [tilespmem:v9+s12+$0x0], $0xffff  }
0x457: {  	v9 =	vshll.u32 v8, $0x1;
	v62 =	vshll.u32 v8, $0x4;
	s16 =	sadd.s32 $0x10, s16  }
0x458: {  	v9 =	vor.u32 v3, v9;
	v8 =	vand.u32 $0xC00, v62;
	v10 =	vld [tilespmem:s16+$0x0]  }
0x459: {  	v5 =	vor.u32 v8, v5;
	v63 =	vand.u32 $0x7E, v9  }
0x45a: {  	v6 =	vmul.u32 $0xC, v6;
	v5 =	vor.u32 v63, v5;
	_ =	sdelay $0x1  }
0x45b: {  	v8 =	vor.u32 $0x1, v5;
	v6 =	vadd.s32 v7, v6  }
0x45c: {  	s17 =	sadd.s32 $0x10, s17;
	v6 =	vadd.s32 v10, v6  }
0x45d: {  	[tilespmem:s17+$0x0] =	vst v6  }
0x45e: {  	v5 =	vld.idx.msk [tilespmem:v5+s12+$0x0], $0xffff;
	_ =	sdelay $0x1  }
0x45f: {  	s16 =	sadd.s32 $0x10, s16;
	v6 =	vld.idx.msk [tilespmem:v8+s12+$0x0], $0xffff  }
0x460: {  	v7 =	vld [tilespmem:s16+$0x0];
	_ =	sdelay $0x1  }
0x461: {  	v5 =	vmul.u32 $0xC, v5;
	_ =	sdelay $0x1  }
0x462: {  	v5 =	vadd.s32 v6, v5  }
0x463: {  	s18 =	sadd.s32 $0x10, s17;
	v5 =	vadd.s32 v7, v5  }
0x464: {  	[tilespmem:s18+$0x0] =	vst v5  }
.LBB2_72:
0x465: {  	_ =	swait.ge [sflag:s25], $0x4000  }
0x466: {  	[sflag:s25] =	ssyncset.done $0x0  }
0x467: {  	[sflag:s25] =	ssyncadd.s32 $0xFFFFC000  }
0x468: {  	_ =	swait.ge [sflag:s25], $0x4000  }
0x469: {  	[sflag:s25] =	ssyncset.done $0x0;
	s16 =	rddreg [dreg:$0xd]  }
0x46a: {  	s16 =	sadd.s32 s15, s16;
	[sflag:s25] =	ssyncadd.s32 $0xFFFFC000  }
0x46b: {  	[hbm4b:s16+s3] =	stream.linear.scatter [tilespmem:s31], [sflag:$0x4], $0x8000, $0x38;
	[tilespmem:$0x1D100] =	vst v63  }
0x46c: {  	_ =	swait.ge [sflag:s8], $0x8000  }
.Ltmp41:
0x46d: {  	[sflag:s8] =	ssyncset.done $0x0;
	(pc) =	sbr.rel @p1 .LBB2_76-.Ltmp41, $4  }
0x46e: {  	s17 =	sadd.s32 $0x500, s14;
	[sflag:s8] =	ssyncadd.s32 $0xFFFF8000  }
0x46f: {  	[tilespmem:s2], [sflag:$0x2] =	stream.indirect.gather [hbm4b:s6+s11], $0x80, s17, s11, $0xb8;
	[tilespmem:$0x1D100] =	vst v63  }
0x470: {  	s18 =	sadd.s32 $0x580, s14  }
0x471: {  	[tilespmem:s13], [sflag:$0x2] =	stream.indirect.gather [hbm4b:s6+s11], $0x80, s18, s11, $0xb8;
	[tilespmem:$0x1D100] =	vst v63  }
0x472: {  	s16 =	simm.s32 $0xA0  }
0x473: {  	s17 =	sxor.u32 $0x1, s9;
	v5 =	vmov s16  }
0x474: {  	s17 =	sshll.u32 s17, $0xD;
	v6 =	vshll.u32 v5, $0x1;
	v7 =	vshll.u32 v5, $0x4  }
0x475: {  	v5 =	vor.u32 s17, v0;
	v6 =	vor.u32 v3, v6;
	v7 =	vand.u32 $0xC00, v7  }
0x476: {  	v7 =	vor.u32 v7, v5;
	v6 =	vand.u32 $0x7E, v6  }
0x477: {  	v6 =	vor.u32 v6, v7;
	_ =	sdelay $0x1  }
0x478: {  	v7 =	vor.u32 $0x1, v6;
	_ =	sdelay $0x2  }
0x479: {  	s18 =	simm.s32 $0xA2;
	v6 =	vld.idx.msk [tilespmem:v6+s12+$0x0], $0xffff  }
0x47a: {  	v8 =	vmov s18  }
0x47b: {  	s16 =	simm.s32 $0x6600;
	v9 =	vshll.u32 v8, $0x1;
	v8 =	vshll.u32 v8, $0x4;
	v7 =	vld.idx.msk [tilespmem:v7+s12+$0x0], $0xffff  }
0x47c: {  	v10 =	vld [tilespmem:s16+$0x0];
	v9 =	vor.u32 v3, v9;
	v8 =	vand.u32 $0xC00, v8  }
0x47d: {  	v8 =	vor.u32 v8, v5;
	v9 =	vand.u32 $0x7E, v9  }
0x47e: {  	v8 =	vor.u32 v9, v8;
	v6 =	vmul.u32 $0xC, v6  }
0x47f: {  	v9 =	vor.u32 $0x1, v8  }
0x480: {  	v6 =	vadd.s32 v7, v6  }
0x481: {  	s17 =	sadd.s32 $0xB600, s10;
	v6 =	vadd.s32 v10, v6  }
0x482: {  	[tilespmem:s17+$0x0] =	vst v6  }
0x483: {  	s18 =	simm.s32 $0xA4;
	v6 =	vld.idx.msk [tilespmem:v8+s12+$0x0], $0xffff  }
0x484: {  	v8 =	vmov s18;
	s18 =	simm.s32 $0xA6;
	v7 =	vld.idx.msk [tilespmem:v9+s12+$0x0], $0xffff  }
.LBB2_74:
0x485: {  	p2 =	sne.s32 s18, $0xBE;
	v9 =	vshll.u32 v8, $0x1;
	v8 =	vshll.u32 v8, $0x4;
	s16 =	sadd.s32 $0x10, s16  }
0x486: {  	v9 =	vor.u32 v3, v9;
	v8 =	vand.u32 $0xC00, v8;
	v10 =	vld [tilespmem:s16+$0x0]  }
0x487: {  	v8 =	vor.u32 v8, v5;
	v9 =	vand.u32 $0x7E, v9  }
0x488: {  	v6 =	vmul.u32 $0xC, v6;
	v8 =	vor.u32 v9, v8;
	_ =	sdelay $0x1  }
0x489: {  	v9 =	vor.u32 $0x1, v8;
	v6 =	vadd.s32 v7, v6  }
.Ltmp42:
0x48a: {  	s17 =	sadd.s32 $0x10, s17;
	v6 =	vadd.s32 v10, v6;
	(pc) =	sbr.rel @p2 .LBB2_74-.Ltmp42, $3  }
0x48b: {  	[tilespmem:s17+$0x0] =	vst v6  }
0x48c: {  	v6 =	vld.idx.msk [tilespmem:v8+s12+$0x0], $0xffff;
	_ =	sdelay $0x1  }
0x48d: {  	v8 =	vmov s18;
	s18 =	sadd.s32 $0x2, s18;
	v7 =	vld.idx.msk [tilespmem:v9+s12+$0x0], $0xffff  }
0x48e: {  	v9 =	vshll.u32 v8, $0x1;
	v62 =	vshll.u32 v8, $0x4;
	s16 =	sadd.s32 $0x10, s16  }
0x48f: {  	v9 =	vor.u32 v3, v9;
	v8 =	vand.u32 $0xC00, v62;
	v10 =	vld [tilespmem:s16+$0x0]  }
0x490: {  	v5 =	vor.u32 v8, v5;
	v63 =	vand.u32 $0x7E, v9  }
0x491: {  	v6 =	vmul.u32 $0xC, v6;
	v5 =	vor.u32 v63, v5;
	_ =	sdelay $0x1  }
0x492: {  	v8 =	vor.u32 $0x1, v5;
	v6 =	vadd.s32 v7, v6  }
0x493: {  	s17 =	sadd.s32 $0x10, s17;
	v6 =	vadd.s32 v10, v6  }
0x494: {  	[tilespmem:s17+$0x0] =	vst v6  }
0x495: {  	v5 =	vld.idx.msk [tilespmem:v5+s12+$0x0], $0xffff;
	_ =	sdelay $0x1  }
0x496: {  	s16 =	sadd.s32 $0x10, s16;
	v6 =	vld.idx.msk [tilespmem:v8+s12+$0x0], $0xffff  }
0x497: {  	v7 =	vld [tilespmem:s16+$0x0];
	_ =	sdelay $0x1  }
0x498: {  	v5 =	vmul.u32 $0xC, v5;
	_ =	sdelay $0x1  }
0x499: {  	v5 =	vadd.s32 v6, v5  }
0x49a: {  	s18 =	sadd.s32 $0x10, s17;
	v5 =	vadd.s32 v7, v5  }
0x49b: {  	[tilespmem:s18+$0x0] =	vst v5  }
.LBB2_76:
0x49c: {  	_ =	swait.ge [sflag:s5], $0x4000  }
0x49d: {  	[sflag:s5] =	ssyncset.done $0x0  }
0x49e: {  	[sflag:s5] =	ssyncadd.s32 $0xFFFFC000  }
0x49f: {  	_ =	swait.ge [sflag:s5], $0x4000  }
0x4a0: {  	[sflag:s5] =	ssyncset.done $0x0;
	s16 =	rddreg [dreg:$0xe]  }
0x4a1: {  	s16 =	sadd.s32 s15, s16;
	[sflag:s5] =	ssyncadd.s32 $0xFFFFC000  }
0x4a2: {  	[hbm4b:s16+s3] =	stream.linear.scatter [tilespmem:s2], [sflag:$0x5], $0x8000, $0x38;
	[tilespmem:$0x1D100] =	vst v63  }
0x4a3: {  	_ =	swait.ge [sflag:s4], $0x8000  }
.Ltmp43:
0x4a4: {  	[sflag:s4] =	ssyncset.done $0x0;
	(pc) =	sbr.rel @p1 .LBB2_80-.Ltmp43, $4  }
0x4a5: {  	s17 =	sadd.s32 $0x600, s14;
	[sflag:s4] =	ssyncadd.s32 $0xFFFF8000  }
0x4a6: {  	[tilespmem:s31], [sflag:$0x1] =	stream.indirect.gather [hbm4b:s6+s11], $0x80, s17, s11, $0xb8;
	[tilespmem:$0x1D100] =	vst v63  }
0x4a7: {  	s18 =	sadd.s32 $0x680, s14  }
0x4a8: {  	[tilespmem:s1], [sflag:$0x1] =	stream.indirect.gather [hbm4b:s6+s11], $0x80, s18, s11, $0xb8;
	[tilespmem:$0x1D100] =	vst v63  }
0x4a9: {  	s16 =	simm.s32 $0xC0  }
0x4aa: {  	s17 =	sxor.u32 $0x1, s9;
	v5 =	vmov s16  }
0x4ab: {  	s17 =	sshll.u32 s17, $0xD;
	v6 =	vshll.u32 v5, $0x1;
	v7 =	vshll.u32 v5, $0x4  }
0x4ac: {  	v5 =	vor.u32 s17, v0;
	v6 =	vor.u32 v3, v6;
	v7 =	vand.u32 $0xC00, v7  }
0x4ad: {  	v7 =	vor.u32 v7, v5;
	v6 =	vand.u32 $0x7E, v6  }
0x4ae: {  	v6 =	vor.u32 v6, v7;
	_ =	sdelay $0x1  }
0x4af: {  	v7 =	vor.u32 $0x1, v6;
	_ =	sdelay $0x2  }
0x4b0: {  	s18 =	simm.s32 $0xC2;
	v6 =	vld.idx.msk [tilespmem:v6+s12+$0x0], $0xffff  }
0x4b1: {  	v8 =	vmov s18  }
0x4b2: {  	s16 =	simm.s32 $0x6700;
	v9 =	vshll.u32 v8, $0x1;
	v8 =	vshll.u32 v8, $0x4;
	v7 =	vld.idx.msk [tilespmem:v7+s12+$0x0], $0xffff  }
0x4b3: {  	v10 =	vld [tilespmem:s16+$0x0];
	v9 =	vor.u32 v3, v9;
	v8 =	vand.u32 $0xC00, v8  }
0x4b4: {  	v8 =	vor.u32 v8, v5;
	v9 =	vand.u32 $0x7E, v9  }
0x4b5: {  	v8 =	vor.u32 v9, v8;
	v6 =	vmul.u32 $0xC, v6  }
0x4b6: {  	v9 =	vor.u32 $0x1, v8  }
0x4b7: {  	v6 =	vadd.s32 v7, v6  }
0x4b8: {  	s17 =	sadd.s32 $0xB700, s10;
	v6 =	vadd.s32 v10, v6  }
0x4b9: {  	[tilespmem:s17+$0x0] =	vst v6  }
0x4ba: {  	s18 =	simm.s32 $0xC4;
	v6 =	vld.idx.msk [tilespmem:v8+s12+$0x0], $0xffff  }
0x4bb: {  	v8 =	vmov s18;
	s18 =	simm.s32 $0xC6;
	v7 =	vld.idx.msk [tilespmem:v9+s12+$0x0], $0xffff  }
.LBB2_78:
0x4bc: {  	p2 =	sne.s32 s18, $0xDE;
	v9 =	vshll.u32 v8, $0x1;
	v8 =	vshll.u32 v8, $0x4;
	s16 =	sadd.s32 $0x10, s16  }
0x4bd: {  	v9 =	vor.u32 v3, v9;
	v8 =	vand.u32 $0xC00, v8;
	v10 =	vld [tilespmem:s16+$0x0]  }
0x4be: {  	v8 =	vor.u32 v8, v5;
	v9 =	vand.u32 $0x7E, v9  }
0x4bf: {  	v6 =	vmul.u32 $0xC, v6;
	v8 =	vor.u32 v9, v8;
	_ =	sdelay $0x1  }
0x4c0: {  	v9 =	vor.u32 $0x1, v8;
	v6 =	vadd.s32 v7, v6  }
.Ltmp44:
0x4c1: {  	s17 =	sadd.s32 $0x10, s17;
	v6 =	vadd.s32 v10, v6;
	(pc) =	sbr.rel @p2 .LBB2_78-.Ltmp44, $3  }
0x4c2: {  	[tilespmem:s17+$0x0] =	vst v6  }
0x4c3: {  	v6 =	vld.idx.msk [tilespmem:v8+s12+$0x0], $0xffff;
	_ =	sdelay $0x1  }
0x4c4: {  	v8 =	vmov s18;
	s18 =	sadd.s32 $0x2, s18;
	v7 =	vld.idx.msk [tilespmem:v9+s12+$0x0], $0xffff  }
0x4c5: {  	v9 =	vshll.u32 v8, $0x1;
	v62 =	vshll.u32 v8, $0x4;
	s16 =	sadd.s32 $0x10, s16  }
0x4c6: {  	v9 =	vor.u32 v3, v9;
	v8 =	vand.u32 $0xC00, v62;
	v10 =	vld [tilespmem:s16+$0x0]  }
0x4c7: {  	v5 =	vor.u32 v8, v5;
	v63 =	vand.u32 $0x7E, v9  }
0x4c8: {  	v6 =	vmul.u32 $0xC, v6;
	v5 =	vor.u32 v63, v5;
	_ =	sdelay $0x1  }
0x4c9: {  	v8 =	vor.u32 $0x1, v5;
	v6 =	vadd.s32 v7, v6  }
0x4ca: {  	s17 =	sadd.s32 $0x10, s17;
	v6 =	vadd.s32 v10, v6  }
0x4cb: {  	[tilespmem:s17+$0x0] =	vst v6  }
0x4cc: {  	v5 =	vld.idx.msk [tilespmem:v5+s12+$0x0], $0xffff;
	_ =	sdelay $0x1  }
0x4cd: {  	s16 =	sadd.s32 $0x10, s16;
	v6 =	vld.idx.msk [tilespmem:v8+s12+$0x0], $0xffff  }
0x4ce: {  	v7 =	vld [tilespmem:s16+$0x0];
	_ =	sdelay $0x1  }
0x4cf: {  	v5 =	vmul.u32 $0xC, v5;
	_ =	sdelay $0x1  }
0x4d0: {  	v5 =	vadd.s32 v6, v5  }
0x4d1: {  	s18 =	sadd.s32 $0x10, s17;
	v5 =	vadd.s32 v7, v5  }
0x4d2: {  	[tilespmem:s18+$0x0] =	vst v5  }
.LBB2_80:
0x4d3: {  	_ =	swait.ge [sflag:s25], $0x4000  }
0x4d4: {  	[sflag:s25] =	ssyncset.done $0x0  }
0x4d5: {  	[sflag:s25] =	ssyncadd.s32 $0xFFFFC000  }
0x4d6: {  	_ =	swait.ge [sflag:s25], $0x4000  }
0x4d7: {  	[sflag:s25] =	ssyncset.done $0x0;
	s16 =	rddreg [dreg:$0xf]  }
0x4d8: {  	s16 =	sadd.s32 s15, s16;
	[sflag:s25] =	ssyncadd.s32 $0xFFFFC000  }
0x4d9: {  	[hbm4b:s16+s3] =	stream.linear.scatter [tilespmem:s31], [sflag:$0x4], $0x8000, $0x38;
	[tilespmem:$0x1D100] =	vst v63  }
0x4da: {  	_ =	swait.ge [sflag:s8], $0x8000  }
.Ltmp45:
0x4db: {  	[sflag:s8] =	ssyncset.done $0x0;
	(pc) =	sbr.rel @p1 .LBB2_84-.Ltmp45, $4  }
0x4dc: {  	s17 =	sadd.s32 $0x700, s14;
	[sflag:s8] =	ssyncadd.s32 $0xFFFF8000  }
0x4dd: {  	[tilespmem:s2], [sflag:$0x2] =	stream.indirect.gather [hbm4b:s6+s11], $0x80, s17, s11, $0xb8;
	[tilespmem:$0x1D100] =	vst v63  }
0x4de: {  	s18 =	sadd.s32 $0x780, s14  }
0x4df: {  	[tilespmem:s13], [sflag:$0x2] =	stream.indirect.gather [hbm4b:s6+s11], $0x80, s18, s11, $0xb8;
	[tilespmem:$0x1D100] =	vst v63  }
0x4e0: {  	s16 =	simm.s32 $0xE0  }
0x4e1: {  	s17 =	sxor.u32 $0x1, s9;
	v5 =	vmov s16  }
0x4e2: {  	s17 =	sshll.u32 s17, $0xD;
	v6 =	vshll.u32 v5, $0x1;
	v7 =	vshll.u32 v5, $0x4  }
0x4e3: {  	v5 =	vor.u32 s17, v0;
	v6 =	vor.u32 v3, v6;
	v7 =	vand.u32 $0xC00, v7  }
0x4e4: {  	v7 =	vor.u32 v7, v5;
	v6 =	vand.u32 $0x7E, v6  }
0x4e5: {  	v6 =	vor.u32 v6, v7;
	_ =	sdelay $0x1  }
0x4e6: {  	v7 =	vor.u32 $0x1, v6;
	_ =	sdelay $0x2  }
0x4e7: {  	s18 =	simm.s32 $0xE2;
	v6 =	vld.idx.msk [tilespmem:v6+s12+$0x0], $0xffff  }
0x4e8: {  	v8 =	vmov s18  }
0x4e9: {  	s16 =	simm.s32 $0x6800;
	v9 =	vshll.u32 v8, $0x1;
	v8 =	vshll.u32 v8, $0x4;
	v7 =	vld.idx.msk [tilespmem:v7+s12+$0x0], $0xffff  }
0x4ea: {  	v10 =	vld [tilespmem:s16+$0x0];
	v9 =	vor.u32 v3, v9;
	v8 =	vand.u32 $0xC00, v8  }
0x4eb: {  	v8 =	vor.u32 v8, v5;
	v9 =	vand.u32 $0x7E, v9  }
0x4ec: {  	v8 =	vor.u32 v9, v8;
	v6 =	vmul.u32 $0xC, v6  }
0x4ed: {  	v9 =	vor.u32 $0x1, v8  }
0x4ee: {  	v6 =	vadd.s32 v7, v6  }
0x4ef: {  	s17 =	sadd.s32 $0xB800, s10;
	v6 =	vadd.s32 v10, v6  }
0x4f0: {  	[tilespmem:s17+$0x0] =	vst v6  }
0x4f1: {  	s18 =	simm.s32 $0xE4;
	v6 =	vld.idx.msk [tilespmem:v8+s12+$0x0], $0xffff  }
0x4f2: {  	v8 =	vmov s18;
	s18 =	simm.s32 $0xE6;
	v7 =	vld.idx.msk [tilespmem:v9+s12+$0x0], $0xffff  }
.LBB2_82:
0x4f3: {  	p2 =	sne.s32 s18, $0xFE;
	v9 =	vshll.u32 v8, $0x1;
	v8 =	vshll.u32 v8, $0x4;
	s16 =	sadd.s32 $0x10, s16  }
0x4f4: {  	v9 =	vor.u32 v3, v9;
	v8 =	vand.u32 $0xC00, v8;
	v10 =	vld [tilespmem:s16+$0x0]  }
0x4f5: {  	v8 =	vor.u32 v8, v5;
	v9 =	vand.u32 $0x7E, v9  }
0x4f6: {  	v6 =	vmul.u32 $0xC, v6;
	v8 =	vor.u32 v9, v8;
	_ =	sdelay $0x1  }
0x4f7: {  	v9 =	vor.u32 $0x1, v8;
	v6 =	vadd.s32 v7, v6  }
.Ltmp46:
0x4f8: {  	s17 =	sadd.s32 $0x10, s17;
	v6 =	vadd.s32 v10, v6;
	(pc) =	sbr.rel @p2 .LBB2_82-.Ltmp46, $3  }
0x4f9: {  	[tilespmem:s17+$0x0] =	vst v6  }
0x4fa: {  	v6 =	vld.idx.msk [tilespmem:v8+s12+$0x0], $0xffff;
	_ =	sdelay $0x1  }
0x4fb: {  	v8 =	vmov s18;
	s18 =	sadd.s32 $0x2, s18;
	v7 =	vld.idx.msk [tilespmem:v9+s12+$0x0], $0xffff  }
0x4fc: {  	v9 =	vshll.u32 v8, $0x1;
	v62 =	vshll.u32 v8, $0x4;
	s16 =	sadd.s32 $0x10, s16  }
0x4fd: {  	v9 =	vor.u32 v3, v9;
	v8 =	vand.u32 $0xC00, v62;
	v10 =	vld [tilespmem:s16+$0x0]  }
0x4fe: {  	v5 =	vor.u32 v8, v5;
	v63 =	vand.u32 $0x7E, v9  }
0x4ff: {  	v6 =	vmul.u32 $0xC, v6;
	v5 =	vor.u32 v63, v5;
	_ =	sdelay $0x1  }
0x500: {  	v8 =	vor.u32 $0x1, v5;
	v6 =	vadd.s32 v7, v6  }
0x501: {  	s17 =	sadd.s32 $0x10, s17;
	v6 =	vadd.s32 v10, v6  }
0x502: {  	[tilespmem:s17+$0x0] =	vst v6  }
0x503: {  	v5 =	vld.idx.msk [tilespmem:v5+s12+$0x0], $0xffff;
	_ =	sdelay $0x1  }
0x504: {  	s16 =	sadd.s32 $0x10, s16;
	v6 =	vld.idx.msk [tilespmem:v8+s12+$0x0], $0xffff  }
0x505: {  	v7 =	vld [tilespmem:s16+$0x0];
	_ =	sdelay $0x1  }
0x506: {  	v5 =	vmul.u32 $0xC, v5;
	_ =	sdelay $0x1  }
0x507: {  	v5 =	vadd.s32 v6, v5  }
0x508: {  	s18 =	sadd.s32 $0x10, s17;
	v5 =	vadd.s32 v7, v5  }
0x509: {  	[tilespmem:s18+$0x0] =	vst v5  }
.LBB2_84:
0x50a: {  	_ =	swait.ge [sflag:s5], $0x4000  }
0x50b: {  	[sflag:s5] =	ssyncset.done $0x0  }
0x50c: {  	[sflag:s5] =	ssyncadd.s32 $0xFFFFC000  }
0x50d: {  	_ =	swait.ge [sflag:s5], $0x4000  }
0x50e: {  	[sflag:s5] =	ssyncset.done $0x0;
	s16 =	rddreg [dreg:$0x10]  }
0x50f: {  	s16 =	sadd.s32 s15, s16;
	[sflag:s5] =	ssyncadd.s32 $0xFFFFC000  }
0x510: {  	[hbm4b:s16+s3] =	stream.linear.scatter [tilespmem:s2], [sflag:$0x5], $0x8000, $0x38;
	[tilespmem:$0x1D100] =	vst v63  }
0x511: {  	_ =	swait.ge [sflag:s4], $0x8000  }
.Ltmp47:
0x512: {  	[sflag:s4] =	ssyncset.done $0x0;
	(pc) =	sbr.rel @p1 .LBB2_88-.Ltmp47, $4  }
0x513: {  	s17 =	sadd.s32 $0x800, s14;
	[sflag:s4] =	ssyncadd.s32 $0xFFFF8000  }
0x514: {  	[tilespmem:s31], [sflag:$0x1] =	stream.indirect.gather [hbm4b:s6+s11], $0x80, s17, s11, $0xb8;
	[tilespmem:$0x1D100] =	vst v63  }
0x515: {  	s18 =	sadd.s32 $0x880, s14  }
0x516: {  	[tilespmem:s1], [sflag:$0x1] =	stream.indirect.gather [hbm4b:s6+s11], $0x80, s18, s11, $0xb8;
	[tilespmem:$0x1D100] =	vst v63  }
0x517: {  	s16 =	simm.s32 $0x100  }
0x518: {  	s17 =	sxor.u32 $0x1, s9;
	v5 =	vmov s16  }
0x519: {  	s17 =	sshll.u32 s17, $0xD;
	v6 =	vshll.u32 v5, $0x1;
	v7 =	vshll.u32 v5, $0x4  }
0x51a: {  	v5 =	vor.u32 s17, v0;
	v6 =	vor.u32 v3, v6;
	v7 =	vand.u32 $0x1C00, v7  }
0x51b: {  	v7 =	vor.u32 v7, v5;
	v6 =	vand.u32 $0x7E, v6  }
0x51c: {  	v6 =	vor.u32 v6, v7;
	_ =	sdelay $0x1  }
0x51d: {  	v7 =	vor.u32 $0x1, v6;
	_ =	sdelay $0x2  }
0x51e: {  	s18 =	simm.s32 $0x102;
	v6 =	vld.idx.msk [tilespmem:v6+s12+$0x0], $0xffff  }
0x51f: {  	v8 =	vmov s18  }
0x520: {  	s16 =	simm.s32 $0x6900;
	v9 =	vshll.u32 v8, $0x1;
	v8 =	vshll.u32 v8, $0x4;
	v7 =	vld.idx.msk [tilespmem:v7+s12+$0x0], $0xffff  }
0x521: {  	v10 =	vld [tilespmem:s16+$0x0];
	v9 =	vor.u32 v3, v9;
	v8 =	vand.u32 $0x1C00, v8  }
0x522: {  	v8 =	vor.u32 v8, v5;
	v9 =	vand.u32 $0x7E, v9  }
0x523: {  	v8 =	vor.u32 v9, v8;
	v6 =	vmul.u32 $0xC, v6  }
0x524: {  	v9 =	vor.u32 $0x1, v8  }
0x525: {  	v6 =	vadd.s32 v7, v6  }
0x526: {  	s17 =	sadd.s32 $0xB900, s10;
	v6 =	vadd.s32 v10, v6  }
0x527: {  	[tilespmem:s17+$0x0] =	vst v6  }
0x528: {  	s18 =	simm.s32 $0x104;
	v6 =	vld.idx.msk [tilespmem:v8+s12+$0x0], $0xffff  }
0x529: {  	v8 =	vmov s18;
	s18 =	simm.s32 $0x106;
	v7 =	vld.idx.msk [tilespmem:v9+s12+$0x0], $0xffff  }
.LBB2_86:
0x52a: {  	p2 =	sne.s32 s18, $0x11E;
	v9 =	vshll.u32 v8, $0x1;
	v8 =	vshll.u32 v8, $0x4;
	s16 =	sadd.s32 $0x10, s16  }
0x52b: {  	v9 =	vor.u32 v3, v9;
	v8 =	vand.u32 $0x1C00, v8;
	v10 =	vld [tilespmem:s16+$0x0]  }
0x52c: {  	v8 =	vor.u32 v8, v5;
	v9 =	vand.u32 $0x7E, v9  }
0x52d: {  	v6 =	vmul.u32 $0xC, v6;
	v8 =	vor.u32 v9, v8;
	_ =	sdelay $0x1  }
0x52e: {  	v9 =	vor.u32 $0x1, v8;
	v6 =	vadd.s32 v7, v6  }
.Ltmp48:
0x52f: {  	s17 =	sadd.s32 $0x10, s17;
	v6 =	vadd.s32 v10, v6;
	(pc) =	sbr.rel @p2 .LBB2_86-.Ltmp48, $3  }
0x530: {  	[tilespmem:s17+$0x0] =	vst v6  }
0x531: {  	v6 =	vld.idx.msk [tilespmem:v8+s12+$0x0], $0xffff;
	_ =	sdelay $0x1  }
0x532: {  	v8 =	vmov s18;
	s18 =	sadd.s32 $0x2, s18;
	v7 =	vld.idx.msk [tilespmem:v9+s12+$0x0], $0xffff  }
0x533: {  	v9 =	vshll.u32 v8, $0x1;
	v62 =	vshll.u32 v8, $0x4;
	s16 =	sadd.s32 $0x10, s16  }
0x534: {  	v9 =	vor.u32 v3, v9;
	v8 =	vand.u32 $0x1C00, v62;
	v10 =	vld [tilespmem:s16+$0x0]  }
0x535: {  	v5 =	vor.u32 v8, v5;
	v63 =	vand.u32 $0x7E, v9  }
0x536: {  	v6 =	vmul.u32 $0xC, v6;
	v5 =	vor.u32 v63, v5;
	_ =	sdelay $0x1  }
0x537: {  	v8 =	vor.u32 $0x1, v5;
	v6 =	vadd.s32 v7, v6  }
0x538: {  	s17 =	sadd.s32 $0x10, s17;
	v6 =	vadd.s32 v10, v6  }
0x539: {  	[tilespmem:s17+$0x0] =	vst v6  }
0x53a: {  	v5 =	vld.idx.msk [tilespmem:v5+s12+$0x0], $0xffff;
	_ =	sdelay $0x1  }
0x53b: {  	s16 =	sadd.s32 $0x10, s16;
	v6 =	vld.idx.msk [tilespmem:v8+s12+$0x0], $0xffff  }
0x53c: {  	v7 =	vld [tilespmem:s16+$0x0];
	_ =	sdelay $0x1  }
0x53d: {  	v5 =	vmul.u32 $0xC, v5;
	_ =	sdelay $0x1  }
0x53e: {  	v5 =	vadd.s32 v6, v5  }
0x53f: {  	s18 =	sadd.s32 $0x10, s17;
	v5 =	vadd.s32 v7, v5  }
0x540: {  	[tilespmem:s18+$0x0] =	vst v5  }
.LBB2_88:
0x541: {  	_ =	swait.ge [sflag:s25], $0x4000  }
0x542: {  	[sflag:s25] =	ssyncset.done $0x0  }
0x543: {  	[sflag:s25] =	ssyncadd.s32 $0xFFFFC000  }
0x544: {  	_ =	swait.ge [sflag:s25], $0x4000  }
0x545: {  	[sflag:s25] =	ssyncset.done $0x0;
	s16 =	rddreg [dreg:$0x11]  }
0x546: {  	s16 =	sadd.s32 s15, s16;
	[sflag:s25] =	ssyncadd.s32 $0xFFFFC000  }
0x547: {  	[hbm4b:s16+s3] =	stream.linear.scatter [tilespmem:s31], [sflag:$0x4], $0x8000, $0x38;
	[tilespmem:$0x1D100] =	vst v63  }
0x548: {  	_ =	swait.ge [sflag:s8], $0x8000  }
.Ltmp49:
0x549: {  	[sflag:s8] =	ssyncset.done $0x0;
	(pc) =	sbr.rel @p1 .LBB2_92-.Ltmp49, $4  }
0x54a: {  	s17 =	sadd.s32 $0x900, s14;
	[sflag:s8] =	ssyncadd.s32 $0xFFFF8000  }
0x54b: {  	[tilespmem:s2], [sflag:$0x2] =	stream.indirect.gather [hbm4b:s6+s11], $0x80, s17, s11, $0xb8;
	[tilespmem:$0x1D100] =	vst v63  }
0x54c: {  	s18 =	sadd.s32 $0x980, s14  }
0x54d: {  	[tilespmem:s13], [sflag:$0x2] =	stream.indirect.gather [hbm4b:s6+s11], $0x80, s18, s11, $0xb8;
	[tilespmem:$0x1D100] =	vst v63  }
0x54e: {  	s16 =	simm.s32 $0x120  }
0x54f: {  	s17 =	sxor.u32 $0x1, s9;
	v5 =	vmov s16  }
0x550: {  	s17 =	sshll.u32 s17, $0xD;
	v6 =	vshll.u32 v5, $0x1;
	v7 =	vshll.u32 v5, $0x4  }
0x551: {  	v5 =	vor.u32 s17, v0;
	v6 =	vor.u32 v3, v6;
	v7 =	vand.u32 $0x1C00, v7  }
0x552: {  	v7 =	vor.u32 v7, v5;
	v6 =	vand.u32 $0x7E, v6  }
0x553: {  	v6 =	vor.u32 v6, v7;
	_ =	sdelay $0x1  }
0x554: {  	v7 =	vor.u32 $0x1, v6;
	_ =	sdelay $0x2  }
0x555: {  	s18 =	simm.s32 $0x122;
	v6 =	vld.idx.msk [tilespmem:v6+s12+$0x0], $0xffff  }
0x556: {  	v8 =	vmov s18  }
0x557: {  	s16 =	simm.s32 $0x6A00;
	v9 =	vshll.u32 v8, $0x1;
	v8 =	vshll.u32 v8, $0x4;
	v7 =	vld.idx.msk [tilespmem:v7+s12+$0x0], $0xffff  }
0x558: {  	v10 =	vld [tilespmem:s16+$0x0];
	v9 =	vor.u32 v3, v9;
	v8 =	vand.u32 $0x1C00, v8  }
0x559: {  	v8 =	vor.u32 v8, v5;
	v9 =	vand.u32 $0x7E, v9  }
0x55a: {  	v8 =	vor.u32 v9, v8;
	v6 =	vmul.u32 $0xC, v6  }
0x55b: {  	v9 =	vor.u32 $0x1, v8  }
0x55c: {  	v6 =	vadd.s32 v7, v6  }
0x55d: {  	s17 =	sadd.s32 $0xBA00, s10;
	v6 =	vadd.s32 v10, v6  }
0x55e: {  	[tilespmem:s17+$0x0] =	vst v6  }
0x55f: {  	s18 =	simm.s32 $0x124;
	v6 =	vld.idx.msk [tilespmem:v8+s12+$0x0], $0xffff  }
0x560: {  	v8 =	vmov s18;
	s18 =	simm.s32 $0x126;
	v7 =	vld.idx.msk [tilespmem:v9+s12+$0x0], $0xffff  }
.LBB2_90:
0x561: {  	p2 =	sne.s32 s18, $0x13E;
	v9 =	vshll.u32 v8, $0x1;
	v8 =	vshll.u32 v8, $0x4;
	s16 =	sadd.s32 $0x10, s16  }
0x562: {  	v9 =	vor.u32 v3, v9;
	v8 =	vand.u32 $0x1C00, v8;
	v10 =	vld [tilespmem:s16+$0x0]  }
0x563: {  	v8 =	vor.u32 v8, v5;
	v9 =	vand.u32 $0x7E, v9  }
0x564: {  	v6 =	vmul.u32 $0xC, v6;
	v8 =	vor.u32 v9, v8;
	_ =	sdelay $0x1  }
0x565: {  	v9 =	vor.u32 $0x1, v8;
	v6 =	vadd.s32 v7, v6  }
.Ltmp50:
0x566: {  	s17 =	sadd.s32 $0x10, s17;
	v6 =	vadd.s32 v10, v6;
	(pc) =	sbr.rel @p2 .LBB2_90-.Ltmp50, $3  }
0x567: {  	[tilespmem:s17+$0x0] =	vst v6  }
0x568: {  	v6 =	vld.idx.msk [tilespmem:v8+s12+$0x0], $0xffff;
	_ =	sdelay $0x1  }
0x569: {  	v8 =	vmov s18;
	s18 =	sadd.s32 $0x2, s18;
	v7 =	vld.idx.msk [tilespmem:v9+s12+$0x0], $0xffff  }
0x56a: {  	v9 =	vshll.u32 v8, $0x1;
	v62 =	vshll.u32 v8, $0x4;
	s16 =	sadd.s32 $0x10, s16  }
0x56b: {  	v9 =	vor.u32 v3, v9;
	v8 =	vand.u32 $0x1C00, v62;
	v10 =	vld [tilespmem:s16+$0x0]  }
0x56c: {  	v5 =	vor.u32 v8, v5;
	v63 =	vand.u32 $0x7E, v9  }
0x56d: {  	v6 =	vmul.u32 $0xC, v6;
	v5 =	vor.u32 v63, v5;
	_ =	sdelay $0x1  }
0x56e: {  	v8 =	vor.u32 $0x1, v5;
	v6 =	vadd.s32 v7, v6  }
0x56f: {  	s17 =	sadd.s32 $0x10, s17;
	v6 =	vadd.s32 v10, v6  }
0x570: {  	[tilespmem:s17+$0x0] =	vst v6  }
0x571: {  	v5 =	vld.idx.msk [tilespmem:v5+s12+$0x0], $0xffff;
	_ =	sdelay $0x1  }
0x572: {  	s16 =	sadd.s32 $0x10, s16;
	v6 =	vld.idx.msk [tilespmem:v8+s12+$0x0], $0xffff  }
0x573: {  	v7 =	vld [tilespmem:s16+$0x0];
	_ =	sdelay $0x1  }
0x574: {  	v5 =	vmul.u32 $0xC, v5;
	_ =	sdelay $0x1  }
0x575: {  	v5 =	vadd.s32 v6, v5  }
0x576: {  	s18 =	sadd.s32 $0x10, s17;
	v5 =	vadd.s32 v7, v5  }
0x577: {  	[tilespmem:s18+$0x0] =	vst v5  }
.LBB2_92:
0x578: {  	_ =	swait.ge [sflag:s5], $0x4000  }
0x579: {  	[sflag:s5] =	ssyncset.done $0x0  }
0x57a: {  	[sflag:s5] =	ssyncadd.s32 $0xFFFFC000  }
0x57b: {  	_ =	swait.ge [sflag:s5], $0x4000  }
0x57c: {  	[sflag:s5] =	ssyncset.done $0x0  }
0x57d: {  	s16 =	sadd.s32 s15, s22;
	[sflag:s5] =	ssyncadd.s32 $0xFFFFC000  }
0x57e: {  	[hbm4b:s16+s3] =	stream.linear.scatter [tilespmem:s2], [sflag:$0x5], $0x8000, $0x38;
	[tilespmem:$0x1D100] =	vst v63  }
0x57f: {  	_ =	swait.ge [sflag:s4], $0x8000  }
.Ltmp51:
0x580: {  	[sflag:s4] =	ssyncset.done $0x0;
	(pc) =	sbr.rel @p1 .LBB2_96-.Ltmp51, $4  }
0x581: {  	s17 =	sadd.s32 $0xA00, s14;
	[sflag:s4] =	ssyncadd.s32 $0xFFFF8000  }
0x582: {  	[tilespmem:s31], [sflag:$0x1] =	stream.indirect.gather [hbm4b:s6+s11], $0x80, s17, s11, $0xb8;
	[tilespmem:$0x1D100] =	vst v63  }
0x583: {  	s18 =	sadd.s32 $0xA80, s14  }
0x584: {  	[tilespmem:s1], [sflag:$0x1] =	stream.indirect.gather [hbm4b:s6+s11], $0x80, s18, s11, $0xb8;
	[tilespmem:$0x1D100] =	vst v63  }
0x585: {  	s16 =	simm.s32 $0x140  }
0x586: {  	s17 =	sxor.u32 $0x1, s9;
	v5 =	vmov s16  }
0x587: {  	s17 =	sshll.u32 s17, $0xD;
	v6 =	vshll.u32 v5, $0x1;
	v7 =	vshll.u32 v5, $0x4  }
0x588: {  	v5 =	vor.u32 s17, v0;
	v6 =	vor.u32 v3, v6;
	v7 =	vand.u32 $0x1C00, v7  }
0x589: {  	v7 =	vor.u32 v7, v5;
	v6 =	vand.u32 $0x7E, v6  }
0x58a: {  	v6 =	vor.u32 v6, v7;
	_ =	sdelay $0x1  }
0x58b: {  	v7 =	vor.u32 $0x1, v6;
	_ =	sdelay $0x2  }
0x58c: {  	s18 =	simm.s32 $0x142;
	v6 =	vld.idx.msk [tilespmem:v6+s12+$0x0], $0xffff  }
0x58d: {  	v8 =	vmov s18  }
0x58e: {  	s16 =	simm.s32 $0x6B00;
	v9 =	vshll.u32 v8, $0x1;
	v8 =	vshll.u32 v8, $0x4;
	v7 =	vld.idx.msk [tilespmem:v7+s12+$0x0], $0xffff  }
0x58f: {  	v10 =	vld [tilespmem:s16+$0x0];
	v9 =	vor.u32 v3, v9;
	v8 =	vand.u32 $0x1C00, v8  }
0x590: {  	v8 =	vor.u32 v8, v5;
	v9 =	vand.u32 $0x7E, v9  }
0x591: {  	v8 =	vor.u32 v9, v8;
	v6 =	vmul.u32 $0xC, v6  }
0x592: {  	v9 =	vor.u32 $0x1, v8  }
0x593: {  	v6 =	vadd.s32 v7, v6  }
0x594: {  	s17 =	sadd.s32 $0xBB00, s10;
	v6 =	vadd.s32 v10, v6  }
0x595: {  	[tilespmem:s17+$0x0] =	vst v6  }
0x596: {  	s18 =	simm.s32 $0x144;
	v6 =	vld.idx.msk [tilespmem:v8+s12+$0x0], $0xffff  }
0x597: {  	v8 =	vmov s18;
	s18 =	simm.s32 $0x146;
	v7 =	vld.idx.msk [tilespmem:v9+s12+$0x0], $0xffff  }
.LBB2_94:
0x598: {  	p2 =	sne.s32 s18, $0x15E;
	v9 =	vshll.u32 v8, $0x1;
	v8 =	vshll.u32 v8, $0x4;
	s16 =	sadd.s32 $0x10, s16  }
0x599: {  	v9 =	vor.u32 v3, v9;
	v8 =	vand.u32 $0x1C00, v8;
	v10 =	vld [tilespmem:s16+$0x0]  }
0x59a: {  	v8 =	vor.u32 v8, v5;
	v9 =	vand.u32 $0x7E, v9  }
0x59b: {  	v6 =	vmul.u32 $0xC, v6;
	v8 =	vor.u32 v9, v8;
	_ =	sdelay $0x1  }
0x59c: {  	v9 =	vor.u32 $0x1, v8;
	v6 =	vadd.s32 v7, v6  }
.Ltmp52:
0x59d: {  	s17 =	sadd.s32 $0x10, s17;
	v6 =	vadd.s32 v10, v6;
	(pc) =	sbr.rel @p2 .LBB2_94-.Ltmp52, $3  }
0x59e: {  	[tilespmem:s17+$0x0] =	vst v6  }
0x59f: {  	v6 =	vld.idx.msk [tilespmem:v8+s12+$0x0], $0xffff;
	_ =	sdelay $0x1  }
0x5a0: {  	v8 =	vmov s18;
	s18 =	sadd.s32 $0x2, s18;
	v7 =	vld.idx.msk [tilespmem:v9+s12+$0x0], $0xffff  }
0x5a1: {  	v9 =	vshll.u32 v8, $0x1;
	v62 =	vshll.u32 v8, $0x4;
	s16 =	sadd.s32 $0x10, s16  }
0x5a2: {  	v9 =	vor.u32 v3, v9;
	v8 =	vand.u32 $0x1C00, v62;
	v10 =	vld [tilespmem:s16+$0x0]  }
0x5a3: {  	v5 =	vor.u32 v8, v5;
	v63 =	vand.u32 $0x7E, v9  }
0x5a4: {  	v6 =	vmul.u32 $0xC, v6;
	v5 =	vor.u32 v63, v5;
	_ =	sdelay $0x1  }
0x5a5: {  	v8 =	vor.u32 $0x1, v5;
	v6 =	vadd.s32 v7, v6  }
0x5a6: {  	s17 =	sadd.s32 $0x10, s17;
	v6 =	vadd.s32 v10, v6  }
0x5a7: {  	[tilespmem:s17+$0x0] =	vst v6  }
0x5a8: {  	v5 =	vld.idx.msk [tilespmem:v5+s12+$0x0], $0xffff;
	_ =	sdelay $0x1  }
0x5a9: {  	s16 =	sadd.s32 $0x10, s16;
	v6 =	vld.idx.msk [tilespmem:v8+s12+$0x0], $0xffff  }
0x5aa: {  	v7 =	vld [tilespmem:s16+$0x0];
	_ =	sdelay $0x1  }
0x5ab: {  	v5 =	vmul.u32 $0xC, v5;
	_ =	sdelay $0x1  }
0x5ac: {  	v5 =	vadd.s32 v6, v5  }
0x5ad: {  	s18 =	sadd.s32 $0x10, s17;
	v5 =	vadd.s32 v7, v5  }
0x5ae: {  	[tilespmem:s18+$0x0] =	vst v5  }
.LBB2_96:
0x5af: {  	_ =	swait.ge [sflag:s25], $0x4000  }
0x5b0: {  	[sflag:s25] =	ssyncset.done $0x0  }
0x5b1: {  	[sflag:s25] =	ssyncadd.s32 $0xFFFFC000  }
0x5b2: {  	_ =	swait.ge [sflag:s25], $0x4000  }
0x5b3: {  	[sflag:s25] =	ssyncset.done $0x0  }
0x5b4: {  	s16 =	sadd.s32 s15, s23;
	[sflag:s25] =	ssyncadd.s32 $0xFFFFC000  }
0x5b5: {  	[hbm4b:s16+s3] =	stream.linear.scatter [tilespmem:s31], [sflag:$0x4], $0x8000, $0x38;
	[tilespmem:$0x1D100] =	vst v63  }
0x5b6: {  	_ =	swait.ge [sflag:s8], $0x8000  }
.Ltmp53:
0x5b7: {  	[sflag:s8] =	ssyncset.done $0x0;
	(pc) =	sbr.rel @p1 .LBB2_100-.Ltmp53, $4  }
0x5b8: {  	s17 =	sadd.s32 $0xB00, s14;
	[sflag:s8] =	ssyncadd.s32 $0xFFFF8000  }
0x5b9: {  	[tilespmem:s2], [sflag:$0x2] =	stream.indirect.gather [hbm4b:s6+s11], $0x80, s17, s11, $0xb8;
	[tilespmem:$0x1D100] =	vst v63  }
0x5ba: {  	s18 =	sadd.s32 $0xB80, s14  }
0x5bb: {  	[tilespmem:s13], [sflag:$0x2] =	stream.indirect.gather [hbm4b:s6+s11], $0x80, s18, s11, $0xb8;
	[tilespmem:$0x1D100] =	vst v63  }
0x5bc: {  	s16 =	simm.s32 $0x160  }
0x5bd: {  	s17 =	sxor.u32 $0x1, s9;
	v5 =	vmov s16  }
0x5be: {  	s17 =	sshll.u32 s17, $0xD;
	v6 =	vshll.u32 v5, $0x1;
	v7 =	vshll.u32 v5, $0x4  }
0x5bf: {  	v5 =	vor.u32 s17, v0;
	v6 =	vor.u32 v3, v6;
	v7 =	vand.u32 $0x1C00, v7  }
0x5c0: {  	v7 =	vor.u32 v7, v5;
	v6 =	vand.u32 $0x7E, v6  }
0x5c1: {  	v6 =	vor.u32 v6, v7;
	_ =	sdelay $0x1  }
0x5c2: {  	v7 =	vor.u32 $0x1, v6;
	_ =	sdelay $0x2  }
0x5c3: {  	s18 =	simm.s32 $0x162;
	v6 =	vld.idx.msk [tilespmem:v6+s12+$0x0], $0xffff  }
0x5c4: {  	v8 =	vmov s18  }
0x5c5: {  	s16 =	simm.s32 $0x6C00;
	v9 =	vshll.u32 v8, $0x1;
	v8 =	vshll.u32 v8, $0x4;
	v7 =	vld.idx.msk [tilespmem:v7+s12+$0x0], $0xffff  }
0x5c6: {  	v10 =	vld [tilespmem:s16+$0x0];
	v9 =	vor.u32 v3, v9;
	v8 =	vand.u32 $0x1C00, v8  }
0x5c7: {  	v8 =	vor.u32 v8, v5;
	v9 =	vand.u32 $0x7E, v9  }
0x5c8: {  	v8 =	vor.u32 v9, v8;
	v6 =	vmul.u32 $0xC, v6  }
0x5c9: {  	v9 =	vor.u32 $0x1, v8  }
0x5ca: {  	v6 =	vadd.s32 v7, v6  }
0x5cb: {  	s17 =	sadd.s32 $0xBC00, s10;
	v6 =	vadd.s32 v10, v6  }
0x5cc: {  	[tilespmem:s17+$0x0] =	vst v6  }
0x5cd: {  	s18 =	simm.s32 $0x164;
	v6 =	vld.idx.msk [tilespmem:v8+s12+$0x0], $0xffff  }
0x5ce: {  	v8 =	vmov s18;
	s18 =	simm.s32 $0x166;
	v7 =	vld.idx.msk [tilespmem:v9+s12+$0x0], $0xffff  }
.LBB2_98:
0x5cf: {  	p2 =	sne.s32 s18, $0x17E;
	v9 =	vshll.u32 v8, $0x1;
	v8 =	vshll.u32 v8, $0x4;
	s16 =	sadd.s32 $0x10, s16  }
0x5d0: {  	v9 =	vor.u32 v3, v9;
	v8 =	vand.u32 $0x1C00, v8;
	v10 =	vld [tilespmem:s16+$0x0]  }
0x5d1: {  	v8 =	vor.u32 v8, v5;
	v9 =	vand.u32 $0x7E, v9  }
0x5d2: {  	v6 =	vmul.u32 $0xC, v6;
	v8 =	vor.u32 v9, v8;
	_ =	sdelay $0x1  }
0x5d3: {  	v9 =	vor.u32 $0x1, v8;
	v6 =	vadd.s32 v7, v6  }
.Ltmp54:
0x5d4: {  	s17 =	sadd.s32 $0x10, s17;
	v6 =	vadd.s32 v10, v6;
	(pc) =	sbr.rel @p2 .LBB2_98-.Ltmp54, $3  }
0x5d5: {  	[tilespmem:s17+$0x0] =	vst v6  }
0x5d6: {  	v6 =	vld.idx.msk [tilespmem:v8+s12+$0x0], $0xffff;
	_ =	sdelay $0x1  }
0x5d7: {  	v8 =	vmov s18;
	s18 =	sadd.s32 $0x2, s18;
	v7 =	vld.idx.msk [tilespmem:v9+s12+$0x0], $0xffff  }
0x5d8: {  	v9 =	vshll.u32 v8, $0x1;
	v62 =	vshll.u32 v8, $0x4;
	s16 =	sadd.s32 $0x10, s16  }
0x5d9: {  	v9 =	vor.u32 v3, v9;
	v8 =	vand.u32 $0x1C00, v62;
	v10 =	vld [tilespmem:s16+$0x0]  }
0x5da: {  	v5 =	vor.u32 v8, v5;
	v63 =	vand.u32 $0x7E, v9  }
0x5db: {  	v6 =	vmul.u32 $0xC, v6;
	v5 =	vor.u32 v63, v5;
	_ =	sdelay $0x1  }
0x5dc: {  	v8 =	vor.u32 $0x1, v5;
	v6 =	vadd.s32 v7, v6  }
0x5dd: {  	s17 =	sadd.s32 $0x10, s17;
	v6 =	vadd.s32 v10, v6  }
0x5de: {  	[tilespmem:s17+$0x0] =	vst v6  }
0x5df: {  	v5 =	vld.idx.msk [tilespmem:v5+s12+$0x0], $0xffff;
	_ =	sdelay $0x1  }
0x5e0: {  	s16 =	sadd.s32 $0x10, s16;
	v6 =	vld.idx.msk [tilespmem:v8+s12+$0x0], $0xffff  }
0x5e1: {  	v7 =	vld [tilespmem:s16+$0x0];
	_ =	sdelay $0x1  }
0x5e2: {  	v5 =	vmul.u32 $0xC, v5;
	_ =	sdelay $0x1  }
0x5e3: {  	v5 =	vadd.s32 v6, v5  }
0x5e4: {  	s18 =	sadd.s32 $0x10, s17;
	v5 =	vadd.s32 v7, v5  }
0x5e5: {  	[tilespmem:s18+$0x0] =	vst v5  }
.LBB2_100:
0x5e6: {  	_ =	swait.ge [sflag:s5], $0x4000  }
0x5e7: {  	[sflag:s5] =	ssyncset.done $0x0  }
0x5e8: {  	[sflag:s5] =	ssyncadd.s32 $0xFFFFC000  }
0x5e9: {  	_ =	swait.ge [sflag:s5], $0x4000  }
0x5ea: {  	[sflag:s5] =	ssyncset.done $0x0  }
0x5eb: {  	s16 =	sadd.s32 s15, s24;
	[sflag:s5] =	ssyncadd.s32 $0xFFFFC000  }
0x5ec: {  	[hbm4b:s16+s3] =	stream.linear.scatter [tilespmem:s2], [sflag:$0x5], $0x8000, $0x38;
	[tilespmem:$0x1D100] =	vst v63  }
0x5ed: {  	_ =	swait.ge [sflag:s4], $0x8000  }
.Ltmp55:
0x5ee: {  	[sflag:s4] =	ssyncset.done $0x0;
	(pc) =	sbr.rel @p1 .LBB2_104-.Ltmp55, $4  }
0x5ef: {  	s17 =	sadd.s32 $0xC00, s14;
	[sflag:s4] =	ssyncadd.s32 $0xFFFF8000  }
0x5f0: {  	[tilespmem:s31], [sflag:$0x1] =	stream.indirect.gather [hbm4b:s6+s11], $0x80, s17, s11, $0xb8;
	[tilespmem:$0x1D100] =	vst v63  }
0x5f1: {  	s18 =	sadd.s32 $0xC80, s14  }
0x5f2: {  	[tilespmem:s1], [sflag:$0x1] =	stream.indirect.gather [hbm4b:s6+s11], $0x80, s18, s11, $0xb8;
	[tilespmem:$0x1D100] =	vst v63  }
0x5f3: {  	s16 =	simm.s32 $0x180  }
0x5f4: {  	s17 =	sxor.u32 $0x1, s9;
	v5 =	vmov s16  }
0x5f5: {  	s17 =	sshll.u32 s17, $0xD;
	v6 =	vshll.u32 v5, $0x1;
	v7 =	vshll.u32 v5, $0x4  }
0x5f6: {  	v5 =	vor.u32 s17, v0;
	v6 =	vor.u32 v3, v6;
	v7 =	vand.u32 $0x1C00, v7  }
0x5f7: {  	v7 =	vor.u32 v7, v5;
	v6 =	vand.u32 $0x7E, v6  }
0x5f8: {  	v6 =	vor.u32 v6, v7;
	_ =	sdelay $0x1  }
0x5f9: {  	v7 =	vor.u32 $0x1, v6;
	_ =	sdelay $0x2  }
0x5fa: {  	s18 =	simm.s32 $0x182;
	v6 =	vld.idx.msk [tilespmem:v6+s12+$0x0], $0xffff  }
0x5fb: {  	v8 =	vmov s18  }
0x5fc: {  	s16 =	simm.s32 $0x6D00;
	v9 =	vshll.u32 v8, $0x1;
	v8 =	vshll.u32 v8, $0x4;
	v7 =	vld.idx.msk [tilespmem:v7+s12+$0x0], $0xffff  }
0x5fd: {  	v10 =	vld [tilespmem:s16+$0x0];
	v9 =	vor.u32 v3, v9;
	v8 =	vand.u32 $0x1C00, v8  }
0x5fe: {  	v8 =	vor.u32 v8, v5;
	v9 =	vand.u32 $0x7E, v9  }
0x5ff: {  	v8 =	vor.u32 v9, v8;
	v6 =	vmul.u32 $0xC, v6  }
0x600: {  	v9 =	vor.u32 $0x1, v8  }
0x601: {  	v6 =	vadd.s32 v7, v6  }
0x602: {  	s17 =	sadd.s32 $0xBD00, s10;
	v6 =	vadd.s32 v10, v6  }
0x603: {  	[tilespmem:s17+$0x0] =	vst v6  }
0x604: {  	s18 =	simm.s32 $0x184;
	v6 =	vld.idx.msk [tilespmem:v8+s12+$0x0], $0xffff  }
0x605: {  	v8 =	vmov s18;
	s18 =	simm.s32 $0x186;
	v7 =	vld.idx.msk [tilespmem:v9+s12+$0x0], $0xffff  }
.LBB2_102:
0x606: {  	p2 =	sne.s32 s18, $0x19E;
	v9 =	vshll.u32 v8, $0x1;
	v8 =	vshll.u32 v8, $0x4;
	s16 =	sadd.s32 $0x10, s16  }
0x607: {  	v9 =	vor.u32 v3, v9;
	v8 =	vand.u32 $0x1C00, v8;
	v10 =	vld [tilespmem:s16+$0x0]  }
0x608: {  	v8 =	vor.u32 v8, v5;
	v9 =	vand.u32 $0x7E, v9  }
0x609: {  	v6 =	vmul.u32 $0xC, v6;
	v8 =	vor.u32 v9, v8;
	_ =	sdelay $0x1  }
0x60a: {  	v9 =	vor.u32 $0x1, v8;
	v6 =	vadd.s32 v7, v6  }
.Ltmp56:
0x60b: {  	s17 =	sadd.s32 $0x10, s17;
	v6 =	vadd.s32 v10, v6;
	(pc) =	sbr.rel @p2 .LBB2_102-.Ltmp56, $3  }
0x60c: {  	[tilespmem:s17+$0x0] =	vst v6  }
0x60d: {  	v6 =	vld.idx.msk [tilespmem:v8+s12+$0x0], $0xffff;
	_ =	sdelay $0x1  }
0x60e: {  	v8 =	vmov s18;
	s18 =	sadd.s32 $0x2, s18;
	v7 =	vld.idx.msk [tilespmem:v9+s12+$0x0], $0xffff  }
0x60f: {  	v9 =	vshll.u32 v8, $0x1;
	v62 =	vshll.u32 v8, $0x4;
	s16 =	sadd.s32 $0x10, s16  }
0x610: {  	v9 =	vor.u32 v3, v9;
	v8 =	vand.u32 $0x1C00, v62;
	v10 =	vld [tilespmem:s16+$0x0]  }
0x611: {  	v5 =	vor.u32 v8, v5;
	v63 =	vand.u32 $0x7E, v9  }
0x612: {  	v6 =	vmul.u32 $0xC, v6;
	v5 =	vor.u32 v63, v5;
	_ =	sdelay $0x1  }
0x613: {  	v8 =	vor.u32 $0x1, v5;
	v6 =	vadd.s32 v7, v6  }
0x614: {  	s17 =	sadd.s32 $0x10, s17;
	v6 =	vadd.s32 v10, v6  }
0x615: {  	[tilespmem:s17+$0x0] =	vst v6  }
0x616: {  	v5 =	vld.idx.msk [tilespmem:v5+s12+$0x0], $0xffff;
	_ =	sdelay $0x1  }
0x617: {  	s16 =	sadd.s32 $0x10, s16;
	v6 =	vld.idx.msk [tilespmem:v8+s12+$0x0], $0xffff  }
0x618: {  	v7 =	vld [tilespmem:s16+$0x0];
	_ =	sdelay $0x1  }
0x619: {  	v5 =	vmul.u32 $0xC, v5;
	_ =	sdelay $0x1  }
0x61a: {  	v5 =	vadd.s32 v6, v5  }
0x61b: {  	s18 =	sadd.s32 $0x10, s17;
	v5 =	vadd.s32 v7, v5  }
0x61c: {  	[tilespmem:s18+$0x0] =	vst v5  }
.LBB2_104:
0x61d: {  	_ =	swait.ge [sflag:s25], $0x4000  }
0x61e: {  	[sflag:s25] =	ssyncset.done $0x0  }
0x61f: {  	[sflag:s25] =	ssyncadd.s32 $0xFFFFC000  }
0x620: {  	_ =	swait.ge [sflag:s25], $0x4000  }
0x621: {  	[sflag:s25] =	ssyncset.done $0x0  }
0x622: {  	s16 =	sadd.s32 s15, s26;
	[sflag:s25] =	ssyncadd.s32 $0xFFFFC000  }
0x623: {  	[hbm4b:s16+s3] =	stream.linear.scatter [tilespmem:s31], [sflag:$0x4], $0x8000, $0x38;
	[tilespmem:$0x1D100] =	vst v63  }
0x624: {  	_ =	swait.ge [sflag:s8], $0x8000  }
.Ltmp57:
0x625: {  	[sflag:s8] =	ssyncset.done $0x0;
	(pc) =	sbr.rel @p1 .LBB2_108-.Ltmp57, $4  }
0x626: {  	s17 =	sadd.s32 $0xD00, s14;
	[sflag:s8] =	ssyncadd.s32 $0xFFFF8000  }
0x627: {  	[tilespmem:s2], [sflag:$0x2] =	stream.indirect.gather [hbm4b:s6+s11], $0x80, s17, s11, $0xb8;
	[tilespmem:$0x1D100] =	vst v63  }
0x628: {  	s18 =	sadd.s32 $0xD80, s14  }
0x629: {  	[tilespmem:s13], [sflag:$0x2] =	stream.indirect.gather [hbm4b:s6+s11], $0x80, s18, s11, $0xb8;
	[tilespmem:$0x1D100] =	vst v63  }
0x62a: {  	s16 =	simm.s32 $0x1A0  }
0x62b: {  	s17 =	sxor.u32 $0x1, s9;
	v5 =	vmov s16  }
0x62c: {  	s17 =	sshll.u32 s17, $0xD;
	v6 =	vshll.u32 v5, $0x1;
	v7 =	vshll.u32 v5, $0x4  }
0x62d: {  	v5 =	vor.u32 s17, v0;
	v6 =	vor.u32 v3, v6;
	v7 =	vand.u32 $0x1C00, v7  }
0x62e: {  	v7 =	vor.u32 v7, v5;
	v6 =	vand.u32 $0x7E, v6  }
0x62f: {  	v6 =	vor.u32 v6, v7;
	_ =	sdelay $0x1  }
0x630: {  	v7 =	vor.u32 $0x1, v6;
	_ =	sdelay $0x2  }
0x631: {  	s18 =	simm.s32 $0x1A2;
	v6 =	vld.idx.msk [tilespmem:v6+s12+$0x0], $0xffff  }
0x632: {  	v8 =	vmov s18  }
0x633: {  	s16 =	simm.s32 $0x6E00;
	v9 =	vshll.u32 v8, $0x1;
	v8 =	vshll.u32 v8, $0x4;
	v7 =	vld.idx.msk [tilespmem:v7+s12+$0x0], $0xffff  }
0x634: {  	v10 =	vld [tilespmem:s16+$0x0];
	v9 =	vor.u32 v3, v9;
	v8 =	vand.u32 $0x1C00, v8  }
0x635: {  	v8 =	vor.u32 v8, v5;
	v9 =	vand.u32 $0x7E, v9  }
0x636: {  	v8 =	vor.u32 v9, v8;
	v6 =	vmul.u32 $0xC, v6  }
0x637: {  	v9 =	vor.u32 $0x1, v8  }
0x638: {  	v6 =	vadd.s32 v7, v6  }
0x639: {  	s17 =	sadd.s32 $0xBE00, s10;
	v6 =	vadd.s32 v10, v6  }
0x63a: {  	[tilespmem:s17+$0x0] =	vst v6  }
0x63b: {  	s18 =	simm.s32 $0x1A4;
	v6 =	vld.idx.msk [tilespmem:v8+s12+$0x0], $0xffff  }
0x63c: {  	v8 =	vmov s18;
	s18 =	simm.s32 $0x1A6;
	v7 =	vld.idx.msk [tilespmem:v9+s12+$0x0], $0xffff  }
.LBB2_106:
0x63d: {  	p2 =	sne.s32 s18, $0x1BE;
	v9 =	vshll.u32 v8, $0x1;
	v8 =	vshll.u32 v8, $0x4;
	s16 =	sadd.s32 $0x10, s16  }
0x63e: {  	v9 =	vor.u32 v3, v9;
	v8 =	vand.u32 $0x1C00, v8;
	v10 =	vld [tilespmem:s16+$0x0]  }
0x63f: {  	v8 =	vor.u32 v8, v5;
	v9 =	vand.u32 $0x7E, v9  }
0x640: {  	v6 =	vmul.u32 $0xC, v6;
	v8 =	vor.u32 v9, v8;
	_ =	sdelay $0x1  }
0x641: {  	v9 =	vor.u32 $0x1, v8;
	v6 =	vadd.s32 v7, v6  }
.Ltmp58:
0x642: {  	s17 =	sadd.s32 $0x10, s17;
	v6 =	vadd.s32 v10, v6;
	(pc) =	sbr.rel @p2 .LBB2_106-.Ltmp58, $3  }
0x643: {  	[tilespmem:s17+$0x0] =	vst v6  }
0x644: {  	v6 =	vld.idx.msk [tilespmem:v8+s12+$0x0], $0xffff;
	_ =	sdelay $0x1  }
0x645: {  	v8 =	vmov s18;
	s18 =	sadd.s32 $0x2, s18;
	v7 =	vld.idx.msk [tilespmem:v9+s12+$0x0], $0xffff  }
0x646: {  	v9 =	vshll.u32 v8, $0x1;
	v62 =	vshll.u32 v8, $0x4;
	s16 =	sadd.s32 $0x10, s16  }
0x647: {  	v9 =	vor.u32 v3, v9;
	v8 =	vand.u32 $0x1C00, v62;
	v10 =	vld [tilespmem:s16+$0x0]  }
0x648: {  	v5 =	vor.u32 v8, v5;
	v63 =	vand.u32 $0x7E, v9  }
0x649: {  	v6 =	vmul.u32 $0xC, v6;
	v5 =	vor.u32 v63, v5;
	_ =	sdelay $0x1  }
0x64a: {  	v8 =	vor.u32 $0x1, v5;
	v6 =	vadd.s32 v7, v6  }
0x64b: {  	s17 =	sadd.s32 $0x10, s17;
	v6 =	vadd.s32 v10, v6  }
0x64c: {  	[tilespmem:s17+$0x0] =	vst v6  }
0x64d: {  	v5 =	vld.idx.msk [tilespmem:v5+s12+$0x0], $0xffff;
	_ =	sdelay $0x1  }
0x64e: {  	s16 =	sadd.s32 $0x10, s16;
	v6 =	vld.idx.msk [tilespmem:v8+s12+$0x0], $0xffff  }
0x64f: {  	v7 =	vld [tilespmem:s16+$0x0];
	_ =	sdelay $0x1  }
0x650: {  	v5 =	vmul.u32 $0xC, v5;
	_ =	sdelay $0x1  }
0x651: {  	v5 =	vadd.s32 v6, v5  }
0x652: {  	s18 =	sadd.s32 $0x10, s17;
	v5 =	vadd.s32 v7, v5  }
0x653: {  	[tilespmem:s18+$0x0] =	vst v5  }
.LBB2_108:
0x654: {  	_ =	swait.ge [sflag:s5], $0x4000  }
0x655: {  	[sflag:s5] =	ssyncset.done $0x0  }
0x656: {  	[sflag:s5] =	ssyncadd.s32 $0xFFFFC000  }
0x657: {  	_ =	swait.ge [sflag:s5], $0x4000  }
0x658: {  	[sflag:s5] =	ssyncset.done $0x0  }
0x659: {  	s16 =	sadd.s32 s15, s28;
	[sflag:s5] =	ssyncadd.s32 $0xFFFFC000  }
0x65a: {  	[hbm4b:s16+s3] =	stream.linear.scatter [tilespmem:s2], [sflag:$0x5], $0x8000, $0x38;
	[tilespmem:$0x1D100] =	vst v63  }
0x65b: {  	_ =	swait.ge [sflag:s4], $0x8000  }
.Ltmp59:
0x65c: {  	[sflag:s4] =	ssyncset.done $0x0;
	(pc) =	sbr.rel @p1 .LBB2_112-.Ltmp59, $4  }
0x65d: {  	s17 =	sadd.s32 $0xE00, s14;
	[sflag:s4] =	ssyncadd.s32 $0xFFFF8000  }
0x65e: {  	[tilespmem:s31], [sflag:$0x1] =	stream.indirect.gather [hbm4b:s6+s11], $0x80, s17, s11, $0xb8;
	[tilespmem:$0x1D100] =	vst v63  }
0x65f: {  	s18 =	sadd.s32 $0xE80, s14  }
0x660: {  	[tilespmem:s1], [sflag:$0x1] =	stream.indirect.gather [hbm4b:s6+s11], $0x80, s18, s11, $0xb8;
	[tilespmem:$0x1D100] =	vst v63  }
0x661: {  	s16 =	simm.s32 $0x1C0  }
0x662: {  	s17 =	sxor.u32 $0x1, s9;
	v5 =	vmov s16  }
0x663: {  	s17 =	sshll.u32 s17, $0xD;
	v6 =	vshll.u32 v5, $0x1;
	v7 =	vshll.u32 v5, $0x4  }
0x664: {  	v5 =	vor.u32 s17, v0;
	v6 =	vor.u32 v3, v6;
	v7 =	vand.u32 $0x1C00, v7  }
0x665: {  	v7 =	vor.u32 v7, v5;
	v6 =	vand.u32 $0x7E, v6  }
0x666: {  	v6 =	vor.u32 v6, v7;
	_ =	sdelay $0x1  }
0x667: {  	v7 =	vor.u32 $0x1, v6;
	_ =	sdelay $0x2  }
0x668: {  	s18 =	simm.s32 $0x1C2;
	v6 =	vld.idx.msk [tilespmem:v6+s12+$0x0], $0xffff  }
0x669: {  	v8 =	vmov s18  }
0x66a: {  	s16 =	simm.s32 $0x6F00;
	v9 =	vshll.u32 v8, $0x1;
	v8 =	vshll.u32 v8, $0x4;
	v7 =	vld.idx.msk [tilespmem:v7+s12+$0x0], $0xffff  }
0x66b: {  	v10 =	vld [tilespmem:s16+$0x0];
	v9 =	vor.u32 v3, v9;
	v8 =	vand.u32 $0x1C00, v8  }
0x66c: {  	v8 =	vor.u32 v8, v5;
	v9 =	vand.u32 $0x7E, v9  }
0x66d: {  	v8 =	vor.u32 v9, v8;
	v6 =	vmul.u32 $0xC, v6  }
0x66e: {  	v9 =	vor.u32 $0x1, v8  }
0x66f: {  	v6 =	vadd.s32 v7, v6  }
0x670: {  	s17 =	sadd.s32 $0xBF00, s10;
	v6 =	vadd.s32 v10, v6  }
0x671: {  	[tilespmem:s17+$0x0] =	vst v6  }
0x672: {  	s18 =	simm.s32 $0x1C4;
	v6 =	vld.idx.msk [tilespmem:v8+s12+$0x0], $0xffff  }
0x673: {  	v8 =	vmov s18;
	s18 =	simm.s32 $0x1C6;
	v7 =	vld.idx.msk [tilespmem:v9+s12+$0x0], $0xffff  }
.LBB2_110:
0x674: {  	p2 =	sne.s32 s18, $0x1DE;
	v9 =	vshll.u32 v8, $0x1;
	v8 =	vshll.u32 v8, $0x4;
	s16 =	sadd.s32 $0x10, s16  }
0x675: {  	v9 =	vor.u32 v3, v9;
	v8 =	vand.u32 $0x1C00, v8;
	v10 =	vld [tilespmem:s16+$0x0]  }
0x676: {  	v8 =	vor.u32 v8, v5;
	v9 =	vand.u32 $0x7E, v9  }
0x677: {  	v6 =	vmul.u32 $0xC, v6;
	v8 =	vor.u32 v9, v8;
	_ =	sdelay $0x1  }
0x678: {  	v9 =	vor.u32 $0x1, v8;
	v6 =	vadd.s32 v7, v6  }
.Ltmp60:
0x679: {  	s17 =	sadd.s32 $0x10, s17;
	v6 =	vadd.s32 v10, v6;
	(pc) =	sbr.rel @p2 .LBB2_110-.Ltmp60, $3  }
0x67a: {  	[tilespmem:s17+$0x0] =	vst v6  }
0x67b: {  	v6 =	vld.idx.msk [tilespmem:v8+s12+$0x0], $0xffff;
	_ =	sdelay $0x1  }
0x67c: {  	v8 =	vmov s18;
	s18 =	sadd.s32 $0x2, s18;
	v7 =	vld.idx.msk [tilespmem:v9+s12+$0x0], $0xffff  }
0x67d: {  	v9 =	vshll.u32 v8, $0x1;
	v62 =	vshll.u32 v8, $0x4;
	s16 =	sadd.s32 $0x10, s16  }
0x67e: {  	v9 =	vor.u32 v3, v9;
	v8 =	vand.u32 $0x1C00, v62;
	v10 =	vld [tilespmem:s16+$0x0]  }
0x67f: {  	v5 =	vor.u32 v8, v5;
	v63 =	vand.u32 $0x7E, v9  }
0x680: {  	v6 =	vmul.u32 $0xC, v6;
	v5 =	vor.u32 v63, v5;
	_ =	sdelay $0x1  }
0x681: {  	v8 =	vor.u32 $0x1, v5;
	v6 =	vadd.s32 v7, v6  }
0x682: {  	s17 =	sadd.s32 $0x10, s17;
	v6 =	vadd.s32 v10, v6  }
0x683: {  	[tilespmem:s17+$0x0] =	vst v6  }
0x684: {  	v5 =	vld.idx.msk [tilespmem:v5+s12+$0x0], $0xffff;
	_ =	sdelay $0x1  }
0x685: {  	s16 =	sadd.s32 $0x10, s16;
	v6 =	vld.idx.msk [tilespmem:v8+s12+$0x0], $0xffff  }
0x686: {  	v7 =	vld [tilespmem:s16+$0x0];
	_ =	sdelay $0x1  }
0x687: {  	v5 =	vmul.u32 $0xC, v5;
	_ =	sdelay $0x1  }
0x688: {  	v5 =	vadd.s32 v6, v5  }
0x689: {  	s18 =	sadd.s32 $0x10, s17;
	v5 =	vadd.s32 v7, v5  }
0x68a: {  	[tilespmem:s18+$0x0] =	vst v5  }
.LBB2_112:
0x68b: {  	_ =	swait.ge [sflag:s25], $0x4000  }
0x68c: {  	[sflag:s25] =	ssyncset.done $0x0  }
0x68d: {  	[sflag:s25] =	ssyncadd.s32 $0xFFFFC000  }
0x68e: {  	_ =	swait.ge [sflag:s25], $0x4000  }
0x68f: {  	[sflag:s25] =	ssyncset.done $0x0  }
0x690: {  	s16 =	sadd.s32 s15, s29;
	[sflag:s25] =	ssyncadd.s32 $0xFFFFC000  }
0x691: {  	[hbm4b:s16+s3] =	stream.linear.scatter [tilespmem:s31], [sflag:$0x4], $0x8000, $0x38;
	[tilespmem:$0x1D100] =	vst v63  }
0x692: {  	_ =	swait.ge [sflag:s8], $0x8000  }
.Ltmp61:
0x693: {  	[sflag:s8] =	ssyncset.done $0x0;
	(pc) =	sbr.rel @p1 .LBB2_116-.Ltmp61, $4  }
0x694: {  	s17 =	sadd.s32 $0xF00, s14;
	[sflag:s8] =	ssyncadd.s32 $0xFFFF8000  }
0x695: {  	[tilespmem:s2], [sflag:$0x2] =	stream.indirect.gather [hbm4b:s6+s11], $0x80, s17, s11, $0xb8;
	[tilespmem:$0x1D100] =	vst v63  }
0x696: {  	s18 =	sadd.s32 $0xF80, s14  }
0x697: {  	[tilespmem:s13], [sflag:$0x2] =	stream.indirect.gather [hbm4b:s6+s11], $0x80, s18, s11, $0xb8;
	[tilespmem:$0x1D100] =	vst v63  }
0x698: {  	s14 =	simm.s32 $0x1E0  }
0x699: {  	s9 =	sxor.u32 $0x1, s9;
	v5 =	vmov s14  }
0x69a: {  	s9 =	sshll.u32 s9, $0xD;
	v6 =	vshll.u32 v5, $0x1;
	v7 =	vshll.u32 v5, $0x4  }
0x69b: {  	v5 =	vor.u32 s9, v0;
	v6 =	vor.u32 v3, v6;
	v7 =	vand.u32 $0x1C00, v7  }
0x69c: {  	v7 =	vor.u32 v7, v5;
	v6 =	vand.u32 $0x7E, v6  }
0x69d: {  	v6 =	vor.u32 v6, v7;
	_ =	sdelay $0x1  }
0x69e: {  	v7 =	vor.u32 $0x1, v6;
	_ =	sdelay $0x2  }
0x69f: {  	s17 =	simm.s32 $0x1E2;
	v6 =	vld.idx.msk [tilespmem:v6+s12+$0x0], $0xffff  }
0x6a0: {  	v8 =	vmov s17  }
0x6a1: {  	s9 =	simm.s32 $0x7000;
	v9 =	vshll.u32 v8, $0x1;
	v8 =	vshll.u32 v8, $0x4;
	v7 =	vld.idx.msk [tilespmem:v7+s12+$0x0], $0xffff  }
0x6a2: {  	v9 =	vor.u32 v3, v9;
	v8 =	vand.u32 $0x1C00, v8;
	v10 =	vld [tilespmem:s9+$0x0]  }
0x6a3: {  	v8 =	vor.u32 v8, v5;
	v9 =	vand.u32 $0x7E, v9  }
0x6a4: {  	v8 =	vor.u32 v9, v8;
	v6 =	vmul.u32 $0xC, v6  }
0x6a5: {  	v9 =	vor.u32 $0x1, v8  }
0x6a6: {  	v6 =	vadd.s32 v7, v6  }
0x6a7: {  	s10 =	sor.u32 $0xC000, s10;
	v6 =	vadd.s32 v10, v6  }
0x6a8: {  	[tilespmem:s10+$0x0] =	vst v6  }
0x6a9: {  	s18 =	simm.s32 $0x1E4;
	v6 =	vld.idx.msk [tilespmem:v8+s12+$0x0], $0xffff  }
0x6aa: {  	s14 =	simm.s32 $0x1E6;
	v8 =	vmov s18;
	v7 =	vld.idx.msk [tilespmem:v9+s12+$0x0], $0xffff  }
.LBB2_114:
0x6ab: {  	p1 =	sne.s32 s14, $0x1FE;
	v9 =	vshll.u32 v8, $0x1;
	v8 =	vshll.u32 v8, $0x4;
	s9 =	sadd.s32 $0x10, s9  }
0x6ac: {  	v9 =	vor.u32 v3, v9;
	v8 =	vand.u32 $0x1C00, v8;
	v10 =	vld [tilespmem:s9+$0x0]  }
0x6ad: {  	v8 =	vor.u32 v8, v5;
	v9 =	vand.u32 $0x7E, v9  }
0x6ae: {  	v6 =	vmul.u32 $0xC, v6;
	v8 =	vor.u32 v9, v8;
	_ =	sdelay $0x1  }
0x6af: {  	v9 =	vor.u32 $0x1, v8;
	v6 =	vadd.s32 v7, v6  }
.Ltmp62:
0x6b0: {  	s10 =	sadd.s32 $0x10, s10;
	v6 =	vadd.s32 v10, v6;
	(pc) =	sbr.rel @p1 .LBB2_114-.Ltmp62, $3  }
0x6b1: {  	[tilespmem:s10+$0x0] =	vst v6  }
0x6b2: {  	v6 =	vld.idx.msk [tilespmem:v8+s12+$0x0], $0xffff;
	_ =	sdelay $0x1  }
0x6b3: {  	v8 =	vmov s14;
	s14 =	sadd.s32 $0x2, s14;
	v7 =	vld.idx.msk [tilespmem:v9+s12+$0x0], $0xffff  }
0x6b4: {  	v9 =	vshll.u32 v8, $0x1;
	v62 =	vshll.u32 v8, $0x4;
	s9 =	sadd.s32 $0x10, s9  }
0x6b5: {  	v9 =	vor.u32 v3, v9;
	v8 =	vand.u32 $0x1C00, v62;
	v10 =	vld [tilespmem:s9+$0x0]  }
0x6b6: {  	v5 =	vor.u32 v8, v5;
	v63 =	vand.u32 $0x7E, v9  }
0x6b7: {  	v6 =	vmul.u32 $0xC, v6;
	v5 =	vor.u32 v63, v5;
	_ =	sdelay $0x1  }
0x6b8: {  	v8 =	vor.u32 $0x1, v5;
	v6 =	vadd.s32 v7, v6  }
0x6b9: {  	s10 =	sadd.s32 $0x10, s10;
	v6 =	vadd.s32 v10, v6  }
0x6ba: {  	[tilespmem:s10+$0x0] =	vst v6  }
0x6bb: {  	v5 =	vld.idx.msk [tilespmem:v5+s12+$0x0], $0xffff;
	_ =	sdelay $0x1  }
0x6bc: {  	s9 =	sadd.s32 $0x10, s9;
	v6 =	vld.idx.msk [tilespmem:v8+s12+$0x0], $0xffff  }
0x6bd: {  	v7 =	vld [tilespmem:s9+$0x0];
	_ =	sdelay $0x1  }
.Ltmp63:
0x6be: {  	v5 =	vmul.u32 $0xC, v5;
	(pc) =	sbr.rel .LBB2_116-.Ltmp63, $4  }
0x6bf: {  	_ = 	snop  }
0x6c0: {  	v5 =	vadd.s32 v6, v5  }
0x6c1: {  	s18 =	sadd.s32 $0x10, s10;
	v5 =	vadd.s32 v7, v5  }
0x6c2: {  	[tilespmem:s18+$0x0] =	vst v5  }
.LBB2_118:
0x6c3: {  	_ =	sfence.sel $0x180000  }
0x6c4: {  	[bflag:$0x0] =	sbarrier.arrive $0xFFFF  }
0x6c5: {  	_ =	strace $0x90000047  }
0x6c6: {  	s0 =	stileid.u32;
	[bflag:$0x2] =	sbarrier.arrive $0xFFFF  }
0x6c7: {  	p0 =	sne.s32 s0, $0x0;
	s0 =	rddreg [dreg:$0x3]  }
0x6c8: {  	s0 =	sadd.s32 @!p0 $0x100000, s0  }
0x6c9: {  	[sflag:s0] =	ssyncadd.tile.s32 @!p0 $0x1;
	_ =	shalt  }
.Lfunc_end2:
_tile_overlayer_lowered:
.L_overlay_start_2:
0x6ca: {  	(tag) =	ssettag $0x2  }
0x6cb: {  	s0 =	rddreg [dreg:$0x0];
	s2 =	stileid.u32  }
0x6cc: {  	s1 =	rddreg [dreg:$0x1];
	p0 =	sne.s32 s2, $0x0  }
0x6cd: {  	s3 =	rddreg [dreg:$0x2];
	[bflag:$0x3] =	sbarrier.arrive $0xFFFF;
	s2 =	simm.s32 @!p0 $0x1C06  }
0x6ce: {  	[timem:s3], [sflag:s2] =	dma.local @!p0 [hbm:s0], s1  }
0x6cf: {  	s0 =	simm.s32 @!p0 $0x6  }
0x6d0: {  	_ =	swait.ge @!p0 [sflag:s0], s1  }
0x6d1: {  	s1 =	ssub.s32 @!p0 $0x0, s1;
	[sflag:s0] =	ssyncset.done @!p0 $0x0  }
0x6d2: {  	[sflag:s0] =	ssyncadd.s32 @!p0 s1  }
0x6d3: {  	[bflag:$0x3] =	sbarrier.arrive $0xFFFF  }
0x6d4: {  	_ =	shalt  }

</sc_bundles>
